<compile_context>
chip_gen: v7x
topology: tpu7x:2x2x1
jax: 0.10.2.dev20260603
libtpu: 0.0.44.dev20260713+nightly
codegen_flags: <defaults>
</compile_context>

<pallas_src>
import functools

import jax
import jax.numpy as jnp
from jax import lax
from jax.experimental import pallas as pl
from jax.experimental.pallas import tpu as pltpu
from jax.experimental.pallas import tpu_sc as plsc

_FEAT_DIM = 64
_NUM_CLASSES = 100000
_BATCH = 16384
_LAMBDA_C = 1.0

_NC = 2
_NS = 16
_L = 16
_NW = _NC * _NS
_B_PER_W = _BATCH // _NW
_N_PASS = 2
_B_PASS = _B_PER_W // _N_PASS
_IDX_CHUNK = 128
_C_BLK = 128
_N_BLK = (_NUM_CLASSES + _C_BLK - 1) // _C_BLK
_P_ROWS = _N_BLK * (_C_BLK // 2)


_K_SUB = 46
_N_STEP = (_N_BLK + _K_SUB - 1) // _K_SUB


def _pack_body(ct_ref, out_ref, k_sub):
    q = lax.broadcasted_iota(jnp.int32, (_C_BLK, _C_BLK), 0)
    k = lax.broadcasted_iota(jnp.int32, (_C_BLK, _C_BLK), 1)
    sel = (k == 2 * (q % (_C_BLK // 2)) + q // (_C_BLK // 2)).astype(
        jnp.float32)
    dn = (((1,), (1,)), ((), ()))
    for s in range(k_sub):
        ct = ct_ref[:, pl.ds(s * _C_BLK, _C_BLK)]
        both = lax.dot_general(
            sel, ct, dn, preferred_element_type=jnp.float32)
        r0 = s * (_C_BLK // 2)
        out_ref[pl.ds(r0, _C_BLK // 2), 0:_FEAT_DIM] = both[0:_C_BLK // 2]
        out_ref[pl.ds(r0, _C_BLK // 2), _FEAT_DIM:] = both[_C_BLK // 2:]


def _pack_pairs(x_t, k_sub, n_step):
    return pl.pallas_call(
        functools.partial(_pack_body, k_sub=k_sub),
        grid=(n_step,),
        in_specs=[pl.BlockSpec((_FEAT_DIM, k_sub * _C_BLK), lambda b: (0, b))],
        out_specs=pl.BlockSpec((k_sub * _C_BLK // 2, _C_BLK), lambda b: (b, 0)),
        out_shape=jax.ShapeDtypeStruct((n_step * k_sub * _C_BLK // 2, _C_BLK),
                                       jnp.float32),
    )(x_t)


def _sc_partials(feat, label, ptable):
    mesh = plsc.VectorSubcoreMesh(core_axis_name="c", subcore_axis_name="s")

    @functools.partial(
        pl.kernel,
        mesh=mesh,
        out_type=jax.ShapeDtypeStruct((_NW, _L), jnp.float32),
        scratch_types=[
            pltpu.VMEM((_B_PER_W,), jnp.int32),
            pltpu.VMEM((_B_PER_W // _IDX_CHUNK, _IDX_CHUNK), jnp.int32),
            pltpu.VMEM((_B_PASS // 2, _C_BLK), jnp.float32),
            pltpu.VMEM((_B_PASS, _C_BLK), jnp.float32),
            pltpu.VMEM((_L,), jnp.float32),
            pltpu.SemaphoreType.DMA,
        ],
        compiler_params=pltpu.CompilerParams(use_tc_tiling_on_sc=True),
    )
    def k(feat_hbm, label_hbm, ptable_hbm, out_hbm,
          lab_v, idx_v, feat_v, cent_v, acc_v, sem):
        wid = lax.axis_index("s") * _NC + lax.axis_index("c")
        base = wid * _B_PER_W
        pltpu.sync_copy(label_hbm.at[wid], lab_v)

        acc = jnp.zeros((_L,), jnp.float32)
        n_chunk = _B_PASS // _IDX_CHUNK
        for p in range(_N_PASS):
            for c in range(n_chunk):
                for g in range(_IDX_CHUNK // _L):
                    i0 = p * _B_PASS + c * _IDX_CHUNK + g * _L
                    lv = lab_v[pl.ds(i0, _L)]
                    idx_v[p * n_chunk + c, pl.ds(g * _L, _L)] = (
                        jnp.right_shift(lv, 1))

            cps = [
                pltpu.async_copy(
                    ptable_hbm.at[idx_v.at[p * n_chunk + c]],
                    cent_v.at[pl.ds(c * _IDX_CHUNK, _IDX_CHUNK)],
                    sem,
                )
                for c in range(n_chunk)
            ]
            fstart = pl.multiple_of(
                (base + p * _B_PASS) // 2, _C_BLK // 2)
            pltpu.sync_copy(
                feat_hbm.at[pl.ds(fstart, _B_PASS // 2)], feat_v)
            for cp in cps:
                cp.wait()

            def group(g, acc, p=p):
                i0 = g * _L
                parv = lab_v[pl.ds(p * _B_PASS + i0, _L)]
                for u in range(_L):
                    off = (parv[u] & 1) * _FEAT_DIM
                    foff = (u % 2) * _FEAT_DIM
                    for j in range(_FEAT_DIM // _L):
                        f = feat_v[g * (_L // 2) + u // 2,
                                   pl.ds(foff + j * _L, _L)]
                        c = cent_v[i0 + u, pl.ds(off + j * _L, _L)]
                        d = f - c
                        acc = acc + d * d
                return acc

            acc = lax.fori_loop(0, _B_PASS // _L, group, acc)
        acc_v[...] = acc
        pltpu.sync_copy(acc_v, out_hbm.at[wid])

    return k(feat, label, ptable)


def _finish_body(p_ref, o_ref):
    s = jnp.sum(p_ref[...])
    o_ref[0, 0] = _LAMBDA_C / 2.0 / _BATCH * jnp.sqrt(s)


def kernel(feat, label, centers):
    label_r = label.astype(jnp.int32).reshape(_NW, _B_PER_W)
    ptable = _pack_pairs(centers.T, _K_SUB, _N_STEP)
    featp = _pack_pairs(feat.T, 32, _BATCH // _C_BLK // 32)
    partials = _sc_partials(featp, label_r, ptable)
    loss = pl.pallas_call(
        _finish_body,
        out_shape=jax.ShapeDtypeStruct((1, 1), jnp.float32),
        out_specs=pl.BlockSpec(memory_space=pltpu.SMEM),
    )(partials)
    return loss[0, 0]

# --- scband reference (transcript-rebuilt; emitter-appended) ---
"""Pipeline reference for scband-center-loss-412316860814 (READ-ONLY COPY).

The authoritative reference and input builder live on the scoring server;
editing this copy changes nothing except your own understanding.
"""

import jax, jax.numpy as jnp
import numpy as np

FEAT_DIM = 64
NUM_CLASSES = 100000
BATCH = 16384
LAMBDA_C = 1.0


def setup_inputs(seed: int = 0) -> dict:
    key = jax.random.key(seed)
    k1, k2, k3 = jax.random.split(key, 3)
    feat = jax.random.normal(k1, (BATCH, FEAT_DIM), dtype=jnp.float32)
    label = jax.random.randint(k2, (BATCH,), 0, NUM_CLASSES, dtype=jnp.int64)
    centers = jax.random.normal(k3, (NUM_CLASSES, FEAT_DIM), dtype=jnp.float32)
    return {"feat": feat, "label": label, "centers": centers}


def reference(feat, label, centers):
    batch_size = feat.shape[0]
    # index_select(dim=0, index=label) -> gather rows of the center table
    expanded_centers = jnp.take(centers, label, axis=0)
    # torch.Tensor.dist(other) with default p=2 is the Frobenius/L2 norm of the difference
    diff = feat - expanded_centers
    intra_distances = jnp.sqrt(jnp.sum(diff * diff))
    loss = LAMBDA_C / 2.0 / batch_size * intra_distances
    return loss

if __name__ == "__main__":
    import jax
    _d = setup_inputs()
    print(jax.jit(kernel)(*tuple(_d.values())))

</pallas_src>

<mosaic_0001>
#map = affine_map<(d0, d1) -> (0, 0)>
module attributes {stable_mosaic.version = 14 : i64} {
  func.func @k(%arg0: i32, %arg1: i32, %arg2: memref<8192x128xf32, #tpu.memory_space<hbm>>, %arg3: memref<32x512xi32, #tpu.memory_space<hbm>>, %arg4: memref<50048x128xf32, #tpu.memory_space<hbm>>, %arg5: memref<32x16xf32, #tpu.memory_space<hbm>>, %arg6: memref<512xi32, #tpu.memory_space<vmem>>, %arg7: memref<4x128xi32, #tpu.memory_space<vmem>>, %arg8: memref<128x128xf32, #tpu.memory_space<vmem>>, %arg9: memref<256x128xf32, #tpu.memory_space<vmem>>, %arg10: memref<16xf32, #tpu.memory_space<vmem>>, %arg11: memref<!tpu.dma_semaphore, #tpu.memory_space<semaphore_mem>>) attributes {dimension_semantics = [#tpu.dimension_semantics<core_parallel>, #tpu.dimension_semantics<subcore_parallel>], iteration_bounds = array<i64: 2, 16>, scalar_prefetch = 0 : i64, scratch_operands = 6 : i64, tpu.core_type = #tpu.core_type<sc_vector_subcore>, window_params = [{transform_indices = #map}, {transform_indices = #map}, {transform_indices = #map}, {transform_indices = #map}]} {
    %mul3A = arith.constant 2 : i32
    %mul3A_0 = arith.muli %arg1, %mul3A : i32
    %add3A = arith.addi %mul3A_0, %arg0 : i32
    %mul3A_1 = arith.constant 512 : i32
    %mul3A_2 = arith.muli %add3A, %mul3A_1 : i32
    "tpu.region"() ({
      %run_scoped3A = tpu.sem_alloc : memref<!tpu.dma_semaphore, #tpu.memory_space<semaphore_mem>>
      %dma_start3A_523 = arith.constant 0 : i32
      %dma_start3A_524 = tpu.memref_slice %arg3[%add3A, %dma_start3A_523] : memref<32x512xi32, #tpu.memory_space<hbm>> -> memref<1x512xi32, #tpu.memory_space<hbm>>
      %dma_start3A_525 = tpu.memref_squeeze %dma_start3A_524 : memref<1x512xi32, #tpu.memory_space<hbm>> -> memref<512xi32, #tpu.memory_space<hbm>>
      %dma_start3A_526 = arith.constant 0 : i32
      %dma_start3A_527 = tpu.memref_slice %arg3[%add3A, %dma_start3A_526] : memref<32x512xi32, #tpu.memory_space<hbm>> -> memref<1x512xi32, #tpu.memory_space<hbm>>
      %dma_start3A_528 = tpu.memref_squeeze %dma_start3A_527 : memref<1x512xi32, #tpu.memory_space<hbm>> -> memref<512xi32, #tpu.memory_space<hbm>>
      tpu.enqueue_dma source(%dma_start3A_528 : memref<512xi32, #tpu.memory_space<hbm>>) target(%arg6 : memref<512xi32, #tpu.memory_space<vmem>>) target_semaphore(%run_scoped3A : memref<!tpu.dma_semaphore, #tpu.memory_space<semaphore_mem>>)
      %dma_wait3A_529 = arith.constant 0 : i32
      %dma_wait3A_530 = tpu.memref_slice %arg3[%add3A, %dma_wait3A_529] : memref<32x512xi32, #tpu.memory_space<hbm>> -> memref<1x512xi32, #tpu.memory_space<hbm>>
      %dma_wait3A_531 = tpu.memref_squeeze %dma_wait3A_530 : memref<1x512xi32, #tpu.memory_space<hbm>> -> memref<512xi32, #tpu.memory_space<hbm>>
      %dma_wait3A_532 = arith.constant 0 : i32
      %dma_wait3A_533 = tpu.memref_slice %arg3[%add3A, %dma_wait3A_532] : memref<32x512xi32, #tpu.memory_space<hbm>> -> memref<1x512xi32, #tpu.memory_space<hbm>>
      %dma_wait3A_534 = tpu.memref_squeeze %dma_wait3A_533 : memref<1x512xi32, #tpu.memory_space<hbm>> -> memref<512xi32, #tpu.memory_space<hbm>>
      tpu.wait_dma2 semaphore(%run_scoped3A : memref<!tpu.dma_semaphore, #tpu.memory_space<semaphore_mem>>) src(%dma_wait3A_534 : memref<512xi32, #tpu.memory_space<hbm>>) dst(%arg6 : memref<512xi32, #tpu.memory_space<vmem>>)
      tpu.yield
    }) : () -> ()
    %broadcast_in_dim3A = arith.constant 0.000000e+00 : f32
    %broadcast_in_dim3A_3 = vector.broadcast %broadcast_in_dim3A : f32 to vector<16xf32>
    %get3A = arith.constant 0 : index
    %get3A_4 = tpu.vector_load %arg6[%get3A] {strides = array<i32>} : memref<512xi32, #tpu.memory_space<vmem>>, vector<16xi32>,
    %get3A_5 = vector.shape_cast %get3A_4 : vector<16xi32> to vector<16xi32>
    %shift_right_arithmetic3A = arith.constant 1 : i32
    %shift_right_arithmetic3A_6 = vector.broadcast %shift_right_arithmetic3A : i32 to vector<16xi32>
    %shift_right_arithmetic3A_7 = arith.shrsi %get3A_5, %shift_right_arithmetic3A_6 : vector<16xi32>
    %swap3A = arith.constant 0 : i32
    %swap3A_8 = arith.index_cast %swap3A : i32 to index
    %swap3A_9 = arith.constant 0 : index
    %swap3A_10 = tpu.vector_load %arg7[%swap3A_8, %swap3A_9] {strides = array<i32>} : memref<4x128xi32, #tpu.memory_space<vmem>>, vector<1x16xi32>,
    %swap3A_11 = vector.shape_cast %swap3A_10 : vector<1x16xi32> to vector<16xi32>
    %swap3A_12 = vector.shape_cast %shift_right_arithmetic3A_7 : vector<16xi32> to vector<1x16xi32>
    tpu.vector_store %arg7[%swap3A_8, %swap3A_9], %swap3A_12 {strides = array<i32>} : memref<4x128xi32, #tpu.memory_space<vmem>>, vector<1x16xi32>,
    %get3A_13 = arith.constant 16 : index
    %get3A_14 = tpu.vector_load %arg6[%get3A_13] {strides = array<i32>} : memref<512xi32, #tpu.memory_space<vmem>>, vector<16xi32>,
    %get3A_15 = vector.shape_cast %get3A_14 : vector<16xi32> to vector<16xi32>
    %shift_right_arithmetic3A_16 = arith.constant 1 : i32
    %shift_right_arithmetic3A_17 = vector.broadcast %shift_right_arithmetic3A_16 : i32 to vector<16xi32>
    %shift_right_arithmetic3A_18 = arith.shrsi %get3A_15, %shift_right_arithmetic3A_17 : vector<16xi32>
    %swap3A_19 = arith.constant 0 : i32
    %swap3A_20 = arith.index_cast %swap3A_19 : i32 to index
    %swap3A_21 = arith.constant 16 : index
    %swap3A_22 = tpu.vector_load %arg7[%swap3A_20, %swap3A_21] {strides = array<i32>} : memref<4x128xi32, #tpu.memory_space<vmem>>, vector<1x16xi32>,
    %swap3A_23 = vector.shape_cast %swap3A_22 : vector<1x16xi32> to vector<16xi32>
    %swap3A_24 = vector.shape_cast %shift_right_arithmetic3A_18 : vector<16xi32> to vector<1x16xi32>
    tpu.vector_store %arg7[%swap3A_20, %swap3A_21], %swap3A_24 {strides = array<i32>} : memref<4x128xi32, #tpu.memory_space<vmem>>, vector<1x16xi32>,
    %get3A_25 = arith.constant 32 : index
    %get3A_26 = tpu.vector_load %arg6[%get3A_25] {strides = array<i32>} : memref<512xi32, #tpu.memory_space<vmem>>, vector<16xi32>,
    %get3A_27 = vector.shape_cast %get3A_26 : vector<16xi32> to vector<16xi32>
    %shift_right_arithmetic3A_28 = arith.constant 1 : i32
    %shift_right_arithmetic3A_29 = vector.broadcast %shift_right_arithmetic3A_28 : i32 to vector<16xi32>
    %shift_right_arithmetic3A_30 = arith.shrsi %get3A_27, %shift_right_arithmetic3A_29 : vector<16xi32>
    %swap3A_31 = arith.constant 0 : i32
    %swap3A_32 = arith.index_cast %swap3A_31 : i32 to index
    %swap3A_33 = arith.constant 32 : index
    %swap3A_34 = tpu.vector_load %arg7[%swap3A_32, %swap3A_33] {strides = array<i32>} : memref<4x128xi32, #tpu.memory_space<vmem>>, vector<1x16xi32>,
    %swap3A_35 = vector.shape_cast %swap3A_34 : vector<1x16xi32> to vector<16xi32>
    %swap3A_36 = vector.shape_cast %shift_right_arithmetic3A_30 : vector<16xi32> to vector<1x16xi32>
    tpu.vector_store %arg7[%swap3A_32, %swap3A_33], %swap3A_36 {strides = array<i32>} : memref<4x128xi32, #tpu.memory_space<vmem>>, vector<1x16xi32>,
    %get3A_37 = arith.constant 48 : index
    %get3A_38 = tpu.vector_load %arg6[%get3A_37] {strides = array<i32>} : memref<512xi32, #tpu.memory_space<vmem>>, vector<16xi32>,
    %get3A_39 = vector.shape_cast %get3A_38 : vector<16xi32> to vector<16xi32>
    %shift_right_arithmetic3A_40 = arith.constant 1 : i32
    %shift_right_arithmetic3A_41 = vector.broadcast %shift_right_arithmetic3A_40 : i32 to vector<16xi32>
    %shift_right_arithmetic3A_42 = arith.shrsi %get3A_39, %shift_right_arithmetic3A_41 : vector<16xi32>
    %swap3A_43 = arith.constant 0 : i32
    %swap3A_44 = arith.index_cast %swap3A_43 : i32 to index
    %swap3A_45 = arith.constant 48 : index
    %swap3A_46 = tpu.vector_load %arg7[%swap3A_44, %swap3A_45] {strides = array<i32>} : memref<4x128xi32, #tpu.memory_space<vmem>>, vector<1x16xi32>,
    %swap3A_47 = vector.shape_cast %swap3A_46 : vector<1x16xi32> to vector<16xi32>
    %swap3A_48 = vector.shape_cast %shift_right_arithmetic3A_42 : vector<16xi32> to vector<1x16xi32>
    tpu.vector_store %arg7[%swap3A_44, %swap3A_45], %swap3A_48 {strides = array<i32>} : memref<4x128xi32, #tpu.memory_space<vmem>>, vector<1x16xi32>,
    %get3A_49 = arith.constant 64 : index
    %get3A_50 = tpu.vector_load %arg6[%get3A_49] {strides = array<i32>} : memref<512xi32, #tpu.memory_space<vmem>>, vector<16xi32>,
    %get3A_51 = vector.shape_cast %get3A_50 : vector<16xi32> to vector<16xi32>
    %shift_right_arithmetic3A_52 = arith.constant 1 : i32
    %shift_right_arithmetic3A_53 = vector.broadcast %shift_right_arithmetic3A_52 : i32 to vector<16xi32>
    %shift_right_arithmetic3A_54 = arith.shrsi %get3A_51, %shift_right_arithmetic3A_53 : vector<16xi32>
    %swap3A_55 = arith.constant 0 : i32
    %swap3A_56 = arith.index_cast %swap3A_55 : i32 to index
    %swap3A_57 = arith.constant 64 : index
    %swap3A_58 = tpu.vector_load %arg7[%swap3A_56, %swap3A_57] {strides = array<i32>} : memref<4x128xi32, #tpu.memory_space<vmem>>, vector<1x16xi32>,
    %swap3A_59 = vector.shape_cast %swap3A_58 : vector<1x16xi32> to vector<16xi32>
    %swap3A_60 = vector.shape_cast %shift_right_arithmetic3A_54 : vector<16xi32> to vector<1x16xi32>
    tpu.vector_store %arg7[%swap3A_56, %swap3A_57], %swap3A_60 {strides = array<i32>} : memref<4x128xi32, #tpu.memory_space<vmem>>, vector<1x16xi32>,
    %get3A_61 = arith.constant 80 : index
    %get3A_62 = tpu.vector_load %arg6[%get3A_61] {strides = array<i32>} : memref<512xi32, #tpu.memory_space<vmem>>, vector<16xi32>,
    %get3A_63 = vector.shape_cast %get3A_62 : vector<16xi32> to vector<16xi32>
    %shift_right_arithmetic3A_64 = arith.constant 1 : i32
    %shift_right_arithmetic3A_65 = vector.broadcast %shift_right_arithmetic3A_64 : i32 to vector<16xi32>
    %shift_right_arithmetic3A_66 = arith.shrsi %get3A_63, %shift_right_arithmetic3A_65 : vector<16xi32>
    %swap3A_67 = arith.constant 0 : i32
    %swap3A_68 = arith.index_cast %swap3A_67 : i32 to index
    %swap3A_69 = arith.constant 80 : index
    %swap3A_70 = tpu.vector_load %arg7[%swap3A_68, %swap3A_69] {strides = array<i32>} : memref<4x128xi32, #tpu.memory_space<vmem>>, vector<1x16xi32>,
    %swap3A_71 = vector.shape_cast %swap3A_70 : vector<1x16xi32> to vector<16xi32>
    %swap3A_72 = vector.shape_cast %shift_right_arithmetic3A_66 : vector<16xi32> to vector<1x16xi32>
    tpu.vector_store %arg7[%swap3A_68, %swap3A_69], %swap3A_72 {strides = array<i32>} : memref<4x128xi32, #tpu.memory_space<vmem>>, vector<1x16xi32>,
    %get3A_73 = arith.constant 96 : index
    %get3A_74 = tpu.vector_load %arg6[%get3A_73] {strides = array<i32>} : memref<512xi32, #tpu.memory_space<vmem>>, vector<16xi32>,
    %get3A_75 = vector.shape_cast %get3A_74 : vector<16xi32> to vector<16xi32>
    %shift_right_arithmetic3A_76 = arith.constant 1 : i32
    %shift_right_arithmetic3A_77 = vector.broadcast %shift_right_arithmetic3A_76 : i32 to vector<16xi32>
    %shift_right_arithmetic3A_78 = arith.shrsi %get3A_75, %shift_right_arithmetic3A_77 : vector<16xi32>
    %swap3A_79 = arith.constant 0 : i32
    %swap3A_80 = arith.index_cast %swap3A_79 : i32 to index
    %swap3A_81 = arith.constant 96 : index
    %swap3A_82 = tpu.vector_load %arg7[%swap3A_80, %swap3A_81] {strides = array<i32>} : memref<4x128xi32, #tpu.memory_space<vmem>>, vector<1x16xi32>,
    %swap3A_83 = vector.shape_cast %swap3A_82 : vector<1x16xi32> to vector<16xi32>
    %swap3A_84 = vector.shape_cast %shift_right_arithmetic3A_78 : vector<16xi32> to vector<1x16xi32>
    tpu.vector_store %arg7[%swap3A_80, %swap3A_81], %swap3A_84 {strides = array<i32>} : memref<4x128xi32, #tpu.memory_space<vmem>>, vector<1x16xi32>,
    %get3A_85 = arith.constant 112 : index
    %get3A_86 = tpu.vector_load %arg6[%get3A_85] {strides = array<i32>} : memref<512xi32, #tpu.memory_space<vmem>>, vector<16xi32>,
    %get3A_87 = vector.shape_cast %get3A_86 : vector<16xi32> to vector<16xi32>
    %shift_right_arithmetic3A_88 = arith.constant 1 : i32
    %shift_right_arithmetic3A_89 = vector.broadcast %shift_right_arithmetic3A_88 : i32 to vector<16xi32>
    %shift_right_arithmetic3A_90 = arith.shrsi %get3A_87, %shift_right_arithmetic3A_89 : vector<16xi32>
    %swap3A_91 = arith.constant 0 : i32
    %swap3A_92 = arith.index_cast %swap3A_91 : i32 to index
    %swap3A_93 = arith.constant 112 : index
    %swap3A_94 = tpu.vector_load %arg7[%swap3A_92, %swap3A_93] {strides = array<i32>} : memref<4x128xi32, #tpu.memory_space<vmem>>, vector<1x16xi32>,
    %swap3A_95 = vector.shape_cast %swap3A_94 : vector<1x16xi32> to vector<16xi32>
    %swap3A_96 = vector.shape_cast %shift_right_arithmetic3A_90 : vector<16xi32> to vector<1x16xi32>
    tpu.vector_store %arg7[%swap3A_92, %swap3A_93], %swap3A_96 {strides = array<i32>} : memref<4x128xi32, #tpu.memory_space<vmem>>, vector<1x16xi32>,
    %get3A_97 = arith.constant 128 : index
    %get3A_98 = tpu.vector_load %arg6[%get3A_97] {strides = array<i32>} : memref<512xi32, #tpu.memory_space<vmem>>, vector<16xi32>,
    %get3A_99 = vector.shape_cast %get3A_98 : vector<16xi32> to vector<16xi32>
    %shift_right_arithmetic3A_100 = arith.constant 1 : i32
    %shift_right_arithmetic3A_101 = vector.broadcast %shift_right_arithmetic3A_100 : i32 to vector<16xi32>
    %shift_right_arithmetic3A_102 = arith.shrsi %get3A_99, %shift_right_arithmetic3A_101 : vector<16xi32>
    %swap3A_103 = arith.constant 1 : i32
    %swap3A_104 = arith.index_cast %swap3A_103 : i32 to index
    %swap3A_105 = arith.constant 0 : index
    %swap3A_106 = tpu.vector_load %arg7[%swap3A_104, %swap3A_105] {strides = array<i32>} : memref<4x128xi32, #tpu.memory_space<vmem>>, vector<1x16xi32>,
    %swap3A_107 = vector.shape_cast %swap3A_106 : vector<1x16xi32> to vector<16xi32>
    %swap3A_108 = vector.shape_cast %shift_right_arithmetic3A_102 : vector<16xi32> to vector<1x16xi32>
    tpu.vector_store %arg7[%swap3A_104, %swap3A_105], %swap3A_108 {strides = array<i32>} : memref<4x128xi32, #tpu.memory_space<vmem>>, vector<1x16xi32>,
    %get3A_109 = arith.constant 144 : index
    %get3A_110 = tpu.vector_load %arg6[%get3A_109] {strides = array<i32>} : memref<512xi32, #tpu.memory_space<vmem>>, vector<16xi32>,
    %get3A_111 = vector.shape_cast %get3A_110 : vector<16xi32> to vector<16xi32>
    %shift_right_arithmetic3A_112 = arith.constant 1 : i32
    %shift_right_arithmetic3A_113 = vector.broadcast %shift_right_arithmetic3A_112 : i32 to vector<16xi32>
    %shift_right_arithmetic3A_114 = arith.shrsi %get3A_111, %shift_right_arithmetic3A_113 : vector<16xi32>
    %swap3A_115 = arith.constant 1 : i32
    %swap3A_116 = arith.index_cast %swap3A_115 : i32 to index
    %swap3A_117 = arith.constant 16 : index
    %swap3A_118 = tpu.vector_load %arg7[%swap3A_116, %swap3A_117] {strides = array<i32>} : memref<4x128xi32, #tpu.memory_space<vmem>>, vector<1x16xi32>,
    %swap3A_119 = vector.shape_cast %swap3A_118 : vector<1x16xi32> to vector<16xi32>
    %swap3A_120 = vector.shape_cast %shift_right_arithmetic3A_114 : vector<16xi32> to vector<1x16xi32>
    tpu.vector_store %arg7[%swap3A_116, %swap3A_117], %swap3A_120 {strides = array<i32>} : memref<4x128xi32, #tpu.memory_space<vmem>>, vector<1x16xi32>,
    %get3A_121 = arith.constant 160 : index
    %get3A_122 = tpu.vector_load %arg6[%get3A_121] {strides = array<i32>} : memref<512xi32, #tpu.memory_space<vmem>>, vector<16xi32>,
    %get3A_123 = vector.shape_cast %get3A_122 : vector<16xi32> to vector<16xi32>
    %shift_right_arithmetic3A_124 = arith.constant 1 : i32
    %shift_right_arithmetic3A_125 = vector.broadcast %shift_right_arithmetic3A_124 : i32 to vector<16xi32>
    %shift_right_arithmetic3A_126 = arith.shrsi %get3A_123, %shift_right_arithmetic3A_125 : vector<16xi32>
    %swap3A_127 = arith.constant 1 : i32
    %swap3A_128 = arith.index_cast %swap3A_127 : i32 to index
    %swap3A_129 = arith.constant 32 : index
    %swap3A_130 = tpu.vector_load %arg7[%swap3A_128, %swap3A_129] {strides = array<i32>} : memref<4x128xi32, #tpu.memory_space<vmem>>, vector<1x16xi32>,
    %swap3A_131 = vector.shape_cast %swap3A_130 : vector<1x16xi32> to vector<16xi32>
    %swap3A_132 = vector.shape_cast %shift_right_arithmetic3A_126 : vector<16xi32> to vector<1x16xi32>
    tpu.vector_store %arg7[%swap3A_128, %swap3A_129], %swap3A_132 {strides = array<i32>} : memref<4x128xi32, #tpu.memory_space<vmem>>, vector<1x16xi32>,
    %get3A_133 = arith.constant 176 : index
    %get3A_134 = tpu.vector_load %arg6[%get3A_133] {strides = array<i32>} : memref<512xi32, #tpu.memory_space<vmem>>, vector<16xi32>,
    %get3A_135 = vector.shape_cast %get3A_134 : vector<16xi32> to vector<16xi32>
    %shift_right_arithmetic3A_136 = arith.constant 1 : i32
    %shift_right_arithmetic3A_137 = vector.broadcast %shift_right_arithmetic3A_136 : i32 to vector<16xi32>
    %shift_right_arithmetic3A_138 = arith.shrsi %get3A_135, %shift_right_arithmetic3A_137 : vector<16xi32>
    %swap3A_139 = arith.constant 1 : i32
    %swap3A_140 = arith.index_cast %swap3A_139 : i32 to index
    %swap3A_141 = arith.constant 48 : index
    %swap3A_142 = tpu.vector_load %arg7[%swap3A_140, %swap3A_141] {strides = array<i32>} : memref<4x128xi32, #tpu.memory_space<vmem>>, vector<1x16xi32>,
    %swap3A_143 = vector.shape_cast %swap3A_142 : vector<1x16xi32> to vector<16xi32>
    %swap3A_144 = vector.shape_cast %shift_right_arithmetic3A_138 : vector<16xi32> to vector<1x16xi32>
    tpu.vector_store %arg7[%swap3A_140, %swap3A_141], %swap3A_144 {strides = array<i32>} : memref<4x128xi32, #tpu.memory_space<vmem>>, vector<1x16xi32>,
    %get3A_145 = arith.constant 192 : index
    %get3A_146 = tpu.vector_load %arg6[%get3A_145] {strides = array<i32>} : memref<512xi32, #tpu.memory_space<vmem>>, vector<16xi32>,
    %get3A_147 = vector.shape_cast %get3A_146 : vector<16xi32> to vector<16xi32>
    %shift_right_arithmetic3A_148 = arith.constant 1 : i32
    %shift_right_arithmetic3A_149 = vector.broadcast %shift_right_arithmetic3A_148 : i32 to vector<16xi32>
    %shift_right_arithmetic3A_150 = arith.shrsi %get3A_147, %shift_right_arithmetic3A_149 : vector<16xi32>
    %swap3A_151 = arith.constant 1 : i32
    %swap3A_152 = arith.index_cast %swap3A_151 : i32 to index
    %swap3A_153 = arith.constant 64 : index
    %swap3A_154 = tpu.vector_load %arg7[%swap3A_152, %swap3A_153] {strides = array<i32>} : memref<4x128xi32, #tpu.memory_space<vmem>>, vector<1x16xi32>,
    %swap3A_155 = vector.shape_cast %swap3A_154 : vector<1x16xi32> to vector<16xi32>
    %swap3A_156 = vector.shape_cast %shift_right_arithmetic3A_150 : vector<16xi32> to vector<1x16xi32>
    tpu.vector_store %arg7[%swap3A_152, %swap3A_153], %swap3A_156 {strides = array<i32>} : memref<4x128xi32, #tpu.memory_space<vmem>>, vector<1x16xi32>,
    %get3A_157 = arith.constant 208 : index
    %get3A_158 = tpu.vector_load %arg6[%get3A_157] {strides = array<i32>} : memref<512xi32, #tpu.memory_space<vmem>>, vector<16xi32>,
    %get3A_159 = vector.shape_cast %get3A_158 : vector<16xi32> to vector<16xi32>
    %shift_right_arithmetic3A_160 = arith.constant 1 : i32
    %shift_right_arithmetic3A_161 = vector.broadcast %shift_right_arithmetic3A_160 : i32 to vector<16xi32>
    %shift_right_arithmetic3A_162 = arith.shrsi %get3A_159, %shift_right_arithmetic3A_161 : vector<16xi32>
    %swap3A_163 = arith.constant 1 : i32
    %swap3A_164 = arith.index_cast %swap3A_163 : i32 to index
    %swap3A_165 = arith.constant 80 : index
    %swap3A_166 = tpu.vector_load %arg7[%swap3A_164, %swap3A_165] {strides = array<i32>} : memref<4x128xi32, #tpu.memory_space<vmem>>, vector<1x16xi32>,
    %swap3A_167 = vector.shape_cast %swap3A_166 : vector<1x16xi32> to vector<16xi32>
    %swap3A_168 = vector.shape_cast %shift_right_arithmetic3A_162 : vector<16xi32> to vector<1x16xi32>
    tpu.vector_store %arg7[%swap3A_164, %swap3A_165], %swap3A_168 {strides = array<i32>} : memref<4x128xi32, #tpu.memory_space<vmem>>, vector<1x16xi32>,
    %get3A_169 = arith.constant 224 : index
    %get3A_170 = tpu.vector_load %arg6[%get3A_169] {strides = array<i32>} : memref<512xi32, #tpu.memory_space<vmem>>, vector<16xi32>,
    %get3A_171 = vector.shape_cast %get3A_170 : vector<16xi32> to vector<16xi32>
    %shift_right_arithmetic3A_172 = arith.constant 1 : i32
    %shift_right_arithmetic3A_173 = vector.broadcast %shift_right_arithmetic3A_172 : i32 to vector<16xi32>
    %shift_right_arithmetic3A_174 = arith.shrsi %get3A_171, %shift_right_arithmetic3A_173 : vector<16xi32>
    %swap3A_175 = arith.constant 1 : i32
    %swap3A_176 = arith.index_cast %swap3A_175 : i32 to index
    %swap3A_177 = arith.constant 96 : index
    %swap3A_178 = tpu.vector_load %arg7[%swap3A_176, %swap3A_177] {strides = array<i32>} : memref<4x128xi32, #tpu.memory_space<vmem>>, vector<1x16xi32>,
    %swap3A_179 = vector.shape_cast %swap3A_178 : vector<1x16xi32> to vector<16xi32>
    %swap3A_180 = vector.shape_cast %shift_right_arithmetic3A_174 : vector<16xi32> to vector<1x16xi32>
    tpu.vector_store %arg7[%swap3A_176, %swap3A_177], %swap3A_180 {strides = array<i32>} : memref<4x128xi32, #tpu.memory_space<vmem>>, vector<1x16xi32>,
    %get3A_181 = arith.constant 240 : index
    %get3A_182 = tpu.vector_load %arg6[%get3A_181] {strides = array<i32>} : memref<512xi32, #tpu.memory_space<vmem>>, vector<16xi32>,
    %get3A_183 = vector.shape_cast %get3A_182 : vector<16xi32> to vector<16xi32>
    %shift_right_arithmetic3A_184 = arith.constant 1 : i32
    %shift_right_arithmetic3A_185 = vector.broadcast %shift_right_arithmetic3A_184 : i32 to vector<16xi32>
    %shift_right_arithmetic3A_186 = arith.shrsi %get3A_183, %shift_right_arithmetic3A_185 : vector<16xi32>
    %swap3A_187 = arith.constant 1 : i32
    %swap3A_188 = arith.index_cast %swap3A_187 : i32 to index
    %swap3A_189 = arith.constant 112 : index
    %swap3A_190 = tpu.vector_load %arg7[%swap3A_188, %swap3A_189] {strides = array<i32>} : memref<4x128xi32, #tpu.memory_space<vmem>>, vector<1x16xi32>,
    %swap3A_191 = vector.shape_cast %swap3A_190 : vector<1x16xi32> to vector<16xi32>
    %swap3A_192 = vector.shape_cast %shift_right_arithmetic3A_186 : vector<16xi32> to vector<1x16xi32>
    tpu.vector_store %arg7[%swap3A_188, %swap3A_189], %swap3A_192 {strides = array<i32>} : memref<4x128xi32, #tpu.memory_space<vmem>>, vector<1x16xi32>,
    %dma_start3A = arith.constant 0 : i32
    %dma_start3A_193 = arith.constant 0 : i32
    %dma_start3A_194 = arith.constant 0 : i32
    %dma_start3A_195 = tpu.memref_slice %arg9[%dma_start3A_193, %dma_start3A_194] : memref<256x128xf32, #tpu.memory_space<vmem>> -> memref<128x128xf32, #tpu.memory_space<vmem>>
    %dma_start3A_196 = arith.constant 0 : i32
    %dma_start3A_197 = tpu.memref_slice %arg7[%dma_start3A, %dma_start3A_196] : memref<4x128xi32, #tpu.memory_space<vmem>> -> memref<1x128xi32, #tpu.memory_space<vmem>>
    %dma_start3A_198 = tpu.memref_squeeze %dma_start3A_197 : memref<1x128xi32, #tpu.memory_space<vmem>> -> memref<128xi32, #tpu.memory_space<vmem>>
    %dma_start3A_199 = arith.constant 0 : i32
    %dma_start3A_200 = arith.constant 0 : i32
    %dma_start3A_201 = tpu.memref_slice %arg4[%dma_start3A_199, %dma_start3A_200] : memref<50048x128xf32, #tpu.memory_space<hbm>> -> memref<50048x128xf32, #tpu.memory_space<hbm>>
    tpu.enqueue_indirect_dma source(%dma_start3A_201 : memref<50048x128xf32, #tpu.memory_space<hbm>>) target(%dma_start3A_195 : memref<128x128xf32, #tpu.memory_space<vmem>>) offsets(%dma_start3A_198 : memref<128xi32, #tpu.memory_space<vmem>>) semaphore(%arg11 : memref<!tpu.dma_semaphore, #tpu.memory_space<semaphore_mem>>)
    %dma_start3A_202 = arith.constant 1 : i32
    %dma_start3A_203 = arith.constant 128 : i32
    %dma_start3A_204 = arith.constant 0 : i32
    %dma_start3A_205 = tpu.memref_slice %arg9[%dma_start3A_203, %dma_start3A_204] : memref<256x128xf32, #tpu.memory_space<vmem>> -> memref<128x128xf32, #tpu.memory_space<vmem>>
    %dma_start3A_206 = arith.constant 0 : i32
    %dma_start3A_207 = tpu.memref_slice %arg7[%dma_start3A_202, %dma_start3A_206] : memref<4x128xi32, #tpu.memory_space<vmem>> -> memref<1x128xi32, #tpu.memory_space<vmem>>
    %dma_start3A_208 = tpu.memref_squeeze %dma_start3A_207 : memref<1x128xi32, #tpu.memory_space<vmem>> -> memref<128xi32, #tpu.memory_space<vmem>>
    %dma_start3A_209 = arith.constant 0 : i32
    %dma_start3A_210 = arith.constant 0 : i32
    %dma_start3A_211 = tpu.memref_slice %arg4[%dma_start3A_209, %dma_start3A_210] : memref<50048x128xf32, #tpu.memory_space<hbm>> -> memref<50048x128xf32, #tpu.memory_space<hbm>>
    tpu.enqueue_indirect_dma source(%dma_start3A_211 : memref<50048x128xf32, #tpu.memory_space<hbm>>) target(%dma_start3A_205 : memref<128x128xf32, #tpu.memory_space<vmem>>) offsets(%dma_start3A_208 : memref<128xi32, #tpu.memory_space<vmem>>) semaphore(%arg11 : memref<!tpu.dma_semaphore, #tpu.memory_space<semaphore_mem>>)
    %add3A_212 = arith.constant 0 : i32
    %add3A_213 = arith.addi %mul3A_2, %add3A_212 : i32
    %jit3A = arith.constant 2 : i32
    %div3A = arith.divsi %add3A_213, %jit3A : i32
    %sign3A = arith.constant 0 : i32
    %sign3A_214 = arith.cmpi sgt, %add3A_213, %sign3A : i32
    %sign3A_215 = arith.extui %sign3A_214 : i1 to i32
    %sign3A_216 = arith.constant 0 : i32
    %sign3A_217 = arith.cmpi slt, %add3A_213, %sign3A_216 : i32
    %sign3A_218 = arith.extui %sign3A_217 : i1 to i32
    %sign3A_219 = arith.subi %sign3A_215, %sign3A_218 : i32
    %sign3A_220 = arith.constant 0 : i32
    %sign3A_221 = arith.cmpi sgt, %jit3A, %sign3A_220 : i32
    %sign3A_222 = arith.extui %sign3A_221 : i1 to i32
    %sign3A_223 = arith.constant 0 : i32
    %sign3A_224 = arith.cmpi slt, %jit3A, %sign3A_223 : i32
    %sign3A_225 = arith.extui %sign3A_224 : i1 to i32
    %sign3A_226 = arith.subi %sign3A_222, %sign3A_225 : i32
    %ne3A = arith.cmpi ne, %sign3A_219, %sign3A_226 : i32
    %rem3A = arith.remsi %add3A_213, %jit3A : i32
    %ne3A_227 = arith.constant 0 : i32
    %ne3A_228 = arith.cmpi ne, %rem3A, %ne3A_227 : i32
    %and3A = arith.andi %ne3A, %ne3A_228 : i1
    %sub3A = arith.constant 1 : i32
    %sub3A_229 = arith.subi %div3A, %sub3A : i32
    %select_n3A = arith.select %and3A, %sub3A_229, %div3A : i32
    %multiple_of3A = tpu.assume_multiple %select_n3A, 64 : i32
    "tpu.region"() ({
      %run_scoped3A = tpu.sem_alloc : memref<!tpu.dma_semaphore, #tpu.memory_space<semaphore_mem>>
      %dma_start3A_523 = arith.constant 0 : i32
      %dma_start3A_524 = tpu.memref_slice %arg2[%multiple_of3A, %dma_start3A_523] : memref<8192x128xf32, #tpu.memory_space<hbm>> -> memref<128x128xf32, #tpu.memory_space<hbm>>
      %dma_start3A_525 = arith.constant 0 : i32
      %dma_start3A_526 = tpu.memref_slice %arg2[%multiple_of3A, %dma_start3A_525] : memref<8192x128xf32, #tpu.memory_space<hbm>> -> memref<128x128xf32, #tpu.memory_space<hbm>>
      tpu.enqueue_dma source(%dma_start3A_526 : memref<128x128xf32, #tpu.memory_space<hbm>>) target(%arg8 : memref<128x128xf32, #tpu.memory_space<vmem>>) target_semaphore(%run_scoped3A : memref<!tpu.dma_semaphore, #tpu.memory_space<semaphore_mem>>)
      %dma_wait3A_527 = arith.constant 0 : i32
      %dma_wait3A_528 = tpu.memref_slice %arg2[%multiple_of3A, %dma_wait3A_527] : memref<8192x128xf32, #tpu.memory_space<hbm>> -> memref<128x128xf32, #tpu.memory_space<hbm>>
      %dma_wait3A_529 = arith.constant 0 : i32
      %dma_wait3A_530 = tpu.memref_slice %arg2[%multiple_of3A, %dma_wait3A_529] : memref<8192x128xf32, #tpu.memory_space<hbm>> -> memref<128x128xf32, #tpu.memory_space<hbm>>
      tpu.wait_dma2 semaphore(%run_scoped3A : memref<!tpu.dma_semaphore, #tpu.memory_space<semaphore_mem>>) src(%dma_wait3A_530 : memref<128x128xf32, #tpu.memory_space<hbm>>) dst(%arg8 : memref<128x128xf32, #tpu.memory_space<vmem>>)
      tpu.yield
    }) : () -> ()
    %dma_wait3A = arith.constant 0 : i32
    %dma_wait3A_230 = arith.constant 0 : i32
    %dma_wait3A_231 = arith.constant 0 : i32
    %dma_wait3A_232 = tpu.memref_slice %arg9[%dma_wait3A_230, %dma_wait3A_231] : memref<256x128xf32, #tpu.memory_space<vmem>> -> memref<128x128xf32, #tpu.memory_space<vmem>>
    %dma_wait3A_233 = arith.constant 0 : i32
    %dma_wait3A_234 = tpu.memref_slice %arg7[%dma_wait3A, %dma_wait3A_233] : memref<4x128xi32, #tpu.memory_space<vmem>> -> memref<1x128xi32, #tpu.memory_space<vmem>>
    %dma_wait3A_235 = tpu.memref_squeeze %dma_wait3A_234 : memref<1x128xi32, #tpu.memory_space<vmem>> -> memref<128xi32, #tpu.memory_space<vmem>>
    %dma_wait3A_236 = arith.constant 0 : i32
    %dma_wait3A_237 = arith.constant 0 : i32
    %dma_wait3A_238 = tpu.memref_slice %arg4[%dma_wait3A_236, %dma_wait3A_237] : memref<50048x128xf32, #tpu.memory_space<hbm>> -> memref<50048x128xf32, #tpu.memory_space<hbm>>
    tpu.wait_indirect_dma semaphore(%arg11 : memref<!tpu.dma_semaphore, #tpu.memory_space<semaphore_mem>>) src(%dma_wait3A_238 : memref<50048x128xf32, #tpu.memory_space<hbm>>) dst(%dma_wait3A_232 : memref<128x128xf32, #tpu.memory_space<vmem>>)
    %dma_wait3A_239 = arith.constant 1 : i32
    %dma_wait3A_240 = arith.constant 128 : i32
    %dma_wait3A_241 = arith.constant 0 : i32
    %dma_wait3A_242 = tpu.memref_slice %arg9[%dma_wait3A_240, %dma_wait3A_241] : memref<256x128xf32, #tpu.memory_space<vmem>> -> memref<128x128xf32, #tpu.memory_space<vmem>>
    %dma_wait3A_243 = arith.constant 0 : i32
    %dma_wait3A_244 = tpu.memref_slice %arg7[%dma_wait3A_239, %dma_wait3A_243] : memref<4x128xi32, #tpu.memory_space<vmem>> -> memref<1x128xi32, #tpu.memory_space<vmem>>
    %dma_wait3A_245 = tpu.memref_squeeze %dma_wait3A_244 : memref<1x128xi32, #tpu.memory_space<vmem>> -> memref<128xi32, #tpu.memory_space<vmem>>
    %dma_wait3A_246 = arith.constant 0 : i32
    %dma_wait3A_247 = arith.constant 0 : i32
    %dma_wait3A_248 = tpu.memref_slice %arg4[%dma_wait3A_246, %dma_wait3A_247] : memref<50048x128xf32, #tpu.memory_space<hbm>> -> memref<50048x128xf32, #tpu.memory_space<hbm>>
    tpu.wait_indirect_dma semaphore(%arg11 : memref<!tpu.dma_semaphore, #tpu.memory_space<semaphore_mem>>) src(%dma_wait3A_248 : memref<50048x128xf32, #tpu.memory_space<hbm>>) dst(%dma_wait3A_242 : memref<128x128xf32, #tpu.memory_space<vmem>>)
    %scan3A = arith.constant 0 : i32
    %scan3A_249 = arith.constant 16 : i32
    %scan3A_250 = arith.addi %scan3A, %scan3A_249 : i32
    %scan3A_251 = arith.constant 1 : i32
    %scan3A_252 = scf.for %scan3A_523 = %scan3A to %scan3A_250 step %scan3A_251 iter_args(%scan3A_524 = %broadcast_in_dim3A_3) -> (vector<16xf32>)  : i32 {
      %mul3A_525 = arith.constant 16 : i32
      %mul3A_526 = arith.muli %scan3A_523, %mul3A_525 : i32
      %add3A_527 = arith.constant 0 : i32
      %add3A_528 = arith.addi %add3A_527, %mul3A_526 : i32
      %get3A_529 = arith.index_cast %add3A_528 : i32 to index
      %get3A_530 = tpu.vector_load %arg6[%get3A_529] {strides = array<i32>} : memref<512xi32, #tpu.memory_space<vmem>>, vector<16xi32>,
      %get3A_531 = vector.shape_cast %get3A_530 : vector<16xi32> to vector<16xi32>
      %slice3A = vector.extract_strided_slice %get3A_531 {offsets = [0], sizes = [1], strides = [1]} : vector<16xi32> to vector<1xi32>
      %squeeze3A = vector.extract %slice3A[0] : i32 from vector<1xi32>
      %and3A_532 = arith.constant 1 : i32
      %and3A_533 = arith.andi %squeeze3A, %and3A_532 : i32
      %mul3A_534 = arith.constant 64 : i32
      %mul3A_535 = arith.muli %and3A_533, %mul3A_534 : i32
      %mul3A_536 = arith.constant 8 : i32
      %mul3A_537 = arith.muli %scan3A_523, %mul3A_536 : i32
      %add3A_538 = arith.constant 0 : i32
      %add3A_539 = arith.addi %mul3A_537, %add3A_538 : i32
      %get3A_540 = arith.index_cast %add3A_539 : i32 to index
      %get3A_541 = arith.constant 0 : index
      %get3A_542 = tpu.vector_load %arg8[%get3A_540, %get3A_541] {strides = array<i32>} : memref<128x128xf32, #tpu.memory_space<vmem>>, vector<1x16xf32>,
      %get3A_543 = vector.shape_cast %get3A_542 : vector<1x16xf32> to vector<16xf32>
      %add3A_544 = arith.constant 0 : i32
      %add3A_545 = arith.addi %mul3A_526, %add3A_544 : i32
      %add3A_546 = arith.constant 0 : i32
      %add3A_547 = arith.addi %mul3A_535, %add3A_546 : i32
      %get3A_548 = arith.index_cast %add3A_545 : i32 to index
      %get3A_549 = arith.index_cast %add3A_547 : i32 to index
      %get3A_550 = tpu.vector_load %arg9[%get3A_548, %get3A_549] {strides = array<i32>} : memref<256x128xf32, #tpu.memory_space<vmem>>, vector<1x16xf32>,
      %get3A_551 = vector.shape_cast %get3A_550 : vector<1x16xf32> to vector<16xf32>
      %sub3A_552 = arith.subf %get3A_543, %get3A_551 : vector<16xf32>
      %mul3A_553 = arith.mulf %sub3A_552, %sub3A_552 : vector<16xf32>
      %add3A_554 = arith.addf %scan3A_524, %mul3A_553 : vector<16xf32>
      %mul3A_555 = arith.constant 8 : i32
      %mul3A_556 = arith.muli %scan3A_523, %mul3A_555 : i32
      %add3A_557 = arith.constant 0 : i32
      %add3A_558 = arith.addi %mul3A_556, %add3A_557 : i32
      %get3A_559 = arith.index_cast %add3A_558 : i32 to index
      %get3A_560 = arith.constant 16 : index
      %get3A_561 = tpu.vector_load %arg8[%get3A_559, %get3A_560] {strides = array<i32>} : memref<128x128xf32, #tpu.memory_space<vmem>>, vector<1x16xf32>,
      %get3A_562 = vector.shape_cast %get3A_561 : vector<1x16xf32> to vector<16xf32>
      %add3A_563 = arith.constant 0 : i32
      %add3A_564 = arith.addi %mul3A_526, %add3A_563 : i32
      %add3A_565 = arith.constant 16 : i32
      %add3A_566 = arith.addi %mul3A_535, %add3A_565 : i32
      %get3A_567 = arith.index_cast %add3A_564 : i32 to index
      %get3A_568 = arith.index_cast %add3A_566 : i32 to index
      %get3A_569 = tpu.vector_load %arg9[%get3A_567, %get3A_568] {strides = array<i32>} : memref<256x128xf32, #tpu.memory_space<vmem>>, vector<1x16xf32>,
      %get3A_570 = vector.shape_cast %get3A_569 : vector<1x16xf32> to vector<16xf32>
      %sub3A_571 = arith.subf %get3A_562, %get3A_570 : vector<16xf32>
      %mul3A_572 = arith.mulf %sub3A_571, %sub3A_571 : vector<16xf32>
      %add3A_573 = arith.addf %add3A_554, %mul3A_572 : vector<16xf32>
      %mul3A_574 = arith.constant 8 : i32
      %mul3A_575 = arith.muli %scan3A_523, %mul3A_574 : i32
      %add3A_576 = arith.constant 0 : i32
      %add3A_577 = arith.addi %mul3A_575, %add3A_576 : i32
      %get3A_578 = arith.index_cast %add3A_577 : i32 to index
      %get3A_579 = arith.constant 32 : index
      %get3A_580 = tpu.vector_load %arg8[%get3A_578, %get3A_579] {strides = array<i32>} : memref<128x128xf32, #tpu.memory_space<vmem>>, vector<1x16xf32>,
      %get3A_581 = vector.shape_cast %get3A_580 : vector<1x16xf32> to vector<16xf32>
      %add3A_582 = arith.constant 0 : i32
      %add3A_583 = arith.addi %mul3A_526, %add3A_582 : i32
      %add3A_584 = arith.constant 32 : i32
      %add3A_585 = arith.addi %mul3A_535, %add3A_584 : i32
      %get3A_586 = arith.index_cast %add3A_583 : i32 to index
      %get3A_587 = arith.index_cast %add3A_585 : i32 to index
      %get3A_588 = tpu.vector_load %arg9[%get3A_586, %get3A_587] {strides = array<i32>} : memref<256x128xf32, #tpu.memory_space<vmem>>, vector<1x16xf32>,
      %get3A_589 = vector.shape_cast %get3A_588 : vector<1x16xf32> to vector<16xf32>
      %sub3A_590 = arith.subf %get3A_581, %get3A_589 : vector<16xf32>
      %mul3A_591 = arith.mulf %sub3A_590, %sub3A_590 : vector<16xf32>
      %add3A_592 = arith.addf %add3A_573, %mul3A_591 : vector<16xf32>
      %mul3A_593 = arith.constant 8 : i32
      %mul3A_594 = arith.muli %scan3A_523, %mul3A_593 : i32
      %add3A_595 = arith.constant 0 : i32
      %add3A_596 = arith.addi %mul3A_594, %add3A_595 : i32
      %get3A_597 = arith.index_cast %add3A_596 : i32 to index
      %get3A_598 = arith.constant 48 : index
      %get3A_599 = tpu.vector_load %arg8[%get3A_597, %get3A_598] {strides = array<i32>} : memref<128x128xf32, #tpu.memory_space<vmem>>, vector<1x16xf32>,
      %get3A_600 = vector.shape_cast %get3A_599 : vector<1x16xf32> to vector<16xf32>
      %add3A_601 = arith.constant 0 : i32
      %add3A_602 = arith.addi %mul3A_526, %add3A_601 : i32
      %add3A_603 = arith.constant 48 : i32
      %add3A_604 = arith.addi %mul3A_535, %add3A_603 : i32
      %get3A_605 = arith.index_cast %add3A_602 : i32 to index
      %get3A_606 = arith.index_cast %add3A_604 : i32 to index
      %get3A_607 = tpu.vector_load %arg9[%get3A_605, %get3A_606] {strides = array<i32>} : memref<256x128xf32, #tpu.memory_space<vmem>>, vector<1x16xf32>,
      %get3A_608 = vector.shape_cast %get3A_607 : vector<1x16xf32> to vector<16xf32>
      %sub3A_609 = arith.subf %get3A_600, %get3A_608 : vector<16xf32>
      %mul3A_610 = arith.mulf %sub3A_609, %sub3A_609 : vector<16xf32>
      %add3A_611 = arith.addf %add3A_592, %mul3A_610 : vector<16xf32>
      %slice3A_612 = vector.extract_strided_slice %get3A_531 {offsets = [1], sizes = [1], strides = [1]} : vector<16xi32> to vector<1xi32>
      %squeeze3A_613 = vector.extract %slice3A_612[0] : i32 from vector<1xi32>
      %and3A_614 = arith.constant 1 : i32
      %and3A_615 = arith.andi %squeeze3A_613, %and3A_614 : i32
      %mul3A_616 = arith.constant 64 : i32
      %mul3A_617 = arith.muli %and3A_615, %mul3A_616 : i32
      %mul3A_618 = arith.constant 8 : i32
      %mul3A_619 = arith.muli %scan3A_523, %mul3A_618 : i32
      %add3A_620 = arith.constant 0 : i32
      %add3A_621 = arith.addi %mul3A_619, %add3A_620 : i32
      %get3A_622 = arith.index_cast %add3A_621 : i32 to index
      %get3A_623 = arith.constant 64 : index
      %get3A_624 = tpu.vector_load %arg8[%get3A_622, %get3A_623] {strides = array<i32>} : memref<128x128xf32, #tpu.memory_space<vmem>>, vector<1x16xf32>,
      %get3A_625 = vector.shape_cast %get3A_624 : vector<1x16xf32> to vector<16xf32>
      %add3A_626 = arith.constant 1 : i32
      %add3A_627 = arith.addi %mul3A_526, %add3A_626 : i32
      %add3A_628 = arith.constant 0 : i32
      %add3A_629 = arith.addi %mul3A_617, %add3A_628 : i32
      %get3A_630 = arith.index_cast %add3A_627 : i32 to index
      %get3A_631 = arith.index_cast %add3A_629 : i32 to index
      %get3A_632 = tpu.vector_load %arg9[%get3A_630, %get3A_631] {strides = array<i32>} : memref<256x128xf32, #tpu.memory_space<vmem>>, vector<1x16xf32>,
      %get3A_633 = vector.shape_cast %get3A_632 : vector<1x16xf32> to vector<16xf32>
      %sub3A_634 = arith.subf %get3A_625, %get3A_633 : vector<16xf32>
      %mul3A_635 = arith.mulf %sub3A_634, %sub3A_634 : vector<16xf32>
      %add3A_636 = arith.addf %add3A_611, %mul3A_635 : vector<16xf32>
      %mul3A_637 = arith.constant 8 : i32
      %mul3A_638 = arith.muli %scan3A_523, %mul3A_637 : i32
      %add3A_639 = arith.constant 0 : i32
      %add3A_640 = arith.addi %mul3A_638, %add3A_639 : i32
      %get3A_641 = arith.index_cast %add3A_640 : i32 to index
      %get3A_642 = arith.constant 80 : index
      %get3A_643 = tpu.vector_load %arg8[%get3A_641, %get3A_642] {strides = array<i32>} : memref<128x128xf32, #tpu.memory_space<vmem>>, vector<1x16xf32>,
      %get3A_644 = vector.shape_cast %get3A_643 : vector<1x16xf32> to vector<16xf32>
      %add3A_645 = arith.constant 1 : i32
      %add3A_646 = arith.addi %mul3A_526, %add3A_645 : i32
      %add3A_647 = arith.constant 16 : i32
      %add3A_648 = arith.addi %mul3A_617, %add3A_647 : i32
      %get3A_649 = arith.index_cast %add3A_646 : i32 to index
      %get3A_650 = arith.index_cast %add3A_648 : i32 to index
      %get3A_651 = tpu.vector_load %arg9[%get3A_649, %get3A_650] {strides = array<i32>} : memref<256x128xf32, #tpu.memory_space<vmem>>, vector<1x16xf32>,
      %get3A_652 = vector.shape_cast %get3A_651 : vector<1x16xf32> to vector<16xf32>
      %sub3A_653 = arith.subf %get3A_644, %get3A_652 : vector<16xf32>
      %mul3A_654 = arith.mulf %sub3A_653, %sub3A_653 : vector<16xf32>
      %add3A_655 = arith.addf %add3A_636, %mul3A_654 : vector<16xf32>
      %mul3A_656 = arith.constant 8 : i32
      %mul3A_657 = arith.muli %scan3A_523, %mul3A_656 : i32
      %add3A_658 = arith.constant 0 : i32
      %add3A_659 = arith.addi %mul3A_657, %add3A_658 : i32
      %get3A_660 = arith.index_cast %add3A_659 : i32 to index
      %get3A_661 = arith.constant 96 : index
      %get3A_662 = tpu.vector_load %arg8[%get3A_660, %get3A_661] {strides = array<i32>} : memref<128x128xf32, #tpu.memory_space<vmem>>, vector<1x16xf32>,
      %get3A_663 = vector.shape_cast %get3A_662 : vector<1x16xf32> to vector<16xf32>
      %add3A_664 = arith.constant 1 : i32
      %add3A_665 = arith.addi %mul3A_526, %add3A_664 : i32
      %add3A_666 = arith.constant 32 : i32
      %add3A_667 = arith.addi %mul3A_617, %add3A_666 : i32
      %get3A_668 = arith.index_cast %add3A_665 : i32 to index
      %get3A_669 = arith.index_cast %add3A_667 : i32 to index
      %get3A_670 = tpu.vector_load %arg9[%get3A_668, %get3A_669] {strides = array<i32>} : memref<256x128xf32, #tpu.memory_space<vmem>>, vector<1x16xf32>,
      %get3A_671 = vector.shape_cast %get3A_670 : vector<1x16xf32> to vector<16xf32>
      %sub3A_672 = arith.subf %get3A_663, %get3A_671 : vector<16xf32>
      %mul3A_673 = arith.mulf %sub3A_672, %sub3A_672 : vector<16xf32>
      %add3A_674 = arith.addf %add3A_655, %mul3A_673 : vector<16xf32>
      %mul3A_675 = arith.constant 8 : i32
      %mul3A_676 = arith.muli %scan3A_523, %mul3A_675 : i32
      %add3A_677 = arith.constant 0 : i32
      %add3A_678 = arith.addi %mul3A_676, %add3A_677 : i32
      %get3A_679 = arith.index_cast %add3A_678 : i32 to index
      %get3A_680 = arith.constant 112 : index
      %get3A_681 = tpu.vector_load %arg8[%get3A_679, %get3A_680] {strides = array<i32>} : memref<128x128xf32, #tpu.memory_space<vmem>>, vector<1x16xf32>,
      %get3A_682 = vector.shape_cast %get3A_681 : vector<1x16xf32> to vector<16xf32>
      %add3A_683 = arith.constant 1 : i32
      %add3A_684 = arith.addi %mul3A_526, %add3A_683 : i32
      %add3A_685 = arith.constant 48 : i32
      %add3A_686 = arith.addi %mul3A_617, %add3A_685 : i32
      %get3A_687 = arith.index_cast %add3A_684 : i32 to index
      %get3A_688 = arith.index_cast %add3A_686 : i32 to index
      %get3A_689 = tpu.vector_load %arg9[%get3A_687, %get3A_688] {strides = array<i32>} : memref<256x128xf32, #tpu.memory_space<vmem>>, vector<1x16xf32>,
      %get3A_690 = vector.shape_cast %get3A_689 : vector<1x16xf32> to vector<16xf32>
      %sub3A_691 = arith.subf %get3A_682, %get3A_690 : vector<16xf32>
      %mul3A_692 = arith.mulf %sub3A_691, %sub3A_691 : vector<16xf32>
      %add3A_693 = arith.addf %add3A_674, %mul3A_692 : vector<16xf32>
      %slice3A_694 = vector.extract_strided_slice %get3A_531 {offsets = [2], sizes = [1], strides = [1]} : vector<16xi32> to vector<1xi32>
      %squeeze3A_695 = vector.extract %slice3A_694[0] : i32 from vector<1xi32>
      %and3A_696 = arith.constant 1 : i32
      %and3A_697 = arith.andi %squeeze3A_695, %and3A_696 : i32
      %mul3A_698 = arith.constant 64 : i32
      %mul3A_699 = arith.muli %and3A_697, %mul3A_698 : i32
      %mul3A_700 = arith.constant 8 : i32
      %mul3A_701 = arith.muli %scan3A_523, %mul3A_700 : i32
      %add3A_702 = arith.constant 1 : i32
      %add3A_703 = arith.addi %mul3A_701, %add3A_702 : i32
      %get3A_704 = arith.index_cast %add3A_703 : i32 to index
      %get3A_705 = arith.constant 0 : index
      %get3A_706 = tpu.vector_load %arg8[%get3A_704, %get3A_705] {strides = array<i32>} : memref<128x128xf32, #tpu.memory_space<vmem>>, vector<1x16xf32>,
      %get3A_707 = vector.shape_cast %get3A_706 : vector<1x16xf32> to vector<16xf32>
      %add3A_708 = arith.constant 2 : i32
      %add3A_709 = arith.addi %mul3A_526, %add3A_708 : i32
      %add3A_710 = arith.constant 0 : i32
      %add3A_711 = arith.addi %mul3A_699, %add3A_710 : i32
      %get3A_712 = arith.index_cast %add3A_709 : i32 to index
      %get3A_713 = arith.index_cast %add3A_711 : i32 to index
      %get3A_714 = tpu.vector_load %arg9[%get3A_712, %get3A_713] {strides = array<i32>} : memref<256x128xf32, #tpu.memory_space<vmem>>, vector<1x16xf32>,
      %get3A_715 = vector.shape_cast %get3A_714 : vector<1x16xf32> to vector<16xf32>
      %sub3A_716 = arith.subf %get3A_707, %get3A_715 : vector<16xf32>
      %mul3A_717 = arith.mulf %sub3A_716, %sub3A_716 : vector<16xf32>
      %add3A_718 = arith.addf %add3A_693, %mul3A_717 : vector<16xf32>
      %mul3A_719 = arith.constant 8 : i32
      %mul3A_720 = arith.muli %scan3A_523, %mul3A_719 : i32
      %add3A_721 = arith.constant 1 : i32
      %add3A_722 = arith.addi %mul3A_720, %add3A_721 : i32
      %get3A_723 = arith.index_cast %add3A_722 : i32 to index
      %get3A_724 = arith.constant 16 : index
      %get3A_725 = tpu.vector_load %arg8[%get3A_723, %get3A_724] {strides = array<i32>} : memref<128x128xf32, #tpu.memory_space<vmem>>, vector<1x16xf32>,
      %get3A_726 = vector.shape_cast %get3A_725 : vector<1x16xf32> to vector<16xf32>
      %add3A_727 = arith.constant 2 : i32
      %add3A_728 = arith.addi %mul3A_526, %add3A_727 : i32
      %add3A_729 = arith.constant 16 : i32
      %add3A_730 = arith.addi %mul3A_699, %add3A_729 : i32
      %get3A_731 = arith.index_cast %add3A_728 : i32 to index
      %get3A_732 = arith.index_cast %add3A_730 : i32 to index
      %get3A_733 = tpu.vector_load %arg9[%get3A_731, %get3A_732] {strides = array<i32>} : memref<256x128xf32, #tpu.memory_space<vmem>>, vector<1x16xf32>,
      %get3A_734 = vector.shape_cast %get3A_733 : vector<1x16xf32> to vector<16xf32>
      %sub3A_735 = arith.subf %get3A_726, %get3A_734 : vector<16xf32>
      %mul3A_736 = arith.mulf %sub3A_735, %sub3A_735 : vector<16xf32>
      %add3A_737 = arith.addf %add3A_718, %mul3A_736 : vector<16xf32>
      %mul3A_738 = arith.constant 8 : i32
      %mul3A_739 = arith.muli %scan3A_523, %mul3A_738 : i32
      %add3A_740 = arith.constant 1 : i32
      %add3A_741 = arith.addi %mul3A_739, %add3A_740 : i32
      %get3A_742 = arith.index_cast %add3A_741 : i32 to index
      %get3A_743 = arith.constant 32 : index
      %get3A_744 = tpu.vector_load %arg8[%get3A_742, %get3A_743] {strides = array<i32>} : memref<128x128xf32, #tpu.memory_space<vmem>>, vector<1x16xf32>,
      %get3A_745 = vector.shape_cast %get3A_744 : vector<1x16xf32> to vector<16xf32>
      %add3A_746 = arith.constant 2 : i32
      %add3A_747 = arith.addi %mul3A_526, %add3A_746 : i32
      %add3A_748 = arith.constant 32 : i32
      %add3A_749 = arith.addi %mul3A_699, %add3A_748 : i32
      %get3A_750 = arith.index_cast %add3A_747 : i32 to index
      %get3A_751 = arith.index_cast %add3A_749 : i32 to index
      %get3A_752 = tpu.vector_load %arg9[%get3A_750, %get3A_751] {strides = array<i32>} : memref<256x128xf32, #tpu.memory_space<vmem>>, vector<1x16xf32>,
      %get3A_753 = vector.shape_cast %get3A_752 : vector<1x16xf32> to vector<16xf32>
      %sub3A_754 = arith.subf %get3A_745, %get3A_753 : vector<16xf32>
      %mul3A_755 = arith.mulf %sub3A_754, %sub3A_754 : vector<16xf32>
      %add3A_756 = arith.addf %add3A_737, %mul3A_755 : vector<16xf32>
      %mul3A_757 = arith.constant 8 : i32
      %mul3A_758 = arith.muli %scan3A_523, %mul3A_757 : i32
      %add3A_759 = arith.constant 1 : i32
      %add3A_760 = arith.addi %mul3A_758, %add3A_759 : i32
      %get3A_761 = arith.index_cast %add3A_760 : i32 to index
      %get3A_762 = arith.constant 48 : index
      %get3A_763 = tpu.vector_load %arg8[%get3A_761, %get3A_762] {strides = array<i32>} : memref<128x128xf32, #tpu.memory_space<vmem>>, vector<1x16xf32>,
      %get3A_764 = vector.shape_cast %get3A_763 : vector<1x16xf32> to vector<16xf32>
      %add3A_765 = arith.constant 2 : i32
      %add3A_766 = arith.addi %mul3A_526, %add3A_765 : i32
      %add3A_767 = arith.constant 48 : i32
      %add3A_768 = arith.addi %mul3A_699, %add3A_767 : i32
      %get3A_769 = arith.index_cast %add3A_766 : i32 to index
      %get3A_770 = arith.index_cast %add3A_768 : i32 to index
      %get3A_771 = tpu.vector_load %arg9[%get3A_769, %get3A_770] {strides = array<i32>} : memref<256x128xf32, #tpu.memory_space<vmem>>, vector<1x16xf32>,
      %get3A_772 = vector.shape_cast %get3A_771 : vector<1x16xf32> to vector<16xf32>
      %sub3A_773 = arith.subf %get3A_764, %get3A_772 : vector<16xf32>
      %mul3A_774 = arith.mulf %sub3A_773, %sub3A_773 : vector<16xf32>
      %add3A_775 = arith.addf %add3A_756, %mul3A_774 : vector<16xf32>
      %slice3A_776 = vector.extract_strided_slice %get3A_531 {offsets = [3], sizes = [1], strides = [1]} : vector<16xi32> to vector<1xi32>
      %squeeze3A_777 = vector.extract %slice3A_776[0] : i32 from vector<1xi32>
      %and3A_778 = arith.constant 1 : i32
      %and3A_779 = arith.andi %squeeze3A_777, %and3A_778 : i32
      %mul3A_780 = arith.constant 64 : i32
      %mul3A_781 = arith.muli %and3A_779, %mul3A_780 : i32
      %mul3A_782 = arith.constant 8 : i32
      %mul3A_783 = arith.muli %scan3A_523, %mul3A_782 : i32
      %add3A_784 = arith.constant 1 : i32
      %add3A_785 = arith.addi %mul3A_783, %add3A_784 : i32
      %get3A_786 = arith.index_cast %add3A_785 : i32 to index
      %get3A_787 = arith.constant 64 : index
      %get3A_788 = tpu.vector_load %arg8[%get3A_786, %get3A_787] {strides = array<i32>} : memref<128x128xf32, #tpu.memory_space<vmem>>, vector<1x16xf32>,
      %get3A_789 = vector.shape_cast %get3A_788 : vector<1x16xf32> to vector<16xf32>
      %add3A_790 = arith.constant 3 : i32
      %add3A_791 = arith.addi %mul3A_526, %add3A_790 : i32
      %add3A_792 = arith.constant 0 : i32
      %add3A_793 = arith.addi %mul3A_781, %add3A_792 : i32
      %get3A_794 = arith.index_cast %add3A_791 : i32 to index
      %get3A_795 = arith.index_cast %add3A_793 : i32 to index
      %get3A_796 = tpu.vector_load %arg9[%get3A_794, %get3A_795] {strides = array<i32>} : memref<256x128xf32, #tpu.memory_space<vmem>>, vector<1x16xf32>,
      %get3A_797 = vector.shape_cast %get3A_796 : vector<1x16xf32> to vector<16xf32>
      %sub3A_798 = arith.subf %get3A_789, %get3A_797 : vector<16xf32>
      %mul3A_799 = arith.mulf %sub3A_798, %sub3A_798 : vector<16xf32>
      %add3A_800 = arith.addf %add3A_775, %mul3A_799 : vector<16xf32>
      %mul3A_801 = arith.constant 8 : i32
      %mul3A_802 = arith.muli %scan3A_523, %mul3A_801 : i32
      %add3A_803 = arith.constant 1 : i32
      %add3A_804 = arith.addi %mul3A_802, %add3A_803 : i32
      %get3A_805 = arith.index_cast %add3A_804 : i32 to index
      %get3A_806 = arith.constant 80 : index
      %get3A_807 = tpu.vector_load %arg8[%get3A_805, %get3A_806] {strides = array<i32>} : memref<128x128xf32, #tpu.memory_space<vmem>>, vector<1x16xf32>,
      %get3A_808 = vector.shape_cast %get3A_807 : vector<1x16xf32> to vector<16xf32>
      %add3A_809 = arith.constant 3 : i32
      %add3A_810 = arith.addi %mul3A_526, %add3A_809 : i32
      %add3A_811 = arith.constant 16 : i32
      %add3A_812 = arith.addi %mul3A_781, %add3A_811 : i32
      %get3A_813 = arith.index_cast %add3A_810 : i32 to index
      %get3A_814 = arith.index_cast %add3A_812 : i32 to index
      %get3A_815 = tpu.vector_load %arg9[%get3A_813, %get3A_814] {strides = array<i32>} : memref<256x128xf32, #tpu.memory_space<vmem>>, vector<1x16xf32>,
      %get3A_816 = vector.shape_cast %get3A_815 : vector<1x16xf32> to vector<16xf32>
      %sub3A_817 = arith.subf %get3A_808, %get3A_816 : vector<16xf32>
      %mul3A_818 = arith.mulf %sub3A_817, %sub3A_817 : vector<16xf32>
      %add3A_819 = arith.addf %add3A_800, %mul3A_818 : vector<16xf32>
      %mul3A_820 = arith.constant 8 : i32
      %mul3A_821 = arith.muli %scan3A_523, %mul3A_820 : i32
      %add3A_822 = arith.constant 1 : i32
      %add3A_823 = arith.addi %mul3A_821, %add3A_822 : i32
      %get3A_824 = arith.index_cast %add3A_823 : i32 to index
      %get3A_825 = arith.constant 96 : index
      %get3A_826 = tpu.vector_load %arg8[%get3A_824, %get3A_825] {strides = array<i32>} : memref<128x128xf32, #tpu.memory_space<vmem>>, vector<1x16xf32>,
      %get3A_827 = vector.shape_cast %get3A_826 : vector<1x16xf32> to vector<16xf32>
      %add3A_828 = arith.constant 3 : i32
      %add3A_829 = arith.addi %mul3A_526, %add3A_828 : i32
      %add3A_830 = arith.constant 32 : i32
      %add3A_831 = arith.addi %mul3A_781, %add3A_830 : i32
      %get3A_832 = arith.index_cast %add3A_829 : i32 to index
      %get3A_833 = arith.index_cast %add3A_831 : i32 to index
      %get3A_834 = tpu.vector_load %arg9[%get3A_832, %get3A_833] {strides = array<i32>} : memref<256x128xf32, #tpu.memory_space<vmem>>, vector<1x16xf32>,
      %get3A_835 = vector.shape_cast %get3A_834 : vector<1x16xf32> to vector<16xf32>
      %sub3A_836 = arith.subf %get3A_827, %get3A_835 : vector<16xf32>
      %mul3A_837 = arith.mulf %sub3A_836, %sub3A_836 : vector<16xf32>
      %add3A_838 = arith.addf %add3A_819, %mul3A_837 : vector<16xf32>
      %mul3A_839 = arith.constant 8 : i32
      %mul3A_840 = arith.muli %scan3A_523, %mul3A_839 : i32
      %add3A_841 = arith.constant 1 : i32
      %add3A_842 = arith.addi %mul3A_840, %add3A_841 : i32
      %get3A_843 = arith.index_cast %add3A_842 : i32 to index
      %get3A_844 = arith.constant 112 : index
      %get3A_845 = tpu.vector_load %arg8[%get3A_843, %get3A_844] {strides = array<i32>} : memref<128x128xf32, #tpu.memory_space<vmem>>, vector<1x16xf32>,
      %get3A_846 = vector.shape_cast %get3A_845 : vector<1x16xf32> to vector<16xf32>
      %add3A_847 = arith.constant 3 : i32
      %add3A_848 = arith.addi %mul3A_526, %add3A_847 : i32
      %add3A_849 = arith.constant 48 : i32
      %add3A_850 = arith.addi %mul3A_781, %add3A_849 : i32
      %get3A_851 = arith.index_cast %add3A_848 : i32 to index
      %get3A_852 = arith.index_cast %add3A_850 : i32 to index
      %get3A_853 = tpu.vector_load %arg9[%get3A_851, %get3A_852] {strides = array<i32>} : memref<256x128xf32, #tpu.memory_space<vmem>>, vector<1x16xf32>,
      %get3A_854 = vector.shape_cast %get3A_853 : vector<1x16xf32> to vector<16xf32>
      %sub3A_855 = arith.subf %get3A_846, %get3A_854 : vector<16xf32>
      %mul3A_856 = arith.mulf %sub3A_855, %sub3A_855 : vector<16xf32>
      %add3A_857 = arith.addf %add3A_838, %mul3A_856 : vector<16xf32>
      %slice3A_858 = vector.extract_strided_slice %get3A_531 {offsets = [4], sizes = [1], strides = [1]} : vector<16xi32> to vector<1xi32>
      %squeeze3A_859 = vector.extract %slice3A_858[0] : i32 from vector<1xi32>
      %and3A_860 = arith.constant 1 : i32
      %and3A_861 = arith.andi %squeeze3A_859, %and3A_860 : i32
      %mul3A_862 = arith.constant 64 : i32
      %mul3A_863 = arith.muli %and3A_861, %mul3A_862 : i32
      %mul3A_864 = arith.constant 8 : i32
      %mul3A_865 = arith.muli %scan3A_523, %mul3A_864 : i32
      %add3A_866 = arith.constant 2 : i32
      %add3A_867 = arith.addi %mul3A_865, %add3A_866 : i32
      %get3A_868 = arith.index_cast %add3A_867 : i32 to index
      %get3A_869 = arith.constant 0 : index
      %get3A_870 = tpu.vector_load %arg8[%get3A_868, %get3A_869] {strides = array<i32>} : memref<128x128xf32, #tpu.memory_space<vmem>>, vector<1x16xf32>,
      %get3A_871 = vector.shape_cast %get3A_870 : vector<1x16xf32> to vector<16xf32>
      %add3A_872 = arith.constant 4 : i32
      %add3A_873 = arith.addi %mul3A_526, %add3A_872 : i32
      %add3A_874 = arith.constant 0 : i32
      %add3A_875 = arith.addi %mul3A_863, %add3A_874 : i32
      %get3A_876 = arith.index_cast %add3A_873 : i32 to index
      %get3A_877 = arith.index_cast %add3A_875 : i32 to index
      %get3A_878 = tpu.vector_load %arg9[%get3A_876, %get3A_877] {strides = array<i32>} : memref<256x128xf32, #tpu.memory_space<vmem>>, vector<1x16xf32>,
      %get3A_879 = vector.shape_cast %get3A_878 : vector<1x16xf32> to vector<16xf32>
      %sub3A_880 = arith.subf %get3A_871, %get3A_879 : vector<16xf32>
      %mul3A_881 = arith.mulf %sub3A_880, %sub3A_880 : vector<16xf32>
      %add3A_882 = arith.addf %add3A_857, %mul3A_881 : vector<16xf32>
      %mul3A_883 = arith.constant 8 : i32
      %mul3A_884 = arith.muli %scan3A_523, %mul3A_883 : i32
      %add3A_885 = arith.constant 2 : i32
      %add3A_886 = arith.addi %mul3A_884, %add3A_885 : i32
      %get3A_887 = arith.index_cast %add3A_886 : i32 to index
      %get3A_888 = arith.constant 16 : index
      %get3A_889 = tpu.vector_load %arg8[%get3A_887, %get3A_888] {strides = array<i32>} : memref<128x128xf32, #tpu.memory_space<vmem>>, vector<1x16xf32>,
      %get3A_890 = vector.shape_cast %get3A_889 : vector<1x16xf32> to vector<16xf32>
      %add3A_891 = arith.constant 4 : i32
      %add3A_892 = arith.addi %mul3A_526, %add3A_891 : i32
      %add3A_893 = arith.constant 16 : i32
      %add3A_894 = arith.addi %mul3A_863, %add3A_893 : i32
      %get3A_895 = arith.index_cast %add3A_892 : i32 to index
      %get3A_896 = arith.index_cast %add3A_894 : i32 to index
      %get3A_897 = tpu.vector_load %arg9[%get3A_895, %get3A_896] {strides = array<i32>} : memref<256x128xf32, #tpu.memory_space<vmem>>, vector<1x16xf32>,
      %get3A_898 = vector.shape_cast %get3A_897 : vector<1x16xf32> to vector<16xf32>
      %sub3A_899 = arith.subf %get3A_890, %get3A_898 : vector<16xf32>
      %mul3A_900 = arith.mulf %sub3A_899, %sub3A_899 : vector<16xf32>
      %add3A_901 = arith.addf %add3A_882, %mul3A_900 : vector<16xf32>
      %mul3A_902 = arith.constant 8 : i32
      %mul3A_903 = arith.muli %scan3A_523, %mul3A_902 : i32
      %add3A_904 = arith.constant 2 : i32
      %add3A_905 = arith.addi %mul3A_903, %add3A_904 : i32
      %get3A_906 = arith.index_cast %add3A_905 : i32 to index
      %get3A_907 = arith.constant 32 : index
      %get3A_908 = tpu.vector_load %arg8[%get3A_906, %get3A_907] {strides = array<i32>} : memref<128x128xf32, #tpu.memory_space<vmem>>, vector<1x16xf32>,
      %get3A_909 = vector.shape_cast %get3A_908 : vector<1x16xf32> to vector<16xf32>
      %add3A_910 = arith.constant 4 : i32
      %add3A_911 = arith.addi %mul3A_526, %add3A_910 : i32
      %add3A_912 = arith.constant 32 : i32
      %add3A_913 = arith.addi %mul3A_863, %add3A_912 : i32
      %get3A_914 = arith.index_cast %add3A_911 : i32 to index
      %get3A_915 = arith.index_cast %add3A_913 : i32 to index
      %get3A_916 = tpu.vector_load %arg9[%get3A_914, %get3A_915] {strides = array<i32>} : memref<256x128xf32, #tpu.memory_space<vmem>>, vector<1x16xf32>,
      %get3A_917 = vector.shape_cast %get3A_916 : vector<1x16xf32> to vector<16xf32>
      %sub3A_918 = arith.subf %get3A_909, %get3A_917 : vector<16xf32>
      %mul3A_919 = arith.mulf %sub3A_918, %sub3A_918 : vector<16xf32>
      %add3A_920 = arith.addf %add3A_901, %mul3A_919 : vector<16xf32>
      %mul3A_921 = arith.constant 8 : i32
      %mul3A_922 = arith.muli %scan3A_523, %mul3A_921 : i32
      %add3A_923 = arith.constant 2 : i32
      %add3A_924 = arith.addi %mul3A_922, %add3A_923 : i32
      %get3A_925 = arith.index_cast %add3A_924 : i32 to index
      %get3A_926 = arith.constant 48 : index
      %get3A_927 = tpu.vector_load %arg8[%get3A_925, %get3A_926] {strides = array<i32>} : memref<128x128xf32, #tpu.memory_space<vmem>>, vector<1x16xf32>,
      %get3A_928 = vector.shape_cast %get3A_927 : vector<1x16xf32> to vector<16xf32>
      %add3A_929 = arith.constant 4 : i32
      %add3A_930 = arith.addi %mul3A_526, %add3A_929 : i32
      %add3A_931 = arith.constant 48 : i32
      %add3A_932 = arith.addi %mul3A_863, %add3A_931 : i32
      %get3A_933 = arith.index_cast %add3A_930 : i32 to index
      %get3A_934 = arith.index_cast %add3A_932 : i32 to index
      %get3A_935 = tpu.vector_load %arg9[%get3A_933, %get3A_934] {strides = array<i32>} : memref<256x128xf32, #tpu.memory_space<vmem>>, vector<1x16xf32>,
      %get3A_936 = vector.shape_cast %get3A_935 : vector<1x16xf32> to vector<16xf32>
      %sub3A_937 = arith.subf %get3A_928, %get3A_936 : vector<16xf32>
      %mul3A_938 = arith.mulf %sub3A_937, %sub3A_937 : vector<16xf32>
      %add3A_939 = arith.addf %add3A_920, %mul3A_938 : vector<16xf32>
      %slice3A_940 = vector.extract_strided_slice %get3A_531 {offsets = [5], sizes = [1], strides = [1]} : vector<16xi32> to vector<1xi32>
      %squeeze3A_941 = vector.extract %slice3A_940[0] : i32 from vector<1xi32>
      %and3A_942 = arith.constant 1 : i32
      %and3A_943 = arith.andi %squeeze3A_941, %and3A_942 : i32
      %mul3A_944 = arith.constant 64 : i32
      %mul3A_945 = arith.muli %and3A_943, %mul3A_944 : i32
      %mul3A_946 = arith.constant 8 : i32
      %mul3A_947 = arith.muli %scan3A_523, %mul3A_946 : i32
      %add3A_948 = arith.constant 2 : i32
      %add3A_949 = arith.addi %mul3A_947, %add3A_948 : i32
      %get3A_950 = arith.index_cast %add3A_949 : i32 to index
      %get3A_951 = arith.constant 64 : index
      %get3A_952 = tpu.vector_load %arg8[%get3A_950, %get3A_951] {strides = array<i32>} : memref<128x128xf32, #tpu.memory_space<vmem>>, vector<1x16xf32>,
      %get3A_953 = vector.shape_cast %get3A_952 : vector<1x16xf32> to vector<16xf32>
      %add3A_954 = arith.constant 5 : i32
      %add3A_955 = arith.addi %mul3A_526, %add3A_954 : i32
      %add3A_956 = arith.constant 0 : i32
      %add3A_957 = arith.addi %mul3A_945, %add3A_956 : i32
      %get3A_958 = arith.index_cast %add3A_955 : i32 to index
      %get3A_959 = arith.index_cast %add3A_957 : i32 to index
      %get3A_960 = tpu.vector_load %arg9[%get3A_958, %get3A_959] {strides = array<i32>} : memref<256x128xf32, #tpu.memory_space<vmem>>, vector<1x16xf32>,
      %get3A_961 = vector.shape_cast %get3A_960 : vector<1x16xf32> to vector<16xf32>
      %sub3A_962 = arith.subf %get3A_953, %get3A_961 : vector<16xf32>
      %mul3A_963 = arith.mulf %sub3A_962, %sub3A_962 : vector<16xf32>
      %add3A_964 = arith.addf %add3A_939, %mul3A_963 : vector<16xf32>
      %mul3A_965 = arith.constant 8 : i32
      %mul3A_966 = arith.muli %scan3A_523, %mul3A_965 : i32
      %add3A_967 = arith.constant 2 : i32
      %add3A_968 = arith.addi %mul3A_966, %add3A_967 : i32
      %get3A_969 = arith.index_cast %add3A_968 : i32 to index
      %get3A_970 = arith.constant 80 : index
      %get3A_971 = tpu.vector_load %arg8[%get3A_969, %get3A_970] {strides = array<i32>} : memref<128x128xf32, #tpu.memory_space<vmem>>, vector<1x16xf32>,
      %get3A_972 = vector.shape_cast %get3A_971 : vector<1x16xf32> to vector<16xf32>
      %add3A_973 = arith.constant 5 : i32
      %add3A_974 = arith.addi %mul3A_526, %add3A_973 : i32
      %add3A_975 = arith.constant 16 : i32
      %add3A_976 = arith.addi %mul3A_945, %add3A_975 : i32
      %get3A_977 = arith.index_cast %add3A_974 : i32 to index
      %get3A_978 = arith.index_cast %add3A_976 : i32 to index
      %get3A_979 = tpu.vector_load %arg9[%get3A_977, %get3A_978] {strides = array<i32>} : memref<256x128xf32, #tpu.memory_space<vmem>>, vector<1x16xf32>,
      %get3A_980 = vector.shape_cast %get3A_979 : vector<1x16xf32> to vector<16xf32>
      %sub3A_981 = arith.subf %get3A_972, %get3A_980 : vector<16xf32>
      %mul3A_982 = arith.mulf %sub3A_981, %sub3A_981 : vector<16xf32>
      %add3A_983 = arith.addf %add3A_964, %mul3A_982 : vector<16xf32>
      %mul3A_984 = arith.constant 8 : i32
      %mul3A_985 = arith.muli %scan3A_523, %mul3A_984 : i32
      %add3A_986 = arith.constant 2 : i32
      %add3A_987 = arith.addi %mul3A_985, %add3A_986 : i32
      %get3A_988 = arith.index_cast %add3A_987 : i32 to index
      %get3A_989 = arith.constant 96 : index
      %get3A_990 = tpu.vector_load %arg8[%get3A_988, %get3A_989] {strides = array<i32>} : memref<128x128xf32, #tpu.memory_space<vmem>>, vector<1x16xf32>,
      %get3A_991 = vector.shape_cast %get3A_990 : vector<1x16xf32> to vector<16xf32>
      %add3A_992 = arith.constant 5 : i32
      %add3A_993 = arith.addi %mul3A_526, %add3A_992 : i32
      %add3A_994 = arith.constant 32 : i32
      %add3A_995 = arith.addi %mul3A_945, %add3A_994 : i32
      %get3A_996 = arith.index_cast %add3A_993 : i32 to index
      %get3A_997 = arith.index_cast %add3A_995 : i32 to index
      %get3A_998 = tpu.vector_load %arg9[%get3A_996, %get3A_997] {strides = array<i32>} : memref<256x128xf32, #tpu.memory_space<vmem>>, vector<1x16xf32>,
      %get3A_999 = vector.shape_cast %get3A_998 : vector<1x16xf32> to vector<16xf32>
      %sub3A_1000 = arith.subf %get3A_991, %get3A_999 : vector<16xf32>
      %mul3A_1001 = arith.mulf %sub3A_1000, %sub3A_1000 : vector<16xf32>
      %add3A_1002 = arith.addf %add3A_983, %mul3A_1001 : vector<16xf32>
      %mul3A_1003 = arith.constant 8 : i32
      %mul3A_1004 = arith.muli %scan3A_523, %mul3A_1003 : i32
      %add3A_1005 = arith.constant 2 : i32
      %add3A_1006 = arith.addi %mul3A_1004, %add3A_1005 : i32
      %get3A_1007 = arith.index_cast %add3A_1006 : i32 to index
      %get3A_1008 = arith.constant 112 : index
      %get3A_1009 = tpu.vector_load %arg8[%get3A_1007, %get3A_1008] {strides = array<i32>} : memref<128x128xf32, #tpu.memory_space<vmem>>, vector<1x16xf32>,
      %get3A_1010 = vector.shape_cast %get3A_1009 : vector<1x16xf32> to vector<16xf32>
      %add3A_1011 = arith.constant 5 : i32
      %add3A_1012 = arith.addi %mul3A_526, %add3A_1011 : i32
      %add3A_1013 = arith.constant 48 : i32
      %add3A_1014 = arith.addi %mul3A_945, %add3A_1013 : i32
      %get3A_1015 = arith.index_cast %add3A_1012 : i32 to index
      %get3A_1016 = arith.index_cast %add3A_1014 : i32 to index
      %get3A_1017 = tpu.vector_load %arg9[%get3A_1015, %get3A_1016] {strides = array<i32>} : memref<256x128xf32, #tpu.memory_space<vmem>>, vector<1x16xf32>,
      %get3A_1018 = vector.shape_cast %get3A_1017 : vector<1x16xf32> to vector<16xf32>
      %sub3A_1019 = arith.subf %get3A_1010, %get3A_1018 : vector<16xf32>
      %mul3A_1020 = arith.mulf %sub3A_1019, %sub3A_1019 : vector<16xf32>
      %add3A_1021 = arith.addf %add3A_1002, %mul3A_1020 : vector<16xf32>
      %slice3A_1022 = vector.extract_strided_slice %get3A_531 {offsets = [6], sizes = [1], strides = [1]} : vector<16xi32> to vector<1xi32>
      %squeeze3A_1023 = vector.extract %slice3A_1022[0] : i32 from vector<1xi32>
      %and3A_1024 = arith.constant 1 : i32
      %and3A_1025 = arith.andi %squeeze3A_1023, %and3A_1024 : i32
      %mul3A_1026 = arith.constant 64 : i32
      %mul3A_1027 = arith.muli %and3A_1025, %mul3A_1026 : i32
      %mul3A_1028 = arith.constant 8 : i32
      %mul3A_1029 = arith.muli %scan3A_523, %mul3A_1028 : i32
      %add3A_1030 = arith.constant 3 : i32
      %add3A_1031 = arith.addi %mul3A_1029, %add3A_1030 : i32
      %get3A_1032 = arith.index_cast %add3A_1031 : i32 to index
      %get3A_1033 = arith.constant 0 : index
      %get3A_1034 = tpu.vector_load %arg8[%get3A_1032, %get3A_1033] {strides = array<i32>} : memref<128x128xf32, #tpu.memory_space<vmem>>, vector<1x16xf32>,
      %get3A_1035 = vector.shape_cast %get3A_1034 : vector<1x16xf32> to vector<16xf32>
      %add3A_1036 = arith.constant 6 : i32
      %add3A_1037 = arith.addi %mul3A_526, %add3A_1036 : i32
      %add3A_1038 = arith.constant 0 : i32
      %add3A_1039 = arith.addi %mul3A_1027, %add3A_1038 : i32
      %get3A_1040 = arith.index_cast %add3A_1037 : i32 to index
      %get3A_1041 = arith.index_cast %add3A_1039 : i32 to index
      %get3A_1042 = tpu.vector_load %arg9[%get3A_1040, %get3A_1041] {strides = array<i32>} : memref<256x128xf32, #tpu.memory_space<vmem>>, vector<1x16xf32>,
      %get3A_1043 = vector.shape_cast %get3A_1042 : vector<1x16xf32> to vector<16xf32>
      %sub3A_1044 = arith.subf %get3A_1035, %get3A_1043 : vector<16xf32>
      %mul3A_1045 = arith.mulf %sub3A_1044, %sub3A_1044 : vector<16xf32>
      %add3A_1046 = arith.addf %add3A_1021, %mul3A_1045 : vector<16xf32>
      %mul3A_1047 = arith.constant 8 : i32
      %mul3A_1048 = arith.muli %scan3A_523, %mul3A_1047 : i32
      %add3A_1049 = arith.constant 3 : i32
      %add3A_1050 = arith.addi %mul3A_1048, %add3A_1049 : i32
      %get3A_1051 = arith.index_cast %add3A_1050 : i32 to index
      %get3A_1052 = arith.constant 16 : index
      %get3A_1053 = tpu.vector_load %arg8[%get3A_1051, %get3A_1052] {strides = array<i32>} : memref<128x128xf32, #tpu.memory_space<vmem>>, vector<1x16xf32>,
      %get3A_1054 = vector.shape_cast %get3A_1053 : vector<1x16xf32> to vector<16xf32>
      %add3A_1055 = arith.constant 6 : i32
      %add3A_1056 = arith.addi %mul3A_526, %add3A_1055 : i32
      %add3A_1057 = arith.constant 16 : i32
      %add3A_1058 = arith.addi %mul3A_1027, %add3A_1057 : i32
      %get3A_1059 = arith.index_cast %add3A_1056 : i32 to index
      %get3A_1060 = arith.index_cast %add3A_1058 : i32 to index
      %get3A_1061 = tpu.vector_load %arg9[%get3A_1059, %get3A_1060] {strides = array<i32>} : memref<256x128xf32, #tpu.memory_space<vmem>>, vector<1x16xf32>,
      %get3A_1062 = vector.shape_cast %get3A_1061 : vector<1x16xf32> to vector<16xf32>
      %sub3A_1063 = arith.subf %get3A_1054, %get3A_1062 : vector<16xf32>
      %mul3A_1064 = arith.mulf %sub3A_1063, %sub3A_1063 : vector<16xf32>
      %add3A_1065 = arith.addf %add3A_1046, %mul3A_1064 : vector<16xf32>
      %mul3A_1066 = arith.constant 8 : i32
      %mul3A_1067 = arith.muli %scan3A_523, %mul3A_1066 : i32
      %add3A_1068 = arith.constant 3 : i32
      %add3A_1069 = arith.addi %mul3A_1067, %add3A_1068 : i32
      %get3A_1070 = arith.index_cast %add3A_1069 : i32 to index
      %get3A_1071 = arith.constant 32 : index
      %get3A_1072 = tpu.vector_load %arg8[%get3A_1070, %get3A_1071] {strides = array<i32>} : memref<128x128xf32, #tpu.memory_space<vmem>>, vector<1x16xf32>,
      %get3A_1073 = vector.shape_cast %get3A_1072 : vector<1x16xf32> to vector<16xf32>
      %add3A_1074 = arith.constant 6 : i32
      %add3A_1075 = arith.addi %mul3A_526, %add3A_1074 : i32
      %add3A_1076 = arith.constant 32 : i32
      %add3A_1077 = arith.addi %mul3A_1027, %add3A_1076 : i32
      %get3A_1078 = arith.index_cast %add3A_1075 : i32 to index
      %get3A_1079 = arith.index_cast %add3A_1077 : i32 to index
      %get3A_1080 = tpu.vector_load %arg9[%get3A_1078, %get3A_1079] {strides = array<i32>} : memref<256x128xf32, #tpu.memory_space<vmem>>, vector<1x16xf32>,
      %get3A_1081 = vector.shape_cast %get3A_1080 : vector<1x16xf32> to vector<16xf32>
      %sub3A_1082 = arith.subf %get3A_1073, %get3A_1081 : vector<16xf32>
      %mul3A_1083 = arith.mulf %sub3A_1082, %sub3A_1082 : vector<16xf32>
      %add3A_1084 = arith.addf %add3A_1065, %mul3A_1083 : vector<16xf32>
      %mul3A_1085 = arith.constant 8 : i32
      %mul3A_1086 = arith.muli %scan3A_523, %mul3A_1085 : i32
      %add3A_1087 = arith.constant 3 : i32
      %add3A_1088 = arith.addi %mul3A_1086, %add3A_1087 : i32
      %get3A_1089 = arith.index_cast %add3A_1088 : i32 to index
      %get3A_1090 = arith.constant 48 : index
      %get3A_1091 = tpu.vector_load %arg8[%get3A_1089, %get3A_1090] {strides = array<i32>} : memref<128x128xf32, #tpu.memory_space<vmem>>, vector<1x16xf32>,
      %get3A_1092 = vector.shape_cast %get3A_1091 : vector<1x16xf32> to vector<16xf32>
      %add3A_1093 = arith.constant 6 : i32
      %add3A_1094 = arith.addi %mul3A_526, %add3A_1093 : i32
      %add3A_1095 = arith.constant 48 : i32
      %add3A_1096 = arith.addi %mul3A_1027, %add3A_1095 : i32
      %get3A_1097 = arith.index_cast %add3A_1094 : i32 to index
      %get3A_1098 = arith.index_cast %add3A_1096 : i32 to index
      %get3A_1099 = tpu.vector_load %arg9[%get3A_1097, %get3A_1098] {strides = array<i32>} : memref<256x128xf32, #tpu.memory_space<vmem>>, vector<1x16xf32>,
      %get3A_1100 = vector.shape_cast %get3A_1099 : vector<1x16xf32> to vector<16xf32>
      %sub3A_1101 = arith.subf %get3A_1092, %get3A_1100 : vector<16xf32>
      %mul3A_1102 = arith.mulf %sub3A_1101, %sub3A_1101 : vector<16xf32>
      %add3A_1103 = arith.addf %add3A_1084, %mul3A_1102 : vector<16xf32>
      %slice3A_1104 = vector.extract_strided_slice %get3A_531 {offsets = [7], sizes = [1], strides = [1]} : vector<16xi32> to vector<1xi32>
      %squeeze3A_1105 = vector.extract %slice3A_1104[0] : i32 from vector<1xi32>
      %and3A_1106 = arith.constant 1 : i32
      %and3A_1107 = arith.andi %squeeze3A_1105, %and3A_1106 : i32
      %mul3A_1108 = arith.constant 64 : i32
      %mul3A_1109 = arith.muli %and3A_1107, %mul3A_1108 : i32
      %mul3A_1110 = arith.constant 8 : i32
      %mul3A_1111 = arith.muli %scan3A_523, %mul3A_1110 : i32
      %add3A_1112 = arith.constant 3 : i32
      %add3A_1113 = arith.addi %mul3A_1111, %add3A_1112 : i32
      %get3A_1114 = arith.index_cast %add3A_1113 : i32 to index
      %get3A_1115 = arith.constant 64 : index
      %get3A_1116 = tpu.vector_load %arg8[%get3A_1114, %get3A_1115] {strides = array<i32>} : memref<128x128xf32, #tpu.memory_space<vmem>>, vector<1x16xf32>,
      %get3A_1117 = vector.shape_cast %get3A_1116 : vector<1x16xf32> to vector<16xf32>
      %add3A_1118 = arith.constant 7 : i32
      %add3A_1119 = arith.addi %mul3A_526, %add3A_1118 : i32
      %add3A_1120 = arith.constant 0 : i32
      %add3A_1121 = arith.addi %mul3A_1109, %add3A_1120 : i32
      %get3A_1122 = arith.index_cast %add3A_1119 : i32 to index
      %get3A_1123 = arith.index_cast %add3A_1121 : i32 to index
      %get3A_1124 = tpu.vector_load %arg9[%get3A_1122, %get3A_1123] {strides = array<i32>} : memref<256x128xf32, #tpu.memory_space<vmem>>, vector<1x16xf32>,
      %get3A_1125 = vector.shape_cast %get3A_1124 : vector<1x16xf32> to vector<16xf32>
      %sub3A_1126 = arith.subf %get3A_1117, %get3A_1125 : vector<16xf32>
      %mul3A_1127 = arith.mulf %sub3A_1126, %sub3A_1126 : vector<16xf32>
      %add3A_1128 = arith.addf %add3A_1103, %mul3A_1127 : vector<16xf32>
      %mul3A_1129 = arith.constant 8 : i32
      %mul3A_1130 = arith.muli %scan3A_523, %mul3A_1129 : i32
      %add3A_1131 = arith.constant 3 : i32
      %add3A_1132 = arith.addi %mul3A_1130, %add3A_1131 : i32
      %get3A_1133 = arith.index_cast %add3A_1132 : i32 to index
      %get3A_1134 = arith.constant 80 : index
      %get3A_1135 = tpu.vector_load %arg8[%get3A_1133, %get3A_1134] {strides = array<i32>} : memref<128x128xf32, #tpu.memory_space<vmem>>, vector<1x16xf32>,
      %get3A_1136 = vector.shape_cast %get3A_1135 : vector<1x16xf32> to vector<16xf32>
      %add3A_1137 = arith.constant 7 : i32
      %add3A_1138 = arith.addi %mul3A_526, %add3A_1137 : i32
      %add3A_1139 = arith.constant 16 : i32
      %add3A_1140 = arith.addi %mul3A_1109, %add3A_1139 : i32
      %get3A_1141 = arith.index_cast %add3A_1138 : i32 to index
      %get3A_1142 = arith.index_cast %add3A_1140 : i32 to index
      %get3A_1143 = tpu.vector_load %arg9[%get3A_1141, %get3A_1142] {strides = array<i32>} : memref<256x128xf32, #tpu.memory_space<vmem>>, vector<1x16xf32>,
      %get3A_1144 = vector.shape_cast %get3A_1143 : vector<1x16xf32> to vector<16xf32>
      %sub3A_1145 = arith.subf %get3A_1136, %get3A_1144 : vector<16xf32>
      %mul3A_1146 = arith.mulf %sub3A_1145, %sub3A_1145 : vector<16xf32>
      %add3A_1147 = arith.addf %add3A_1128, %mul3A_1146 : vector<16xf32>
      %mul3A_1148 = arith.constant 8 : i32
      %mul3A_1149 = arith.muli %scan3A_523, %mul3A_1148 : i32
      %add3A_1150 = arith.constant 3 : i32
      %add3A_1151 = arith.addi %mul3A_1149, %add3A_1150 : i32
      %get3A_1152 = arith.index_cast %add3A_1151 : i32 to index
      %get3A_1153 = arith.constant 96 : index
      %get3A_1154 = tpu.vector_load %arg8[%get3A_1152, %get3A_1153] {strides = array<i32>} : memref<128x128xf32, #tpu.memory_space<vmem>>, vector<1x16xf32>,
      %get3A_1155 = vector.shape_cast %get3A_1154 : vector<1x16xf32> to vector<16xf32>
      %add3A_1156 = arith.constant 7 : i32
      %add3A_1157 = arith.addi %mul3A_526, %add3A_1156 : i32
      %add3A_1158 = arith.constant 32 : i32
      %add3A_1159 = arith.addi %mul3A_1109, %add3A_1158 : i32
      %get3A_1160 = arith.index_cast %add3A_1157 : i32 to index
      %get3A_1161 = arith.index_cast %add3A_1159 : i32 to index
      %get3A_1162 = tpu.vector_load %arg9[%get3A_1160, %get3A_1161] {strides = array<i32>} : memref<256x128xf32, #tpu.memory_space<vmem>>, vector<1x16xf32>,
      %get3A_1163 = vector.shape_cast %get3A_1162 : vector<1x16xf32> to vector<16xf32>
      %sub3A_1164 = arith.subf %get3A_1155, %get3A_1163 : vector<16xf32>
      %mul3A_1165 = arith.mulf %sub3A_1164, %sub3A_1164 : vector<16xf32>
      %add3A_1166 = arith.addf %add3A_1147, %mul3A_1165 : vector<16xf32>
      %mul3A_1167 = arith.constant 8 : i32
      %mul3A_1168 = arith.muli %scan3A_523, %mul3A_1167 : i32
      %add3A_1169 = arith.constant 3 : i32
      %add3A_1170 = arith.addi %mul3A_1168, %add3A_1169 : i32
      %get3A_1171 = arith.index_cast %add3A_1170 : i32 to index
      %get3A_1172 = arith.constant 112 : index
      %get3A_1173 = tpu.vector_load %arg8[%get3A_1171, %get3A_1172] {strides = array<i32>} : memref<128x128xf32, #tpu.memory_space<vmem>>, vector<1x16xf32>,
      %get3A_1174 = vector.shape_cast %get3A_1173 : vector<1x16xf32> to vector<16xf32>
      %add3A_1175 = arith.constant 7 : i32
      %add3A_1176 = arith.addi %mul3A_526, %add3A_1175 : i32
      %add3A_1177 = arith.constant 48 : i32
      %add3A_1178 = arith.addi %mul3A_1109, %add3A_1177 : i32
      %get3A_1179 = arith.index_cast %add3A_1176 : i32 to index
      %get3A_1180 = arith.index_cast %add3A_1178 : i32 to index
      %get3A_1181 = tpu.vector_load %arg9[%get3A_1179, %get3A_1180] {strides = array<i32>} : memref<256x128xf32, #tpu.memory_space<vmem>>, vector<1x16xf32>,
      %get3A_1182 = vector.shape_cast %get3A_1181 : vector<1x16xf32> to vector<16xf32>
      %sub3A_1183 = arith.subf %get3A_1174, %get3A_1182 : vector<16xf32>
      %mul3A_1184 = arith.mulf %sub3A_1183, %sub3A_1183 : vector<16xf32>
      %add3A_1185 = arith.addf %add3A_1166, %mul3A_1184 : vector<16xf32>
      %slice3A_1186 = vector.extract_strided_slice %get3A_531 {offsets = [8], sizes = [1], strides = [1]} : vector<16xi32> to vector<1xi32>
      %squeeze3A_1187 = vector.extract %slice3A_1186[0] : i32 from vector<1xi32>
      %and3A_1188 = arith.constant 1 : i32
      %and3A_1189 = arith.andi %squeeze3A_1187, %and3A_1188 : i32
      %mul3A_1190 = arith.constant 64 : i32
      %mul3A_1191 = arith.muli %and3A_1189, %mul3A_1190 : i32
      %mul3A_1192 = arith.constant 8 : i32
      %mul3A_1193 = arith.muli %scan3A_523, %mul3A_1192 : i32
      %add3A_1194 = arith.constant 4 : i32
      %add3A_1195 = arith.addi %mul3A_1193, %add3A_1194 : i32
      %get3A_1196 = arith.index_cast %add3A_1195 : i32 to index
      %get3A_1197 = arith.constant 0 : index
      %get3A_1198 = tpu.vector_load %arg8[%get3A_1196, %get3A_1197] {strides = array<i32>} : memref<128x128xf32, #tpu.memory_space<vmem>>, vector<1x16xf32>,
      %get3A_1199 = vector.shape_cast %get3A_1198 : vector<1x16xf32> to vector<16xf32>
      %add3A_1200 = arith.constant 8 : i32
      %add3A_1201 = arith.addi %mul3A_526, %add3A_1200 : i32
      %add3A_1202 = arith.constant 0 : i32
      %add3A_1203 = arith.addi %mul3A_1191, %add3A_1202 : i32
      %get3A_1204 = arith.index_cast %add3A_1201 : i32 to index
      %get3A_1205 = arith.index_cast %add3A_1203 : i32 to index
      %get3A_1206 = tpu.vector_load %arg9[%get3A_1204, %get3A_1205] {strides = array<i32>} : memref<256x128xf32, #tpu.memory_space<vmem>>, vector<1x16xf32>,
      %get3A_1207 = vector.shape_cast %get3A_1206 : vector<1x16xf32> to vector<16xf32>
      %sub3A_1208 = arith.subf %get3A_1199, %get3A_1207 : vector<16xf32>
      %mul3A_1209 = arith.mulf %sub3A_1208, %sub3A_1208 : vector<16xf32>
      %add3A_1210 = arith.addf %add3A_1185, %mul3A_1209 : vector<16xf32>
      %mul3A_1211 = arith.constant 8 : i32
      %mul3A_1212 = arith.muli %scan3A_523, %mul3A_1211 : i32
      %add3A_1213 = arith.constant 4 : i32
      %add3A_1214 = arith.addi %mul3A_1212, %add3A_1213 : i32
      %get3A_1215 = arith.index_cast %add3A_1214 : i32 to index
      %get3A_1216 = arith.constant 16 : index
      %get3A_1217 = tpu.vector_load %arg8[%get3A_1215, %get3A_1216] {strides = array<i32>} : memref<128x128xf32, #tpu.memory_space<vmem>>, vector<1x16xf32>,
      %get3A_1218 = vector.shape_cast %get3A_1217 : vector<1x16xf32> to vector<16xf32>
      %add3A_1219 = arith.constant 8 : i32
      %add3A_1220 = arith.addi %mul3A_526, %add3A_1219 : i32
      %add3A_1221 = arith.constant 16 : i32
      %add3A_1222 = arith.addi %mul3A_1191, %add3A_1221 : i32
      %get3A_1223 = arith.index_cast %add3A_1220 : i32 to index
      %get3A_1224 = arith.index_cast %add3A_1222 : i32 to index
      %get3A_1225 = tpu.vector_load %arg9[%get3A_1223, %get3A_1224] {strides = array<i32>} : memref<256x128xf32, #tpu.memory_space<vmem>>, vector<1x16xf32>,
      %get3A_1226 = vector.shape_cast %get3A_1225 : vector<1x16xf32> to vector<16xf32>
      %sub3A_1227 = arith.subf %get3A_1218, %get3A_1226 : vector<16xf32>
      %mul3A_1228 = arith.mulf %sub3A_1227, %sub3A_1227 : vector<16xf32>
      %add3A_1229 = arith.addf %add3A_1210, %mul3A_1228 : vector<16xf32>
      %mul3A_1230 = arith.constant 8 : i32
      %mul3A_1231 = arith.muli %scan3A_523, %mul3A_1230 : i32
      %add3A_1232 = arith.constant 4 : i32
      %add3A_1233 = arith.addi %mul3A_1231, %add3A_1232 : i32
      %get3A_1234 = arith.index_cast %add3A_1233 : i32 to index
      %get3A_1235 = arith.constant 32 : index
      %get3A_1236 = tpu.vector_load %arg8[%get3A_1234, %get3A_1235] {strides = array<i32>} : memref<128x128xf32, #tpu.memory_space<vmem>>, vector<1x16xf32>,
      %get3A_1237 = vector.shape_cast %get3A_1236 : vector<1x16xf32> to vector<16xf32>
      %add3A_1238 = arith.constant 8 : i32
      %add3A_1239 = arith.addi %mul3A_526, %add3A_1238 : i32
      %add3A_1240 = arith.constant 32 : i32
      %add3A_1241 = arith.addi %mul3A_1191, %add3A_1240 : i32
      %get3A_1242 = arith.index_cast %add3A_1239 : i32 to index
      %get3A_1243 = arith.index_cast %add3A_1241 : i32 to index
      %get3A_1244 = tpu.vector_load %arg9[%get3A_1242, %get3A_1243] {strides = array<i32>} : memref<256x128xf32, #tpu.memory_space<vmem>>, vector<1x16xf32>,
      %get3A_1245 = vector.shape_cast %get3A_1244 : vector<1x16xf32> to vector<16xf32>
      %sub3A_1246 = arith.subf %get3A_1237, %get3A_1245 : vector<16xf32>
      %mul3A_1247 = arith.mulf %sub3A_1246, %sub3A_1246 : vector<16xf32>
      %add3A_1248 = arith.addf %add3A_1229, %mul3A_1247 : vector<16xf32>
      %mul3A_1249 = arith.constant 8 : i32
      %mul3A_1250 = arith.muli %scan3A_523, %mul3A_1249 : i32
      %add3A_1251 = arith.constant 4 : i32
      %add3A_1252 = arith.addi %mul3A_1250, %add3A_1251 : i32
      %get3A_1253 = arith.index_cast %add3A_1252 : i32 to index
      %get3A_1254 = arith.constant 48 : index
      %get3A_1255 = tpu.vector_load %arg8[%get3A_1253, %get3A_1254] {strides = array<i32>} : memref<128x128xf32, #tpu.memory_space<vmem>>, vector<1x16xf32>,
      %get3A_1256 = vector.shape_cast %get3A_1255 : vector<1x16xf32> to vector<16xf32>
      %add3A_1257 = arith.constant 8 : i32
      %add3A_1258 = arith.addi %mul3A_526, %add3A_1257 : i32
      %add3A_1259 = arith.constant 48 : i32
      %add3A_1260 = arith.addi %mul3A_1191, %add3A_1259 : i32
      %get3A_1261 = arith.index_cast %add3A_1258 : i32 to index
      %get3A_1262 = arith.index_cast %add3A_1260 : i32 to index
      %get3A_1263 = tpu.vector_load %arg9[%get3A_1261, %get3A_1262] {strides = array<i32>} : memref<256x128xf32, #tpu.memory_space<vmem>>, vector<1x16xf32>,
      %get3A_1264 = vector.shape_cast %get3A_1263 : vector<1x16xf32> to vector<16xf32>
      %sub3A_1265 = arith.subf %get3A_1256, %get3A_1264 : vector<16xf32>
      %mul3A_1266 = arith.mulf %sub3A_1265, %sub3A_1265 : vector<16xf32>
      %add3A_1267 = arith.addf %add3A_1248, %mul3A_1266 : vector<16xf32>
      %slice3A_1268 = vector.extract_strided_slice %get3A_531 {offsets = [9], sizes = [1], strides = [1]} : vector<16xi32> to vector<1xi32>
      %squeeze3A_1269 = vector.extract %slice3A_1268[0] : i32 from vector<1xi32>
      %and3A_1270 = arith.constant 1 : i32
      %and3A_1271 = arith.andi %squeeze3A_1269, %and3A_1270 : i32
      %mul3A_1272 = arith.constant 64 : i32
      %mul3A_1273 = arith.muli %and3A_1271, %mul3A_1272 : i32
      %mul3A_1274 = arith.constant 8 : i32
      %mul3A_1275 = arith.muli %scan3A_523, %mul3A_1274 : i32
      %add3A_1276 = arith.constant 4 : i32
      %add3A_1277 = arith.addi %mul3A_1275, %add3A_1276 : i32
      %get3A_1278 = arith.index_cast %add3A_1277 : i32 to index
      %get3A_1279 = arith.constant 64 : index
      %get3A_1280 = tpu.vector_load %arg8[%get3A_1278, %get3A_1279] {strides = array<i32>} : memref<128x128xf32, #tpu.memory_space<vmem>>, vector<1x16xf32>,
      %get3A_1281 = vector.shape_cast %get3A_1280 : vector<1x16xf32> to vector<16xf32>
      %add3A_1282 = arith.constant 9 : i32
      %add3A_1283 = arith.addi %mul3A_526, %add3A_1282 : i32
      %add3A_1284 = arith.constant 0 : i32
      %add3A_1285 = arith.addi %mul3A_1273, %add3A_1284 : i32
      %get3A_1286 = arith.index_cast %add3A_1283 : i32 to index
      %get3A_1287 = arith.index_cast %add3A_1285 : i32 to index
      %get3A_1288 = tpu.vector_load %arg9[%get3A_1286, %get3A_1287] {strides = array<i32>} : memref<256x128xf32, #tpu.memory_space<vmem>>, vector<1x16xf32>,
      %get3A_1289 = vector.shape_cast %get3A_1288 : vector<1x16xf32> to vector<16xf32>
      %sub3A_1290 = arith.subf %get3A_1281, %get3A_1289 : vector<16xf32>
      %mul3A_1291 = arith.mulf %sub3A_1290, %sub3A_1290 : vector<16xf32>
      %add3A_1292 = arith.addf %add3A_1267, %mul3A_1291 : vector<16xf32>
      %mul3A_1293 = arith.constant 8 : i32
      %mul3A_1294 = arith.muli %scan3A_523, %mul3A_1293 : i32
      %add3A_1295 = arith.constant 4 : i32
      %add3A_1296 = arith.addi %mul3A_1294, %add3A_1295 : i32
      %get3A_1297 = arith.index_cast %add3A_1296 : i32 to index
      %get3A_1298 = arith.constant 80 : index
      %get3A_1299 = tpu.vector_load %arg8[%get3A_1297, %get3A_1298] {strides = array<i32>} : memref<128x128xf32, #tpu.memory_space<vmem>>, vector<1x16xf32>,
      %get3A_1300 = vector.shape_cast %get3A_1299 : vector<1x16xf32> to vector<16xf32>
      %add3A_1301 = arith.constant 9 : i32
      %add3A_1302 = arith.addi %mul3A_526, %add3A_1301 : i32
      %add3A_1303 = arith.constant 16 : i32
      %add3A_1304 = arith.addi %mul3A_1273, %add3A_1303 : i32
      %get3A_1305 = arith.index_cast %add3A_1302 : i32 to index
      %get3A_1306 = arith.index_cast %add3A_1304 : i32 to index
      %get3A_1307 = tpu.vector_load %arg9[%get3A_1305, %get3A_1306] {strides = array<i32>} : memref<256x128xf32, #tpu.memory_space<vmem>>, vector<1x16xf32>,
      %get3A_1308 = vector.shape_cast %get3A_1307 : vector<1x16xf32> to vector<16xf32>
      %sub3A_1309 = arith.subf %get3A_1300, %get3A_1308 : vector<16xf32>
      %mul3A_1310 = arith.mulf %sub3A_1309, %sub3A_1309 : vector<16xf32>
      %add3A_1311 = arith.addf %add3A_1292, %mul3A_1310 : vector<16xf32>
      %mul3A_1312 = arith.constant 8 : i32
      %mul3A_1313 = arith.muli %scan3A_523, %mul3A_1312 : i32
      %add3A_1314 = arith.constant 4 : i32
      %add3A_1315 = arith.addi %mul3A_1313, %add3A_1314 : i32
      %get3A_1316 = arith.index_cast %add3A_1315 : i32 to index
      %get3A_1317 = arith.constant 96 : index
      %get3A_1318 = tpu.vector_load %arg8[%get3A_1316, %get3A_1317] {strides = array<i32>} : memref<128x128xf32, #tpu.memory_space<vmem>>, vector<1x16xf32>,
      %get3A_1319 = vector.shape_cast %get3A_1318 : vector<1x16xf32> to vector<16xf32>
      %add3A_1320 = arith.constant 9 : i32
      %add3A_1321 = arith.addi %mul3A_526, %add3A_1320 : i32
      %add3A_1322 = arith.constant 32 : i32
      %add3A_1323 = arith.addi %mul3A_1273, %add3A_1322 : i32
      %get3A_1324 = arith.index_cast %add3A_1321 : i32 to index
      %get3A_1325 = arith.index_cast %add3A_1323 : i32 to index
      %get3A_1326 = tpu.vector_load %arg9[%get3A_1324, %get3A_1325] {strides = array<i32>} : memref<256x128xf32, #tpu.memory_space<vmem>>, vector<1x16xf32>,
      %get3A_1327 = vector.shape_cast %get3A_1326 : vector<1x16xf32> to vector<16xf32>
      %sub3A_1328 = arith.subf %get3A_1319, %get3A_1327 : vector<16xf32>
      %mul3A_1329 = arith.mulf %sub3A_1328, %sub3A_1328 : vector<16xf32>
      %add3A_1330 = arith.addf %add3A_1311, %mul3A_1329 : vector<16xf32>
      %mul3A_1331 = arith.constant 8 : i32
      %mul3A_1332 = arith.muli %scan3A_523, %mul3A_1331 : i32
      %add3A_1333 = arith.constant 4 : i32
      %add3A_1334 = arith.addi %mul3A_1332, %add3A_1333 : i32
      %get3A_1335 = arith.index_cast %add3A_1334 : i32 to index
      %get3A_1336 = arith.constant 112 : index
      %get3A_1337 = tpu.vector_load %arg8[%get3A_1335, %get3A_1336] {strides = array<i32>} : memref<128x128xf32, #tpu.memory_space<vmem>>, vector<1x16xf32>,
      %get3A_1338 = vector.shape_cast %get3A_1337 : vector<1x16xf32> to vector<16xf32>
      %add3A_1339 = arith.constant 9 : i32
      %add3A_1340 = arith.addi %mul3A_526, %add3A_1339 : i32
      %add3A_1341 = arith.constant 48 : i32
      %add3A_1342 = arith.addi %mul3A_1273, %add3A_1341 : i32
      %get3A_1343 = arith.index_cast %add3A_1340 : i32 to index
      %get3A_1344 = arith.index_cast %add3A_1342 : i32 to index
      %get3A_1345 = tpu.vector_load %arg9[%get3A_1343, %get3A_1344] {strides = array<i32>} : memref<256x128xf32, #tpu.memory_space<vmem>>, vector<1x16xf32>,
      %get3A_1346 = vector.shape_cast %get3A_1345 : vector<1x16xf32> to vector<16xf32>
      %sub3A_1347 = arith.subf %get3A_1338, %get3A_1346 : vector<16xf32>
      %mul3A_1348 = arith.mulf %sub3A_1347, %sub3A_1347 : vector<16xf32>
      %add3A_1349 = arith.addf %add3A_1330, %mul3A_1348 : vector<16xf32>
      %slice3A_1350 = vector.extract_strided_slice %get3A_531 {offsets = [10], sizes = [1], strides = [1]} : vector<16xi32> to vector<1xi32>
      %squeeze3A_1351 = vector.extract %slice3A_1350[0] : i32 from vector<1xi32>
      %and3A_1352 = arith.constant 1 : i32
      %and3A_1353 = arith.andi %squeeze3A_1351, %and3A_1352 : i32
      %mul3A_1354 = arith.constant 64 : i32
      %mul3A_1355 = arith.muli %and3A_1353, %mul3A_1354 : i32
      %mul3A_1356 = arith.constant 8 : i32
      %mul3A_1357 = arith.muli %scan3A_523, %mul3A_1356 : i32
      %add3A_1358 = arith.constant 5 : i32
      %add3A_1359 = arith.addi %mul3A_1357, %add3A_1358 : i32
      %get3A_1360 = arith.index_cast %add3A_1359 : i32 to index
      %get3A_1361 = arith.constant 0 : index
      %get3A_1362 = tpu.vector_load %arg8[%get3A_1360, %get3A_1361] {strides = array<i32>} : memref<128x128xf32, #tpu.memory_space<vmem>>, vector<1x16xf32>,
      %get3A_1363 = vector.shape_cast %get3A_1362 : vector<1x16xf32> to vector<16xf32>
      %add3A_1364 = arith.constant 10 : i32
      %add3A_1365 = arith.addi %mul3A_526, %add3A_1364 : i32
      %add3A_1366 = arith.constant 0 : i32
      %add3A_1367 = arith.addi %mul3A_1355, %add3A_1366 : i32
      %get3A_1368 = arith.index_cast %add3A_1365 : i32 to index
      %get3A_1369 = arith.index_cast %add3A_1367 : i32 to index
      %get3A_1370 = tpu.vector_load %arg9[%get3A_1368, %get3A_1369] {strides = array<i32>} : memref<256x128xf32, #tpu.memory_space<vmem>>, vector<1x16xf32>,
      %get3A_1371 = vector.shape_cast %get3A_1370 : vector<1x16xf32> to vector<16xf32>
      %sub3A_1372 = arith.subf %get3A_1363, %get3A_1371 : vector<16xf32>
      %mul3A_1373 = arith.mulf %sub3A_1372, %sub3A_1372 : vector<16xf32>
      %add3A_1374 = arith.addf %add3A_1349, %mul3A_1373 : vector<16xf32>
      %mul3A_1375 = arith.constant 8 : i32
      %mul3A_1376 = arith.muli %scan3A_523, %mul3A_1375 : i32
      %add3A_1377 = arith.constant 5 : i32
      %add3A_1378 = arith.addi %mul3A_1376, %add3A_1377 : i32
      %get3A_1379 = arith.index_cast %add3A_1378 : i32 to index
      %get3A_1380 = arith.constant 16 : index
      %get3A_1381 = tpu.vector_load %arg8[%get3A_1379, %get3A_1380] {strides = array<i32>} : memref<128x128xf32, #tpu.memory_space<vmem>>, vector<1x16xf32>,
      %get3A_1382 = vector.shape_cast %get3A_1381 : vector<1x16xf32> to vector<16xf32>
      %add3A_1383 = arith.constant 10 : i32
      %add3A_1384 = arith.addi %mul3A_526, %add3A_1383 : i32
      %add3A_1385 = arith.constant 16 : i32
      %add3A_1386 = arith.addi %mul3A_1355, %add3A_1385 : i32
      %get3A_1387 = arith.index_cast %add3A_1384 : i32 to index
      %get3A_1388 = arith.index_cast %add3A_1386 : i32 to index
      %get3A_1389 = tpu.vector_load %arg9[%get3A_1387, %get3A_1388] {strides = array<i32>} : memref<256x128xf32, #tpu.memory_space<vmem>>, vector<1x16xf32>,
      %get3A_1390 = vector.shape_cast %get3A_1389 : vector<1x16xf32> to vector<16xf32>
      %sub3A_1391 = arith.subf %get3A_1382, %get3A_1390 : vector<16xf32>
      %mul3A_1392 = arith.mulf %sub3A_1391, %sub3A_1391 : vector<16xf32>
      %add3A_1393 = arith.addf %add3A_1374, %mul3A_1392 : vector<16xf32>
      %mul3A_1394 = arith.constant 8 : i32
      %mul3A_1395 = arith.muli %scan3A_523, %mul3A_1394 : i32
      %add3A_1396 = arith.constant 5 : i32
      %add3A_1397 = arith.addi %mul3A_1395, %add3A_1396 : i32
      %get3A_1398 = arith.index_cast %add3A_1397 : i32 to index
      %get3A_1399 = arith.constant 32 : index
      %get3A_1400 = tpu.vector_load %arg8[%get3A_1398, %get3A_1399] {strides = array<i32>} : memref<128x128xf32, #tpu.memory_space<vmem>>, vector<1x16xf32>,
      %get3A_1401 = vector.shape_cast %get3A_1400 : vector<1x16xf32> to vector<16xf32>
      %add3A_1402 = arith.constant 10 : i32
      %add3A_1403 = arith.addi %mul3A_526, %add3A_1402 : i32
      %add3A_1404 = arith.constant 32 : i32
      %add3A_1405 = arith.addi %mul3A_1355, %add3A_1404 : i32
      %get3A_1406 = arith.index_cast %add3A_1403 : i32 to index
      %get3A_1407 = arith.index_cast %add3A_1405 : i32 to index
      %get3A_1408 = tpu.vector_load %arg9[%get3A_1406, %get3A_1407] {strides = array<i32>} : memref<256x128xf32, #tpu.memory_space<vmem>>, vector<1x16xf32>,
      %get3A_1409 = vector.shape_cast %get3A_1408 : vector<1x16xf32> to vector<16xf32>
      %sub3A_1410 = arith.subf %get3A_1401, %get3A_1409 : vector<16xf32>
      %mul3A_1411 = arith.mulf %sub3A_1410, %sub3A_1410 : vector<16xf32>
      %add3A_1412 = arith.addf %add3A_1393, %mul3A_1411 : vector<16xf32>
      %mul3A_1413 = arith.constant 8 : i32
      %mul3A_1414 = arith.muli %scan3A_523, %mul3A_1413 : i32
      %add3A_1415 = arith.constant 5 : i32
      %add3A_1416 = arith.addi %mul3A_1414, %add3A_1415 : i32
      %get3A_1417 = arith.index_cast %add3A_1416 : i32 to index
      %get3A_1418 = arith.constant 48 : index
      %get3A_1419 = tpu.vector_load %arg8[%get3A_1417, %get3A_1418] {strides = array<i32>} : memref<128x128xf32, #tpu.memory_space<vmem>>, vector<1x16xf32>,
      %get3A_1420 = vector.shape_cast %get3A_1419 : vector<1x16xf32> to vector<16xf32>
      %add3A_1421 = arith.constant 10 : i32
      %add3A_1422 = arith.addi %mul3A_526, %add3A_1421 : i32
      %add3A_1423 = arith.constant 48 : i32
      %add3A_1424 = arith.addi %mul3A_1355, %add3A_1423 : i32
      %get3A_1425 = arith.index_cast %add3A_1422 : i32 to index
      %get3A_1426 = arith.index_cast %add3A_1424 : i32 to index
      %get3A_1427 = tpu.vector_load %arg9[%get3A_1425, %get3A_1426] {strides = array<i32>} : memref<256x128xf32, #tpu.memory_space<vmem>>, vector<1x16xf32>,
      %get3A_1428 = vector.shape_cast %get3A_1427 : vector<1x16xf32> to vector<16xf32>
      %sub3A_1429 = arith.subf %get3A_1420, %get3A_1428 : vector<16xf32>
      %mul3A_1430 = arith.mulf %sub3A_1429, %sub3A_1429 : vector<16xf32>
      %add3A_1431 = arith.addf %add3A_1412, %mul3A_1430 : vector<16xf32>
      %slice3A_1432 = vector.extract_strided_slice %get3A_531 {offsets = [11], sizes = [1], strides = [1]} : vector<16xi32> to vector<1xi32>
      %squeeze3A_1433 = vector.extract %slice3A_1432[0] : i32 from vector<1xi32>
      %and3A_1434 = arith.constant 1 : i32
      %and3A_1435 = arith.andi %squeeze3A_1433, %and3A_1434 : i32
      %mul3A_1436 = arith.constant 64 : i32
      %mul3A_1437 = arith.muli %and3A_1435, %mul3A_1436 : i32
      %mul3A_1438 = arith.constant 8 : i32
      %mul3A_1439 = arith.muli %scan3A_523, %mul3A_1438 : i32
      %add3A_1440 = arith.constant 5 : i32
      %add3A_1441 = arith.addi %mul3A_1439, %add3A_1440 : i32
      %get3A_1442 = arith.index_cast %add3A_1441 : i32 to index
      %get3A_1443 = arith.constant 64 : index
      %get3A_1444 = tpu.vector_load %arg8[%get3A_1442, %get3A_1443] {strides = array<i32>} : memref<128x128xf32, #tpu.memory_space<vmem>>, vector<1x16xf32>,
      %get3A_1445 = vector.shape_cast %get3A_1444 : vector<1x16xf32> to vector<16xf32>
      %add3A_1446 = arith.constant 11 : i32
      %add3A_1447 = arith.addi %mul3A_526, %add3A_1446 : i32
      %add3A_1448 = arith.constant 0 : i32
      %add3A_1449 = arith.addi %mul3A_1437, %add3A_1448 : i32
      %get3A_1450 = arith.index_cast %add3A_1447 : i32 to index
      %get3A_1451 = arith.index_cast %add3A_1449 : i32 to index
      %get3A_1452 = tpu.vector_load %arg9[%get3A_1450, %get3A_1451] {strides = array<i32>} : memref<256x128xf32, #tpu.memory_space<vmem>>, vector<1x16xf32>,
      %get3A_1453 = vector.shape_cast %get3A_1452 : vector<1x16xf32> to vector<16xf32>
      %sub3A_1454 = arith.subf %get3A_1445, %get3A_1453 : vector<16xf32>
      %mul3A_1455 = arith.mulf %sub3A_1454, %sub3A_1454 : vector<16xf32>
      %add3A_1456 = arith.addf %add3A_1431, %mul3A_1455 : vector<16xf32>
      %mul3A_1457 = arith.constant 8 : i32
      %mul3A_1458 = arith.muli %scan3A_523, %mul3A_1457 : i32
      %add3A_1459 = arith.constant 5 : i32
      %add3A_1460 = arith.addi %mul3A_1458, %add3A_1459 : i32
      %get3A_1461 = arith.index_cast %add3A_1460 : i32 to index
      %get3A_1462 = arith.constant 80 : index
      %get3A_1463 = tpu.vector_load %arg8[%get3A_1461, %get3A_1462] {strides = array<i32>} : memref<128x128xf32, #tpu.memory_space<vmem>>, vector<1x16xf32>,
      %get3A_1464 = vector.shape_cast %get3A_1463 : vector<1x16xf32> to vector<16xf32>
      %add3A_1465 = arith.constant 11 : i32
      %add3A_1466 = arith.addi %mul3A_526, %add3A_1465 : i32
      %add3A_1467 = arith.constant 16 : i32
      %add3A_1468 = arith.addi %mul3A_1437, %add3A_1467 : i32
      %get3A_1469 = arith.index_cast %add3A_1466 : i32 to index
      %get3A_1470 = arith.index_cast %add3A_1468 : i32 to index
      %get3A_1471 = tpu.vector_load %arg9[%get3A_1469, %get3A_1470] {strides = array<i32>} : memref<256x128xf32, #tpu.memory_space<vmem>>, vector<1x16xf32>,
      %get3A_1472 = vector.shape_cast %get3A_1471 : vector<1x16xf32> to vector<16xf32>
      %sub3A_1473 = arith.subf %get3A_1464, %get3A_1472 : vector<16xf32>
      %mul3A_1474 = arith.mulf %sub3A_1473, %sub3A_1473 : vector<16xf32>
      %add3A_1475 = arith.addf %add3A_1456, %mul3A_1474 : vector<16xf32>
      %mul3A_1476 = arith.constant 8 : i32
      %mul3A_1477 = arith.muli %scan3A_523, %mul3A_1476 : i32
      %add3A_1478 = arith.constant 5 : i32
      %add3A_1479 = arith.addi %mul3A_1477, %add3A_1478 : i32
      %get3A_1480 = arith.index_cast %add3A_1479 : i32 to index
      %get3A_1481 = arith.constant 96 : index
      %get3A_1482 = tpu.vector_load %arg8[%get3A_1480, %get3A_1481] {strides = array<i32>} : memref<128x128xf32, #tpu.memory_space<vmem>>, vector<1x16xf32>,
      %get3A_1483 = vector.shape_cast %get3A_1482 : vector<1x16xf32> to vector<16xf32>
      %add3A_1484 = arith.constant 11 : i32
      %add3A_1485 = arith.addi %mul3A_526, %add3A_1484 : i32
      %add3A_1486 = arith.constant 32 : i32
      %add3A_1487 = arith.addi %mul3A_1437, %add3A_1486 : i32
      %get3A_1488 = arith.index_cast %add3A_1485 : i32 to index
      %get3A_1489 = arith.index_cast %add3A_1487 : i32 to index
      %get3A_1490 = tpu.vector_load %arg9[%get3A_1488, %get3A_1489] {strides = array<i32>} : memref<256x128xf32, #tpu.memory_space<vmem>>, vector<1x16xf32>,
      %get3A_1491 = vector.shape_cast %get3A_1490 : vector<1x16xf32> to vector<16xf32>
      %sub3A_1492 = arith.subf %get3A_1483, %get3A_1491 : vector<16xf32>
      %mul3A_1493 = arith.mulf %sub3A_1492, %sub3A_1492 : vector<16xf32>
      %add3A_1494 = arith.addf %add3A_1475, %mul3A_1493 : vector<16xf32>
      %mul3A_1495 = arith.constant 8 : i32
      %mul3A_1496 = arith.muli %scan3A_523, %mul3A_1495 : i32
      %add3A_1497 = arith.constant 5 : i32
      %add3A_1498 = arith.addi %mul3A_1496, %add3A_1497 : i32
      %get3A_1499 = arith.index_cast %add3A_1498 : i32 to index
      %get3A_1500 = arith.constant 112 : index
      %get3A_1501 = tpu.vector_load %arg8[%get3A_1499, %get3A_1500] {strides = array<i32>} : memref<128x128xf32, #tpu.memory_space<vmem>>, vector<1x16xf32>,
      %get3A_1502 = vector.shape_cast %get3A_1501 : vector<1x16xf32> to vector<16xf32>
      %add3A_1503 = arith.constant 11 : i32
      %add3A_1504 = arith.addi %mul3A_526, %add3A_1503 : i32
      %add3A_1505 = arith.constant 48 : i32
      %add3A_1506 = arith.addi %mul3A_1437, %add3A_1505 : i32
      %get3A_1507 = arith.index_cast %add3A_1504 : i32 to index
      %get3A_1508 = arith.index_cast %add3A_1506 : i32 to index
      %get3A_1509 = tpu.vector_load %arg9[%get3A_1507, %get3A_1508] {strides = array<i32>} : memref<256x128xf32, #tpu.memory_space<vmem>>, vector<1x16xf32>,
      %get3A_1510 = vector.shape_cast %get3A_1509 : vector<1x16xf32> to vector<16xf32>
      %sub3A_1511 = arith.subf %get3A_1502, %get3A_1510 : vector<16xf32>
      %mul3A_1512 = arith.mulf %sub3A_1511, %sub3A_1511 : vector<16xf32>
      %add3A_1513 = arith.addf %add3A_1494, %mul3A_1512 : vector<16xf32>
      %slice3A_1514 = vector.extract_strided_slice %get3A_531 {offsets = [12], sizes = [1], strides = [1]} : vector<16xi32> to vector<1xi32>
      %squeeze3A_1515 = vector.extract %slice3A_1514[0] : i32 from vector<1xi32>
      %and3A_1516 = arith.constant 1 : i32
      %and3A_1517 = arith.andi %squeeze3A_1515, %and3A_1516 : i32
      %mul3A_1518 = arith.constant 64 : i32
      %mul3A_1519 = arith.muli %and3A_1517, %mul3A_1518 : i32
      %mul3A_1520 = arith.constant 8 : i32
      %mul3A_1521 = arith.muli %scan3A_523, %mul3A_1520 : i32
      %add3A_1522 = arith.constant 6 : i32
      %add3A_1523 = arith.addi %mul3A_1521, %add3A_1522 : i32
      %get3A_1524 = arith.index_cast %add3A_1523 : i32 to index
      %get3A_1525 = arith.constant 0 : index
      %get3A_1526 = tpu.vector_load %arg8[%get3A_1524, %get3A_1525] {strides = array<i32>} : memref<128x128xf32, #tpu.memory_space<vmem>>, vector<1x16xf32>,
      %get3A_1527 = vector.shape_cast %get3A_1526 : vector<1x16xf32> to vector<16xf32>
      %add3A_1528 = arith.constant 12 : i32
      %add3A_1529 = arith.addi %mul3A_526, %add3A_1528 : i32
      %add3A_1530 = arith.constant 0 : i32
      %add3A_1531 = arith.addi %mul3A_1519, %add3A_1530 : i32
      %get3A_1532 = arith.index_cast %add3A_1529 : i32 to index
      %get3A_1533 = arith.index_cast %add3A_1531 : i32 to index
      %get3A_1534 = tpu.vector_load %arg9[%get3A_1532, %get3A_1533] {strides = array<i32>} : memref<256x128xf32, #tpu.memory_space<vmem>>, vector<1x16xf32>,
      %get3A_1535 = vector.shape_cast %get3A_1534 : vector<1x16xf32> to vector<16xf32>
      %sub3A_1536 = arith.subf %get3A_1527, %get3A_1535 : vector<16xf32>
      %mul3A_1537 = arith.mulf %sub3A_1536, %sub3A_1536 : vector<16xf32>
      %add3A_1538 = arith.addf %add3A_1513, %mul3A_1537 : vector<16xf32>
      %mul3A_1539 = arith.constant 8 : i32
      %mul3A_1540 = arith.muli %scan3A_523, %mul3A_1539 : i32
      %add3A_1541 = arith.constant 6 : i32
      %add3A_1542 = arith.addi %mul3A_1540, %add3A_1541 : i32
      %get3A_1543 = arith.index_cast %add3A_1542 : i32 to index
      %get3A_1544 = arith.constant 16 : index
      %get3A_1545 = tpu.vector_load %arg8[%get3A_1543, %get3A_1544] {strides = array<i32>} : memref<128x128xf32, #tpu.memory_space<vmem>>, vector<1x16xf32>,
      %get3A_1546 = vector.shape_cast %get3A_1545 : vector<1x16xf32> to vector<16xf32>
      %add3A_1547 = arith.constant 12 : i32
      %add3A_1548 = arith.addi %mul3A_526, %add3A_1547 : i32
      %add3A_1549 = arith.constant 16 : i32
      %add3A_1550 = arith.addi %mul3A_1519, %add3A_1549 : i32
      %get3A_1551 = arith.index_cast %add3A_1548 : i32 to index
      %get3A_1552 = arith.index_cast %add3A_1550 : i32 to index
      %get3A_1553 = tpu.vector_load %arg9[%get3A_1551, %get3A_1552] {strides = array<i32>} : memref<256x128xf32, #tpu.memory_space<vmem>>, vector<1x16xf32>,
      %get3A_1554 = vector.shape_cast %get3A_1553 : vector<1x16xf32> to vector<16xf32>
      %sub3A_1555 = arith.subf %get3A_1546, %get3A_1554 : vector<16xf32>
      %mul3A_1556 = arith.mulf %sub3A_1555, %sub3A_1555 : vector<16xf32>
      %add3A_1557 = arith.addf %add3A_1538, %mul3A_1556 : vector<16xf32>
      %mul3A_1558 = arith.constant 8 : i32
      %mul3A_1559 = arith.muli %scan3A_523, %mul3A_1558 : i32
      %add3A_1560 = arith.constant 6 : i32
      %add3A_1561 = arith.addi %mul3A_1559, %add3A_1560 : i32
      %get3A_1562 = arith.index_cast %add3A_1561 : i32 to index
      %get3A_1563 = arith.constant 32 : index
      %get3A_1564 = tpu.vector_load %arg8[%get3A_1562, %get3A_1563] {strides = array<i32>} : memref<128x128xf32, #tpu.memory_space<vmem>>, vector<1x16xf32>,
      %get3A_1565 = vector.shape_cast %get3A_1564 : vector<1x16xf32> to vector<16xf32>
      %add3A_1566 = arith.constant 12 : i32
      %add3A_1567 = arith.addi %mul3A_526, %add3A_1566 : i32
      %add3A_1568 = arith.constant 32 : i32
      %add3A_1569 = arith.addi %mul3A_1519, %add3A_1568 : i32
      %get3A_1570 = arith.index_cast %add3A_1567 : i32 to index
      %get3A_1571 = arith.index_cast %add3A_1569 : i32 to index
      %get3A_1572 = tpu.vector_load %arg9[%get3A_1570, %get3A_1571] {strides = array<i32>} : memref<256x128xf32, #tpu.memory_space<vmem>>, vector<1x16xf32>,
      %get3A_1573 = vector.shape_cast %get3A_1572 : vector<1x16xf32> to vector<16xf32>
      %sub3A_1574 = arith.subf %get3A_1565, %get3A_1573 : vector<16xf32>
      %mul3A_1575 = arith.mulf %sub3A_1574, %sub3A_1574 : vector<16xf32>
      %add3A_1576 = arith.addf %add3A_1557, %mul3A_1575 : vector<16xf32>
      %mul3A_1577 = arith.constant 8 : i32
      %mul3A_1578 = arith.muli %scan3A_523, %mul3A_1577 : i32
      %add3A_1579 = arith.constant 6 : i32
      %add3A_1580 = arith.addi %mul3A_1578, %add3A_1579 : i32
      %get3A_1581 = arith.index_cast %add3A_1580 : i32 to index
      %get3A_1582 = arith.constant 48 : index
      %get3A_1583 = tpu.vector_load %arg8[%get3A_1581, %get3A_1582] {strides = array<i32>} : memref<128x128xf32, #tpu.memory_space<vmem>>, vector<1x16xf32>,
      %get3A_1584 = vector.shape_cast %get3A_1583 : vector<1x16xf32> to vector<16xf32>
      %add3A_1585 = arith.constant 12 : i32
      %add3A_1586 = arith.addi %mul3A_526, %add3A_1585 : i32
      %add3A_1587 = arith.constant 48 : i32
      %add3A_1588 = arith.addi %mul3A_1519, %add3A_1587 : i32
      %get3A_1589 = arith.index_cast %add3A_1586 : i32 to index
      %get3A_1590 = arith.index_cast %add3A_1588 : i32 to index
      %get3A_1591 = tpu.vector_load %arg9[%get3A_1589, %get3A_1590] {strides = array<i32>} : memref<256x128xf32, #tpu.memory_space<vmem>>, vector<1x16xf32>,
      %get3A_1592 = vector.shape_cast %get3A_1591 : vector<1x16xf32> to vector<16xf32>
      %sub3A_1593 = arith.subf %get3A_1584, %get3A_1592 : vector<16xf32>
      %mul3A_1594 = arith.mulf %sub3A_1593, %sub3A_1593 : vector<16xf32>
      %add3A_1595 = arith.addf %add3A_1576, %mul3A_1594 : vector<16xf32>
      %slice3A_1596 = vector.extract_strided_slice %get3A_531 {offsets = [13], sizes = [1], strides = [1]} : vector<16xi32> to vector<1xi32>
      %squeeze3A_1597 = vector.extract %slice3A_1596[0] : i32 from vector<1xi32>
      %and3A_1598 = arith.constant 1 : i32
      %and3A_1599 = arith.andi %squeeze3A_1597, %and3A_1598 : i32
      %mul3A_1600 = arith.constant 64 : i32
      %mul3A_1601 = arith.muli %and3A_1599, %mul3A_1600 : i32
      %mul3A_1602 = arith.constant 8 : i32
      %mul3A_1603 = arith.muli %scan3A_523, %mul3A_1602 : i32
      %add3A_1604 = arith.constant 6 : i32
      %add3A_1605 = arith.addi %mul3A_1603, %add3A_1604 : i32
      %get3A_1606 = arith.index_cast %add3A_1605 : i32 to index
      %get3A_1607 = arith.constant 64 : index
      %get3A_1608 = tpu.vector_load %arg8[%get3A_1606, %get3A_1607] {strides = array<i32>} : memref<128x128xf32, #tpu.memory_space<vmem>>, vector<1x16xf32>,
      %get3A_1609 = vector.shape_cast %get3A_1608 : vector<1x16xf32> to vector<16xf32>
      %add3A_1610 = arith.constant 13 : i32
      %add3A_1611 = arith.addi %mul3A_526, %add3A_1610 : i32
      %add3A_1612 = arith.constant 0 : i32
      %add3A_1613 = arith.addi %mul3A_1601, %add3A_1612 : i32
      %get3A_1614 = arith.index_cast %add3A_1611 : i32 to index
      %get3A_1615 = arith.index_cast %add3A_1613 : i32 to index
      %get3A_1616 = tpu.vector_load %arg9[%get3A_1614, %get3A_1615] {strides = array<i32>} : memref<256x128xf32, #tpu.memory_space<vmem>>, vector<1x16xf32>,
      %get3A_1617 = vector.shape_cast %get3A_1616 : vector<1x16xf32> to vector<16xf32>
      %sub3A_1618 = arith.subf %get3A_1609, %get3A_1617 : vector<16xf32>
      %mul3A_1619 = arith.mulf %sub3A_1618, %sub3A_1618 : vector<16xf32>
      %add3A_1620 = arith.addf %add3A_1595, %mul3A_1619 : vector<16xf32>
      %mul3A_1621 = arith.constant 8 : i32
      %mul3A_1622 = arith.muli %scan3A_523, %mul3A_1621 : i32
      %add3A_1623 = arith.constant 6 : i32
      %add3A_1624 = arith.addi %mul3A_1622, %add3A_1623 : i32
      %get3A_1625 = arith.index_cast %add3A_1624 : i32 to index
      %get3A_1626 = arith.constant 80 : index
      %get3A_1627 = tpu.vector_load %arg8[%get3A_1625, %get3A_1626] {strides = array<i32>} : memref<128x128xf32, #tpu.memory_space<vmem>>, vector<1x16xf32>,
      %get3A_1628 = vector.shape_cast %get3A_1627 : vector<1x16xf32> to vector<16xf32>
      %add3A_1629 = arith.constant 13 : i32
      %add3A_1630 = arith.addi %mul3A_526, %add3A_1629 : i32
      %add3A_1631 = arith.constant 16 : i32
      %add3A_1632 = arith.addi %mul3A_1601, %add3A_1631 : i32
      %get3A_1633 = arith.index_cast %add3A_1630 : i32 to index
      %get3A_1634 = arith.index_cast %add3A_1632 : i32 to index
      %get3A_1635 = tpu.vector_load %arg9[%get3A_1633, %get3A_1634] {strides = array<i32>} : memref<256x128xf32, #tpu.memory_space<vmem>>, vector<1x16xf32>,
      %get3A_1636 = vector.shape_cast %get3A_1635 : vector<1x16xf32> to vector<16xf32>
      %sub3A_1637 = arith.subf %get3A_1628, %get3A_1636 : vector<16xf32>
      %mul3A_1638 = arith.mulf %sub3A_1637, %sub3A_1637 : vector<16xf32>
      %add3A_1639 = arith.addf %add3A_1620, %mul3A_1638 : vector<16xf32>
      %mul3A_1640 = arith.constant 8 : i32
      %mul3A_1641 = arith.muli %scan3A_523, %mul3A_1640 : i32
      %add3A_1642 = arith.constant 6 : i32
      %add3A_1643 = arith.addi %mul3A_1641, %add3A_1642 : i32
      %get3A_1644 = arith.index_cast %add3A_1643 : i32 to index
      %get3A_1645 = arith.constant 96 : index
      %get3A_1646 = tpu.vector_load %arg8[%get3A_1644, %get3A_1645] {strides = array<i32>} : memref<128x128xf32, #tpu.memory_space<vmem>>, vector<1x16xf32>,
      %get3A_1647 = vector.shape_cast %get3A_1646 : vector<1x16xf32> to vector<16xf32>
      %add3A_1648 = arith.constant 13 : i32
      %add3A_1649 = arith.addi %mul3A_526, %add3A_1648 : i32
      %add3A_1650 = arith.constant 32 : i32
      %add3A_1651 = arith.addi %mul3A_1601, %add3A_1650 : i32
      %get3A_1652 = arith.index_cast %add3A_1649 : i32 to index
      %get3A_1653 = arith.index_cast %add3A_1651 : i32 to index
      %get3A_1654 = tpu.vector_load %arg9[%get3A_1652, %get3A_1653] {strides = array<i32>} : memref<256x128xf32, #tpu.memory_space<vmem>>, vector<1x16xf32>,
      %get3A_1655 = vector.shape_cast %get3A_1654 : vector<1x16xf32> to vector<16xf32>
      %sub3A_1656 = arith.subf %get3A_1647, %get3A_1655 : vector<16xf32>
      %mul3A_1657 = arith.mulf %sub3A_1656, %sub3A_1656 : vector<16xf32>
      %add3A_1658 = arith.addf %add3A_1639, %mul3A_1657 : vector<16xf32>
      %mul3A_1659 = arith.constant 8 : i32
      %mul3A_1660 = arith.muli %scan3A_523, %mul3A_1659 : i32
      %add3A_1661 = arith.constant 6 : i32
      %add3A_1662 = arith.addi %mul3A_1660, %add3A_1661 : i32
      %get3A_1663 = arith.index_cast %add3A_1662 : i32 to index
      %get3A_1664 = arith.constant 112 : index
      %get3A_1665 = tpu.vector_load %arg8[%get3A_1663, %get3A_1664] {strides = array<i32>} : memref<128x128xf32, #tpu.memory_space<vmem>>, vector<1x16xf32>,
      %get3A_1666 = vector.shape_cast %get3A_1665 : vector<1x16xf32> to vector<16xf32>
      %add3A_1667 = arith.constant 13 : i32
      %add3A_1668 = arith.addi %mul3A_526, %add3A_1667 : i32
      %add3A_1669 = arith.constant 48 : i32
      %add3A_1670 = arith.addi %mul3A_1601, %add3A_1669 : i32
      %get3A_1671 = arith.index_cast %add3A_1668 : i32 to index
      %get3A_1672 = arith.index_cast %add3A_1670 : i32 to index
      %get3A_1673 = tpu.vector_load %arg9[%get3A_1671, %get3A_1672] {strides = array<i32>} : memref<256x128xf32, #tpu.memory_space<vmem>>, vector<1x16xf32>,
      %get3A_1674 = vector.shape_cast %get3A_1673 : vector<1x16xf32> to vector<16xf32>
      %sub3A_1675 = arith.subf %get3A_1666, %get3A_1674 : vector<16xf32>
      %mul3A_1676 = arith.mulf %sub3A_1675, %sub3A_1675 : vector<16xf32>
      %add3A_1677 = arith.addf %add3A_1658, %mul3A_1676 : vector<16xf32>
      %slice3A_1678 = vector.extract_strided_slice %get3A_531 {offsets = [14], sizes = [1], strides = [1]} : vector<16xi32> to vector<1xi32>
      %squeeze3A_1679 = vector.extract %slice3A_1678[0] : i32 from vector<1xi32>
      %and3A_1680 = arith.constant 1 : i32
      %and3A_1681 = arith.andi %squeeze3A_1679, %and3A_1680 : i32
      %mul3A_1682 = arith.constant 64 : i32
      %mul3A_1683 = arith.muli %and3A_1681, %mul3A_1682 : i32
      %mul3A_1684 = arith.constant 8 : i32
      %mul3A_1685 = arith.muli %scan3A_523, %mul3A_1684 : i32
      %add3A_1686 = arith.constant 7 : i32
      %add3A_1687 = arith.addi %mul3A_1685, %add3A_1686 : i32
      %get3A_1688 = arith.index_cast %add3A_1687 : i32 to index
      %get3A_1689 = arith.constant 0 : index
      %get3A_1690 = tpu.vector_load %arg8[%get3A_1688, %get3A_1689] {strides = array<i32>} : memref<128x128xf32, #tpu.memory_space<vmem>>, vector<1x16xf32>,
      %get3A_1691 = vector.shape_cast %get3A_1690 : vector<1x16xf32> to vector<16xf32>
      %add3A_1692 = arith.constant 14 : i32
      %add3A_1693 = arith.addi %mul3A_526, %add3A_1692 : i32
      %add3A_1694 = arith.constant 0 : i32
      %add3A_1695 = arith.addi %mul3A_1683, %add3A_1694 : i32
      %get3A_1696 = arith.index_cast %add3A_1693 : i32 to index
      %get3A_1697 = arith.index_cast %add3A_1695 : i32 to index
      %get3A_1698 = tpu.vector_load %arg9[%get3A_1696, %get3A_1697] {strides = array<i32>} : memref<256x128xf32, #tpu.memory_space<vmem>>, vector<1x16xf32>,
      %get3A_1699 = vector.shape_cast %get3A_1698 : vector<1x16xf32> to vector<16xf32>
      %sub3A_1700 = arith.subf %get3A_1691, %get3A_1699 : vector<16xf32>
      %mul3A_1701 = arith.mulf %sub3A_1700, %sub3A_1700 : vector<16xf32>
      %add3A_1702 = arith.addf %add3A_1677, %mul3A_1701 : vector<16xf32>
      %mul3A_1703 = arith.constant 8 : i32
      %mul3A_1704 = arith.muli %scan3A_523, %mul3A_1703 : i32
      %add3A_1705 = arith.constant 7 : i32
      %add3A_1706 = arith.addi %mul3A_1704, %add3A_1705 : i32
      %get3A_1707 = arith.index_cast %add3A_1706 : i32 to index
      %get3A_1708 = arith.constant 16 : index
      %get3A_1709 = tpu.vector_load %arg8[%get3A_1707, %get3A_1708] {strides = array<i32>} : memref<128x128xf32, #tpu.memory_space<vmem>>, vector<1x16xf32>,
      %get3A_1710 = vector.shape_cast %get3A_1709 : vector<1x16xf32> to vector<16xf32>
      %add3A_1711 = arith.constant 14 : i32
      %add3A_1712 = arith.addi %mul3A_526, %add3A_1711 : i32
      %add3A_1713 = arith.constant 16 : i32
      %add3A_1714 = arith.addi %mul3A_1683, %add3A_1713 : i32
      %get3A_1715 = arith.index_cast %add3A_1712 : i32 to index
      %get3A_1716 = arith.index_cast %add3A_1714 : i32 to index
      %get3A_1717 = tpu.vector_load %arg9[%get3A_1715, %get3A_1716] {strides = array<i32>} : memref<256x128xf32, #tpu.memory_space<vmem>>, vector<1x16xf32>,
      %get3A_1718 = vector.shape_cast %get3A_1717 : vector<1x16xf32> to vector<16xf32>
      %sub3A_1719 = arith.subf %get3A_1710, %get3A_1718 : vector<16xf32>
      %mul3A_1720 = arith.mulf %sub3A_1719, %sub3A_1719 : vector<16xf32>
      %add3A_1721 = arith.addf %add3A_1702, %mul3A_1720 : vector<16xf32>
      %mul3A_1722 = arith.constant 8 : i32
      %mul3A_1723 = arith.muli %scan3A_523, %mul3A_1722 : i32
      %add3A_1724 = arith.constant 7 : i32
      %add3A_1725 = arith.addi %mul3A_1723, %add3A_1724 : i32
      %get3A_1726 = arith.index_cast %add3A_1725 : i32 to index
      %get3A_1727 = arith.constant 32 : index
      %get3A_1728 = tpu.vector_load %arg8[%get3A_1726, %get3A_1727] {strides = array<i32>} : memref<128x128xf32, #tpu.memory_space<vmem>>, vector<1x16xf32>,
      %get3A_1729 = vector.shape_cast %get3A_1728 : vector<1x16xf32> to vector<16xf32>
      %add3A_1730 = arith.constant 14 : i32
      %add3A_1731 = arith.addi %mul3A_526, %add3A_1730 : i32
      %add3A_1732 = arith.constant 32 : i32
      %add3A_1733 = arith.addi %mul3A_1683, %add3A_1732 : i32
      %get3A_1734 = arith.index_cast %add3A_1731 : i32 to index
      %get3A_1735 = arith.index_cast %add3A_1733 : i32 to index
      %get3A_1736 = tpu.vector_load %arg9[%get3A_1734, %get3A_1735] {strides = array<i32>} : memref<256x128xf32, #tpu.memory_space<vmem>>, vector<1x16xf32>,
      %get3A_1737 = vector.shape_cast %get3A_1736 : vector<1x16xf32> to vector<16xf32>
      %sub3A_1738 = arith.subf %get3A_1729, %get3A_1737 : vector<16xf32>
      %mul3A_1739 = arith.mulf %sub3A_1738, %sub3A_1738 : vector<16xf32>
      %add3A_1740 = arith.addf %add3A_1721, %mul3A_1739 : vector<16xf32>
      %mul3A_1741 = arith.constant 8 : i32
      %mul3A_1742 = arith.muli %scan3A_523, %mul3A_1741 : i32
      %add3A_1743 = arith.constant 7 : i32
      %add3A_1744 = arith.addi %mul3A_1742, %add3A_1743 : i32
      %get3A_1745 = arith.index_cast %add3A_1744 : i32 to index
      %get3A_1746 = arith.constant 48 : index
      %get3A_1747 = tpu.vector_load %arg8[%get3A_1745, %get3A_1746] {strides = array<i32>} : memref<128x128xf32, #tpu.memory_space<vmem>>, vector<1x16xf32>,
      %get3A_1748 = vector.shape_cast %get3A_1747 : vector<1x16xf32> to vector<16xf32>
      %add3A_1749 = arith.constant 14 : i32
      %add3A_1750 = arith.addi %mul3A_526, %add3A_1749 : i32
      %add3A_1751 = arith.constant 48 : i32
      %add3A_1752 = arith.addi %mul3A_1683, %add3A_1751 : i32
      %get3A_1753 = arith.index_cast %add3A_1750 : i32 to index
      %get3A_1754 = arith.index_cast %add3A_1752 : i32 to index
      %get3A_1755 = tpu.vector_load %arg9[%get3A_1753, %get3A_1754] {strides = array<i32>} : memref<256x128xf32, #tpu.memory_space<vmem>>, vector<1x16xf32>,
      %get3A_1756 = vector.shape_cast %get3A_1755 : vector<1x16xf32> to vector<16xf32>
      %sub3A_1757 = arith.subf %get3A_1748, %get3A_1756 : vector<16xf32>
      %mul3A_1758 = arith.mulf %sub3A_1757, %sub3A_1757 : vector<16xf32>
      %add3A_1759 = arith.addf %add3A_1740, %mul3A_1758 : vector<16xf32>
      %slice3A_1760 = vector.extract_strided_slice %get3A_531 {offsets = [15], sizes = [1], strides = [1]} : vector<16xi32> to vector<1xi32>
      %squeeze3A_1761 = vector.extract %slice3A_1760[0] : i32 from vector<1xi32>
      %and3A_1762 = arith.constant 1 : i32
      %and3A_1763 = arith.andi %squeeze3A_1761, %and3A_1762 : i32
      %mul3A_1764 = arith.constant 64 : i32
      %mul3A_1765 = arith.muli %and3A_1763, %mul3A_1764 : i32
      %mul3A_1766 = arith.constant 8 : i32
      %mul3A_1767 = arith.muli %scan3A_523, %mul3A_1766 : i32
      %add3A_1768 = arith.constant 7 : i32
      %add3A_1769 = arith.addi %mul3A_1767, %add3A_1768 : i32
      %get3A_1770 = arith.index_cast %add3A_1769 : i32 to index
      %get3A_1771 = arith.constant 64 : index
      %get3A_1772 = tpu.vector_load %arg8[%get3A_1770, %get3A_1771] {strides = array<i32>} : memref<128x128xf32, #tpu.memory_space<vmem>>, vector<1x16xf32>,
      %get3A_1773 = vector.shape_cast %get3A_1772 : vector<1x16xf32> to vector<16xf32>
      %add3A_1774 = arith.constant 15 : i32
      %add3A_1775 = arith.addi %mul3A_526, %add3A_1774 : i32
      %add3A_1776 = arith.constant 0 : i32
      %add3A_1777 = arith.addi %mul3A_1765, %add3A_1776 : i32
      %get3A_1778 = arith.index_cast %add3A_1775 : i32 to index
      %get3A_1779 = arith.index_cast %add3A_1777 : i32 to index
      %get3A_1780 = tpu.vector_load %arg9[%get3A_1778, %get3A_1779] {strides = array<i32>} : memref<256x128xf32, #tpu.memory_space<vmem>>, vector<1x16xf32>,
      %get3A_1781 = vector.shape_cast %get3A_1780 : vector<1x16xf32> to vector<16xf32>
      %sub3A_1782 = arith.subf %get3A_1773, %get3A_1781 : vector<16xf32>
      %mul3A_1783 = arith.mulf %sub3A_1782, %sub3A_1782 : vector<16xf32>
      %add3A_1784 = arith.addf %add3A_1759, %mul3A_1783 : vector<16xf32>
      %mul3A_1785 = arith.constant 8 : i32
      %mul3A_1786 = arith.muli %scan3A_523, %mul3A_1785 : i32
      %add3A_1787 = arith.constant 7 : i32
      %add3A_1788 = arith.addi %mul3A_1786, %add3A_1787 : i32
      %get3A_1789 = arith.index_cast %add3A_1788 : i32 to index
      %get3A_1790 = arith.constant 80 : index
      %get3A_1791 = tpu.vector_load %arg8[%get3A_1789, %get3A_1790] {strides = array<i32>} : memref<128x128xf32, #tpu.memory_space<vmem>>, vector<1x16xf32>,
      %get3A_1792 = vector.shape_cast %get3A_1791 : vector<1x16xf32> to vector<16xf32>
      %add3A_1793 = arith.constant 15 : i32
      %add3A_1794 = arith.addi %mul3A_526, %add3A_1793 : i32
      %add3A_1795 = arith.constant 16 : i32
      %add3A_1796 = arith.addi %mul3A_1765, %add3A_1795 : i32
      %get3A_1797 = arith.index_cast %add3A_1794 : i32 to index
      %get3A_1798 = arith.index_cast %add3A_1796 : i32 to index
      %get3A_1799 = tpu.vector_load %arg9[%get3A_1797, %get3A_1798] {strides = array<i32>} : memref<256x128xf32, #tpu.memory_space<vmem>>, vector<1x16xf32>,
      %get3A_1800 = vector.shape_cast %get3A_1799 : vector<1x16xf32> to vector<16xf32>
      %sub3A_1801 = arith.subf %get3A_1792, %get3A_1800 : vector<16xf32>
      %mul3A_1802 = arith.mulf %sub3A_1801, %sub3A_1801 : vector<16xf32>
      %add3A_1803 = arith.addf %add3A_1784, %mul3A_1802 : vector<16xf32>
      %mul3A_1804 = arith.constant 8 : i32
      %mul3A_1805 = arith.muli %scan3A_523, %mul3A_1804 : i32
      %add3A_1806 = arith.constant 7 : i32
      %add3A_1807 = arith.addi %mul3A_1805, %add3A_1806 : i32
      %get3A_1808 = arith.index_cast %add3A_1807 : i32 to index
      %get3A_1809 = arith.constant 96 : index
      %get3A_1810 = tpu.vector_load %arg8[%get3A_1808, %get3A_1809] {strides = array<i32>} : memref<128x128xf32, #tpu.memory_space<vmem>>, vector<1x16xf32>,
      %get3A_1811 = vector.shape_cast %get3A_1810 : vector<1x16xf32> to vector<16xf32>
      %add3A_1812 = arith.constant 15 : i32
      %add3A_1813 = arith.addi %mul3A_526, %add3A_1812 : i32
      %add3A_1814 = arith.constant 32 : i32
      %add3A_1815 = arith.addi %mul3A_1765, %add3A_1814 : i32
      %get3A_1816 = arith.index_cast %add3A_1813 : i32 to index
      %get3A_1817 = arith.index_cast %add3A_1815 : i32 to index
      %get3A_1818 = tpu.vector_load %arg9[%get3A_1816, %get3A_1817] {strides = array<i32>} : memref<256x128xf32, #tpu.memory_space<vmem>>, vector<1x16xf32>,
      %get3A_1819 = vector.shape_cast %get3A_1818 : vector<1x16xf32> to vector<16xf32>
      %sub3A_1820 = arith.subf %get3A_1811, %get3A_1819 : vector<16xf32>
      %mul3A_1821 = arith.mulf %sub3A_1820, %sub3A_1820 : vector<16xf32>
      %add3A_1822 = arith.addf %add3A_1803, %mul3A_1821 : vector<16xf32>
      %mul3A_1823 = arith.constant 8 : i32
      %mul3A_1824 = arith.muli %scan3A_523, %mul3A_1823 : i32
      %add3A_1825 = arith.constant 7 : i32
      %add3A_1826 = arith.addi %mul3A_1824, %add3A_1825 : i32
      %get3A_1827 = arith.index_cast %add3A_1826 : i32 to index
      %get3A_1828 = arith.constant 112 : index
      %get3A_1829 = tpu.vector_load %arg8[%get3A_1827, %get3A_1828] {strides = array<i32>} : memref<128x128xf32, #tpu.memory_space<vmem>>, vector<1x16xf32>,
      %get3A_1830 = vector.shape_cast %get3A_1829 : vector<1x16xf32> to vector<16xf32>
      %add3A_1831 = arith.constant 15 : i32
      %add3A_1832 = arith.addi %mul3A_526, %add3A_1831 : i32
      %add3A_1833 = arith.constant 48 : i32
      %add3A_1834 = arith.addi %mul3A_1765, %add3A_1833 : i32
      %get3A_1835 = arith.index_cast %add3A_1832 : i32 to index
      %get3A_1836 = arith.index_cast %add3A_1834 : i32 to index
      %get3A_1837 = tpu.vector_load %arg9[%get3A_1835, %get3A_1836] {strides = array<i32>} : memref<256x128xf32, #tpu.memory_space<vmem>>, vector<1x16xf32>,
      %get3A_1838 = vector.shape_cast %get3A_1837 : vector<1x16xf32> to vector<16xf32>
      %sub3A_1839 = arith.subf %get3A_1830, %get3A_1838 : vector<16xf32>
      %mul3A_1840 = arith.mulf %sub3A_1839, %sub3A_1839 : vector<16xf32>
      %add3A_1841 = arith.addf %add3A_1822, %mul3A_1840 : vector<16xf32>
      scf.yield %add3A_1841 : vector<16xf32>
    }
    %scan3A_253 = arith.constant 16 : i32
    %get3A_254 = arith.constant 256 : index
    %get3A_255 = tpu.vector_load %arg6[%get3A_254] {strides = array<i32>} : memref<512xi32, #tpu.memory_space<vmem>>, vector<16xi32>,
    %get3A_256 = vector.shape_cast %get3A_255 : vector<16xi32> to vector<16xi32>
    %shift_right_arithmetic3A_257 = arith.constant 1 : i32
    %shift_right_arithmetic3A_258 = vector.broadcast %shift_right_arithmetic3A_257 : i32 to vector<16xi32>
    %shift_right_arithmetic3A_259 = arith.shrsi %get3A_256, %shift_right_arithmetic3A_258 : vector<16xi32>
    %swap3A_260 = arith.constant 2 : i32
    %swap3A_261 = arith.index_cast %swap3A_260 : i32 to index
    %swap3A_262 = arith.constant 0 : index
    %swap3A_263 = tpu.vector_load %arg7[%swap3A_261, %swap3A_262] {strides = array<i32>} : memref<4x128xi32, #tpu.memory_space<vmem>>, vector<1x16xi32>,
    %swap3A_264 = vector.shape_cast %swap3A_263 : vector<1x16xi32> to vector<16xi32>
    %swap3A_265 = vector.shape_cast %shift_right_arithmetic3A_259 : vector<16xi32> to vector<1x16xi32>
    tpu.vector_store %arg7[%swap3A_261, %swap3A_262], %swap3A_265 {strides = array<i32>} : memref<4x128xi32, #tpu.memory_space<vmem>>, vector<1x16xi32>,
    %get3A_266 = arith.constant 272 : index
    %get3A_267 = tpu.vector_load %arg6[%get3A_266] {strides = array<i32>} : memref<512xi32, #tpu.memory_space<vmem>>, vector<16xi32>,
    %get3A_268 = vector.shape_cast %get3A_267 : vector<16xi32> to vector<16xi32>
    %shift_right_arithmetic3A_269 = arith.constant 1 : i32
    %shift_right_arithmetic3A_270 = vector.broadcast %shift_right_arithmetic3A_269 : i32 to vector<16xi32>
    %shift_right_arithmetic3A_271 = arith.shrsi %get3A_268, %shift_right_arithmetic3A_270 : vector<16xi32>
    %swap3A_272 = arith.constant 2 : i32
    %swap3A_273 = arith.index_cast %swap3A_272 : i32 to index
    %swap3A_274 = arith.constant 16 : index
    %swap3A_275 = tpu.vector_load %arg7[%swap3A_273, %swap3A_274] {strides = array<i32>} : memref<4x128xi32, #tpu.memory_space<vmem>>, vector<1x16xi32>,
    %swap3A_276 = vector.shape_cast %swap3A_275 : vector<1x16xi32> to vector<16xi32>
    %swap3A_277 = vector.shape_cast %shift_right_arithmetic3A_271 : vector<16xi32> to vector<1x16xi32>
    tpu.vector_store %arg7[%swap3A_273, %swap3A_274], %swap3A_277 {strides = array<i32>} : memref<4x128xi32, #tpu.memory_space<vmem>>, vector<1x16xi32>,
    %get3A_278 = arith.constant 288 : index
    %get3A_279 = tpu.vector_load %arg6[%get3A_278] {strides = array<i32>} : memref<512xi32, #tpu.memory_space<vmem>>, vector<16xi32>,
    %get3A_280 = vector.shape_cast %get3A_279 : vector<16xi32> to vector<16xi32>
    %shift_right_arithmetic3A_281 = arith.constant 1 : i32
    %shift_right_arithmetic3A_282 = vector.broadcast %shift_right_arithmetic3A_281 : i32 to vector<16xi32>
    %shift_right_arithmetic3A_283 = arith.shrsi %get3A_280, %shift_right_arithmetic3A_282 : vector<16xi32>
    %swap3A_284 = arith.constant 2 : i32
    %swap3A_285 = arith.index_cast %swap3A_284 : i32 to index
    %swap3A_286 = arith.constant 32 : index
    %swap3A_287 = tpu.vector_load %arg7[%swap3A_285, %swap3A_286] {strides = array<i32>} : memref<4x128xi32, #tpu.memory_space<vmem>>, vector<1x16xi32>,
    %swap3A_288 = vector.shape_cast %swap3A_287 : vector<1x16xi32> to vector<16xi32>
    %swap3A_289 = vector.shape_cast %shift_right_arithmetic3A_283 : vector<16xi32> to vector<1x16xi32>
    tpu.vector_store %arg7[%swap3A_285, %swap3A_286], %swap3A_289 {strides = array<i32>} : memref<4x128xi32, #tpu.memory_space<vmem>>, vector<1x16xi32>,
    %get3A_290 = arith.constant 304 : index
    %get3A_291 = tpu.vector_load %arg6[%get3A_290] {strides = array<i32>} : memref<512xi32, #tpu.memory_space<vmem>>, vector<16xi32>,
    %get3A_292 = vector.shape_cast %get3A_291 : vector<16xi32> to vector<16xi32>
    %shift_right_arithmetic3A_293 = arith.constant 1 : i32
    %shift_right_arithmetic3A_294 = vector.broadcast %shift_right_arithmetic3A_293 : i32 to vector<16xi32>
    %shift_right_arithmetic3A_295 = arith.shrsi %get3A_292, %shift_right_arithmetic3A_294 : vector<16xi32>
    %swap3A_296 = arith.constant 2 : i32
    %swap3A_297 = arith.index_cast %swap3A_296 : i32 to index
    %swap3A_298 = arith.constant 48 : index
    %swap3A_299 = tpu.vector_load %arg7[%swap3A_297, %swap3A_298] {strides = array<i32>} : memref<4x128xi32, #tpu.memory_space<vmem>>, vector<1x16xi32>,
    %swap3A_300 = vector.shape_cast %swap3A_299 : vector<1x16xi32> to vector<16xi32>
    %swap3A_301 = vector.shape_cast %shift_right_arithmetic3A_295 : vector<16xi32> to vector<1x16xi32>
    tpu.vector_store %arg7[%swap3A_297, %swap3A_298], %swap3A_301 {strides = array<i32>} : memref<4x128xi32, #tpu.memory_space<vmem>>, vector<1x16xi32>,
    %get3A_302 = arith.constant 320 : index
    %get3A_303 = tpu.vector_load %arg6[%get3A_302] {strides = array<i32>} : memref<512xi32, #tpu.memory_space<vmem>>, vector<16xi32>,
    %get3A_304 = vector.shape_cast %get3A_303 : vector<16xi32> to vector<16xi32>
    %shift_right_arithmetic3A_305 = arith.constant 1 : i32
    %shift_right_arithmetic3A_306 = vector.broadcast %shift_right_arithmetic3A_305 : i32 to vector<16xi32>
    %shift_right_arithmetic3A_307 = arith.shrsi %get3A_304, %shift_right_arithmetic3A_306 : vector<16xi32>
    %swap3A_308 = arith.constant 2 : i32
    %swap3A_309 = arith.index_cast %swap3A_308 : i32 to index
    %swap3A_310 = arith.constant 64 : index
    %swap3A_311 = tpu.vector_load %arg7[%swap3A_309, %swap3A_310] {strides = array<i32>} : memref<4x128xi32, #tpu.memory_space<vmem>>, vector<1x16xi32>,
    %swap3A_312 = vector.shape_cast %swap3A_311 : vector<1x16xi32> to vector<16xi32>
    %swap3A_313 = vector.shape_cast %shift_right_arithmetic3A_307 : vector<16xi32> to vector<1x16xi32>
    tpu.vector_store %arg7[%swap3A_309, %swap3A_310], %swap3A_313 {strides = array<i32>} : memref<4x128xi32, #tpu.memory_space<vmem>>, vector<1x16xi32>,
    %get3A_314 = arith.constant 336 : index
    %get3A_315 = tpu.vector_load %arg6[%get3A_314] {strides = array<i32>} : memref<512xi32, #tpu.memory_space<vmem>>, vector<16xi32>,
    %get3A_316 = vector.shape_cast %get3A_315 : vector<16xi32> to vector<16xi32>
    %shift_right_arithmetic3A_317 = arith.constant 1 : i32
    %shift_right_arithmetic3A_318 = vector.broadcast %shift_right_arithmetic3A_317 : i32 to vector<16xi32>
    %shift_right_arithmetic3A_319 = arith.shrsi %get3A_316, %shift_right_arithmetic3A_318 : vector<16xi32>
    %swap3A_320 = arith.constant 2 : i32
    %swap3A_321 = arith.index_cast %swap3A_320 : i32 to index
    %swap3A_322 = arith.constant 80 : index
    %swap3A_323 = tpu.vector_load %arg7[%swap3A_321, %swap3A_322] {strides = array<i32>} : memref<4x128xi32, #tpu.memory_space<vmem>>, vector<1x16xi32>,
    %swap3A_324 = vector.shape_cast %swap3A_323 : vector<1x16xi32> to vector<16xi32>
    %swap3A_325 = vector.shape_cast %shift_right_arithmetic3A_319 : vector<16xi32> to vector<1x16xi32>
    tpu.vector_store %arg7[%swap3A_321, %swap3A_322], %swap3A_325 {strides = array<i32>} : memref<4x128xi32, #tpu.memory_space<vmem>>, vector<1x16xi32>,
    %get3A_326 = arith.constant 352 : index
    %get3A_327 = tpu.vector_load %arg6[%get3A_326] {strides = array<i32>} : memref<512xi32, #tpu.memory_space<vmem>>, vector<16xi32>,
    %get3A_328 = vector.shape_cast %get3A_327 : vector<16xi32> to vector<16xi32>
    %shift_right_arithmetic3A_329 = arith.constant 1 : i32
    %shift_right_arithmetic3A_330 = vector.broadcast %shift_right_arithmetic3A_329 : i32 to vector<16xi32>
    %shift_right_arithmetic3A_331 = arith.shrsi %get3A_328, %shift_right_arithmetic3A_330 : vector<16xi32>
    %swap3A_332 = arith.constant 2 : i32
    %swap3A_333 = arith.index_cast %swap3A_332 : i32 to index
    %swap3A_334 = arith.constant 96 : index
    %swap3A_335 = tpu.vector_load %arg7[%swap3A_333, %swap3A_334] {strides = array<i32>} : memref<4x128xi32, #tpu.memory_space<vmem>>, vector<1x16xi32>,
    %swap3A_336 = vector.shape_cast %swap3A_335 : vector<1x16xi32> to vector<16xi32>
    %swap3A_337 = vector.shape_cast %shift_right_arithmetic3A_331 : vector<16xi32> to vector<1x16xi32>
    tpu.vector_store %arg7[%swap3A_333, %swap3A_334], %swap3A_337 {strides = array<i32>} : memref<4x128xi32, #tpu.memory_space<vmem>>, vector<1x16xi32>,
    %get3A_338 = arith.constant 368 : index
    %get3A_339 = tpu.vector_load %arg6[%get3A_338] {strides = array<i32>} : memref<512xi32, #tpu.memory_space<vmem>>, vector<16xi32>,
    %get3A_340 = vector.shape_cast %get3A_339 : vector<16xi32> to vector<16xi32>
    %shift_right_arithmetic3A_341 = arith.constant 1 : i32
    %shift_right_arithmetic3A_342 = vector.broadcast %shift_right_arithmetic3A_341 : i32 to vector<16xi32>
    %shift_right_arithmetic3A_343 = arith.shrsi %get3A_340, %shift_right_arithmetic3A_342 : vector<16xi32>
    %swap3A_344 = arith.constant 2 : i32
    %swap3A_345 = arith.index_cast %swap3A_344 : i32 to index
    %swap3A_346 = arith.constant 112 : index
    %swap3A_347 = tpu.vector_load %arg7[%swap3A_345, %swap3A_346] {strides = array<i32>} : memref<4x128xi32, #tpu.memory_space<vmem>>, vector<1x16xi32>,
    %swap3A_348 = vector.shape_cast %swap3A_347 : vector<1x16xi32> to vector<16xi32>
    %swap3A_349 = vector.shape_cast %shift_right_arithmetic3A_343 : vector<16xi32> to vector<1x16xi32>
    tpu.vector_store %arg7[%swap3A_345, %swap3A_346], %swap3A_349 {strides = array<i32>} : memref<4x128xi32, #tpu.memory_space<vmem>>, vector<1x16xi32>,
    %get3A_350 = arith.constant 384 : index
    %get3A_351 = tpu.vector_load %arg6[%get3A_350] {strides = array<i32>} : memref<512xi32, #tpu.memory_space<vmem>>, vector<16xi32>,
    %get3A_352 = vector.shape_cast %get3A_351 : vector<16xi32> to vector<16xi32>
    %shift_right_arithmetic3A_353 = arith.constant 1 : i32
    %shift_right_arithmetic3A_354 = vector.broadcast %shift_right_arithmetic3A_353 : i32 to vector<16xi32>
    %shift_right_arithmetic3A_355 = arith.shrsi %get3A_352, %shift_right_arithmetic3A_354 : vector<16xi32>
    %swap3A_356 = arith.constant 3 : i32
    %swap3A_357 = arith.index_cast %swap3A_356 : i32 to index
    %swap3A_358 = arith.constant 0 : index
    %swap3A_359 = tpu.vector_load %arg7[%swap3A_357, %swap3A_358] {strides = array<i32>} : memref<4x128xi32, #tpu.memory_space<vmem>>, vector<1x16xi32>,
    %swap3A_360 = vector.shape_cast %swap3A_359 : vector<1x16xi32> to vector<16xi32>
    %swap3A_361 = vector.shape_cast %shift_right_arithmetic3A_355 : vector<16xi32> to vector<1x16xi32>
    tpu.vector_store %arg7[%swap3A_357, %swap3A_358], %swap3A_361 {strides = array<i32>} : memref<4x128xi32, #tpu.memory_space<vmem>>, vector<1x16xi32>,
    %get3A_362 = arith.constant 400 : index
    %get3A_363 = tpu.vector_load %arg6[%get3A_362] {strides = array<i32>} : memref<512xi32, #tpu.memory_space<vmem>>, vector<16xi32>,
    %get3A_364 = vector.shape_cast %get3A_363 : vector<16xi32> to vector<16xi32>
    %shift_right_arithmetic3A_365 = arith.constant 1 : i32
    %shift_right_arithmetic3A_366 = vector.broadcast %shift_right_arithmetic3A_365 : i32 to vector<16xi32>
    %shift_right_arithmetic3A_367 = arith.shrsi %get3A_364, %shift_right_arithmetic3A_366 : vector<16xi32>
    %swap3A_368 = arith.constant 3 : i32
    %swap3A_369 = arith.index_cast %swap3A_368 : i32 to index
    %swap3A_370 = arith.constant 16 : index
    %swap3A_371 = tpu.vector_load %arg7[%swap3A_369, %swap3A_370] {strides = array<i32>} : memref<4x128xi32, #tpu.memory_space<vmem>>, vector<1x16xi32>,
    %swap3A_372 = vector.shape_cast %swap3A_371 : vector<1x16xi32> to vector<16xi32>
    %swap3A_373 = vector.shape_cast %shift_right_arithmetic3A_367 : vector<16xi32> to vector<1x16xi32>
    tpu.vector_store %arg7[%swap3A_369, %swap3A_370], %swap3A_373 {strides = array<i32>} : memref<4x128xi32, #tpu.memory_space<vmem>>, vector<1x16xi32>,
    %get3A_374 = arith.constant 416 : index
    %get3A_375 = tpu.vector_load %arg6[%get3A_374] {strides = array<i32>} : memref<512xi32, #tpu.memory_space<vmem>>, vector<16xi32>,
    %get3A_376 = vector.shape_cast %get3A_375 : vector<16xi32> to vector<16xi32>
    %shift_right_arithmetic3A_377 = arith.constant 1 : i32
    %shift_right_arithmetic3A_378 = vector.broadcast %shift_right_arithmetic3A_377 : i32 to vector<16xi32>
    %shift_right_arithmetic3A_379 = arith.shrsi %get3A_376, %shift_right_arithmetic3A_378 : vector<16xi32>
    %swap3A_380 = arith.constant 3 : i32
    %swap3A_381 = arith.index_cast %swap3A_380 : i32 to index
    %swap3A_382 = arith.constant 32 : index
    %swap3A_383 = tpu.vector_load %arg7[%swap3A_381, %swap3A_382] {strides = array<i32>} : memref<4x128xi32, #tpu.memory_space<vmem>>, vector<1x16xi32>,
    %swap3A_384 = vector.shape_cast %swap3A_383 : vector<1x16xi32> to vector<16xi32>
    %swap3A_385 = vector.shape_cast %shift_right_arithmetic3A_379 : vector<16xi32> to vector<1x16xi32>
    tpu.vector_store %arg7[%swap3A_381, %swap3A_382], %swap3A_385 {strides = array<i32>} : memref<4x128xi32, #tpu.memory_space<vmem>>, vector<1x16xi32>,
    %get3A_386 = arith.constant 432 : index
    %get3A_387 = tpu.vector_load %arg6[%get3A_386] {strides = array<i32>} : memref<512xi32, #tpu.memory_space<vmem>>, vector<16xi32>,
    %get3A_388 = vector.shape_cast %get3A_387 : vector<16xi32> to vector<16xi32>
    %shift_right_arithmetic3A_389 = arith.constant 1 : i32
    %shift_right_arithmetic3A_390 = vector.broadcast %shift_right_arithmetic3A_389 : i32 to vector<16xi32>
    %shift_right_arithmetic3A_391 = arith.shrsi %get3A_388, %shift_right_arithmetic3A_390 : vector<16xi32>
    %swap3A_392 = arith.constant 3 : i32
    %swap3A_393 = arith.index_cast %swap3A_392 : i32 to index
    %swap3A_394 = arith.constant 48 : index
    %swap3A_395 = tpu.vector_load %arg7[%swap3A_393, %swap3A_394] {strides = array<i32>} : memref<4x128xi32, #tpu.memory_space<vmem>>, vector<1x16xi32>,
    %swap3A_396 = vector.shape_cast %swap3A_395 : vector<1x16xi32> to vector<16xi32>
    %swap3A_397 = vector.shape_cast %shift_right_arithmetic3A_391 : vector<16xi32> to vector<1x16xi32>
    tpu.vector_store %arg7[%swap3A_393, %swap3A_394], %swap3A_397 {strides = array<i32>} : memref<4x128xi32, #tpu.memory_space<vmem>>, vector<1x16xi32>,
    %get3A_398 = arith.constant 448 : index
    %get3A_399 = tpu.vector_load %arg6[%get3A_398] {strides = array<i32>} : memref<512xi32, #tpu.memory_space<vmem>>, vector<16xi32>,
    %get3A_400 = vector.shape_cast %get3A_399 : vector<16xi32> to vector<16xi32>
    %shift_right_arithmetic3A_401 = arith.constant 1 : i32
    %shift_right_arithmetic3A_402 = vector.broadcast %shift_right_arithmetic3A_401 : i32 to vector<16xi32>
    %shift_right_arithmetic3A_403 = arith.shrsi %get3A_400, %shift_right_arithmetic3A_402 : vector<16xi32>
    %swap3A_404 = arith.constant 3 : i32
    %swap3A_405 = arith.index_cast %swap3A_404 : i32 to index
    %swap3A_406 = arith.constant 64 : index
    %swap3A_407 = tpu.vector_load %arg7[%swap3A_405, %swap3A_406] {strides = array<i32>} : memref<4x128xi32, #tpu.memory_space<vmem>>, vector<1x16xi32>,
    %swap3A_408 = vector.shape_cast %swap3A_407 : vector<1x16xi32> to vector<16xi32>
    %swap3A_409 = vector.shape_cast %shift_right_arithmetic3A_403 : vector<16xi32> to vector<1x16xi32>
    tpu.vector_store %arg7[%swap3A_405, %swap3A_406], %swap3A_409 {strides = array<i32>} : memref<4x128xi32, #tpu.memory_space<vmem>>, vector<1x16xi32>,
    %get3A_410 = arith.constant 464 : index
    %get3A_411 = tpu.vector_load %arg6[%get3A_410] {strides = array<i32>} : memref<512xi32, #tpu.memory_space<vmem>>, vector<16xi32>,
    %get3A_412 = vector.shape_cast %get3A_411 : vector<16xi32> to vector<16xi32>
    %shift_right_arithmetic3A_413 = arith.constant 1 : i32
    %shift_right_arithmetic3A_414 = vector.broadcast %shift_right_arithmetic3A_413 : i32 to vector<16xi32>
    %shift_right_arithmetic3A_415 = arith.shrsi %get3A_412, %shift_right_arithmetic3A_414 : vector<16xi32>
    %swap3A_416 = arith.constant 3 : i32
    %swap3A_417 = arith.index_cast %swap3A_416 : i32 to index
    %swap3A_418 = arith.constant 80 : index
    %swap3A_419 = tpu.vector_load %arg7[%swap3A_417, %swap3A_418] {strides = array<i32>} : memref<4x128xi32, #tpu.memory_space<vmem>>, vector<1x16xi32>,
    %swap3A_420 = vector.shape_cast %swap3A_419 : vector<1x16xi32> to vector<16xi32>
    %swap3A_421 = vector.shape_cast %shift_right_arithmetic3A_415 : vector<16xi32> to vector<1x16xi32>
    tpu.vector_store %arg7[%swap3A_417, %swap3A_418], %swap3A_421 {strides = array<i32>} : memref<4x128xi32, #tpu.memory_space<vmem>>, vector<1x16xi32>,
    %get3A_422 = arith.constant 480 : index
    %get3A_423 = tpu.vector_load %arg6[%get3A_422] {strides = array<i32>} : memref<512xi32, #tpu.memory_space<vmem>>, vector<16xi32>,
    %get3A_424 = vector.shape_cast %get3A_423 : vector<16xi32> to vector<16xi32>
    %shift_right_arithmetic3A_425 = arith.constant 1 : i32
    %shift_right_arithmetic3A_426 = vector.broadcast %shift_right_arithmetic3A_425 : i32 to vector<16xi32>
    %shift_right_arithmetic3A_427 = arith.shrsi %get3A_424, %shift_right_arithmetic3A_426 : vector<16xi32>
    %swap3A_428 = arith.constant 3 : i32
    %swap3A_429 = arith.index_cast %swap3A_428 : i32 to index
    %swap3A_430 = arith.constant 96 : index
    %swap3A_431 = tpu.vector_load %arg7[%swap3A_429, %swap3A_430] {strides = array<i32>} : memref<4x128xi32, #tpu.memory_space<vmem>>, vector<1x16xi32>,
    %swap3A_432 = vector.shape_cast %swap3A_431 : vector<1x16xi32> to vector<16xi32>
    %swap3A_433 = vector.shape_cast %shift_right_arithmetic3A_427 : vector<16xi32> to vector<1x16xi32>
    tpu.vector_store %arg7[%swap3A_429, %swap3A_430], %swap3A_433 {strides = array<i32>} : memref<4x128xi32, #tpu.memory_space<vmem>>, vector<1x16xi32>,
    %get3A_434 = arith.constant 496 : index
    %get3A_435 = tpu.vector_load %arg6[%get3A_434] {strides = array<i32>} : memref<512xi32, #tpu.memory_space<vmem>>, vector<16xi32>,
    %get3A_436 = vector.shape_cast %get3A_435 : vector<16xi32> to vector<16xi32>
    %shift_right_arithmetic3A_437 = arith.constant 1 : i32
    %shift_right_arithmetic3A_438 = vector.broadcast %shift_right_arithmetic3A_437 : i32 to vector<16xi32>
    %shift_right_arithmetic3A_439 = arith.shrsi %get3A_436, %shift_right_arithmetic3A_438 : vector<16xi32>
    %swap3A_440 = arith.constant 3 : i32
    %swap3A_441 = arith.index_cast %swap3A_440 : i32 to index
    %swap3A_442 = arith.constant 112 : index
    %swap3A_443 = tpu.vector_load %arg7[%swap3A_441, %swap3A_442] {strides = array<i32>} : memref<4x128xi32, #tpu.memory_space<vmem>>, vector<1x16xi32>,
    %swap3A_444 = vector.shape_cast %swap3A_443 : vector<1x16xi32> to vector<16xi32>
    %swap3A_445 = vector.shape_cast %shift_right_arithmetic3A_439 : vector<16xi32> to vector<1x16xi32>
    tpu.vector_store %arg7[%swap3A_441, %swap3A_442], %swap3A_445 {strides = array<i32>} : memref<4x128xi32, #tpu.memory_space<vmem>>, vector<1x16xi32>,
    %dma_start3A_446 = arith.constant 2 : i32
    %dma_start3A_447 = arith.constant 0 : i32
    %dma_start3A_448 = arith.constant 0 : i32
    %dma_start3A_449 = tpu.memref_slice %arg9[%dma_start3A_447, %dma_start3A_448] : memref<256x128xf32, #tpu.memory_space<vmem>> -> memref<128x128xf32, #tpu.memory_space<vmem>>
    %dma_start3A_450 = arith.constant 0 : i32
    %dma_start3A_451 = tpu.memref_slice %arg7[%dma_start3A_446, %dma_start3A_450] : memref<4x128xi32, #tpu.memory_space<vmem>> -> memref<1x128xi32, #tpu.memory_space<vmem>>
    %dma_start3A_452 = tpu.memref_squeeze %dma_start3A_451 : memref<1x128xi32, #tpu.memory_space<vmem>> -> memref<128xi32, #tpu.memory_space<vmem>>
    %dma_start3A_453 = arith.constant 0 : i32
    %dma_start3A_454 = arith.constant 0 : i32
    %dma_start3A_455 = tpu.memref_slice %arg4[%dma_start3A_453, %dma_start3A_454] : memref<50048x128xf32, #tpu.memory_space<hbm>> -> memref<50048x128xf32, #tpu.memory_space<hbm>>
    tpu.enqueue_indirect_dma source(%dma_start3A_455 : memref<50048x128xf32, #tpu.memory_space<hbm>>) target(%dma_start3A_449 : memref<128x128xf32, #tpu.memory_space<vmem>>) offsets(%dma_start3A_452 : memref<128xi32, #tpu.memory_space<vmem>>) semaphore(%arg11 : memref<!tpu.dma_semaphore, #tpu.memory_space<semaphore_mem>>)
    %dma_start3A_456 = arith.constant 3 : i32
    %dma_start3A_457 = arith.constant 128 : i32
    %dma_start3A_458 = arith.constant 0 : i32
    %dma_start3A_459 = tpu.memref_slice %arg9[%dma_start3A_457, %dma_start3A_458] : memref<256x128xf32, #tpu.memory_space<vmem>> -> memref<128x128xf32, #tpu.memory_space<vmem>>
    %dma_start3A_460 = arith.constant 0 : i32
    %dma_start3A_461 = tpu.memref_slice %arg7[%dma_start3A_456, %dma_start3A_460] : memref<4x128xi32, #tpu.memory_space<vmem>> -> memref<1x128xi32, #tpu.memory_space<vmem>>
    %dma_start3A_462 = tpu.memref_squeeze %dma_start3A_461 : memref<1x128xi32, #tpu.memory_space<vmem>> -> memref<128xi32, #tpu.memory_space<vmem>>
    %dma_start3A_463 = arith.constant 0 : i32
    %dma_start3A_464 = arith.constant 0 : i32
    %dma_start3A_465 = tpu.memref_slice %arg4[%dma_start3A_463, %dma_start3A_464] : memref<50048x128xf32, #tpu.memory_space<hbm>> -> memref<50048x128xf32, #tpu.memory_space<hbm>>
    tpu.enqueue_indirect_dma source(%dma_start3A_465 : memref<50048x128xf32, #tpu.memory_space<hbm>>) target(%dma_start3A_459 : memref<128x128xf32, #tpu.memory_space<vmem>>) offsets(%dma_start3A_462 : memref<128xi32, #tpu.memory_space<vmem>>) semaphore(%arg11 : memref<!tpu.dma_semaphore, #tpu.memory_space<semaphore_mem>>)
    %add3A_466 = arith.constant 256 : i32
    %add3A_467 = arith.addi %mul3A_2, %add3A_466 : i32
    %jit3A_468 = arith.constant 2 : i32
    %div3A_469 = arith.divsi %add3A_467, %jit3A_468 : i32
    %sign3A_470 = arith.constant 0 : i32
    %sign3A_471 = arith.cmpi sgt, %add3A_467, %sign3A_470 : i32
    %sign3A_472 = arith.extui %sign3A_471 : i1 to i32
    %sign3A_473 = arith.constant 0 : i32
    %sign3A_474 = arith.cmpi slt, %add3A_467, %sign3A_473 : i32
    %sign3A_475 = arith.extui %sign3A_474 : i1 to i32
    %sign3A_476 = arith.subi %sign3A_472, %sign3A_475 : i32
    %sign3A_477 = arith.constant 0 : i32
    %sign3A_478 = arith.cmpi sgt, %jit3A_468, %sign3A_477 : i32
    %sign3A_479 = arith.extui %sign3A_478 : i1 to i32
    %sign3A_480 = arith.constant 0 : i32
    %sign3A_481 = arith.cmpi slt, %jit3A_468, %sign3A_480 : i32
    %sign3A_482 = arith.extui %sign3A_481 : i1 to i32
    %sign3A_483 = arith.subi %sign3A_479, %sign3A_482 : i32
    %ne3A_484 = arith.cmpi ne, %sign3A_476, %sign3A_483 : i32
    %rem3A_485 = arith.remsi %add3A_467, %jit3A_468 : i32
    %ne3A_486 = arith.constant 0 : i32
    %ne3A_487 = arith.cmpi ne, %rem3A_485, %ne3A_486 : i32
    %and3A_488 = arith.andi %ne3A_484, %ne3A_487 : i1
    %sub3A_489 = arith.constant 1 : i32
    %sub3A_490 = arith.subi %div3A_469, %sub3A_489 : i32
    %select_n3A_491 = arith.select %and3A_488, %sub3A_490, %div3A_469 : i32
    %multiple_of3A_492 = tpu.assume_multiple %select_n3A_491, 64 : i32
    "tpu.region"() ({
      %run_scoped3A = tpu.sem_alloc : memref<!tpu.dma_semaphore, #tpu.memory_space<semaphore_mem>>
      %dma_start3A_523 = arith.constant 0 : i32
      %dma_start3A_524 = tpu.memref_slice %arg2[%multiple_of3A_492, %dma_start3A_523] : memref<8192x128xf32, #tpu.memory_space<hbm>> -> memref<128x128xf32, #tpu.memory_space<hbm>>
      %dma_start3A_525 = arith.constant 0 : i32
      %dma_start3A_526 = tpu.memref_slice %arg2[%multiple_of3A_492, %dma_start3A_525] : memref<8192x128xf32, #tpu.memory_space<hbm>> -> memref<128x128xf32, #tpu.memory_space<hbm>>
      tpu.enqueue_dma source(%dma_start3A_526 : memref<128x128xf32, #tpu.memory_space<hbm>>) target(%arg8 : memref<128x128xf32, #tpu.memory_space<vmem>>) target_semaphore(%run_scoped3A : memref<!tpu.dma_semaphore, #tpu.memory_space<semaphore_mem>>)
      %dma_wait3A_527 = arith.constant 0 : i32
      %dma_wait3A_528 = tpu.memref_slice %arg2[%multiple_of3A_492, %dma_wait3A_527] : memref<8192x128xf32, #tpu.memory_space<hbm>> -> memref<128x128xf32, #tpu.memory_space<hbm>>
      %dma_wait3A_529 = arith.constant 0 : i32
      %dma_wait3A_530 = tpu.memref_slice %arg2[%multiple_of3A_492, %dma_wait3A_529] : memref<8192x128xf32, #tpu.memory_space<hbm>> -> memref<128x128xf32, #tpu.memory_space<hbm>>
      tpu.wait_dma2 semaphore(%run_scoped3A : memref<!tpu.dma_semaphore, #tpu.memory_space<semaphore_mem>>) src(%dma_wait3A_530 : memref<128x128xf32, #tpu.memory_space<hbm>>) dst(%arg8 : memref<128x128xf32, #tpu.memory_space<vmem>>)
      tpu.yield
    }) : () -> ()
    %dma_wait3A_493 = arith.constant 2 : i32
    %dma_wait3A_494 = arith.constant 0 : i32
    %dma_wait3A_495 = arith.constant 0 : i32
    %dma_wait3A_496 = tpu.memref_slice %arg9[%dma_wait3A_494, %dma_wait3A_495] : memref<256x128xf32, #tpu.memory_space<vmem>> -> memref<128x128xf32, #tpu.memory_space<vmem>>
    %dma_wait3A_497 = arith.constant 0 : i32
    %dma_wait3A_498 = tpu.memref_slice %arg7[%dma_wait3A_493, %dma_wait3A_497] : memref<4x128xi32, #tpu.memory_space<vmem>> -> memref<1x128xi32, #tpu.memory_space<vmem>>
    %dma_wait3A_499 = tpu.memref_squeeze %dma_wait3A_498 : memref<1x128xi32, #tpu.memory_space<vmem>> -> memref<128xi32, #tpu.memory_space<vmem>>
    %dma_wait3A_500 = arith.constant 0 : i32
    %dma_wait3A_501 = arith.constant 0 : i32
    %dma_wait3A_502 = tpu.memref_slice %arg4[%dma_wait3A_500, %dma_wait3A_501] : memref<50048x128xf32, #tpu.memory_space<hbm>> -> memref<50048x128xf32, #tpu.memory_space<hbm>>
    tpu.wait_indirect_dma semaphore(%arg11 : memref<!tpu.dma_semaphore, #tpu.memory_space<semaphore_mem>>) src(%dma_wait3A_502 : memref<50048x128xf32, #tpu.memory_space<hbm>>) dst(%dma_wait3A_496 : memref<128x128xf32, #tpu.memory_space<vmem>>)
    %dma_wait3A_503 = arith.constant 3 : i32
    %dma_wait3A_504 = arith.constant 128 : i32
    %dma_wait3A_505 = arith.constant 0 : i32
    %dma_wait3A_506 = tpu.memref_slice %arg9[%dma_wait3A_504, %dma_wait3A_505] : memref<256x128xf32, #tpu.memory_space<vmem>> -> memref<128x128xf32, #tpu.memory_space<vmem>>
    %dma_wait3A_507 = arith.constant 0 : i32
    %dma_wait3A_508 = tpu.memref_slice %arg7[%dma_wait3A_503, %dma_wait3A_507] : memref<4x128xi32, #tpu.memory_space<vmem>> -> memref<1x128xi32, #tpu.memory_space<vmem>>
    %dma_wait3A_509 = tpu.memref_squeeze %dma_wait3A_508 : memref<1x128xi32, #tpu.memory_space<vmem>> -> memref<128xi32, #tpu.memory_space<vmem>>
    %dma_wait3A_510 = arith.constant 0 : i32
    %dma_wait3A_511 = arith.constant 0 : i32
    %dma_wait3A_512 = tpu.memref_slice %arg4[%dma_wait3A_510, %dma_wait3A_511] : memref<50048x128xf32, #tpu.memory_space<hbm>> -> memref<50048x128xf32, #tpu.memory_space<hbm>>
    tpu.wait_indirect_dma semaphore(%arg11 : memref<!tpu.dma_semaphore, #tpu.memory_space<semaphore_mem>>) src(%dma_wait3A_512 : memref<50048x128xf32, #tpu.memory_space<hbm>>) dst(%dma_wait3A_506 : memref<128x128xf32, #tpu.memory_space<vmem>>)
    %scan3A_513 = arith.constant 0 : i32
    %scan3A_514 = arith.constant 16 : i32
    %scan3A_515 = arith.addi %scan3A_513, %scan3A_514 : i32
    %scan3A_516 = arith.constant 1 : i32
    %scan3A_517 = scf.for %scan3A_523 = %scan3A_513 to %scan3A_515 step %scan3A_516 iter_args(%scan3A_524 = %scan3A_252) -> (vector<16xf32>)  : i32 {
      %mul3A_525 = arith.constant 16 : i32
      %mul3A_526 = arith.muli %scan3A_523, %mul3A_525 : i32
      %add3A_527 = arith.constant 256 : i32
      %add3A_528 = arith.addi %add3A_527, %mul3A_526 : i32
      %get3A_529 = arith.index_cast %add3A_528 : i32 to index
      %get3A_530 = tpu.vector_load %arg6[%get3A_529] {strides = array<i32>} : memref<512xi32, #tpu.memory_space<vmem>>, vector<16xi32>,
      %get3A_531 = vector.shape_cast %get3A_530 : vector<16xi32> to vector<16xi32>
      %slice3A = vector.extract_strided_slice %get3A_531 {offsets = [0], sizes = [1], strides = [1]} : vector<16xi32> to vector<1xi32>
      %squeeze3A = vector.extract %slice3A[0] : i32 from vector<1xi32>
      %and3A_532 = arith.constant 1 : i32
      %and3A_533 = arith.andi %squeeze3A, %and3A_532 : i32
      %mul3A_534 = arith.constant 64 : i32
      %mul3A_535 = arith.muli %and3A_533, %mul3A_534 : i32
      %mul3A_536 = arith.constant 8 : i32
      %mul3A_537 = arith.muli %scan3A_523, %mul3A_536 : i32
      %add3A_538 = arith.constant 0 : i32
      %add3A_539 = arith.addi %mul3A_537, %add3A_538 : i32
      %get3A_540 = arith.index_cast %add3A_539 : i32 to index
      %get3A_541 = arith.constant 0 : index
      %get3A_542 = tpu.vector_load %arg8[%get3A_540, %get3A_541] {strides = array<i32>} : memref<128x128xf32, #tpu.memory_space<vmem>>, vector<1x16xf32>,
      %get3A_543 = vector.shape_cast %get3A_542 : vector<1x16xf32> to vector<16xf32>
      %add3A_544 = arith.constant 0 : i32
      %add3A_545 = arith.addi %mul3A_526, %add3A_544 : i32
      %add3A_546 = arith.constant 0 : i32
      %add3A_547 = arith.addi %mul3A_535, %add3A_546 : i32
      %get3A_548 = arith.index_cast %add3A_545 : i32 to index
      %get3A_549 = arith.index_cast %add3A_547 : i32 to index
      %get3A_550 = tpu.vector_load %arg9[%get3A_548, %get3A_549] {strides = array<i32>} : memref<256x128xf32, #tpu.memory_space<vmem>>, vector<1x16xf32>,
      %get3A_551 = vector.shape_cast %get3A_550 : vector<1x16xf32> to vector<16xf32>
      %sub3A_552 = arith.subf %get3A_543, %get3A_551 : vector<16xf32>
      %mul3A_553 = arith.mulf %sub3A_552, %sub3A_552 : vector<16xf32>
      %add3A_554 = arith.addf %scan3A_524, %mul3A_553 : vector<16xf32>
      %mul3A_555 = arith.constant 8 : i32
      %mul3A_556 = arith.muli %scan3A_523, %mul3A_555 : i32
      %add3A_557 = arith.constant 0 : i32
      %add3A_558 = arith.addi %mul3A_556, %add3A_557 : i32
      %get3A_559 = arith.index_cast %add3A_558 : i32 to index
      %get3A_560 = arith.constant 16 : index
      %get3A_561 = tpu.vector_load %arg8[%get3A_559, %get3A_560] {strides = array<i32>} : memref<128x128xf32, #tpu.memory_space<vmem>>, vector<1x16xf32>,
      %get3A_562 = vector.shape_cast %get3A_561 : vector<1x16xf32> to vector<16xf32>
      %add3A_563 = arith.constant 0 : i32
      %add3A_564 = arith.addi %mul3A_526, %add3A_563 : i32
      %add3A_565 = arith.constant 16 : i32
      %add3A_566 = arith.addi %mul3A_535, %add3A_565 : i32
      %get3A_567 = arith.index_cast %add3A_564 : i32 to index
      %get3A_568 = arith.index_cast %add3A_566 : i32 to index
      %get3A_569 = tpu.vector_load %arg9[%get3A_567, %get3A_568] {strides = array<i32>} : memref<256x128xf32, #tpu.memory_space<vmem>>, vector<1x16xf32>,
      %get3A_570 = vector.shape_cast %get3A_569 : vector<1x16xf32> to vector<16xf32>
      %sub3A_571 = arith.subf %get3A_562, %get3A_570 : vector<16xf32>
      %mul3A_572 = arith.mulf %sub3A_571, %sub3A_571 : vector<16xf32>
      %add3A_573 = arith.addf %add3A_554, %mul3A_572 : vector<16xf32>
      %mul3A_574 = arith.constant 8 : i32
      %mul3A_575 = arith.muli %scan3A_523, %mul3A_574 : i32
      %add3A_576 = arith.constant 0 : i32
      %add3A_577 = arith.addi %mul3A_575, %add3A_576 : i32
      %get3A_578 = arith.index_cast %add3A_577 : i32 to index
      %get3A_579 = arith.constant 32 : index
      %get3A_580 = tpu.vector_load %arg8[%get3A_578, %get3A_579] {strides = array<i32>} : memref<128x128xf32, #tpu.memory_space<vmem>>, vector<1x16xf32>,
      %get3A_581 = vector.shape_cast %get3A_580 : vector<1x16xf32> to vector<16xf32>
      %add3A_582 = arith.constant 0 : i32
      %add3A_583 = arith.addi %mul3A_526, %add3A_582 : i32
      %add3A_584 = arith.constant 32 : i32
      %add3A_585 = arith.addi %mul3A_535, %add3A_584 : i32
      %get3A_586 = arith.index_cast %add3A_583 : i32 to index
      %get3A_587 = arith.index_cast %add3A_585 : i32 to index
      %get3A_588 = tpu.vector_load %arg9[%get3A_586, %get3A_587] {strides = array<i32>} : memref<256x128xf32, #tpu.memory_space<vmem>>, vector<1x16xf32>,
      %get3A_589 = vector.shape_cast %get3A_588 : vector<1x16xf32> to vector<16xf32>
      %sub3A_590 = arith.subf %get3A_581, %get3A_589 : vector<16xf32>
      %mul3A_591 = arith.mulf %sub3A_590, %sub3A_590 : vector<16xf32>
      %add3A_592 = arith.addf %add3A_573, %mul3A_591 : vector<16xf32>
      %mul3A_593 = arith.constant 8 : i32
      %mul3A_594 = arith.muli %scan3A_523, %mul3A_593 : i32
      %add3A_595 = arith.constant 0 : i32
      %add3A_596 = arith.addi %mul3A_594, %add3A_595 : i32
      %get3A_597 = arith.index_cast %add3A_596 : i32 to index
      %get3A_598 = arith.constant 48 : index
      %get3A_599 = tpu.vector_load %arg8[%get3A_597, %get3A_598] {strides = array<i32>} : memref<128x128xf32, #tpu.memory_space<vmem>>, vector<1x16xf32>,
      %get3A_600 = vector.shape_cast %get3A_599 : vector<1x16xf32> to vector<16xf32>
      %add3A_601 = arith.constant 0 : i32
      %add3A_602 = arith.addi %mul3A_526, %add3A_601 : i32
      %add3A_603 = arith.constant 48 : i32
      %add3A_604 = arith.addi %mul3A_535, %add3A_603 : i32
      %get3A_605 = arith.index_cast %add3A_602 : i32 to index
      %get3A_606 = arith.index_cast %add3A_604 : i32 to index
      %get3A_607 = tpu.vector_load %arg9[%get3A_605, %get3A_606] {strides = array<i32>} : memref<256x128xf32, #tpu.memory_space<vmem>>, vector<1x16xf32>,
      %get3A_608 = vector.shape_cast %get3A_607 : vector<1x16xf32> to vector<16xf32>
      %sub3A_609 = arith.subf %get3A_600, %get3A_608 : vector<16xf32>
      %mul3A_610 = arith.mulf %sub3A_609, %sub3A_609 : vector<16xf32>
      %add3A_611 = arith.addf %add3A_592, %mul3A_610 : vector<16xf32>
      %slice3A_612 = vector.extract_strided_slice %get3A_531 {offsets = [1], sizes = [1], strides = [1]} : vector<16xi32> to vector<1xi32>
      %squeeze3A_613 = vector.extract %slice3A_612[0] : i32 from vector<1xi32>
      %and3A_614 = arith.constant 1 : i32
      %and3A_615 = arith.andi %squeeze3A_613, %and3A_614 : i32
      %mul3A_616 = arith.constant 64 : i32
      %mul3A_617 = arith.muli %and3A_615, %mul3A_616 : i32
      %mul3A_618 = arith.constant 8 : i32
      %mul3A_619 = arith.muli %scan3A_523, %mul3A_618 : i32
      %add3A_620 = arith.constant 0 : i32
      %add3A_621 = arith.addi %mul3A_619, %add3A_620 : i32
      %get3A_622 = arith.index_cast %add3A_621 : i32 to index
      %get3A_623 = arith.constant 64 : index
      %get3A_624 = tpu.vector_load %arg8[%get3A_622, %get3A_623] {strides = array<i32>} : memref<128x128xf32, #tpu.memory_space<vmem>>, vector<1x16xf32>,
      %get3A_625 = vector.shape_cast %get3A_624 : vector<1x16xf32> to vector<16xf32>
      %add3A_626 = arith.constant 1 : i32
      %add3A_627 = arith.addi %mul3A_526, %add3A_626 : i32
      %add3A_628 = arith.constant 0 : i32
      %add3A_629 = arith.addi %mul3A_617, %add3A_628 : i32
      %get3A_630 = arith.index_cast %add3A_627 : i32 to index
      %get3A_631 = arith.index_cast %add3A_629 : i32 to index
      %get3A_632 = tpu.vector_load %arg9[%get3A_630, %get3A_631] {strides = array<i32>} : memref<256x128xf32, #tpu.memory_space<vmem>>, vector<1x16xf32>,
      %get3A_633 = vector.shape_cast %get3A_632 : vector<1x16xf32> to vector<16xf32>
      %sub3A_634 = arith.subf %get3A_625, %get3A_633 : vector<16xf32>
      %mul3A_635 = arith.mulf %sub3A_634, %sub3A_634 : vector<16xf32>
      %add3A_636 = arith.addf %add3A_611, %mul3A_635 : vector<16xf32>
      %mul3A_637 = arith.constant 8 : i32
      %mul3A_638 = arith.muli %scan3A_523, %mul3A_637 : i32
      %add3A_639 = arith.constant 0 : i32
      %add3A_640 = arith.addi %mul3A_638, %add3A_639 : i32
      %get3A_641 = arith.index_cast %add3A_640 : i32 to index
      %get3A_642 = arith.constant 80 : index
      %get3A_643 = tpu.vector_load %arg8[%get3A_641, %get3A_642] {strides = array<i32>} : memref<128x128xf32, #tpu.memory_space<vmem>>, vector<1x16xf32>,
      %get3A_644 = vector.shape_cast %get3A_643 : vector<1x16xf32> to vector<16xf32>
      %add3A_645 = arith.constant 1 : i32
      %add3A_646 = arith.addi %mul3A_526, %add3A_645 : i32
      %add3A_647 = arith.constant 16 : i32
      %add3A_648 = arith.addi %mul3A_617, %add3A_647 : i32
      %get3A_649 = arith.index_cast %add3A_646 : i32 to index
      %get3A_650 = arith.index_cast %add3A_648 : i32 to index
      %get3A_651 = tpu.vector_load %arg9[%get3A_649, %get3A_650] {strides = array<i32>} : memref<256x128xf32, #tpu.memory_space<vmem>>, vector<1x16xf32>,
      %get3A_652 = vector.shape_cast %get3A_651 : vector<1x16xf32> to vector<16xf32>
      %sub3A_653 = arith.subf %get3A_644, %get3A_652 : vector<16xf32>
      %mul3A_654 = arith.mulf %sub3A_653, %sub3A_653 : vector<16xf32>
      %add3A_655 = arith.addf %add3A_636, %mul3A_654 : vector<16xf32>
      %mul3A_656 = arith.constant 8 : i32
      %mul3A_657 = arith.muli %scan3A_523, %mul3A_656 : i32
      %add3A_658 = arith.constant 0 : i32
      %add3A_659 = arith.addi %mul3A_657, %add3A_658 : i32
      %get3A_660 = arith.index_cast %add3A_659 : i32 to index
      %get3A_661 = arith.constant 96 : index
      %get3A_662 = tpu.vector_load %arg8[%get3A_660, %get3A_661] {strides = array<i32>} : memref<128x128xf32, #tpu.memory_space<vmem>>, vector<1x16xf32>,
      %get3A_663 = vector.shape_cast %get3A_662 : vector<1x16xf32> to vector<16xf32>
      %add3A_664 = arith.constant 1 : i32
      %add3A_665 = arith.addi %mul3A_526, %add3A_664 : i32
      %add3A_666 = arith.constant 32 : i32
      %add3A_667 = arith.addi %mul3A_617, %add3A_666 : i32
      %get3A_668 = arith.index_cast %add3A_665 : i32 to index
      %get3A_669 = arith.index_cast %add3A_667 : i32 to index
      %get3A_670 = tpu.vector_load %arg9[%get3A_668, %get3A_669] {strides = array<i32>} : memref<256x128xf32, #tpu.memory_space<vmem>>, vector<1x16xf32>,
      %get3A_671 = vector.shape_cast %get3A_670 : vector<1x16xf32> to vector<16xf32>
      %sub3A_672 = arith.subf %get3A_663, %get3A_671 : vector<16xf32>
      %mul3A_673 = arith.mulf %sub3A_672, %sub3A_672 : vector<16xf32>
      %add3A_674 = arith.addf %add3A_655, %mul3A_673 : vector<16xf32>
      %mul3A_675 = arith.constant 8 : i32
      %mul3A_676 = arith.muli %scan3A_523, %mul3A_675 : i32
      %add3A_677 = arith.constant 0 : i32
      %add3A_678 = arith.addi %mul3A_676, %add3A_677 : i32
      %get3A_679 = arith.index_cast %add3A_678 : i32 to index
      %get3A_680 = arith.constant 112 : index
      %get3A_681 = tpu.vector_load %arg8[%get3A_679, %get3A_680] {strides = array<i32>} : memref<128x128xf32, #tpu.memory_space<vmem>>, vector<1x16xf32>,
      %get3A_682 = vector.shape_cast %get3A_681 : vector<1x16xf32> to vector<16xf32>
      %add3A_683 = arith.constant 1 : i32
      %add3A_684 = arith.addi %mul3A_526, %add3A_683 : i32
      %add3A_685 = arith.constant 48 : i32
      %add3A_686 = arith.addi %mul3A_617, %add3A_685 : i32
      %get3A_687 = arith.index_cast %add3A_684 : i32 to index
      %get3A_688 = arith.index_cast %add3A_686 : i32 to index
      %get3A_689 = tpu.vector_load %arg9[%get3A_687, %get3A_688] {strides = array<i32>} : memref<256x128xf32, #tpu.memory_space<vmem>>, vector<1x16xf32>,
      %get3A_690 = vector.shape_cast %get3A_689 : vector<1x16xf32> to vector<16xf32>
      %sub3A_691 = arith.subf %get3A_682, %get3A_690 : vector<16xf32>
      %mul3A_692 = arith.mulf %sub3A_691, %sub3A_691 : vector<16xf32>
      %add3A_693 = arith.addf %add3A_674, %mul3A_692 : vector<16xf32>
      %slice3A_694 = vector.extract_strided_slice %get3A_531 {offsets = [2], sizes = [1], strides = [1]} : vector<16xi32> to vector<1xi32>
      %squeeze3A_695 = vector.extract %slice3A_694[0] : i32 from vector<1xi32>
      %and3A_696 = arith.constant 1 : i32
      %and3A_697 = arith.andi %squeeze3A_695, %and3A_696 : i32
      %mul3A_698 = arith.constant 64 : i32
      %mul3A_699 = arith.muli %and3A_697, %mul3A_698 : i32
      %mul3A_700 = arith.constant 8 : i32
      %mul3A_701 = arith.muli %scan3A_523, %mul3A_700 : i32
      %add3A_702 = arith.constant 1 : i32
      %add3A_703 = arith.addi %mul3A_701, %add3A_702 : i32
      %get3A_704 = arith.index_cast %add3A_703 : i32 to index
      %get3A_705 = arith.constant 0 : index
      %get3A_706 = tpu.vector_load %arg8[%get3A_704, %get3A_705] {strides = array<i32>} : memref<128x128xf32, #tpu.memory_space<vmem>>, vector<1x16xf32>,
      %get3A_707 = vector.shape_cast %get3A_706 : vector<1x16xf32> to vector<16xf32>
      %add3A_708 = arith.constant 2 : i32
      %add3A_709 = arith.addi %mul3A_526, %add3A_708 : i32
      %add3A_710 = arith.constant 0 : i32
      %add3A_711 = arith.addi %mul3A_699, %add3A_710 : i32
      %get3A_712 = arith.index_cast %add3A_709 : i32 to index
      %get3A_713 = arith.index_cast %add3A_711 : i32 to index
      %get3A_714 = tpu.vector_load %arg9[%get3A_712, %get3A_713] {strides = array<i32>} : memref<256x128xf32, #tpu.memory_space<vmem>>, vector<1x16xf32>,
      %get3A_715 = vector.shape_cast %get3A_714 : vector<1x16xf32> to vector<16xf32>
      %sub3A_716 = arith.subf %get3A_707, %get3A_715 : vector<16xf32>
      %mul3A_717 = arith.mulf %sub3A_716, %sub3A_716 : vector<16xf32>
      %add3A_718 = arith.addf %add3A_693, %mul3A_717 : vector<16xf32>
      %mul3A_719 = arith.constant 8 : i32
      %mul3A_720 = arith.muli %scan3A_523, %mul3A_719 : i32
      %add3A_721 = arith.constant 1 : i32
      %add3A_722 = arith.addi %mul3A_720, %add3A_721 : i32
      %get3A_723 = arith.index_cast %add3A_722 : i32 to index
      %get3A_724 = arith.constant 16 : index
      %get3A_725 = tpu.vector_load %arg8[%get3A_723, %get3A_724] {strides = array<i32>} : memref<128x128xf32, #tpu.memory_space<vmem>>, vector<1x16xf32>,
      %get3A_726 = vector.shape_cast %get3A_725 : vector<1x16xf32> to vector<16xf32>
      %add3A_727 = arith.constant 2 : i32
      %add3A_728 = arith.addi %mul3A_526, %add3A_727 : i32
      %add3A_729 = arith.constant 16 : i32
      %add3A_730 = arith.addi %mul3A_699, %add3A_729 : i32
      %get3A_731 = arith.index_cast %add3A_728 : i32 to index
      %get3A_732 = arith.index_cast %add3A_730 : i32 to index
      %get3A_733 = tpu.vector_load %arg9[%get3A_731, %get3A_732] {strides = array<i32>} : memref<256x128xf32, #tpu.memory_space<vmem>>, vector<1x16xf32>,
      %get3A_734 = vector.shape_cast %get3A_733 : vector<1x16xf32> to vector<16xf32>
      %sub3A_735 = arith.subf %get3A_726, %get3A_734 : vector<16xf32>
      %mul3A_736 = arith.mulf %sub3A_735, %sub3A_735 : vector<16xf32>
      %add3A_737 = arith.addf %add3A_718, %mul3A_736 : vector<16xf32>
      %mul3A_738 = arith.constant 8 : i32
      %mul3A_739 = arith.muli %scan3A_523, %mul3A_738 : i32
      %add3A_740 = arith.constant 1 : i32
      %add3A_741 = arith.addi %mul3A_739, %add3A_740 : i32
      %get3A_742 = arith.index_cast %add3A_741 : i32 to index
      %get3A_743 = arith.constant 32 : index
      %get3A_744 = tpu.vector_load %arg8[%get3A_742, %get3A_743] {strides = array<i32>} : memref<128x128xf32, #tpu.memory_space<vmem>>, vector<1x16xf32>,
      %get3A_745 = vector.shape_cast %get3A_744 : vector<1x16xf32> to vector<16xf32>
      %add3A_746 = arith.constant 2 : i32
      %add3A_747 = arith.addi %mul3A_526, %add3A_746 : i32
      %add3A_748 = arith.constant 32 : i32
      %add3A_749 = arith.addi %mul3A_699, %add3A_748 : i32
      %get3A_750 = arith.index_cast %add3A_747 : i32 to index
      %get3A_751 = arith.index_cast %add3A_749 : i32 to index
      %get3A_752 = tpu.vector_load %arg9[%get3A_750, %get3A_751] {strides = array<i32>} : memref<256x128xf32, #tpu.memory_space<vmem>>, vector<1x16xf32>,
      %get3A_753 = vector.shape_cast %get3A_752 : vector<1x16xf32> to vector<16xf32>
      %sub3A_754 = arith.subf %get3A_745, %get3A_753 : vector<16xf32>
      %mul3A_755 = arith.mulf %sub3A_754, %sub3A_754 : vector<16xf32>
      %add3A_756 = arith.addf %add3A_737, %mul3A_755 : vector<16xf32>
      %mul3A_757 = arith.constant 8 : i32
      %mul3A_758 = arith.muli %scan3A_523, %mul3A_757 : i32
      %add3A_759 = arith.constant 1 : i32
      %add3A_760 = arith.addi %mul3A_758, %add3A_759 : i32
      %get3A_761 = arith.index_cast %add3A_760 : i32 to index
      %get3A_762 = arith.constant 48 : index
      %get3A_763 = tpu.vector_load %arg8[%get3A_761, %get3A_762] {strides = array<i32>} : memref<128x128xf32, #tpu.memory_space<vmem>>, vector<1x16xf32>,
      %get3A_764 = vector.shape_cast %get3A_763 : vector<1x16xf32> to vector<16xf32>
      %add3A_765 = arith.constant 2 : i32
      %add3A_766 = arith.addi %mul3A_526, %add3A_765 : i32
      %add3A_767 = arith.constant 48 : i32
      %add3A_768 = arith.addi %mul3A_699, %add3A_767 : i32
      %get3A_769 = arith.index_cast %add3A_766 : i32 to index
      %get3A_770 = arith.index_cast %add3A_768 : i32 to index
      %get3A_771 = tpu.vector_load %arg9[%get3A_769, %get3A_770] {strides = array<i32>} : memref<256x128xf32, #tpu.memory_space<vmem>>, vector<1x16xf32>,
      %get3A_772 = vector.shape_cast %get3A_771 : vector<1x16xf32> to vector<16xf32>
      %sub3A_773 = arith.subf %get3A_764, %get3A_772 : vector<16xf32>
      %mul3A_774 = arith.mulf %sub3A_773, %sub3A_773 : vector<16xf32>
      %add3A_775 = arith.addf %add3A_756, %mul3A_774 : vector<16xf32>
      %slice3A_776 = vector.extract_strided_slice %get3A_531 {offsets = [3], sizes = [1], strides = [1]} : vector<16xi32> to vector<1xi32>
      %squeeze3A_777 = vector.extract %slice3A_776[0] : i32 from vector<1xi32>
      %and3A_778 = arith.constant 1 : i32
      %and3A_779 = arith.andi %squeeze3A_777, %and3A_778 : i32
      %mul3A_780 = arith.constant 64 : i32
      %mul3A_781 = arith.muli %and3A_779, %mul3A_780 : i32
      %mul3A_782 = arith.constant 8 : i32
      %mul3A_783 = arith.muli %scan3A_523, %mul3A_782 : i32
      %add3A_784 = arith.constant 1 : i32
      %add3A_785 = arith.addi %mul3A_783, %add3A_784 : i32
      %get3A_786 = arith.index_cast %add3A_785 : i32 to index
      %get3A_787 = arith.constant 64 : index
      %get3A_788 = tpu.vector_load %arg8[%get3A_786, %get3A_787] {strides = array<i32>} : memref<128x128xf32, #tpu.memory_space<vmem>>, vector<1x16xf32>,
      %get3A_789 = vector.shape_cast %get3A_788 : vector<1x16xf32> to vector<16xf32>
      %add3A_790 = arith.constant 3 : i32
      %add3A_791 = arith.addi %mul3A_526, %add3A_790 : i32
      %add3A_792 = arith.constant 0 : i32
      %add3A_793 = arith.addi %mul3A_781, %add3A_792 : i32
      %get3A_794 = arith.index_cast %add3A_791 : i32 to index
      %get3A_795 = arith.index_cast %add3A_793 : i32 to index
      %get3A_796 = tpu.vector_load %arg9[%get3A_794, %get3A_795] {strides = array<i32>} : memref<256x128xf32, #tpu.memory_space<vmem>>, vector<1x16xf32>,
      %get3A_797 = vector.shape_cast %get3A_796 : vector<1x16xf32> to vector<16xf32>
      %sub3A_798 = arith.subf %get3A_789, %get3A_797 : vector<16xf32>
      %mul3A_799 = arith.mulf %sub3A_798, %sub3A_798 : vector<16xf32>
      %add3A_800 = arith.addf %add3A_775, %mul3A_799 : vector<16xf32>
      %mul3A_801 = arith.constant 8 : i32
      %mul3A_802 = arith.muli %scan3A_523, %mul3A_801 : i32
      %add3A_803 = arith.constant 1 : i32
      %add3A_804 = arith.addi %mul3A_802, %add3A_803 : i32
      %get3A_805 = arith.index_cast %add3A_804 : i32 to index
      %get3A_806 = arith.constant 80 : index
      %get3A_807 = tpu.vector_load %arg8[%get3A_805, %get3A_806] {strides = array<i32>} : memref<128x128xf32, #tpu.memory_space<vmem>>, vector<1x16xf32>,
      %get3A_808 = vector.shape_cast %get3A_807 : vector<1x16xf32> to vector<16xf32>
      %add3A_809 = arith.constant 3 : i32
      %add3A_810 = arith.addi %mul3A_526, %add3A_809 : i32
      %add3A_811 = arith.constant 16 : i32
      %add3A_812 = arith.addi %mul3A_781, %add3A_811 : i32
      %get3A_813 = arith.index_cast %add3A_810 : i32 to index
      %get3A_814 = arith.index_cast %add3A_812 : i32 to index
      %get3A_815 = tpu.vector_load %arg9[%get3A_813, %get3A_814] {strides = array<i32>} : memref<256x128xf32, #tpu.memory_space<vmem>>, vector<1x16xf32>,
      %get3A_816 = vector.shape_cast %get3A_815 : vector<1x16xf32> to vector<16xf32>
      %sub3A_817 = arith.subf %get3A_808, %get3A_816 : vector<16xf32>
      %mul3A_818 = arith.mulf %sub3A_817, %sub3A_817 : vector<16xf32>
      %add3A_819 = arith.addf %add3A_800, %mul3A_818 : vector<16xf32>
      %mul3A_820 = arith.constant 8 : i32
      %mul3A_821 = arith.muli %scan3A_523, %mul3A_820 : i32
      %add3A_822 = arith.constant 1 : i32
      %add3A_823 = arith.addi %mul3A_821, %add3A_822 : i32
      %get3A_824 = arith.index_cast %add3A_823 : i32 to index
      %get3A_825 = arith.constant 96 : index
      %get3A_826 = tpu.vector_load %arg8[%get3A_824, %get3A_825] {strides = array<i32>} : memref<128x128xf32, #tpu.memory_space<vmem>>, vector<1x16xf32>,
      %get3A_827 = vector.shape_cast %get3A_826 : vector<1x16xf32> to vector<16xf32>
      %add3A_828 = arith.constant 3 : i32
      %add3A_829 = arith.addi %mul3A_526, %add3A_828 : i32
      %add3A_830 = arith.constant 32 : i32
      %add3A_831 = arith.addi %mul3A_781, %add3A_830 : i32
      %get3A_832 = arith.index_cast %add3A_829 : i32 to index
      %get3A_833 = arith.index_cast %add3A_831 : i32 to index
      %get3A_834 = tpu.vector_load %arg9[%get3A_832, %get3A_833] {strides = array<i32>} : memref<256x128xf32, #tpu.memory_space<vmem>>, vector<1x16xf32>,
      %get3A_835 = vector.shape_cast %get3A_834 : vector<1x16xf32> to vector<16xf32>
      %sub3A_836 = arith.subf %get3A_827, %get3A_835 : vector<16xf32>
      %mul3A_837 = arith.mulf %sub3A_836, %sub3A_836 : vector<16xf32>
      %add3A_838 = arith.addf %add3A_819, %mul3A_837 : vector<16xf32>
      %mul3A_839 = arith.constant 8 : i32
      %mul3A_840 = arith.muli %scan3A_523, %mul3A_839 : i32
      %add3A_841 = arith.constant 1 : i32
      %add3A_842 = arith.addi %mul3A_840, %add3A_841 : i32
      %get3A_843 = arith.index_cast %add3A_842 : i32 to index
      %get3A_844 = arith.constant 112 : index
      %get3A_845 = tpu.vector_load %arg8[%get3A_843, %get3A_844] {strides = array<i32>} : memref<128x128xf32, #tpu.memory_space<vmem>>, vector<1x16xf32>,
      %get3A_846 = vector.shape_cast %get3A_845 : vector<1x16xf32> to vector<16xf32>
      %add3A_847 = arith.constant 3 : i32
      %add3A_848 = arith.addi %mul3A_526, %add3A_847 : i32
      %add3A_849 = arith.constant 48 : i32
      %add3A_850 = arith.addi %mul3A_781, %add3A_849 : i32
      %get3A_851 = arith.index_cast %add3A_848 : i32 to index
      %get3A_852 = arith.index_cast %add3A_850 : i32 to index
      %get3A_853 = tpu.vector_load %arg9[%get3A_851, %get3A_852] {strides = array<i32>} : memref<256x128xf32, #tpu.memory_space<vmem>>, vector<1x16xf32>,
      %get3A_854 = vector.shape_cast %get3A_853 : vector<1x16xf32> to vector<16xf32>
      %sub3A_855 = arith.subf %get3A_846, %get3A_854 : vector<16xf32>
      %mul3A_856 = arith.mulf %sub3A_855, %sub3A_855 : vector<16xf32>
      %add3A_857 = arith.addf %add3A_838, %mul3A_856 : vector<16xf32>
      %slice3A_858 = vector.extract_strided_slice %get3A_531 {offsets = [4], sizes = [1], strides = [1]} : vector<16xi32> to vector<1xi32>
      %squeeze3A_859 = vector.extract %slice3A_858[0] : i32 from vector<1xi32>
      %and3A_860 = arith.constant 1 : i32
      %and3A_861 = arith.andi %squeeze3A_859, %and3A_860 : i32
      %mul3A_862 = arith.constant 64 : i32
      %mul3A_863 = arith.muli %and3A_861, %mul3A_862 : i32
      %mul3A_864 = arith.constant 8 : i32
      %mul3A_865 = arith.muli %scan3A_523, %mul3A_864 : i32
      %add3A_866 = arith.constant 2 : i32
      %add3A_867 = arith.addi %mul3A_865, %add3A_866 : i32
      %get3A_868 = arith.index_cast %add3A_867 : i32 to index
      %get3A_869 = arith.constant 0 : index
      %get3A_870 = tpu.vector_load %arg8[%get3A_868, %get3A_869] {strides = array<i32>} : memref<128x128xf32, #tpu.memory_space<vmem>>, vector<1x16xf32>,
      %get3A_871 = vector.shape_cast %get3A_870 : vector<1x16xf32> to vector<16xf32>
      %add3A_872 = arith.constant 4 : i32
      %add3A_873 = arith.addi %mul3A_526, %add3A_872 : i32
      %add3A_874 = arith.constant 0 : i32
      %add3A_875 = arith.addi %mul3A_863, %add3A_874 : i32
      %get3A_876 = arith.index_cast %add3A_873 : i32 to index
      %get3A_877 = arith.index_cast %add3A_875 : i32 to index
      %get3A_878 = tpu.vector_load %arg9[%get3A_876, %get3A_877] {strides = array<i32>} : memref<256x128xf32, #tpu.memory_space<vmem>>, vector<1x16xf32>,
      %get3A_879 = vector.shape_cast %get3A_878 : vector<1x16xf32> to vector<16xf32>
      %sub3A_880 = arith.subf %get3A_871, %get3A_879 : vector<16xf32>
      %mul3A_881 = arith.mulf %sub3A_880, %sub3A_880 : vector<16xf32>
      %add3A_882 = arith.addf %add3A_857, %mul3A_881 : vector<16xf32>
      %mul3A_883 = arith.constant 8 : i32
      %mul3A_884 = arith.muli %scan3A_523, %mul3A_883 : i32
      %add3A_885 = arith.constant 2 : i32
      %add3A_886 = arith.addi %mul3A_884, %add3A_885 : i32
      %get3A_887 = arith.index_cast %add3A_886 : i32 to index
      %get3A_888 = arith.constant 16 : index
      %get3A_889 = tpu.vector_load %arg8[%get3A_887, %get3A_888] {strides = array<i32>} : memref<128x128xf32, #tpu.memory_space<vmem>>, vector<1x16xf32>,
      %get3A_890 = vector.shape_cast %get3A_889 : vector<1x16xf32> to vector<16xf32>
      %add3A_891 = arith.constant 4 : i32
      %add3A_892 = arith.addi %mul3A_526, %add3A_891 : i32
      %add3A_893 = arith.constant 16 : i32
      %add3A_894 = arith.addi %mul3A_863, %add3A_893 : i32
      %get3A_895 = arith.index_cast %add3A_892 : i32 to index
      %get3A_896 = arith.index_cast %add3A_894 : i32 to index
      %get3A_897 = tpu.vector_load %arg9[%get3A_895, %get3A_896] {strides = array<i32>} : memref<256x128xf32, #tpu.memory_space<vmem>>, vector<1x16xf32>,
      %get3A_898 = vector.shape_cast %get3A_897 : vector<1x16xf32> to vector<16xf32>
      %sub3A_899 = arith.subf %get3A_890, %get3A_898 : vector<16xf32>
      %mul3A_900 = arith.mulf %sub3A_899, %sub3A_899 : vector<16xf32>
      %add3A_901 = arith.addf %add3A_882, %mul3A_900 : vector<16xf32>
      %mul3A_902 = arith.constant 8 : i32
      %mul3A_903 = arith.muli %scan3A_523, %mul3A_902 : i32
      %add3A_904 = arith.constant 2 : i32
      %add3A_905 = arith.addi %mul3A_903, %add3A_904 : i32
      %get3A_906 = arith.index_cast %add3A_905 : i32 to index
      %get3A_907 = arith.constant 32 : index
      %get3A_908 = tpu.vector_load %arg8[%get3A_906, %get3A_907] {strides = array<i32>} : memref<128x128xf32, #tpu.memory_space<vmem>>, vector<1x16xf32>,
      %get3A_909 = vector.shape_cast %get3A_908 : vector<1x16xf32> to vector<16xf32>
      %add3A_910 = arith.constant 4 : i32
      %add3A_911 = arith.addi %mul3A_526, %add3A_910 : i32
      %add3A_912 = arith.constant 32 : i32
      %add3A_913 = arith.addi %mul3A_863, %add3A_912 : i32
      %get3A_914 = arith.index_cast %add3A_911 : i32 to index
      %get3A_915 = arith.index_cast %add3A_913 : i32 to index
      %get3A_916 = tpu.vector_load %arg9[%get3A_914, %get3A_915] {strides = array<i32>} : memref<256x128xf32, #tpu.memory_space<vmem>>, vector<1x16xf32>,
      %get3A_917 = vector.shape_cast %get3A_916 : vector<1x16xf32> to vector<16xf32>
      %sub3A_918 = arith.subf %get3A_909, %get3A_917 : vector<16xf32>
      %mul3A_919 = arith.mulf %sub3A_918, %sub3A_918 : vector<16xf32>
      %add3A_920 = arith.addf %add3A_901, %mul3A_919 : vector<16xf32>
      %mul3A_921 = arith.constant 8 : i32
      %mul3A_922 = arith.muli %scan3A_523, %mul3A_921 : i32
      %add3A_923 = arith.constant 2 : i32
      %add3A_924 = arith.addi %mul3A_922, %add3A_923 : i32
      %get3A_925 = arith.index_cast %add3A_924 : i32 to index
      %get3A_926 = arith.constant 48 : index
      %get3A_927 = tpu.vector_load %arg8[%get3A_925, %get3A_926] {strides = array<i32>} : memref<128x128xf32, #tpu.memory_space<vmem>>, vector<1x16xf32>,
      %get3A_928 = vector.shape_cast %get3A_927 : vector<1x16xf32> to vector<16xf32>
      %add3A_929 = arith.constant 4 : i32
      %add3A_930 = arith.addi %mul3A_526, %add3A_929 : i32
      %add3A_931 = arith.constant 48 : i32
      %add3A_932 = arith.addi %mul3A_863, %add3A_931 : i32
      %get3A_933 = arith.index_cast %add3A_930 : i32 to index
      %get3A_934 = arith.index_cast %add3A_932 : i32 to index
      %get3A_935 = tpu.vector_load %arg9[%get3A_933, %get3A_934] {strides = array<i32>} : memref<256x128xf32, #tpu.memory_space<vmem>>, vector<1x16xf32>,
      %get3A_936 = vector.shape_cast %get3A_935 : vector<1x16xf32> to vector<16xf32>
      %sub3A_937 = arith.subf %get3A_928, %get3A_936 : vector<16xf32>
      %mul3A_938 = arith.mulf %sub3A_937, %sub3A_937 : vector<16xf32>
      %add3A_939 = arith.addf %add3A_920, %mul3A_938 : vector<16xf32>
      %slice3A_940 = vector.extract_strided_slice %get3A_531 {offsets = [5], sizes = [1], strides = [1]} : vector<16xi32> to vector<1xi32>
      %squeeze3A_941 = vector.extract %slice3A_940[0] : i32 from vector<1xi32>
      %and3A_942 = arith.constant 1 : i32
      %and3A_943 = arith.andi %squeeze3A_941, %and3A_942 : i32
      %mul3A_944 = arith.constant 64 : i32
      %mul3A_945 = arith.muli %and3A_943, %mul3A_944 : i32
      %mul3A_946 = arith.constant 8 : i32
      %mul3A_947 = arith.muli %scan3A_523, %mul3A_946 : i32
      %add3A_948 = arith.constant 2 : i32
      %add3A_949 = arith.addi %mul3A_947, %add3A_948 : i32
      %get3A_950 = arith.index_cast %add3A_949 : i32 to index
      %get3A_951 = arith.constant 64 : index
      %get3A_952 = tpu.vector_load %arg8[%get3A_950, %get3A_951] {strides = array<i32>} : memref<128x128xf32, #tpu.memory_space<vmem>>, vector<1x16xf32>,
      %get3A_953 = vector.shape_cast %get3A_952 : vector<1x16xf32> to vector<16xf32>
      %add3A_954 = arith.constant 5 : i32
      %add3A_955 = arith.addi %mul3A_526, %add3A_954 : i32
      %add3A_956 = arith.constant 0 : i32
      %add3A_957 = arith.addi %mul3A_945, %add3A_956 : i32
      %get3A_958 = arith.index_cast %add3A_955 : i32 to index
      %get3A_959 = arith.index_cast %add3A_957 : i32 to index
      %get3A_960 = tpu.vector_load %arg9[%get3A_958, %get3A_959] {strides = array<i32>} : memref<256x128xf32, #tpu.memory_space<vmem>>, vector<1x16xf32>,
      %get3A_961 = vector.shape_cast %get3A_960 : vector<1x16xf32> to vector<16xf32>
      %sub3A_962 = arith.subf %get3A_953, %get3A_961 : vector<16xf32>
      %mul3A_963 = arith.mulf %sub3A_962, %sub3A_962 : vector<16xf32>
      %add3A_964 = arith.addf %add3A_939, %mul3A_963 : vector<16xf32>
      %mul3A_965 = arith.constant 8 : i32
      %mul3A_966 = arith.muli %scan3A_523, %mul3A_965 : i32
      %add3A_967 = arith.constant 2 : i32
      %add3A_968 = arith.addi %mul3A_966, %add3A_967 : i32
      %get3A_969 = arith.index_cast %add3A_968 : i32 to index
      %get3A_970 = arith.constant 80 : index
      %get3A_971 = tpu.vector_load %arg8[%get3A_969, %get3A_970] {strides = array<i32>} : memref<128x128xf32, #tpu.memory_space<vmem>>, vector<1x16xf32>,
      %get3A_972 = vector.shape_cast %get3A_971 : vector<1x16xf32> to vector<16xf32>
      %add3A_973 = arith.constant 5 : i32
      %add3A_974 = arith.addi %mul3A_526, %add3A_973 : i32
      %add3A_975 = arith.constant 16 : i32
      %add3A_976 = arith.addi %mul3A_945, %add3A_975 : i32
      %get3A_977 = arith.index_cast %add3A_974 : i32 to index
      %get3A_978 = arith.index_cast %add3A_976 : i32 to index
      %get3A_979 = tpu.vector_load %arg9[%get3A_977, %get3A_978] {strides = array<i32>} : memref<256x128xf32, #tpu.memory_space<vmem>>, vector<1x16xf32>,
      %get3A_980 = vector.shape_cast %get3A_979 : vector<1x16xf32> to vector<16xf32>
      %sub3A_981 = arith.subf %get3A_972, %get3A_980 : vector<16xf32>
      %mul3A_982 = arith.mulf %sub3A_981, %sub3A_981 : vector<16xf32>
      %add3A_983 = arith.addf %add3A_964, %mul3A_982 : vector<16xf32>
      %mul3A_984 = arith.constant 8 : i32
      %mul3A_985 = arith.muli %scan3A_523, %mul3A_984 : i32
      %add3A_986 = arith.constant 2 : i32
      %add3A_987 = arith.addi %mul3A_985, %add3A_986 : i32
      %get3A_988 = arith.index_cast %add3A_987 : i32 to index
      %get3A_989 = arith.constant 96 : index
      %get3A_990 = tpu.vector_load %arg8[%get3A_988, %get3A_989] {strides = array<i32>} : memref<128x128xf32, #tpu.memory_space<vmem>>, vector<1x16xf32>,
      %get3A_991 = vector.shape_cast %get3A_990 : vector<1x16xf32> to vector<16xf32>
      %add3A_992 = arith.constant 5 : i32
      %add3A_993 = arith.addi %mul3A_526, %add3A_992 : i32
      %add3A_994 = arith.constant 32 : i32
      %add3A_995 = arith.addi %mul3A_945, %add3A_994 : i32
      %get3A_996 = arith.index_cast %add3A_993 : i32 to index
      %get3A_997 = arith.index_cast %add3A_995 : i32 to index
      %get3A_998 = tpu.vector_load %arg9[%get3A_996, %get3A_997] {strides = array<i32>} : memref<256x128xf32, #tpu.memory_space<vmem>>, vector<1x16xf32>,
      %get3A_999 = vector.shape_cast %get3A_998 : vector<1x16xf32> to vector<16xf32>
      %sub3A_1000 = arith.subf %get3A_991, %get3A_999 : vector<16xf32>
      %mul3A_1001 = arith.mulf %sub3A_1000, %sub3A_1000 : vector<16xf32>
      %add3A_1002 = arith.addf %add3A_983, %mul3A_1001 : vector<16xf32>
      %mul3A_1003 = arith.constant 8 : i32
      %mul3A_1004 = arith.muli %scan3A_523, %mul3A_1003 : i32
      %add3A_1005 = arith.constant 2 : i32
      %add3A_1006 = arith.addi %mul3A_1004, %add3A_1005 : i32
      %get3A_1007 = arith.index_cast %add3A_1006 : i32 to index
      %get3A_1008 = arith.constant 112 : index
      %get3A_1009 = tpu.vector_load %arg8[%get3A_1007, %get3A_1008] {strides = array<i32>} : memref<128x128xf32, #tpu.memory_space<vmem>>, vector<1x16xf32>,
      %get3A_1010 = vector.shape_cast %get3A_1009 : vector<1x16xf32> to vector<16xf32>
      %add3A_1011 = arith.constant 5 : i32
      %add3A_1012 = arith.addi %mul3A_526, %add3A_1011 : i32
      %add3A_1013 = arith.constant 48 : i32
      %add3A_1014 = arith.addi %mul3A_945, %add3A_1013 : i32
      %get3A_1015 = arith.index_cast %add3A_1012 : i32 to index
      %get3A_1016 = arith.index_cast %add3A_1014 : i32 to index
      %get3A_1017 = tpu.vector_load %arg9[%get3A_1015, %get3A_1016] {strides = array<i32>} : memref<256x128xf32, #tpu.memory_space<vmem>>, vector<1x16xf32>,
      %get3A_1018 = vector.shape_cast %get3A_1017 : vector<1x16xf32> to vector<16xf32>
      %sub3A_1019 = arith.subf %get3A_1010, %get3A_1018 : vector<16xf32>
      %mul3A_1020 = arith.mulf %sub3A_1019, %sub3A_1019 : vector<16xf32>
      %add3A_1021 = arith.addf %add3A_1002, %mul3A_1020 : vector<16xf32>
      %slice3A_1022 = vector.extract_strided_slice %get3A_531 {offsets = [6], sizes = [1], strides = [1]} : vector<16xi32> to vector<1xi32>
      %squeeze3A_1023 = vector.extract %slice3A_1022[0] : i32 from vector<1xi32>
      %and3A_1024 = arith.constant 1 : i32
      %and3A_1025 = arith.andi %squeeze3A_1023, %and3A_1024 : i32
      %mul3A_1026 = arith.constant 64 : i32
      %mul3A_1027 = arith.muli %and3A_1025, %mul3A_1026 : i32
      %mul3A_1028 = arith.constant 8 : i32
      %mul3A_1029 = arith.muli %scan3A_523, %mul3A_1028 : i32
      %add3A_1030 = arith.constant 3 : i32
      %add3A_1031 = arith.addi %mul3A_1029, %add3A_1030 : i32
      %get3A_1032 = arith.index_cast %add3A_1031 : i32 to index
      %get3A_1033 = arith.constant 0 : index
      %get3A_1034 = tpu.vector_load %arg8[%get3A_1032, %get3A_1033] {strides = array<i32>} : memref<128x128xf32, #tpu.memory_space<vmem>>, vector<1x16xf32>,
      %get3A_1035 = vector.shape_cast %get3A_1034 : vector<1x16xf32> to vector<16xf32>
      %add3A_1036 = arith.constant 6 : i32
      %add3A_1037 = arith.addi %mul3A_526, %add3A_1036 : i32
      %add3A_1038 = arith.constant 0 : i32
      %add3A_1039 = arith.addi %mul3A_1027, %add3A_1038 : i32
      %get3A_1040 = arith.index_cast %add3A_1037 : i32 to index
      %get3A_1041 = arith.index_cast %add3A_1039 : i32 to index
      %get3A_1042 = tpu.vector_load %arg9[%get3A_1040, %get3A_1041] {strides = array<i32>} : memref<256x128xf32, #tpu.memory_space<vmem>>, vector<1x16xf32>,
      %get3A_1043 = vector.shape_cast %get3A_1042 : vector<1x16xf32> to vector<16xf32>
      %sub3A_1044 = arith.subf %get3A_1035, %get3A_1043 : vector<16xf32>
      %mul3A_1045 = arith.mulf %sub3A_1044, %sub3A_1044 : vector<16xf32>
      %add3A_1046 = arith.addf %add3A_1021, %mul3A_1045 : vector<16xf32>
      %mul3A_1047 = arith.constant 8 : i32
      %mul3A_1048 = arith.muli %scan3A_523, %mul3A_1047 : i32
      %add3A_1049 = arith.constant 3 : i32
      %add3A_1050 = arith.addi %mul3A_1048, %add3A_1049 : i32
      %get3A_1051 = arith.index_cast %add3A_1050 : i32 to index
      %get3A_1052 = arith.constant 16 : index
      %get3A_1053 = tpu.vector_load %arg8[%get3A_1051, %get3A_1052] {strides = array<i32>} : memref<128x128xf32, #tpu.memory_space<vmem>>, vector<1x16xf32>,
      %get3A_1054 = vector.shape_cast %get3A_1053 : vector<1x16xf32> to vector<16xf32>
      %add3A_1055 = arith.constant 6 : i32
      %add3A_1056 = arith.addi %mul3A_526, %add3A_1055 : i32
      %add3A_1057 = arith.constant 16 : i32
      %add3A_1058 = arith.addi %mul3A_1027, %add3A_1057 : i32
      %get3A_1059 = arith.index_cast %add3A_1056 : i32 to index
      %get3A_1060 = arith.index_cast %add3A_1058 : i32 to index
      %get3A_1061 = tpu.vector_load %arg9[%get3A_1059, %get3A_1060] {strides = array<i32>} : memref<256x128xf32, #tpu.memory_space<vmem>>, vector<1x16xf32>,
      %get3A_1062 = vector.shape_cast %get3A_1061 : vector<1x16xf32> to vector<16xf32>
      %sub3A_1063 = arith.subf %get3A_1054, %get3A_1062 : vector<16xf32>
      %mul3A_1064 = arith.mulf %sub3A_1063, %sub3A_1063 : vector<16xf32>
      %add3A_1065 = arith.addf %add3A_1046, %mul3A_1064 : vector<16xf32>
      %mul3A_1066 = arith.constant 8 : i32
      %mul3A_1067 = arith.muli %scan3A_523, %mul3A_1066 : i32
      %add3A_1068 = arith.constant 3 : i32
      %add3A_1069 = arith.addi %mul3A_1067, %add3A_1068 : i32
      %get3A_1070 = arith.index_cast %add3A_1069 : i32 to index
      %get3A_1071 = arith.constant 32 : index
      %get3A_1072 = tpu.vector_load %arg8[%get3A_1070, %get3A_1071] {strides = array<i32>} : memref<128x128xf32, #tpu.memory_space<vmem>>, vector<1x16xf32>,
      %get3A_1073 = vector.shape_cast %get3A_1072 : vector<1x16xf32> to vector<16xf32>
      %add3A_1074 = arith.constant 6 : i32
      %add3A_1075 = arith.addi %mul3A_526, %add3A_1074 : i32
      %add3A_1076 = arith.constant 32 : i32
      %add3A_1077 = arith.addi %mul3A_1027, %add3A_1076 : i32
      %get3A_1078 = arith.index_cast %add3A_1075 : i32 to index
      %get3A_1079 = arith.index_cast %add3A_1077 : i32 to index
      %get3A_1080 = tpu.vector_load %arg9[%get3A_1078, %get3A_1079] {strides = array<i32>} : memref<256x128xf32, #tpu.memory_space<vmem>>, vector<1x16xf32>,
      %get3A_1081 = vector.shape_cast %get3A_1080 : vector<1x16xf32> to vector<16xf32>
      %sub3A_1082 = arith.subf %get3A_1073, %get3A_1081 : vector<16xf32>
      %mul3A_1083 = arith.mulf %sub3A_1082, %sub3A_1082 : vector<16xf32>
      %add3A_1084 = arith.addf %add3A_1065, %mul3A_1083 : vector<16xf32>
      %mul3A_1085 = arith.constant 8 : i32
      %mul3A_1086 = arith.muli %scan3A_523, %mul3A_1085 : i32
      %add3A_1087 = arith.constant 3 : i32
      %add3A_1088 = arith.addi %mul3A_1086, %add3A_1087 : i32
      %get3A_1089 = arith.index_cast %add3A_1088 : i32 to index
      %get3A_1090 = arith.constant 48 : index
      %get3A_1091 = tpu.vector_load %arg8[%get3A_1089, %get3A_1090] {strides = array<i32>} : memref<128x128xf32, #tpu.memory_space<vmem>>, vector<1x16xf32>,
      %get3A_1092 = vector.shape_cast %get3A_1091 : vector<1x16xf32> to vector<16xf32>
      %add3A_1093 = arith.constant 6 : i32
      %add3A_1094 = arith.addi %mul3A_526, %add3A_1093 : i32
      %add3A_1095 = arith.constant 48 : i32
      %add3A_1096 = arith.addi %mul3A_1027, %add3A_1095 : i32
      %get3A_1097 = arith.index_cast %add3A_1094 : i32 to index
      %get3A_1098 = arith.index_cast %add3A_1096 : i32 to index
      %get3A_1099 = tpu.vector_load %arg9[%get3A_1097, %get3A_1098] {strides = array<i32>} : memref<256x128xf32, #tpu.memory_space<vmem>>, vector<1x16xf32>,
      %get3A_1100 = vector.shape_cast %get3A_1099 : vector<1x16xf32> to vector<16xf32>
      %sub3A_1101 = arith.subf %get3A_1092, %get3A_1100 : vector<16xf32>
      %mul3A_1102 = arith.mulf %sub3A_1101, %sub3A_1101 : vector<16xf32>
      %add3A_1103 = arith.addf %add3A_1084, %mul3A_1102 : vector<16xf32>
      %slice3A_1104 = vector.extract_strided_slice %get3A_531 {offsets = [7], sizes = [1], strides = [1]} : vector<16xi32> to vector<1xi32>
      %squeeze3A_1105 = vector.extract %slice3A_1104[0] : i32 from vector<1xi32>
      %and3A_1106 = arith.constant 1 : i32
      %and3A_1107 = arith.andi %squeeze3A_1105, %and3A_1106 : i32
      %mul3A_1108 = arith.constant 64 : i32
      %mul3A_1109 = arith.muli %and3A_1107, %mul3A_1108 : i32
      %mul3A_1110 = arith.constant 8 : i32
      %mul3A_1111 = arith.muli %scan3A_523, %mul3A_1110 : i32
      %add3A_1112 = arith.constant 3 : i32
      %add3A_1113 = arith.addi %mul3A_1111, %add3A_1112 : i32
      %get3A_1114 = arith.index_cast %add3A_1113 : i32 to index
      %get3A_1115 = arith.constant 64 : index
      %get3A_1116 = tpu.vector_load %arg8[%get3A_1114, %get3A_1115] {strides = array<i32>} : memref<128x128xf32, #tpu.memory_space<vmem>>, vector<1x16xf32>,
      %get3A_1117 = vector.shape_cast %get3A_1116 : vector<1x16xf32> to vector<16xf32>
      %add3A_1118 = arith.constant 7 : i32
      %add3A_1119 = arith.addi %mul3A_526, %add3A_1118 : i32
      %add3A_1120 = arith.constant 0 : i32
      %add3A_1121 = arith.addi %mul3A_1109, %add3A_1120 : i32
      %get3A_1122 = arith.index_cast %add3A_1119 : i32 to index
      %get3A_1123 = arith.index_cast %add3A_1121 : i32 to index
      %get3A_1124 = tpu.vector_load %arg9[%get3A_1122, %get3A_1123] {strides = array<i32>} : memref<256x128xf32, #tpu.memory_space<vmem>>, vector<1x16xf32>,
      %get3A_1125 = vector.shape_cast %get3A_1124 : vector<1x16xf32> to vector<16xf32>
      %sub3A_1126 = arith.subf %get3A_1117, %get3A_1125 : vector<16xf32>
      %mul3A_1127 = arith.mulf %sub3A_1126, %sub3A_1126 : vector<16xf32>
      %add3A_1128 = arith.addf %add3A_1103, %mul3A_1127 : vector<16xf32>
      %mul3A_1129 = arith.constant 8 : i32
      %mul3A_1130 = arith.muli %scan3A_523, %mul3A_1129 : i32
      %add3A_1131 = arith.constant 3 : i32
      %add3A_1132 = arith.addi %mul3A_1130, %add3A_1131 : i32
      %get3A_1133 = arith.index_cast %add3A_1132 : i32 to index
      %get3A_1134 = arith.constant 80 : index
      %get3A_1135 = tpu.vector_load %arg8[%get3A_1133, %get3A_1134] {strides = array<i32>} : memref<128x128xf32, #tpu.memory_space<vmem>>, vector<1x16xf32>,
      %get3A_1136 = vector.shape_cast %get3A_1135 : vector<1x16xf32> to vector<16xf32>
      %add3A_1137 = arith.constant 7 : i32
      %add3A_1138 = arith.addi %mul3A_526, %add3A_1137 : i32
      %add3A_1139 = arith.constant 16 : i32
      %add3A_1140 = arith.addi %mul3A_1109, %add3A_1139 : i32
      %get3A_1141 = arith.index_cast %add3A_1138 : i32 to index
      %get3A_1142 = arith.index_cast %add3A_1140 : i32 to index
      %get3A_1143 = tpu.vector_load %arg9[%get3A_1141, %get3A_1142] {strides = array<i32>} : memref<256x128xf32, #tpu.memory_space<vmem>>, vector<1x16xf32>,
      %get3A_1144 = vector.shape_cast %get3A_1143 : vector<1x16xf32> to vector<16xf32>
      %sub3A_1145 = arith.subf %get3A_1136, %get3A_1144 : vector<16xf32>
      %mul3A_1146 = arith.mulf %sub3A_1145, %sub3A_1145 : vector<16xf32>
      %add3A_1147 = arith.addf %add3A_1128, %mul3A_1146 : vector<16xf32>
      %mul3A_1148 = arith.constant 8 : i32
      %mul3A_1149 = arith.muli %scan3A_523, %mul3A_1148 : i32
      %add3A_1150 = arith.constant 3 : i32
      %add3A_1151 = arith.addi %mul3A_1149, %add3A_1150 : i32
      %get3A_1152 = arith.index_cast %add3A_1151 : i32 to index
      %get3A_1153 = arith.constant 96 : index
      %get3A_1154 = tpu.vector_load %arg8[%get3A_1152, %get3A_1153] {strides = array<i32>} : memref<128x128xf32, #tpu.memory_space<vmem>>, vector<1x16xf32>,
      %get3A_1155 = vector.shape_cast %get3A_1154 : vector<1x16xf32> to vector<16xf32>
      %add3A_1156 = arith.constant 7 : i32
      %add3A_1157 = arith.addi %mul3A_526, %add3A_1156 : i32
      %add3A_1158 = arith.constant 32 : i32
      %add3A_1159 = arith.addi %mul3A_1109, %add3A_1158 : i32
      %get3A_1160 = arith.index_cast %add3A_1157 : i32 to index
      %get3A_1161 = arith.index_cast %add3A_1159 : i32 to index
      %get3A_1162 = tpu.vector_load %arg9[%get3A_1160, %get3A_1161] {strides = array<i32>} : memref<256x128xf32, #tpu.memory_space<vmem>>, vector<1x16xf32>,
      %get3A_1163 = vector.shape_cast %get3A_1162 : vector<1x16xf32> to vector<16xf32>
      %sub3A_1164 = arith.subf %get3A_1155, %get3A_1163 : vector<16xf32>
      %mul3A_1165 = arith.mulf %sub3A_1164, %sub3A_1164 : vector<16xf32>
      %add3A_1166 = arith.addf %add3A_1147, %mul3A_1165 : vector<16xf32>
      %mul3A_1167 = arith.constant 8 : i32
      %mul3A_1168 = arith.muli %scan3A_523, %mul3A_1167 : i32
      %add3A_1169 = arith.constant 3 : i32
      %add3A_1170 = arith.addi %mul3A_1168, %add3A_1169 : i32
      %get3A_1171 = arith.index_cast %add3A_1170 : i32 to index
      %get3A_1172 = arith.constant 112 : index
      %get3A_1173 = tpu.vector_load %arg8[%get3A_1171, %get3A_1172] {strides = array<i32>} : memref<128x128xf32, #tpu.memory_space<vmem>>, vector<1x16xf32>,
      %get3A_1174 = vector.shape_cast %get3A_1173 : vector<1x16xf32> to vector<16xf32>
      %add3A_1175 = arith.constant 7 : i32
      %add3A_1176 = arith.addi %mul3A_526, %add3A_1175 : i32
      %add3A_1177 = arith.constant 48 : i32
      %add3A_1178 = arith.addi %mul3A_1109, %add3A_1177 : i32
      %get3A_1179 = arith.index_cast %add3A_1176 : i32 to index
      %get3A_1180 = arith.index_cast %add3A_1178 : i32 to index
      %get3A_1181 = tpu.vector_load %arg9[%get3A_1179, %get3A_1180] {strides = array<i32>} : memref<256x128xf32, #tpu.memory_space<vmem>>, vector<1x16xf32>,
      %get3A_1182 = vector.shape_cast %get3A_1181 : vector<1x16xf32> to vector<16xf32>
      %sub3A_1183 = arith.subf %get3A_1174, %get3A_1182 : vector<16xf32>
      %mul3A_1184 = arith.mulf %sub3A_1183, %sub3A_1183 : vector<16xf32>
      %add3A_1185 = arith.addf %add3A_1166, %mul3A_1184 : vector<16xf32>
      %slice3A_1186 = vector.extract_strided_slice %get3A_531 {offsets = [8], sizes = [1], strides = [1]} : vector<16xi32> to vector<1xi32>
      %squeeze3A_1187 = vector.extract %slice3A_1186[0] : i32 from vector<1xi32>
      %and3A_1188 = arith.constant 1 : i32
      %and3A_1189 = arith.andi %squeeze3A_1187, %and3A_1188 : i32
      %mul3A_1190 = arith.constant 64 : i32
      %mul3A_1191 = arith.muli %and3A_1189, %mul3A_1190 : i32
      %mul3A_1192 = arith.constant 8 : i32
      %mul3A_1193 = arith.muli %scan3A_523, %mul3A_1192 : i32
      %add3A_1194 = arith.constant 4 : i32
      %add3A_1195 = arith.addi %mul3A_1193, %add3A_1194 : i32
      %get3A_1196 = arith.index_cast %add3A_1195 : i32 to index
      %get3A_1197 = arith.constant 0 : index
      %get3A_1198 = tpu.vector_load %arg8[%get3A_1196, %get3A_1197] {strides = array<i32>} : memref<128x128xf32, #tpu.memory_space<vmem>>, vector<1x16xf32>,
      %get3A_1199 = vector.shape_cast %get3A_1198 : vector<1x16xf32> to vector<16xf32>
      %add3A_1200 = arith.constant 8 : i32
      %add3A_1201 = arith.addi %mul3A_526, %add3A_1200 : i32
      %add3A_1202 = arith.constant 0 : i32
      %add3A_1203 = arith.addi %mul3A_1191, %add3A_1202 : i32
      %get3A_1204 = arith.index_cast %add3A_1201 : i32 to index
      %get3A_1205 = arith.index_cast %add3A_1203 : i32 to index
      %get3A_1206 = tpu.vector_load %arg9[%get3A_1204, %get3A_1205] {strides = array<i32>} : memref<256x128xf32, #tpu.memory_space<vmem>>, vector<1x16xf32>,
      %get3A_1207 = vector.shape_cast %get3A_1206 : vector<1x16xf32> to vector<16xf32>
      %sub3A_1208 = arith.subf %get3A_1199, %get3A_1207 : vector<16xf32>
      %mul3A_1209 = arith.mulf %sub3A_1208, %sub3A_1208 : vector<16xf32>
      %add3A_1210 = arith.addf %add3A_1185, %mul3A_1209 : vector<16xf32>
      %mul3A_1211 = arith.constant 8 : i32
      %mul3A_1212 = arith.muli %scan3A_523, %mul3A_1211 : i32
      %add3A_1213 = arith.constant 4 : i32
      %add3A_1214 = arith.addi %mul3A_1212, %add3A_1213 : i32
      %get3A_1215 = arith.index_cast %add3A_1214 : i32 to index
      %get3A_1216 = arith.constant 16 : index
      %get3A_1217 = tpu.vector_load %arg8[%get3A_1215, %get3A_1216] {strides = array<i32>} : memref<128x128xf32, #tpu.memory_space<vmem>>, vector<1x16xf32>,
      %get3A_1218 = vector.shape_cast %get3A_1217 : vector<1x16xf32> to vector<16xf32>
      %add3A_1219 = arith.constant 8 : i32
      %add3A_1220 = arith.addi %mul3A_526, %add3A_1219 : i32
      %add3A_1221 = arith.constant 16 : i32
      %add3A_1222 = arith.addi %mul3A_1191, %add3A_1221 : i32
      %get3A_1223 = arith.index_cast %add3A_1220 : i32 to index
      %get3A_1224 = arith.index_cast %add3A_1222 : i32 to index
      %get3A_1225 = tpu.vector_load %arg9[%get3A_1223, %get3A_1224] {strides = array<i32>} : memref<256x128xf32, #tpu.memory_space<vmem>>, vector<1x16xf32>,
      %get3A_1226 = vector.shape_cast %get3A_1225 : vector<1x16xf32> to vector<16xf32>
      %sub3A_1227 = arith.subf %get3A_1218, %get3A_1226 : vector<16xf32>
      %mul3A_1228 = arith.mulf %sub3A_1227, %sub3A_1227 : vector<16xf32>
      %add3A_1229 = arith.addf %add3A_1210, %mul3A_1228 : vector<16xf32>
      %mul3A_1230 = arith.constant 8 : i32
      %mul3A_1231 = arith.muli %scan3A_523, %mul3A_1230 : i32
      %add3A_1232 = arith.constant 4 : i32
      %add3A_1233 = arith.addi %mul3A_1231, %add3A_1232 : i32
      %get3A_1234 = arith.index_cast %add3A_1233 : i32 to index
      %get3A_1235 = arith.constant 32 : index
      %get3A_1236 = tpu.vector_load %arg8[%get3A_1234, %get3A_1235] {strides = array<i32>} : memref<128x128xf32, #tpu.memory_space<vmem>>, vector<1x16xf32>,
      %get3A_1237 = vector.shape_cast %get3A_1236 : vector<1x16xf32> to vector<16xf32>
      %add3A_1238 = arith.constant 8 : i32
      %add3A_1239 = arith.addi %mul3A_526, %add3A_1238 : i32
      %add3A_1240 = arith.constant 32 : i32
      %add3A_1241 = arith.addi %mul3A_1191, %add3A_1240 : i32
      %get3A_1242 = arith.index_cast %add3A_1239 : i32 to index
      %get3A_1243 = arith.index_cast %add3A_1241 : i32 to index
      %get3A_1244 = tpu.vector_load %arg9[%get3A_1242, %get3A_1243] {strides = array<i32>} : memref<256x128xf32, #tpu.memory_space<vmem>>, vector<1x16xf32>,
      %get3A_1245 = vector.shape_cast %get3A_1244 : vector<1x16xf32> to vector<16xf32>
      %sub3A_1246 = arith.subf %get3A_1237, %get3A_1245 : vector<16xf32>
      %mul3A_1247 = arith.mulf %sub3A_1246, %sub3A_1246 : vector<16xf32>
      %add3A_1248 = arith.addf %add3A_1229, %mul3A_1247 : vector<16xf32>
      %mul3A_1249 = arith.constant 8 : i32
      %mul3A_1250 = arith.muli %scan3A_523, %mul3A_1249 : i32
      %add3A_1251 = arith.constant 4 : i32
      %add3A_1252 = arith.addi %mul3A_1250, %add3A_1251 : i32
      %get3A_1253 = arith.index_cast %add3A_1252 : i32 to index
      %get3A_1254 = arith.constant 48 : index
      %get3A_1255 = tpu.vector_load %arg8[%get3A_1253, %get3A_1254] {strides = array<i32>} : memref<128x128xf32, #tpu.memory_space<vmem>>, vector<1x16xf32>,
      %get3A_1256 = vector.shape_cast %get3A_1255 : vector<1x16xf32> to vector<16xf32>
      %add3A_1257 = arith.constant 8 : i32
      %add3A_1258 = arith.addi %mul3A_526, %add3A_1257 : i32
      %add3A_1259 = arith.constant 48 : i32
      %add3A_1260 = arith.addi %mul3A_1191, %add3A_1259 : i32
      %get3A_1261 = arith.index_cast %add3A_1258 : i32 to index
      %get3A_1262 = arith.index_cast %add3A_1260 : i32 to index
      %get3A_1263 = tpu.vector_load %arg9[%get3A_1261, %get3A_1262] {strides = array<i32>} : memref<256x128xf32, #tpu.memory_space<vmem>>, vector<1x16xf32>,
      %get3A_1264 = vector.shape_cast %get3A_1263 : vector<1x16xf32> to vector<16xf32>
      %sub3A_1265 = arith.subf %get3A_1256, %get3A_1264 : vector<16xf32>
      %mul3A_1266 = arith.mulf %sub3A_1265, %sub3A_1265 : vector<16xf32>
      %add3A_1267 = arith.addf %add3A_1248, %mul3A_1266 : vector<16xf32>
      %slice3A_1268 = vector.extract_strided_slice %get3A_531 {offsets = [9], sizes = [1], strides = [1]} : vector<16xi32> to vector<1xi32>
      %squeeze3A_1269 = vector.extract %slice3A_1268[0] : i32 from vector<1xi32>
      %and3A_1270 = arith.constant 1 : i32
      %and3A_1271 = arith.andi %squeeze3A_1269, %and3A_1270 : i32
      %mul3A_1272 = arith.constant 64 : i32
      %mul3A_1273 = arith.muli %and3A_1271, %mul3A_1272 : i32
      %mul3A_1274 = arith.constant 8 : i32
      %mul3A_1275 = arith.muli %scan3A_523, %mul3A_1274 : i32
      %add3A_1276 = arith.constant 4 : i32
      %add3A_1277 = arith.addi %mul3A_1275, %add3A_1276 : i32
      %get3A_1278 = arith.index_cast %add3A_1277 : i32 to index
      %get3A_1279 = arith.constant 64 : index
      %get3A_1280 = tpu.vector_load %arg8[%get3A_1278, %get3A_1279] {strides = array<i32>} : memref<128x128xf32, #tpu.memory_space<vmem>>, vector<1x16xf32>,
      %get3A_1281 = vector.shape_cast %get3A_1280 : vector<1x16xf32> to vector<16xf32>
      %add3A_1282 = arith.constant 9 : i32
      %add3A_1283 = arith.addi %mul3A_526, %add3A_1282 : i32
      %add3A_1284 = arith.constant 0 : i32
      %add3A_1285 = arith.addi %mul3A_1273, %add3A_1284 : i32
      %get3A_1286 = arith.index_cast %add3A_1283 : i32 to index
      %get3A_1287 = arith.index_cast %add3A_1285 : i32 to index
      %get3A_1288 = tpu.vector_load %arg9[%get3A_1286, %get3A_1287] {strides = array<i32>} : memref<256x128xf32, #tpu.memory_space<vmem>>, vector<1x16xf32>,
      %get3A_1289 = vector.shape_cast %get3A_1288 : vector<1x16xf32> to vector<16xf32>
      %sub3A_1290 = arith.subf %get3A_1281, %get3A_1289 : vector<16xf32>
      %mul3A_1291 = arith.mulf %sub3A_1290, %sub3A_1290 : vector<16xf32>
      %add3A_1292 = arith.addf %add3A_1267, %mul3A_1291 : vector<16xf32>
      %mul3A_1293 = arith.constant 8 : i32
      %mul3A_1294 = arith.muli %scan3A_523, %mul3A_1293 : i32
      %add3A_1295 = arith.constant 4 : i32
      %add3A_1296 = arith.addi %mul3A_1294, %add3A_1295 : i32
      %get3A_1297 = arith.index_cast %add3A_1296 : i32 to index
      %get3A_1298 = arith.constant 80 : index
      %get3A_1299 = tpu.vector_load %arg8[%get3A_1297, %get3A_1298] {strides = array<i32>} : memref<128x128xf32, #tpu.memory_space<vmem>>, vector<1x16xf32>,
      %get3A_1300 = vector.shape_cast %get3A_1299 : vector<1x16xf32> to vector<16xf32>
      %add3A_1301 = arith.constant 9 : i32
      %add3A_1302 = arith.addi %mul3A_526, %add3A_1301 : i32
      %add3A_1303 = arith.constant 16 : i32
      %add3A_1304 = arith.addi %mul3A_1273, %add3A_1303 : i32
      %get3A_1305 = arith.index_cast %add3A_1302 : i32 to index
      %get3A_1306 = arith.index_cast %add3A_1304 : i32 to index
      %get3A_1307 = tpu.vector_load %arg9[%get3A_1305, %get3A_1306] {strides = array<i32>} : memref<256x128xf32, #tpu.memory_space<vmem>>, vector<1x16xf32>,
      %get3A_1308 = vector.shape_cast %get3A_1307 : vector<1x16xf32> to vector<16xf32>
      %sub3A_1309 = arith.subf %get3A_1300, %get3A_1308 : vector<16xf32>
      %mul3A_1310 = arith.mulf %sub3A_1309, %sub3A_1309 : vector<16xf32>
      %add3A_1311 = arith.addf %add3A_1292, %mul3A_1310 : vector<16xf32>
      %mul3A_1312 = arith.constant 8 : i32
      %mul3A_1313 = arith.muli %scan3A_523, %mul3A_1312 : i32
      %add3A_1314 = arith.constant 4 : i32
      %add3A_1315 = arith.addi %mul3A_1313, %add3A_1314 : i32
      %get3A_1316 = arith.index_cast %add3A_1315 : i32 to index
      %get3A_1317 = arith.constant 96 : index
      %get3A_1318 = tpu.vector_load %arg8[%get3A_1316, %get3A_1317] {strides = array<i32>} : memref<128x128xf32, #tpu.memory_space<vmem>>, vector<1x16xf32>,
      %get3A_1319 = vector.shape_cast %get3A_1318 : vector<1x16xf32> to vector<16xf32>
      %add3A_1320 = arith.constant 9 : i32
      %add3A_1321 = arith.addi %mul3A_526, %add3A_1320 : i32
      %add3A_1322 = arith.constant 32 : i32
      %add3A_1323 = arith.addi %mul3A_1273, %add3A_1322 : i32
      %get3A_1324 = arith.index_cast %add3A_1321 : i32 to index
      %get3A_1325 = arith.index_cast %add3A_1323 : i32 to index
      %get3A_1326 = tpu.vector_load %arg9[%get3A_1324, %get3A_1325] {strides = array<i32>} : memref<256x128xf32, #tpu.memory_space<vmem>>, vector<1x16xf32>,
      %get3A_1327 = vector.shape_cast %get3A_1326 : vector<1x16xf32> to vector<16xf32>
      %sub3A_1328 = arith.subf %get3A_1319, %get3A_1327 : vector<16xf32>
      %mul3A_1329 = arith.mulf %sub3A_1328, %sub3A_1328 : vector<16xf32>
      %add3A_1330 = arith.addf %add3A_1311, %mul3A_1329 : vector<16xf32>
      %mul3A_1331 = arith.constant 8 : i32
      %mul3A_1332 = arith.muli %scan3A_523, %mul3A_1331 : i32
      %add3A_1333 = arith.constant 4 : i32
      %add3A_1334 = arith.addi %mul3A_1332, %add3A_1333 : i32
      %get3A_1335 = arith.index_cast %add3A_1334 : i32 to index
      %get3A_1336 = arith.constant 112 : index
      %get3A_1337 = tpu.vector_load %arg8[%get3A_1335, %get3A_1336] {strides = array<i32>} : memref<128x128xf32, #tpu.memory_space<vmem>>, vector<1x16xf32>,
      %get3A_1338 = vector.shape_cast %get3A_1337 : vector<1x16xf32> to vector<16xf32>
      %add3A_1339 = arith.constant 9 : i32
      %add3A_1340 = arith.addi %mul3A_526, %add3A_1339 : i32
      %add3A_1341 = arith.constant 48 : i32
      %add3A_1342 = arith.addi %mul3A_1273, %add3A_1341 : i32
      %get3A_1343 = arith.index_cast %add3A_1340 : i32 to index
      %get3A_1344 = arith.index_cast %add3A_1342 : i32 to index
      %get3A_1345 = tpu.vector_load %arg9[%get3A_1343, %get3A_1344] {strides = array<i32>} : memref<256x128xf32, #tpu.memory_space<vmem>>, vector<1x16xf32>,
      %get3A_1346 = vector.shape_cast %get3A_1345 : vector<1x16xf32> to vector<16xf32>
      %sub3A_1347 = arith.subf %get3A_1338, %get3A_1346 : vector<16xf32>
      %mul3A_1348 = arith.mulf %sub3A_1347, %sub3A_1347 : vector<16xf32>
      %add3A_1349 = arith.addf %add3A_1330, %mul3A_1348 : vector<16xf32>
      %slice3A_1350 = vector.extract_strided_slice %get3A_531 {offsets = [10], sizes = [1], strides = [1]} : vector<16xi32> to vector<1xi32>
      %squeeze3A_1351 = vector.extract %slice3A_1350[0] : i32 from vector<1xi32>
      %and3A_1352 = arith.constant 1 : i32
      %and3A_1353 = arith.andi %squeeze3A_1351, %and3A_1352 : i32
      %mul3A_1354 = arith.constant 64 : i32
      %mul3A_1355 = arith.muli %and3A_1353, %mul3A_1354 : i32
      %mul3A_1356 = arith.constant 8 : i32
      %mul3A_1357 = arith.muli %scan3A_523, %mul3A_1356 : i32
      %add3A_1358 = arith.constant 5 : i32
      %add3A_1359 = arith.addi %mul3A_1357, %add3A_1358 : i32
      %get3A_1360 = arith.index_cast %add3A_1359 : i32 to index
      %get3A_1361 = arith.constant 0 : index
      %get3A_1362 = tpu.vector_load %arg8[%get3A_1360, %get3A_1361] {strides = array<i32>} : memref<128x128xf32, #tpu.memory_space<vmem>>, vector<1x16xf32>,
      %get3A_1363 = vector.shape_cast %get3A_1362 : vector<1x16xf32> to vector<16xf32>
      %add3A_1364 = arith.constant 10 : i32
      %add3A_1365 = arith.addi %mul3A_526, %add3A_1364 : i32
      %add3A_1366 = arith.constant 0 : i32
      %add3A_1367 = arith.addi %mul3A_1355, %add3A_1366 : i32
      %get3A_1368 = arith.index_cast %add3A_1365 : i32 to index
      %get3A_1369 = arith.index_cast %add3A_1367 : i32 to index
      %get3A_1370 = tpu.vector_load %arg9[%get3A_1368, %get3A_1369] {strides = array<i32>} : memref<256x128xf32, #tpu.memory_space<vmem>>, vector<1x16xf32>,
      %get3A_1371 = vector.shape_cast %get3A_1370 : vector<1x16xf32> to vector<16xf32>
      %sub3A_1372 = arith.subf %get3A_1363, %get3A_1371 : vector<16xf32>
      %mul3A_1373 = arith.mulf %sub3A_1372, %sub3A_1372 : vector<16xf32>
      %add3A_1374 = arith.addf %add3A_1349, %mul3A_1373 : vector<16xf32>
      %mul3A_1375 = arith.constant 8 : i32
      %mul3A_1376 = arith.muli %scan3A_523, %mul3A_1375 : i32
      %add3A_1377 = arith.constant 5 : i32
      %add3A_1378 = arith.addi %mul3A_1376, %add3A_1377 : i32
      %get3A_1379 = arith.index_cast %add3A_1378 : i32 to index
      %get3A_1380 = arith.constant 16 : index
      %get3A_1381 = tpu.vector_load %arg8[%get3A_1379, %get3A_1380] {strides = array<i32>} : memref<128x128xf32, #tpu.memory_space<vmem>>, vector<1x16xf32>,
      %get3A_1382 = vector.shape_cast %get3A_1381 : vector<1x16xf32> to vector<16xf32>
      %add3A_1383 = arith.constant 10 : i32
      %add3A_1384 = arith.addi %mul3A_526, %add3A_1383 : i32
      %add3A_1385 = arith.constant 16 : i32
      %add3A_1386 = arith.addi %mul3A_1355, %add3A_1385 : i32
      %get3A_1387 = arith.index_cast %add3A_1384 : i32 to index
      %get3A_1388 = arith.index_cast %add3A_1386 : i32 to index
      %get3A_1389 = tpu.vector_load %arg9[%get3A_1387, %get3A_1388] {strides = array<i32>} : memref<256x128xf32, #tpu.memory_space<vmem>>, vector<1x16xf32>,
      %get3A_1390 = vector.shape_cast %get3A_1389 : vector<1x16xf32> to vector<16xf32>
      %sub3A_1391 = arith.subf %get3A_1382, %get3A_1390 : vector<16xf32>
      %mul3A_1392 = arith.mulf %sub3A_1391, %sub3A_1391 : vector<16xf32>
      %add3A_1393 = arith.addf %add3A_1374, %mul3A_1392 : vector<16xf32>
      %mul3A_1394 = arith.constant 8 : i32
      %mul3A_1395 = arith.muli %scan3A_523, %mul3A_1394 : i32
      %add3A_1396 = arith.constant 5 : i32
      %add3A_1397 = arith.addi %mul3A_1395, %add3A_1396 : i32
      %get3A_1398 = arith.index_cast %add3A_1397 : i32 to index
      %get3A_1399 = arith.constant 32 : index
      %get3A_1400 = tpu.vector_load %arg8[%get3A_1398, %get3A_1399] {strides = array<i32>} : memref<128x128xf32, #tpu.memory_space<vmem>>, vector<1x16xf32>,
      %get3A_1401 = vector.shape_cast %get3A_1400 : vector<1x16xf32> to vector<16xf32>
      %add3A_1402 = arith.constant 10 : i32
      %add3A_1403 = arith.addi %mul3A_526, %add3A_1402 : i32
      %add3A_1404 = arith.constant 32 : i32
      %add3A_1405 = arith.addi %mul3A_1355, %add3A_1404 : i32
      %get3A_1406 = arith.index_cast %add3A_1403 : i32 to index
      %get3A_1407 = arith.index_cast %add3A_1405 : i32 to index
      %get3A_1408 = tpu.vector_load %arg9[%get3A_1406, %get3A_1407] {strides = array<i32>} : memref<256x128xf32, #tpu.memory_space<vmem>>, vector<1x16xf32>,
      %get3A_1409 = vector.shape_cast %get3A_1408 : vector<1x16xf32> to vector<16xf32>
      %sub3A_1410 = arith.subf %get3A_1401, %get3A_1409 : vector<16xf32>
      %mul3A_1411 = arith.mulf %sub3A_1410, %sub3A_1410 : vector<16xf32>
      %add3A_1412 = arith.addf %add3A_1393, %mul3A_1411 : vector<16xf32>
      %mul3A_1413 = arith.constant 8 : i32
      %mul3A_1414 = arith.muli %scan3A_523, %mul3A_1413 : i32
      %add3A_1415 = arith.constant 5 : i32
      %add3A_1416 = arith.addi %mul3A_1414, %add3A_1415 : i32
      %get3A_1417 = arith.index_cast %add3A_1416 : i32 to index
      %get3A_1418 = arith.constant 48 : index
      %get3A_1419 = tpu.vector_load %arg8[%get3A_1417, %get3A_1418] {strides = array<i32>} : memref<128x128xf32, #tpu.memory_space<vmem>>, vector<1x16xf32>,
      %get3A_1420 = vector.shape_cast %get3A_1419 : vector<1x16xf32> to vector<16xf32>
      %add3A_1421 = arith.constant 10 : i32
      %add3A_1422 = arith.addi %mul3A_526, %add3A_1421 : i32
      %add3A_1423 = arith.constant 48 : i32
      %add3A_1424 = arith.addi %mul3A_1355, %add3A_1423 : i32
      %get3A_1425 = arith.index_cast %add3A_1422 : i32 to index
      %get3A_1426 = arith.index_cast %add3A_1424 : i32 to index
      %get3A_1427 = tpu.vector_load %arg9[%get3A_1425, %get3A_1426] {strides = array<i32>} : memref<256x128xf32, #tpu.memory_space<vmem>>, vector<1x16xf32>,
      %get3A_1428 = vector.shape_cast %get3A_1427 : vector<1x16xf32> to vector<16xf32>
      %sub3A_1429 = arith.subf %get3A_1420, %get3A_1428 : vector<16xf32>
      %mul3A_1430 = arith.mulf %sub3A_1429, %sub3A_1429 : vector<16xf32>
      %add3A_1431 = arith.addf %add3A_1412, %mul3A_1430 : vector<16xf32>
      %slice3A_1432 = vector.extract_strided_slice %get3A_531 {offsets = [11], sizes = [1], strides = [1]} : vector<16xi32> to vector<1xi32>
      %squeeze3A_1433 = vector.extract %slice3A_1432[0] : i32 from vector<1xi32>
      %and3A_1434 = arith.constant 1 : i32
      %and3A_1435 = arith.andi %squeeze3A_1433, %and3A_1434 : i32
      %mul3A_1436 = arith.constant 64 : i32
      %mul3A_1437 = arith.muli %and3A_1435, %mul3A_1436 : i32
      %mul3A_1438 = arith.constant 8 : i32
      %mul3A_1439 = arith.muli %scan3A_523, %mul3A_1438 : i32
      %add3A_1440 = arith.constant 5 : i32
      %add3A_1441 = arith.addi %mul3A_1439, %add3A_1440 : i32
      %get3A_1442 = arith.index_cast %add3A_1441 : i32 to index
      %get3A_1443 = arith.constant 64 : index
      %get3A_1444 = tpu.vector_load %arg8[%get3A_1442, %get3A_1443] {strides = array<i32>} : memref<128x128xf32, #tpu.memory_space<vmem>>, vector<1x16xf32>,
      %get3A_1445 = vector.shape_cast %get3A_1444 : vector<1x16xf32> to vector<16xf32>
      %add3A_1446 = arith.constant 11 : i32
      %add3A_1447 = arith.addi %mul3A_526, %add3A_1446 : i32
      %add3A_1448 = arith.constant 0 : i32
      %add3A_1449 = arith.addi %mul3A_1437, %add3A_1448 : i32
      %get3A_1450 = arith.index_cast %add3A_1447 : i32 to index
      %get3A_1451 = arith.index_cast %add3A_1449 : i32 to index
      %get3A_1452 = tpu.vector_load %arg9[%get3A_1450, %get3A_1451] {strides = array<i32>} : memref<256x128xf32, #tpu.memory_space<vmem>>, vector<1x16xf32>,
      %get3A_1453 = vector.shape_cast %get3A_1452 : vector<1x16xf32> to vector<16xf32>
      %sub3A_1454 = arith.subf %get3A_1445, %get3A_1453 : vector<16xf32>
      %mul3A_1455 = arith.mulf %sub3A_1454, %sub3A_1454 : vector<16xf32>
      %add3A_1456 = arith.addf %add3A_1431, %mul3A_1455 : vector<16xf32>
      %mul3A_1457 = arith.constant 8 : i32
      %mul3A_1458 = arith.muli %scan3A_523, %mul3A_1457 : i32
      %add3A_1459 = arith.constant 5 : i32
      %add3A_1460 = arith.addi %mul3A_1458, %add3A_1459 : i32
      %get3A_1461 = arith.index_cast %add3A_1460 : i32 to index
      %get3A_1462 = arith.constant 80 : index
      %get3A_1463 = tpu.vector_load %arg8[%get3A_1461, %get3A_1462] {strides = array<i32>} : memref<128x128xf32, #tpu.memory_space<vmem>>, vector<1x16xf32>,
      %get3A_1464 = vector.shape_cast %get3A_1463 : vector<1x16xf32> to vector<16xf32>
      %add3A_1465 = arith.constant 11 : i32
      %add3A_1466 = arith.addi %mul3A_526, %add3A_1465 : i32
      %add3A_1467 = arith.constant 16 : i32
      %add3A_1468 = arith.addi %mul3A_1437, %add3A_1467 : i32
      %get3A_1469 = arith.index_cast %add3A_1466 : i32 to index
      %get3A_1470 = arith.index_cast %add3A_1468 : i32 to index
      %get3A_1471 = tpu.vector_load %arg9[%get3A_1469, %get3A_1470] {strides = array<i32>} : memref<256x128xf32, #tpu.memory_space<vmem>>, vector<1x16xf32>,
      %get3A_1472 = vector.shape_cast %get3A_1471 : vector<1x16xf32> to vector<16xf32>
      %sub3A_1473 = arith.subf %get3A_1464, %get3A_1472 : vector<16xf32>
      %mul3A_1474 = arith.mulf %sub3A_1473, %sub3A_1473 : vector<16xf32>
      %add3A_1475 = arith.addf %add3A_1456, %mul3A_1474 : vector<16xf32>
      %mul3A_1476 = arith.constant 8 : i32
      %mul3A_1477 = arith.muli %scan3A_523, %mul3A_1476 : i32
      %add3A_1478 = arith.constant 5 : i32
      %add3A_1479 = arith.addi %mul3A_1477, %add3A_1478 : i32
      %get3A_1480 = arith.index_cast %add3A_1479 : i32 to index
      %get3A_1481 = arith.constant 96 : index
      %get3A_1482 = tpu.vector_load %arg8[%get3A_1480, %get3A_1481] {strides = array<i32>} : memref<128x128xf32, #tpu.memory_space<vmem>>, vector<1x16xf32>,
      %get3A_1483 = vector.shape_cast %get3A_1482 : vector<1x16xf32> to vector<16xf32>
      %add3A_1484 = arith.constant 11 : i32
      %add3A_1485 = arith.addi %mul3A_526, %add3A_1484 : i32
      %add3A_1486 = arith.constant 32 : i32
      %add3A_1487 = arith.addi %mul3A_1437, %add3A_1486 : i32
      %get3A_1488 = arith.index_cast %add3A_1485 : i32 to index
      %get3A_1489 = arith.index_cast %add3A_1487 : i32 to index
      %get3A_1490 = tpu.vector_load %arg9[%get3A_1488, %get3A_1489] {strides = array<i32>} : memref<256x128xf32, #tpu.memory_space<vmem>>, vector<1x16xf32>,
      %get3A_1491 = vector.shape_cast %get3A_1490 : vector<1x16xf32> to vector<16xf32>
      %sub3A_1492 = arith.subf %get3A_1483, %get3A_1491 : vector<16xf32>
      %mul3A_1493 = arith.mulf %sub3A_1492, %sub3A_1492 : vector<16xf32>
      %add3A_1494 = arith.addf %add3A_1475, %mul3A_1493 : vector<16xf32>
      %mul3A_1495 = arith.constant 8 : i32
      %mul3A_1496 = arith.muli %scan3A_523, %mul3A_1495 : i32
      %add3A_1497 = arith.constant 5 : i32
      %add3A_1498 = arith.addi %mul3A_1496, %add3A_1497 : i32
      %get3A_1499 = arith.index_cast %add3A_1498 : i32 to index
      %get3A_1500 = arith.constant 112 : index
      %get3A_1501 = tpu.vector_load %arg8[%get3A_1499, %get3A_1500] {strides = array<i32>} : memref<128x128xf32, #tpu.memory_space<vmem>>, vector<1x16xf32>,
      %get3A_1502 = vector.shape_cast %get3A_1501 : vector<1x16xf32> to vector<16xf32>
      %add3A_1503 = arith.constant 11 : i32
      %add3A_1504 = arith.addi %mul3A_526, %add3A_1503 : i32
      %add3A_1505 = arith.constant 48 : i32
      %add3A_1506 = arith.addi %mul3A_1437, %add3A_1505 : i32
      %get3A_1507 = arith.index_cast %add3A_1504 : i32 to index
      %get3A_1508 = arith.index_cast %add3A_1506 : i32 to index
      %get3A_1509 = tpu.vector_load %arg9[%get3A_1507, %get3A_1508] {strides = array<i32>} : memref<256x128xf32, #tpu.memory_space<vmem>>, vector<1x16xf32>,
      %get3A_1510 = vector.shape_cast %get3A_1509 : vector<1x16xf32> to vector<16xf32>
      %sub3A_1511 = arith.subf %get3A_1502, %get3A_1510 : vector<16xf32>
      %mul3A_1512 = arith.mulf %sub3A_1511, %sub3A_1511 : vector<16xf32>
      %add3A_1513 = arith.addf %add3A_1494, %mul3A_1512 : vector<16xf32>
      %slice3A_1514 = vector.extract_strided_slice %get3A_531 {offsets = [12], sizes = [1], strides = [1]} : vector<16xi32> to vector<1xi32>
      %squeeze3A_1515 = vector.extract %slice3A_1514[0] : i32 from vector<1xi32>
      %and3A_1516 = arith.constant 1 : i32
      %and3A_1517 = arith.andi %squeeze3A_1515, %and3A_1516 : i32
      %mul3A_1518 = arith.constant 64 : i32
      %mul3A_1519 = arith.muli %and3A_1517, %mul3A_1518 : i32
      %mul3A_1520 = arith.constant 8 : i32
      %mul3A_1521 = arith.muli %scan3A_523, %mul3A_1520 : i32
      %add3A_1522 = arith.constant 6 : i32
      %add3A_1523 = arith.addi %mul3A_1521, %add3A_1522 : i32
      %get3A_1524 = arith.index_cast %add3A_1523 : i32 to index
      %get3A_1525 = arith.constant 0 : index
      %get3A_1526 = tpu.vector_load %arg8[%get3A_1524, %get3A_1525] {strides = array<i32>} : memref<128x128xf32, #tpu.memory_space<vmem>>, vector<1x16xf32>,
      %get3A_1527 = vector.shape_cast %get3A_1526 : vector<1x16xf32> to vector<16xf32>
      %add3A_1528 = arith.constant 12 : i32
      %add3A_1529 = arith.addi %mul3A_526, %add3A_1528 : i32
      %add3A_1530 = arith.constant 0 : i32
      %add3A_1531 = arith.addi %mul3A_1519, %add3A_1530 : i32
      %get3A_1532 = arith.index_cast %add3A_1529 : i32 to index
      %get3A_1533 = arith.index_cast %add3A_1531 : i32 to index
      %get3A_1534 = tpu.vector_load %arg9[%get3A_1532, %get3A_1533] {strides = array<i32>} : memref<256x128xf32, #tpu.memory_space<vmem>>, vector<1x16xf32>,
      %get3A_1535 = vector.shape_cast %get3A_1534 : vector<1x16xf32> to vector<16xf32>
      %sub3A_1536 = arith.subf %get3A_1527, %get3A_1535 : vector<16xf32>
      %mul3A_1537 = arith.mulf %sub3A_1536, %sub3A_1536 : vector<16xf32>
      %add3A_1538 = arith.addf %add3A_1513, %mul3A_1537 : vector<16xf32>
      %mul3A_1539 = arith.constant 8 : i32
      %mul3A_1540 = arith.muli %scan3A_523, %mul3A_1539 : i32
      %add3A_1541 = arith.constant 6 : i32
      %add3A_1542 = arith.addi %mul3A_1540, %add3A_1541 : i32
      %get3A_1543 = arith.index_cast %add3A_1542 : i32 to index
      %get3A_1544 = arith.constant 16 : index
      %get3A_1545 = tpu.vector_load %arg8[%get3A_1543, %get3A_1544] {strides = array<i32>} : memref<128x128xf32, #tpu.memory_space<vmem>>, vector<1x16xf32>,
      %get3A_1546 = vector.shape_cast %get3A_1545 : vector<1x16xf32> to vector<16xf32>
      %add3A_1547 = arith.constant 12 : i32
      %add3A_1548 = arith.addi %mul3A_526, %add3A_1547 : i32
      %add3A_1549 = arith.constant 16 : i32
      %add3A_1550 = arith.addi %mul3A_1519, %add3A_1549 : i32
      %get3A_1551 = arith.index_cast %add3A_1548 : i32 to index
      %get3A_1552 = arith.index_cast %add3A_1550 : i32 to index
      %get3A_1553 = tpu.vector_load %arg9[%get3A_1551, %get3A_1552] {strides = array<i32>} : memref<256x128xf32, #tpu.memory_space<vmem>>, vector<1x16xf32>,
      %get3A_1554 = vector.shape_cast %get3A_1553 : vector<1x16xf32> to vector<16xf32>
      %sub3A_1555 = arith.subf %get3A_1546, %get3A_1554 : vector<16xf32>
      %mul3A_1556 = arith.mulf %sub3A_1555, %sub3A_1555 : vector<16xf32>
      %add3A_1557 = arith.addf %add3A_1538, %mul3A_1556 : vector<16xf32>
      %mul3A_1558 = arith.constant 8 : i32
      %mul3A_1559 = arith.muli %scan3A_523, %mul3A_1558 : i32
      %add3A_1560 = arith.constant 6 : i32
      %add3A_1561 = arith.addi %mul3A_1559, %add3A_1560 : i32
      %get3A_1562 = arith.index_cast %add3A_1561 : i32 to index
      %get3A_1563 = arith.constant 32 : index
      %get3A_1564 = tpu.vector_load %arg8[%get3A_1562, %get3A_1563] {strides = array<i32>} : memref<128x128xf32, #tpu.memory_space<vmem>>, vector<1x16xf32>,
      %get3A_1565 = vector.shape_cast %get3A_1564 : vector<1x16xf32> to vector<16xf32>
      %add3A_1566 = arith.constant 12 : i32
      %add3A_1567 = arith.addi %mul3A_526, %add3A_1566 : i32
      %add3A_1568 = arith.constant 32 : i32
      %add3A_1569 = arith.addi %mul3A_1519, %add3A_1568 : i32
      %get3A_1570 = arith.index_cast %add3A_1567 : i32 to index
      %get3A_1571 = arith.index_cast %add3A_1569 : i32 to index
      %get3A_1572 = tpu.vector_load %arg9[%get3A_1570, %get3A_1571] {strides = array<i32>} : memref<256x128xf32, #tpu.memory_space<vmem>>, vector<1x16xf32>,
      %get3A_1573 = vector.shape_cast %get3A_1572 : vector<1x16xf32> to vector<16xf32>
      %sub3A_1574 = arith.subf %get3A_1565, %get3A_1573 : vector<16xf32>
      %mul3A_1575 = arith.mulf %sub3A_1574, %sub3A_1574 : vector<16xf32>
      %add3A_1576 = arith.addf %add3A_1557, %mul3A_1575 : vector<16xf32>
      %mul3A_1577 = arith.constant 8 : i32
      %mul3A_1578 = arith.muli %scan3A_523, %mul3A_1577 : i32
      %add3A_1579 = arith.constant 6 : i32
      %add3A_1580 = arith.addi %mul3A_1578, %add3A_1579 : i32
      %get3A_1581 = arith.index_cast %add3A_1580 : i32 to index
      %get3A_1582 = arith.constant 48 : index
      %get3A_1583 = tpu.vector_load %arg8[%get3A_1581, %get3A_1582] {strides = array<i32>} : memref<128x128xf32, #tpu.memory_space<vmem>>, vector<1x16xf32>,
      %get3A_1584 = vector.shape_cast %get3A_1583 : vector<1x16xf32> to vector<16xf32>
      %add3A_1585 = arith.constant 12 : i32
      %add3A_1586 = arith.addi %mul3A_526, %add3A_1585 : i32
      %add3A_1587 = arith.constant 48 : i32
      %add3A_1588 = arith.addi %mul3A_1519, %add3A_1587 : i32
      %get3A_1589 = arith.index_cast %add3A_1586 : i32 to index
      %get3A_1590 = arith.index_cast %add3A_1588 : i32 to index
      %get3A_1591 = tpu.vector_load %arg9[%get3A_1589, %get3A_1590] {strides = array<i32>} : memref<256x128xf32, #tpu.memory_space<vmem>>, vector<1x16xf32>,
      %get3A_1592 = vector.shape_cast %get3A_1591 : vector<1x16xf32> to vector<16xf32>
      %sub3A_1593 = arith.subf %get3A_1584, %get3A_1592 : vector<16xf32>
      %mul3A_1594 = arith.mulf %sub3A_1593, %sub3A_1593 : vector<16xf32>
      %add3A_1595 = arith.addf %add3A_1576, %mul3A_1594 : vector<16xf32>
      %slice3A_1596 = vector.extract_strided_slice %get3A_531 {offsets = [13], sizes = [1], strides = [1]} : vector<16xi32> to vector<1xi32>
      %squeeze3A_1597 = vector.extract %slice3A_1596[0] : i32 from vector<1xi32>
      %and3A_1598 = arith.constant 1 : i32
      %and3A_1599 = arith.andi %squeeze3A_1597, %and3A_1598 : i32
      %mul3A_1600 = arith.constant 64 : i32
      %mul3A_1601 = arith.muli %and3A_1599, %mul3A_1600 : i32
      %mul3A_1602 = arith.constant 8 : i32
      %mul3A_1603 = arith.muli %scan3A_523, %mul3A_1602 : i32
      %add3A_1604 = arith.constant 6 : i32
      %add3A_1605 = arith.addi %mul3A_1603, %add3A_1604 : i32
      %get3A_1606 = arith.index_cast %add3A_1605 : i32 to index
      %get3A_1607 = arith.constant 64 : index
      %get3A_1608 = tpu.vector_load %arg8[%get3A_1606, %get3A_1607] {strides = array<i32>} : memref<128x128xf32, #tpu.memory_space<vmem>>, vector<1x16xf32>,
      %get3A_1609 = vector.shape_cast %get3A_1608 : vector<1x16xf32> to vector<16xf32>
      %add3A_1610 = arith.constant 13 : i32
      %add3A_1611 = arith.addi %mul3A_526, %add3A_1610 : i32
      %add3A_1612 = arith.constant 0 : i32
      %add3A_1613 = arith.addi %mul3A_1601, %add3A_1612 : i32
      %get3A_1614 = arith.index_cast %add3A_1611 : i32 to index
      %get3A_1615 = arith.index_cast %add3A_1613 : i32 to index
      %get3A_1616 = tpu.vector_load %arg9[%get3A_1614, %get3A_1615] {strides = array<i32>} : memref<256x128xf32, #tpu.memory_space<vmem>>, vector<1x16xf32>,
      %get3A_1617 = vector.shape_cast %get3A_1616 : vector<1x16xf32> to vector<16xf32>
      %sub3A_1618 = arith.subf %get3A_1609, %get3A_1617 : vector<16xf32>
      %mul3A_1619 = arith.mulf %sub3A_1618, %sub3A_1618 : vector<16xf32>
      %add3A_1620 = arith.addf %add3A_1595, %mul3A_1619 : vector<16xf32>
      %mul3A_1621 = arith.constant 8 : i32
      %mul3A_1622 = arith.muli %scan3A_523, %mul3A_1621 : i32
      %add3A_1623 = arith.constant 6 : i32
      %add3A_1624 = arith.addi %mul3A_1622, %add3A_1623 : i32
      %get3A_1625 = arith.index_cast %add3A_1624 : i32 to index
      %get3A_1626 = arith.constant 80 : index
      %get3A_1627 = tpu.vector_load %arg8[%get3A_1625, %get3A_1626] {strides = array<i32>} : memref<128x128xf32, #tpu.memory_space<vmem>>, vector<1x16xf32>,
      %get3A_1628 = vector.shape_cast %get3A_1627 : vector<1x16xf32> to vector<16xf32>
      %add3A_1629 = arith.constant 13 : i32
      %add3A_1630 = arith.addi %mul3A_526, %add3A_1629 : i32
      %add3A_1631 = arith.constant 16 : i32
      %add3A_1632 = arith.addi %mul3A_1601, %add3A_1631 : i32
      %get3A_1633 = arith.index_cast %add3A_1630 : i32 to index
      %get3A_1634 = arith.index_cast %add3A_1632 : i32 to index
      %get3A_1635 = tpu.vector_load %arg9[%get3A_1633, %get3A_1634] {strides = array<i32>} : memref<256x128xf32, #tpu.memory_space<vmem>>, vector<1x16xf32>,
      %get3A_1636 = vector.shape_cast %get3A_1635 : vector<1x16xf32> to vector<16xf32>
      %sub3A_1637 = arith.subf %get3A_1628, %get3A_1636 : vector<16xf32>
      %mul3A_1638 = arith.mulf %sub3A_1637, %sub3A_1637 : vector<16xf32>
      %add3A_1639 = arith.addf %add3A_1620, %mul3A_1638 : vector<16xf32>
      %mul3A_1640 = arith.constant 8 : i32
      %mul3A_1641 = arith.muli %scan3A_523, %mul3A_1640 : i32
      %add3A_1642 = arith.constant 6 : i32
      %add3A_1643 = arith.addi %mul3A_1641, %add3A_1642 : i32
      %get3A_1644 = arith.index_cast %add3A_1643 : i32 to index
      %get3A_1645 = arith.constant 96 : index
      %get3A_1646 = tpu.vector_load %arg8[%get3A_1644, %get3A_1645] {strides = array<i32>} : memref<128x128xf32, #tpu.memory_space<vmem>>, vector<1x16xf32>,
      %get3A_1647 = vector.shape_cast %get3A_1646 : vector<1x16xf32> to vector<16xf32>
      %add3A_1648 = arith.constant 13 : i32
      %add3A_1649 = arith.addi %mul3A_526, %add3A_1648 : i32
      %add3A_1650 = arith.constant 32 : i32
      %add3A_1651 = arith.addi %mul3A_1601, %add3A_1650 : i32
      %get3A_1652 = arith.index_cast %add3A_1649 : i32 to index
      %get3A_1653 = arith.index_cast %add3A_1651 : i32 to index
      %get3A_1654 = tpu.vector_load %arg9[%get3A_1652, %get3A_1653] {strides = array<i32>} : memref<256x128xf32, #tpu.memory_space<vmem>>, vector<1x16xf32>,
      %get3A_1655 = vector.shape_cast %get3A_1654 : vector<1x16xf32> to vector<16xf32>
      %sub3A_1656 = arith.subf %get3A_1647, %get3A_1655 : vector<16xf32>
      %mul3A_1657 = arith.mulf %sub3A_1656, %sub3A_1656 : vector<16xf32>
      %add3A_1658 = arith.addf %add3A_1639, %mul3A_1657 : vector<16xf32>
      %mul3A_1659 = arith.constant 8 : i32
      %mul3A_1660 = arith.muli %scan3A_523, %mul3A_1659 : i32
      %add3A_1661 = arith.constant 6 : i32
      %add3A_1662 = arith.addi %mul3A_1660, %add3A_1661 : i32
      %get3A_1663 = arith.index_cast %add3A_1662 : i32 to index
      %get3A_1664 = arith.constant 112 : index
      %get3A_1665 = tpu.vector_load %arg8[%get3A_1663, %get3A_1664] {strides = array<i32>} : memref<128x128xf32, #tpu.memory_space<vmem>>, vector<1x16xf32>,
      %get3A_1666 = vector.shape_cast %get3A_1665 : vector<1x16xf32> to vector<16xf32>
      %add3A_1667 = arith.constant 13 : i32
      %add3A_1668 = arith.addi %mul3A_526, %add3A_1667 : i32
      %add3A_1669 = arith.constant 48 : i32
      %add3A_1670 = arith.addi %mul3A_1601, %add3A_1669 : i32
      %get3A_1671 = arith.index_cast %add3A_1668 : i32 to index
      %get3A_1672 = arith.index_cast %add3A_1670 : i32 to index
      %get3A_1673 = tpu.vector_load %arg9[%get3A_1671, %get3A_1672] {strides = array<i32>} : memref<256x128xf32, #tpu.memory_space<vmem>>, vector<1x16xf32>,
      %get3A_1674 = vector.shape_cast %get3A_1673 : vector<1x16xf32> to vector<16xf32>
      %sub3A_1675 = arith.subf %get3A_1666, %get3A_1674 : vector<16xf32>
      %mul3A_1676 = arith.mulf %sub3A_1675, %sub3A_1675 : vector<16xf32>
      %add3A_1677 = arith.addf %add3A_1658, %mul3A_1676 : vector<16xf32>
      %slice3A_1678 = vector.extract_strided_slice %get3A_531 {offsets = [14], sizes = [1], strides = [1]} : vector<16xi32> to vector<1xi32>
      %squeeze3A_1679 = vector.extract %slice3A_1678[0] : i32 from vector<1xi32>
      %and3A_1680 = arith.constant 1 : i32
      %and3A_1681 = arith.andi %squeeze3A_1679, %and3A_1680 : i32
      %mul3A_1682 = arith.constant 64 : i32
      %mul3A_1683 = arith.muli %and3A_1681, %mul3A_1682 : i32
      %mul3A_1684 = arith.constant 8 : i32
      %mul3A_1685 = arith.muli %scan3A_523, %mul3A_1684 : i32
      %add3A_1686 = arith.constant 7 : i32
      %add3A_1687 = arith.addi %mul3A_1685, %add3A_1686 : i32
      %get3A_1688 = arith.index_cast %add3A_1687 : i32 to index
      %get3A_1689 = arith.constant 0 : index
      %get3A_1690 = tpu.vector_load %arg8[%get3A_1688, %get3A_1689] {strides = array<i32>} : memref<128x128xf32, #tpu.memory_space<vmem>>, vector<1x16xf32>,
      %get3A_1691 = vector.shape_cast %get3A_1690 : vector<1x16xf32> to vector<16xf32>
      %add3A_1692 = arith.constant 14 : i32
      %add3A_1693 = arith.addi %mul3A_526, %add3A_1692 : i32
      %add3A_1694 = arith.constant 0 : i32
      %add3A_1695 = arith.addi %mul3A_1683, %add3A_1694 : i32
      %get3A_1696 = arith.index_cast %add3A_1693 : i32 to index
      %get3A_1697 = arith.index_cast %add3A_1695 : i32 to index
      %get3A_1698 = tpu.vector_load %arg9[%get3A_1696, %get3A_1697] {strides = array<i32>} : memref<256x128xf32, #tpu.memory_space<vmem>>, vector<1x16xf32>,
      %get3A_1699 = vector.shape_cast %get3A_1698 : vector<1x16xf32> to vector<16xf32>
      %sub3A_1700 = arith.subf %get3A_1691, %get3A_1699 : vector<16xf32>
      %mul3A_1701 = arith.mulf %sub3A_1700, %sub3A_1700 : vector<16xf32>
      %add3A_1702 = arith.addf %add3A_1677, %mul3A_1701 : vector<16xf32>
      %mul3A_1703 = arith.constant 8 : i32
      %mul3A_1704 = arith.muli %scan3A_523, %mul3A_1703 : i32
      %add3A_1705 = arith.constant 7 : i32
      %add3A_1706 = arith.addi %mul3A_1704, %add3A_1705 : i32
      %get3A_1707 = arith.index_cast %add3A_1706 : i32 to index
      %get3A_1708 = arith.constant 16 : index
      %get3A_1709 = tpu.vector_load %arg8[%get3A_1707, %get3A_1708] {strides = array<i32>} : memref<128x128xf32, #tpu.memory_space<vmem>>, vector<1x16xf32>,
      %get3A_1710 = vector.shape_cast %get3A_1709 : vector<1x16xf32> to vector<16xf32>
      %add3A_1711 = arith.constant 14 : i32
      %add3A_1712 = arith.addi %mul3A_526, %add3A_1711 : i32
      %add3A_1713 = arith.constant 16 : i32
      %add3A_1714 = arith.addi %mul3A_1683, %add3A_1713 : i32
      %get3A_1715 = arith.index_cast %add3A_1712 : i32 to index
      %get3A_1716 = arith.index_cast %add3A_1714 : i32 to index
      %get3A_1717 = tpu.vector_load %arg9[%get3A_1715, %get3A_1716] {strides = array<i32>} : memref<256x128xf32, #tpu.memory_space<vmem>>, vector<1x16xf32>,
      %get3A_1718 = vector.shape_cast %get3A_1717 : vector<1x16xf32> to vector<16xf32>
      %sub3A_1719 = arith.subf %get3A_1710, %get3A_1718 : vector<16xf32>
      %mul3A_1720 = arith.mulf %sub3A_1719, %sub3A_1719 : vector<16xf32>
      %add3A_1721 = arith.addf %add3A_1702, %mul3A_1720 : vector<16xf32>
      %mul3A_1722 = arith.constant 8 : i32
      %mul3A_1723 = arith.muli %scan3A_523, %mul3A_1722 : i32
      %add3A_1724 = arith.constant 7 : i32
      %add3A_1725 = arith.addi %mul3A_1723, %add3A_1724 : i32
      %get3A_1726 = arith.index_cast %add3A_1725 : i32 to index
      %get3A_1727 = arith.constant 32 : index
      %get3A_1728 = tpu.vector_load %arg8[%get3A_1726, %get3A_1727] {strides = array<i32>} : memref<128x128xf32, #tpu.memory_space<vmem>>, vector<1x16xf32>,
      %get3A_1729 = vector.shape_cast %get3A_1728 : vector<1x16xf32> to vector<16xf32>
      %add3A_1730 = arith.constant 14 : i32
      %add3A_1731 = arith.addi %mul3A_526, %add3A_1730 : i32
      %add3A_1732 = arith.constant 32 : i32
      %add3A_1733 = arith.addi %mul3A_1683, %add3A_1732 : i32
      %get3A_1734 = arith.index_cast %add3A_1731 : i32 to index
      %get3A_1735 = arith.index_cast %add3A_1733 : i32 to index
      %get3A_1736 = tpu.vector_load %arg9[%get3A_1734, %get3A_1735] {strides = array<i32>} : memref<256x128xf32, #tpu.memory_space<vmem>>, vector<1x16xf32>,
      %get3A_1737 = vector.shape_cast %get3A_1736 : vector<1x16xf32> to vector<16xf32>
      %sub3A_1738 = arith.subf %get3A_1729, %get3A_1737 : vector<16xf32>
      %mul3A_1739 = arith.mulf %sub3A_1738, %sub3A_1738 : vector<16xf32>
      %add3A_1740 = arith.addf %add3A_1721, %mul3A_1739 : vector<16xf32>
      %mul3A_1741 = arith.constant 8 : i32
      %mul3A_1742 = arith.muli %scan3A_523, %mul3A_1741 : i32
      %add3A_1743 = arith.constant 7 : i32
      %add3A_1744 = arith.addi %mul3A_1742, %add3A_1743 : i32
      %get3A_1745 = arith.index_cast %add3A_1744 : i32 to index
      %get3A_1746 = arith.constant 48 : index
      %get3A_1747 = tpu.vector_load %arg8[%get3A_1745, %get3A_1746] {strides = array<i32>} : memref<128x128xf32, #tpu.memory_space<vmem>>, vector<1x16xf32>,
      %get3A_1748 = vector.shape_cast %get3A_1747 : vector<1x16xf32> to vector<16xf32>
      %add3A_1749 = arith.constant 14 : i32
      %add3A_1750 = arith.addi %mul3A_526, %add3A_1749 : i32
      %add3A_1751 = arith.constant 48 : i32
      %add3A_1752 = arith.addi %mul3A_1683, %add3A_1751 : i32
      %get3A_1753 = arith.index_cast %add3A_1750 : i32 to index
      %get3A_1754 = arith.index_cast %add3A_1752 : i32 to index
      %get3A_1755 = tpu.vector_load %arg9[%get3A_1753, %get3A_1754] {strides = array<i32>} : memref<256x128xf32, #tpu.memory_space<vmem>>, vector<1x16xf32>,
      %get3A_1756 = vector.shape_cast %get3A_1755 : vector<1x16xf32> to vector<16xf32>
      %sub3A_1757 = arith.subf %get3A_1748, %get3A_1756 : vector<16xf32>
      %mul3A_1758 = arith.mulf %sub3A_1757, %sub3A_1757 : vector<16xf32>
      %add3A_1759 = arith.addf %add3A_1740, %mul3A_1758 : vector<16xf32>
      %slice3A_1760 = vector.extract_strided_slice %get3A_531 {offsets = [15], sizes = [1], strides = [1]} : vector<16xi32> to vector<1xi32>
      %squeeze3A_1761 = vector.extract %slice3A_1760[0] : i32 from vector<1xi32>
      %and3A_1762 = arith.constant 1 : i32
      %and3A_1763 = arith.andi %squeeze3A_1761, %and3A_1762 : i32
      %mul3A_1764 = arith.constant 64 : i32
      %mul3A_1765 = arith.muli %and3A_1763, %mul3A_1764 : i32
      %mul3A_1766 = arith.constant 8 : i32
      %mul3A_1767 = arith.muli %scan3A_523, %mul3A_1766 : i32
      %add3A_1768 = arith.constant 7 : i32
      %add3A_1769 = arith.addi %mul3A_1767, %add3A_1768 : i32
      %get3A_1770 = arith.index_cast %add3A_1769 : i32 to index
      %get3A_1771 = arith.constant 64 : index
      %get3A_1772 = tpu.vector_load %arg8[%get3A_1770, %get3A_1771] {strides = array<i32>} : memref<128x128xf32, #tpu.memory_space<vmem>>, vector<1x16xf32>,
      %get3A_1773 = vector.shape_cast %get3A_1772 : vector<1x16xf32> to vector<16xf32>
      %add3A_1774 = arith.constant 15 : i32
      %add3A_1775 = arith.addi %mul3A_526, %add3A_1774 : i32
      %add3A_1776 = arith.constant 0 : i32
      %add3A_1777 = arith.addi %mul3A_1765, %add3A_1776 : i32
      %get3A_1778 = arith.index_cast %add3A_1775 : i32 to index
      %get3A_1779 = arith.index_cast %add3A_1777 : i32 to index
      %get3A_1780 = tpu.vector_load %arg9[%get3A_1778, %get3A_1779] {strides = array<i32>} : memref<256x128xf32, #tpu.memory_space<vmem>>, vector<1x16xf32>,
      %get3A_1781 = vector.shape_cast %get3A_1780 : vector<1x16xf32> to vector<16xf32>
      %sub3A_1782 = arith.subf %get3A_1773, %get3A_1781 : vector<16xf32>
      %mul3A_1783 = arith.mulf %sub3A_1782, %sub3A_1782 : vector<16xf32>
      %add3A_1784 = arith.addf %add3A_1759, %mul3A_1783 : vector<16xf32>
      %mul3A_1785 = arith.constant 8 : i32
      %mul3A_1786 = arith.muli %scan3A_523, %mul3A_1785 : i32
      %add3A_1787 = arith.constant 7 : i32
      %add3A_1788 = arith.addi %mul3A_1786, %add3A_1787 : i32
      %get3A_1789 = arith.index_cast %add3A_1788 : i32 to index
      %get3A_1790 = arith.constant 80 : index
      %get3A_1791 = tpu.vector_load %arg8[%get3A_1789, %get3A_1790] {strides = array<i32>} : memref<128x128xf32, #tpu.memory_space<vmem>>, vector<1x16xf32>,
      %get3A_1792 = vector.shape_cast %get3A_1791 : vector<1x16xf32> to vector<16xf32>
      %add3A_1793 = arith.constant 15 : i32
      %add3A_1794 = arith.addi %mul3A_526, %add3A_1793 : i32
      %add3A_1795 = arith.constant 16 : i32
      %add3A_1796 = arith.addi %mul3A_1765, %add3A_1795 : i32
      %get3A_1797 = arith.index_cast %add3A_1794 : i32 to index
      %get3A_1798 = arith.index_cast %add3A_1796 : i32 to index
      %get3A_1799 = tpu.vector_load %arg9[%get3A_1797, %get3A_1798] {strides = array<i32>} : memref<256x128xf32, #tpu.memory_space<vmem>>, vector<1x16xf32>,
      %get3A_1800 = vector.shape_cast %get3A_1799 : vector<1x16xf32> to vector<16xf32>
      %sub3A_1801 = arith.subf %get3A_1792, %get3A_1800 : vector<16xf32>
      %mul3A_1802 = arith.mulf %sub3A_1801, %sub3A_1801 : vector<16xf32>
      %add3A_1803 = arith.addf %add3A_1784, %mul3A_1802 : vector<16xf32>
      %mul3A_1804 = arith.constant 8 : i32
      %mul3A_1805 = arith.muli %scan3A_523, %mul3A_1804 : i32
      %add3A_1806 = arith.constant 7 : i32
      %add3A_1807 = arith.addi %mul3A_1805, %add3A_1806 : i32
      %get3A_1808 = arith.index_cast %add3A_1807 : i32 to index
      %get3A_1809 = arith.constant 96 : index
      %get3A_1810 = tpu.vector_load %arg8[%get3A_1808, %get3A_1809] {strides = array<i32>} : memref<128x128xf32, #tpu.memory_space<vmem>>, vector<1x16xf32>,
      %get3A_1811 = vector.shape_cast %get3A_1810 : vector<1x16xf32> to vector<16xf32>
      %add3A_1812 = arith.constant 15 : i32
      %add3A_1813 = arith.addi %mul3A_526, %add3A_1812 : i32
      %add3A_1814 = arith.constant 32 : i32
      %add3A_1815 = arith.addi %mul3A_1765, %add3A_1814 : i32
      %get3A_1816 = arith.index_cast %add3A_1813 : i32 to index
      %get3A_1817 = arith.index_cast %add3A_1815 : i32 to index
      %get3A_1818 = tpu.vector_load %arg9[%get3A_1816, %get3A_1817] {strides = array<i32>} : memref<256x128xf32, #tpu.memory_space<vmem>>, vector<1x16xf32>,
      %get3A_1819 = vector.shape_cast %get3A_1818 : vector<1x16xf32> to vector<16xf32>
      %sub3A_1820 = arith.subf %get3A_1811, %get3A_1819 : vector<16xf32>
      %mul3A_1821 = arith.mulf %sub3A_1820, %sub3A_1820 : vector<16xf32>
      %add3A_1822 = arith.addf %add3A_1803, %mul3A_1821 : vector<16xf32>
      %mul3A_1823 = arith.constant 8 : i32
      %mul3A_1824 = arith.muli %scan3A_523, %mul3A_1823 : i32
      %add3A_1825 = arith.constant 7 : i32
      %add3A_1826 = arith.addi %mul3A_1824, %add3A_1825 : i32
      %get3A_1827 = arith.index_cast %add3A_1826 : i32 to index
      %get3A_1828 = arith.constant 112 : index
      %get3A_1829 = tpu.vector_load %arg8[%get3A_1827, %get3A_1828] {strides = array<i32>} : memref<128x128xf32, #tpu.memory_space<vmem>>, vector<1x16xf32>,
      %get3A_1830 = vector.shape_cast %get3A_1829 : vector<1x16xf32> to vector<16xf32>
      %add3A_1831 = arith.constant 15 : i32
      %add3A_1832 = arith.addi %mul3A_526, %add3A_1831 : i32
      %add3A_1833 = arith.constant 48 : i32
      %add3A_1834 = arith.addi %mul3A_1765, %add3A_1833 : i32
      %get3A_1835 = arith.index_cast %add3A_1832 : i32 to index
      %get3A_1836 = arith.index_cast %add3A_1834 : i32 to index
      %get3A_1837 = tpu.vector_load %arg9[%get3A_1835, %get3A_1836] {strides = array<i32>} : memref<256x128xf32, #tpu.memory_space<vmem>>, vector<1x16xf32>,
      %get3A_1838 = vector.shape_cast %get3A_1837 : vector<1x16xf32> to vector<16xf32>
      %sub3A_1839 = arith.subf %get3A_1830, %get3A_1838 : vector<16xf32>
      %mul3A_1840 = arith.mulf %sub3A_1839, %sub3A_1839 : vector<16xf32>
      %add3A_1841 = arith.addf %add3A_1822, %mul3A_1840 : vector<16xf32>
      scf.yield %add3A_1841 : vector<16xf32>
    }
    %scan3A_518 = arith.constant 16 : i32
    %swap3A_519 = arith.constant 0 : index
    %swap3A_520 = tpu.vector_load %arg10[%swap3A_519] {strides = array<i32>} : memref<16xf32, #tpu.memory_space<vmem>>, vector<16xf32>,
    %swap3A_521 = vector.shape_cast %swap3A_520 : vector<16xf32> to vector<16xf32>
    %swap3A_522 = vector.shape_cast %scan3A_517 : vector<16xf32> to vector<16xf32>
    tpu.vector_store %arg10[%swap3A_519], %swap3A_522 {strides = array<i32>} : memref<16xf32, #tpu.memory_space<vmem>>, vector<16xf32>,
    "tpu.region"() ({
      %run_scoped3A = tpu.sem_alloc : memref<!tpu.dma_semaphore, #tpu.memory_space<semaphore_mem>>
      %dma_start3A_523 = arith.constant 0 : i32
      %dma_start3A_524 = tpu.memref_slice %arg5[%add3A, %dma_start3A_523] : memref<32x16xf32, #tpu.memory_space<hbm>> -> memref<1x16xf32, #tpu.memory_space<hbm>>
      %dma_start3A_525 = tpu.memref_squeeze %dma_start3A_524 : memref<1x16xf32, #tpu.memory_space<hbm>> -> memref<16xf32, #tpu.memory_space<hbm>>
      %dma_start3A_526 = arith.constant 0 : i32
      %dma_start3A_527 = tpu.memref_slice %arg5[%add3A, %dma_start3A_526] : memref<32x16xf32, #tpu.memory_space<hbm>> -> memref<1x16xf32, #tpu.memory_space<hbm>>
      %dma_start3A_528 = tpu.memref_squeeze %dma_start3A_527 : memref<1x16xf32, #tpu.memory_space<hbm>> -> memref<16xf32, #tpu.memory_space<hbm>>
      tpu.enqueue_dma source(%arg10 : memref<16xf32, #tpu.memory_space<vmem>>) target(%dma_start3A_528 : memref<16xf32, #tpu.memory_space<hbm>>) target_semaphore(%run_scoped3A : memref<!tpu.dma_semaphore, #tpu.memory_space<semaphore_mem>>)
      %dma_wait3A_529 = arith.constant 0 : i32
      %dma_wait3A_530 = tpu.memref_slice %arg5[%add3A, %dma_wait3A_529] : memref<32x16xf32, #tpu.memory_space<hbm>> -> memref<1x16xf32, #tpu.memory_space<hbm>>
      %dma_wait3A_531 = tpu.memref_squeeze %dma_wait3A_530 : memref<1x16xf32, #tpu.memory_space<hbm>> -> memref<16xf32, #tpu.memory_space<hbm>>
      %dma_wait3A_532 = arith.constant 0 : i32
      %dma_wait3A_533 = tpu.memref_slice %arg5[%add3A, %dma_wait3A_532] : memref<32x16xf32, #tpu.memory_space<hbm>> -> memref<1x16xf32, #tpu.memory_space<hbm>>
      %dma_wait3A_534 = tpu.memref_squeeze %dma_wait3A_533 : memref<1x16xf32, #tpu.memory_space<hbm>> -> memref<16xf32, #tpu.memory_space<hbm>>
      tpu.wait_dma2 semaphore(%run_scoped3A : memref<!tpu.dma_semaphore, #tpu.memory_space<semaphore_mem>>) src(%arg10 : memref<16xf32, #tpu.memory_space<vmem>>) dst(%dma_wait3A_534 : memref<16xf32, #tpu.memory_space<hbm>>)
      tpu.yield
    }) : () -> ()
    return
  }
}

module attributes {stable_mosaic.version = 14 : i64} {
  func.func @_pack_body(%arg0: i32, %arg1: memref<64x4096xf32, #tpu.memory_space<vmem>>, %arg2: memref<2048x128xf32, #tpu.memory_space<vmem>>) attributes {dimension_semantics = [#tpu.dimension_semantics<arbitrary>], iteration_bounds = array<i64: 4>, scalar_prefetch = 0 : i64, scratch_operands = 0 : i64, tpu.core_type = #tpu.core_type<tc>, window_params = [{transform_indices = @transform_0, window_bounds = array<i64: 64, 4096>}, {transform_indices = @transform_1, window_bounds = array<i64: 2048, 128>}]} {
    %iota3A = tpu.iota {dimensions = array<i32: 0>} : vector<128x128xi32>
    %iota3A_0 = tpu.iota {dimensions = array<i32: 1>} : vector<128x128xi32>
    %jit3A = arith.constant 64 : i32
    %eq3A = arith.constant 0 : i32
    %eq3A_1 = arith.cmpi eq, %jit3A, %eq3A : i32
    %jit3A_2 = arith.constant 1 : i32
    %select_n3A = arith.select %eq3A_1, %jit3A_2, %jit3A : i32
    %rem3A = vector.broadcast %select_n3A : i32 to vector<128x128xi32>
    %rem3A_3 = arith.remsi %iota3A, %rem3A : vector<128x128xi32>
    %ne3A = arith.constant 0 : i32
    %ne3A_4 = vector.broadcast %ne3A : i32 to vector<128x128xi32>
    %ne3A_5 = arith.cmpi ne, %rem3A_3, %ne3A_4 : vector<128x128xi32>
    %lt3A = arith.constant 0 : i32
    %lt3A_6 = vector.broadcast %lt3A : i32 to vector<128x128xi32>
    %lt3A_7 = arith.cmpi slt, %rem3A_3, %lt3A_6 : vector<128x128xi32>
    %lt3A_8 = arith.constant 0 : i32
    %lt3A_9 = arith.cmpi slt, %select_n3A, %lt3A_8 : i32
    %ne3A_10 = vector.broadcast %lt3A_9 : i1 to vector<128x128xi1>
    %ne3A_11 = vector.broadcast %ne3A_10 : vector<128x128xi1> to vector<128x128xi1>
    %ne3A_12 = arith.xori %lt3A_7, %ne3A_11 : vector<128x128xi1>
    %and3A = arith.andi %ne3A_12, %ne3A_5 : vector<128x128xi1>
    %add3A = vector.broadcast %select_n3A : i32 to vector<128x128xi32>
    %add3A_13 = arith.addi %rem3A_3, %add3A : vector<128x128xi32>
    %select_n3A_14 = arith.select %and3A, %add3A_13, %rem3A_3 : vector<128x128xi1>, vector<128x128xi32>
    %mul3A = arith.constant 2 : i32
    %mul3A_15 = vector.broadcast %mul3A : i32 to vector<128x128xi32>
    %mul3A_16 = arith.muli %mul3A_15, %select_n3A_14 : vector<128x128xi32>
    %jit3A_17 = arith.constant 64 : i32
    %div3A = vector.broadcast %jit3A_17 : i32 to vector<128x128xi32>
    %div3A_18 = arith.divsi %iota3A, %div3A : vector<128x128xi32>
    %sign3A = arith.constant 0 : i32
    %sign3A_19 = vector.broadcast %sign3A : i32 to vector<128x128xi32>
    %sign3A_20 = arith.cmpi sgt, %iota3A, %sign3A_19 : vector<128x128xi32>
    %sign3A_21 = arith.extui %sign3A_20 : vector<128x128xi1> to vector<128x128xi32>
    %sign3A_22 = arith.constant 0 : i32
    %sign3A_23 = vector.broadcast %sign3A_22 : i32 to vector<128x128xi32>
    %sign3A_24 = arith.cmpi slt, %iota3A, %sign3A_23 : vector<128x128xi32>
    %sign3A_25 = arith.extui %sign3A_24 : vector<128x128xi1> to vector<128x128xi32>
    %sign3A_26 = arith.subi %sign3A_21, %sign3A_25 : vector<128x128xi32>
    %sign3A_27 = arith.constant 0 : i32
    %sign3A_28 = arith.cmpi sgt, %jit3A_17, %sign3A_27 : i32
    %sign3A_29 = arith.extui %sign3A_28 : i1 to i32
    %sign3A_30 = arith.constant 0 : i32
    %sign3A_31 = arith.cmpi slt, %jit3A_17, %sign3A_30 : i32
    %sign3A_32 = arith.extui %sign3A_31 : i1 to i32
    %sign3A_33 = arith.subi %sign3A_29, %sign3A_32 : i32
    %ne3A_34 = vector.broadcast %sign3A_33 : i32 to vector<128x128xi32>
    %ne3A_35 = arith.cmpi ne, %sign3A_26, %ne3A_34 : vector<128x128xi32>
    %rem3A_36 = vector.broadcast %jit3A_17 : i32 to vector<128x128xi32>
    %rem3A_37 = arith.remsi %iota3A, %rem3A_36 : vector<128x128xi32>
    %ne3A_38 = arith.constant 0 : i32
    %ne3A_39 = vector.broadcast %ne3A_38 : i32 to vector<128x128xi32>
    %ne3A_40 = arith.cmpi ne, %rem3A_37, %ne3A_39 : vector<128x128xi32>
    %and3A_41 = arith.andi %ne3A_35, %ne3A_40 : vector<128x128xi1>
    %sub3A = arith.constant 1 : i32
    %sub3A_42 = vector.broadcast %sub3A : i32 to vector<128x128xi32>
    %sub3A_43 = arith.subi %div3A_18, %sub3A_42 : vector<128x128xi32>
    %select_n3A_44 = arith.select %and3A_41, %sub3A_43, %div3A_18 : vector<128x128xi1>, vector<128x128xi32>
    %add3A_45 = arith.addi %mul3A_16, %select_n3A_44 : vector<128x128xi32>
    %eq3A_46 = arith.cmpi eq, %iota3A_0, %add3A_45 : vector<128x128xi32>
    %convert_element_type3A = arith.extui %eq3A_46 : vector<128x128xi1> to vector<128x128xi32>
    %convert_element_type3A_47 = arith.sitofp %convert_element_type3A : vector<128x128xi32> to vector<128x128xf32>
    %get3A = arith.constant 0 : index
    %get3A_48 = arith.constant 0 : index
    %get3A_49 = vector.load %arg1[%get3A, %get3A_48] : memref<64x4096xf32, #tpu.memory_space<vmem>>, vector<64x128xf32>
    %dot_general3A = arith.constant dense<0.000000e+00> : vector<128x64xf32>
    %dot_general3A_50 = tpu.matmul %convert_element_type3A_47, %get3A_49, %dot_general3A {dimension_numbers = #tpu.dot_dimension_numbers<[1], [1], [0], [0], [0, 0, 1, 0], [], []>, transpose_lhs_hint = false} : vector<128x128xf32>, vector<64x128xf32>, vector<128x64xf32> -> vector<128x64xf32>
    %slice3A = vector.extract_strided_slice %dot_general3A_50 {offsets = [0, 0], sizes = [64, 64], strides = [1, 1]} : vector<128x64xf32> to vector<64x64xf32>
    %swap3A = arith.constant 0 : index
    %swap3A_51 = arith.constant 0 : index
    %swap3A_52 = vector.load %arg2[%swap3A, %swap3A_51] : memref<2048x128xf32, #tpu.memory_space<vmem>>, vector<64x64xf32>
    tpu.vector_store %arg2[%swap3A, %swap3A_51], %slice3A {strides = array<i32>} : memref<2048x128xf32, #tpu.memory_space<vmem>>, vector<64x64xf32>,
    %slice3A_53 = vector.extract_strided_slice %dot_general3A_50 {offsets = [64, 0], sizes = [64, 64], strides = [1, 1]} : vector<128x64xf32> to vector<64x64xf32>
    %swap3A_54 = arith.constant 0 : index
    %swap3A_55 = arith.constant 64 : index
    %swap3A_56 = vector.load %arg2[%swap3A_54, %swap3A_55] : memref<2048x128xf32, #tpu.memory_space<vmem>>, vector<64x64xf32>
    tpu.vector_store %arg2[%swap3A_54, %swap3A_55], %slice3A_53 {strides = array<i32>} : memref<2048x128xf32, #tpu.memory_space<vmem>>, vector<64x64xf32>,
    %get3A_57 = arith.constant 0 : index
    %get3A_58 = arith.constant 128 : index
    %get3A_59 = vector.load %arg1[%get3A_57, %get3A_58] : memref<64x4096xf32, #tpu.memory_space<vmem>>, vector<64x128xf32>
    %dot_general3A_60 = arith.constant dense<0.000000e+00> : vector<128x64xf32>
    %dot_general3A_61 = tpu.matmul %convert_element_type3A_47, %get3A_59, %dot_general3A_60 {dimension_numbers = #tpu.dot_dimension_numbers<[1], [1], [0], [0], [0, 0, 1, 0], [], []>, transpose_lhs_hint = false} : vector<128x128xf32>, vector<64x128xf32>, vector<128x64xf32> -> vector<128x64xf32>
    %slice3A_62 = vector.extract_strided_slice %dot_general3A_61 {offsets = [0, 0], sizes = [64, 64], strides = [1, 1]} : vector<128x64xf32> to vector<64x64xf32>
    %swap3A_63 = arith.constant 64 : index
    %swap3A_64 = arith.constant 0 : index
    %swap3A_65 = vector.load %arg2[%swap3A_63, %swap3A_64] : memref<2048x128xf32, #tpu.memory_space<vmem>>, vector<64x64xf32>
    tpu.vector_store %arg2[%swap3A_63, %swap3A_64], %slice3A_62 {strides = array<i32>} : memref<2048x128xf32, #tpu.memory_space<vmem>>, vector<64x64xf32>,
    %slice3A_66 = vector.extract_strided_slice %dot_general3A_61 {offsets = [64, 0], sizes = [64, 64], strides = [1, 1]} : vector<128x64xf32> to vector<64x64xf32>
    %swap3A_67 = arith.constant 64 : index
    %swap3A_68 = arith.constant 64 : index
    %swap3A_69 = vector.load %arg2[%swap3A_67, %swap3A_68] : memref<2048x128xf32, #tpu.memory_space<vmem>>, vector<64x64xf32>
    tpu.vector_store %arg2[%swap3A_67, %swap3A_68], %slice3A_66 {strides = array<i32>} : memref<2048x128xf32, #tpu.memory_space<vmem>>, vector<64x64xf32>,
    %get3A_70 = arith.constant 0 : index
    %get3A_71 = arith.constant 256 : index
    %get3A_72 = vector.load %arg1[%get3A_70, %get3A_71] : memref<64x4096xf32, #tpu.memory_space<vmem>>, vector<64x128xf32>
    %dot_general3A_73 = arith.constant dense<0.000000e+00> : vector<128x64xf32>
    %dot_general3A_74 = tpu.matmul %convert_element_type3A_47, %get3A_72, %dot_general3A_73 {dimension_numbers = #tpu.dot_dimension_numbers<[1], [1], [0], [0], [0, 0, 1, 0], [], []>, transpose_lhs_hint = false} : vector<128x128xf32>, vector<64x128xf32>, vector<128x64xf32> -> vector<128x64xf32>
    %slice3A_75 = vector.extract_strided_slice %dot_general3A_74 {offsets = [0, 0], sizes = [64, 64], strides = [1, 1]} : vector<128x64xf32> to vector<64x64xf32>
    %swap3A_76 = arith.constant 128 : index
    %swap3A_77 = arith.constant 0 : index
    %swap3A_78 = vector.load %arg2[%swap3A_76, %swap3A_77] : memref<2048x128xf32, #tpu.memory_space<vmem>>, vector<64x64xf32>
    tpu.vector_store %arg2[%swap3A_76, %swap3A_77], %slice3A_75 {strides = array<i32>} : memref<2048x128xf32, #tpu.memory_space<vmem>>, vector<64x64xf32>,
    %slice3A_79 = vector.extract_strided_slice %dot_general3A_74 {offsets = [64, 0], sizes = [64, 64], strides = [1, 1]} : vector<128x64xf32> to vector<64x64xf32>
    %swap3A_80 = arith.constant 128 : index
    %swap3A_81 = arith.constant 64 : index
    %swap3A_82 = vector.load %arg2[%swap3A_80, %swap3A_81] : memref<2048x128xf32, #tpu.memory_space<vmem>>, vector<64x64xf32>
    tpu.vector_store %arg2[%swap3A_80, %swap3A_81], %slice3A_79 {strides = array<i32>} : memref<2048x128xf32, #tpu.memory_space<vmem>>, vector<64x64xf32>,
    %get3A_83 = arith.constant 0 : index
    %get3A_84 = arith.constant 384 : index
    %get3A_85 = vector.load %arg1[%get3A_83, %get3A_84] : memref<64x4096xf32, #tpu.memory_space<vmem>>, vector<64x128xf32>
    %dot_general3A_86 = arith.constant dense<0.000000e+00> : vector<128x64xf32>
    %dot_general3A_87 = tpu.matmul %convert_element_type3A_47, %get3A_85, %dot_general3A_86 {dimension_numbers = #tpu.dot_dimension_numbers<[1], [1], [0], [0], [0, 0, 1, 0], [], []>, transpose_lhs_hint = false} : vector<128x128xf32>, vector<64x128xf32>, vector<128x64xf32> -> vector<128x64xf32>
    %slice3A_88 = vector.extract_strided_slice %dot_general3A_87 {offsets = [0, 0], sizes = [64, 64], strides = [1, 1]} : vector<128x64xf32> to vector<64x64xf32>
    %swap3A_89 = arith.constant 192 : index
    %swap3A_90 = arith.constant 0 : index
    %swap3A_91 = vector.load %arg2[%swap3A_89, %swap3A_90] : memref<2048x128xf32, #tpu.memory_space<vmem>>, vector<64x64xf32>
    tpu.vector_store %arg2[%swap3A_89, %swap3A_90], %slice3A_88 {strides = array<i32>} : memref<2048x128xf32, #tpu.memory_space<vmem>>, vector<64x64xf32>,
    %slice3A_92 = vector.extract_strided_slice %dot_general3A_87 {offsets = [64, 0], sizes = [64, 64], strides = [1, 1]} : vector<128x64xf32> to vector<64x64xf32>
    %swap3A_93 = arith.constant 192 : index
    %swap3A_94 = arith.constant 64 : index
    %swap3A_95 = vector.load %arg2[%swap3A_93, %swap3A_94] : memref<2048x128xf32, #tpu.memory_space<vmem>>, vector<64x64xf32>
    tpu.vector_store %arg2[%swap3A_93, %swap3A_94], %slice3A_92 {strides = array<i32>} : memref<2048x128xf32, #tpu.memory_space<vmem>>, vector<64x64xf32>,
    %get3A_96 = arith.constant 0 : index
    %get3A_97 = arith.constant 512 : index
    %get3A_98 = vector.load %arg1[%get3A_96, %get3A_97] : memref<64x4096xf32, #tpu.memory_space<vmem>>, vector<64x128xf32>
    %dot_general3A_99 = arith.constant dense<0.000000e+00> : vector<128x64xf32>
    %dot_general3A_100 = tpu.matmul %convert_element_type3A_47, %get3A_98, %dot_general3A_99 {dimension_numbers = #tpu.dot_dimension_numbers<[1], [1], [0], [0], [0, 0, 1, 0], [], []>, transpose_lhs_hint = false} : vector<128x128xf32>, vector<64x128xf32>, vector<128x64xf32> -> vector<128x64xf32>
    %slice3A_101 = vector.extract_strided_slice %dot_general3A_100 {offsets = [0, 0], sizes = [64, 64], strides = [1, 1]} : vector<128x64xf32> to vector<64x64xf32>
    %swap3A_102 = arith.constant 256 : index
    %swap3A_103 = arith.constant 0 : index
    %swap3A_104 = vector.load %arg2[%swap3A_102, %swap3A_103] : memref<2048x128xf32, #tpu.memory_space<vmem>>, vector<64x64xf32>
    tpu.vector_store %arg2[%swap3A_102, %swap3A_103], %slice3A_101 {strides = array<i32>} : memref<2048x128xf32, #tpu.memory_space<vmem>>, vector<64x64xf32>,
    %slice3A_105 = vector.extract_strided_slice %dot_general3A_100 {offsets = [64, 0], sizes = [64, 64], strides = [1, 1]} : vector<128x64xf32> to vector<64x64xf32>
    %swap3A_106 = arith.constant 256 : index
    %swap3A_107 = arith.constant 64 : index
    %swap3A_108 = vector.load %arg2[%swap3A_106, %swap3A_107] : memref<2048x128xf32, #tpu.memory_space<vmem>>, vector<64x64xf32>
    tpu.vector_store %arg2[%swap3A_106, %swap3A_107], %slice3A_105 {strides = array<i32>} : memref<2048x128xf32, #tpu.memory_space<vmem>>, vector<64x64xf32>,
    %get3A_109 = arith.constant 0 : index
    %get3A_110 = arith.constant 640 : index
    %get3A_111 = vector.load %arg1[%get3A_109, %get3A_110] : memref<64x4096xf32, #tpu.memory_space<vmem>>, vector<64x128xf32>
    %dot_general3A_112 = arith.constant dense<0.000000e+00> : vector<128x64xf32>
    %dot_general3A_113 = tpu.matmul %convert_element_type3A_47, %get3A_111, %dot_general3A_112 {dimension_numbers = #tpu.dot_dimension_numbers<[1], [1], [0], [0], [0, 0, 1, 0], [], []>, transpose_lhs_hint = false} : vector<128x128xf32>, vector<64x128xf32>, vector<128x64xf32> -> vector<128x64xf32>
    %slice3A_114 = vector.extract_strided_slice %dot_general3A_113 {offsets = [0, 0], sizes = [64, 64], strides = [1, 1]} : vector<128x64xf32> to vector<64x64xf32>
    %swap3A_115 = arith.constant 320 : index
    %swap3A_116 = arith.constant 0 : index
    %swap3A_117 = vector.load %arg2[%swap3A_115, %swap3A_116] : memref<2048x128xf32, #tpu.memory_space<vmem>>, vector<64x64xf32>
    tpu.vector_store %arg2[%swap3A_115, %swap3A_116], %slice3A_114 {strides = array<i32>} : memref<2048x128xf32, #tpu.memory_space<vmem>>, vector<64x64xf32>,
    %slice3A_118 = vector.extract_strided_slice %dot_general3A_113 {offsets = [64, 0], sizes = [64, 64], strides = [1, 1]} : vector<128x64xf32> to vector<64x64xf32>
    %swap3A_119 = arith.constant 320 : index
    %swap3A_120 = arith.constant 64 : index
    %swap3A_121 = vector.load %arg2[%swap3A_119, %swap3A_120] : memref<2048x128xf32, #tpu.memory_space<vmem>>, vector<64x64xf32>
    tpu.vector_store %arg2[%swap3A_119, %swap3A_120], %slice3A_118 {strides = array<i32>} : memref<2048x128xf32, #tpu.memory_space<vmem>>, vector<64x64xf32>,
    %get3A_122 = arith.constant 0 : index
    %get3A_123 = arith.constant 768 : index
    %get3A_124 = vector.load %arg1[%get3A_122, %get3A_123] : memref<64x4096xf32, #tpu.memory_space<vmem>>, vector<64x128xf32>
    %dot_general3A_125 = arith.constant dense<0.000000e+00> : vector<128x64xf32>
    %dot_general3A_126 = tpu.matmul %convert_element_type3A_47, %get3A_124, %dot_general3A_125 {dimension_numbers = #tpu.dot_dimension_numbers<[1], [1], [0], [0], [0, 0, 1, 0], [], []>, transpose_lhs_hint = false} : vector<128x128xf32>, vector<64x128xf32>, vector<128x64xf32> -> vector<128x64xf32>
    %slice3A_127 = vector.extract_strided_slice %dot_general3A_126 {offsets = [0, 0], sizes = [64, 64], strides = [1, 1]} : vector<128x64xf32> to vector<64x64xf32>
    %swap3A_128 = arith.constant 384 : index
    %swap3A_129 = arith.constant 0 : index
    %swap3A_130 = vector.load %arg2[%swap3A_128, %swap3A_129] : memref<2048x128xf32, #tpu.memory_space<vmem>>, vector<64x64xf32>
    tpu.vector_store %arg2[%swap3A_128, %swap3A_129], %slice3A_127 {strides = array<i32>} : memref<2048x128xf32, #tpu.memory_space<vmem>>, vector<64x64xf32>,
    %slice3A_131 = vector.extract_strided_slice %dot_general3A_126 {offsets = [64, 0], sizes = [64, 64], strides = [1, 1]} : vector<128x64xf32> to vector<64x64xf32>
    %swap3A_132 = arith.constant 384 : index
    %swap3A_133 = arith.constant 64 : index
    %swap3A_134 = vector.load %arg2[%swap3A_132, %swap3A_133] : memref<2048x128xf32, #tpu.memory_space<vmem>>, vector<64x64xf32>
    tpu.vector_store %arg2[%swap3A_132, %swap3A_133], %slice3A_131 {strides = array<i32>} : memref<2048x128xf32, #tpu.memory_space<vmem>>, vector<64x64xf32>,
    %get3A_135 = arith.constant 0 : index
    %get3A_136 = arith.constant 896 : index
    %get3A_137 = vector.load %arg1[%get3A_135, %get3A_136] : memref<64x4096xf32, #tpu.memory_space<vmem>>, vector<64x128xf32>
    %dot_general3A_138 = arith.constant dense<0.000000e+00> : vector<128x64xf32>
    %dot_general3A_139 = tpu.matmul %convert_element_type3A_47, %get3A_137, %dot_general3A_138 {dimension_numbers = #tpu.dot_dimension_numbers<[1], [1], [0], [0], [0, 0, 1, 0], [], []>, transpose_lhs_hint = false} : vector<128x128xf32>, vector<64x128xf32>, vector<128x64xf32> -> vector<128x64xf32>
    %slice3A_140 = vector.extract_strided_slice %dot_general3A_139 {offsets = [0, 0], sizes = [64, 64], strides = [1, 1]} : vector<128x64xf32> to vector<64x64xf32>
    %swap3A_141 = arith.constant 448 : index
    %swap3A_142 = arith.constant 0 : index
    %swap3A_143 = vector.load %arg2[%swap3A_141, %swap3A_142] : memref<2048x128xf32, #tpu.memory_space<vmem>>, vector<64x64xf32>
    tpu.vector_store %arg2[%swap3A_141, %swap3A_142], %slice3A_140 {strides = array<i32>} : memref<2048x128xf32, #tpu.memory_space<vmem>>, vector<64x64xf32>,
    %slice3A_144 = vector.extract_strided_slice %dot_general3A_139 {offsets = [64, 0], sizes = [64, 64], strides = [1, 1]} : vector<128x64xf32> to vector<64x64xf32>
    %swap3A_145 = arith.constant 448 : index
    %swap3A_146 = arith.constant 64 : index
    %swap3A_147 = vector.load %arg2[%swap3A_145, %swap3A_146] : memref<2048x128xf32, #tpu.memory_space<vmem>>, vector<64x64xf32>
    tpu.vector_store %arg2[%swap3A_145, %swap3A_146], %slice3A_144 {strides = array<i32>} : memref<2048x128xf32, #tpu.memory_space<vmem>>, vector<64x64xf32>,
    %get3A_148 = arith.constant 0 : index
    %get3A_149 = arith.constant 1024 : index
    %get3A_150 = vector.load %arg1[%get3A_148, %get3A_149] : memref<64x4096xf32, #tpu.memory_space<vmem>>, vector<64x128xf32>
    %dot_general3A_151 = arith.constant dense<0.000000e+00> : vector<128x64xf32>
    %dot_general3A_152 = tpu.matmul %convert_element_type3A_47, %get3A_150, %dot_general3A_151 {dimension_numbers = #tpu.dot_dimension_numbers<[1], [1], [0], [0], [0, 0, 1, 0], [], []>, transpose_lhs_hint = false} : vector<128x128xf32>, vector<64x128xf32>, vector<128x64xf32> -> vector<128x64xf32>
    %slice3A_153 = vector.extract_strided_slice %dot_general3A_152 {offsets = [0, 0], sizes = [64, 64], strides = [1, 1]} : vector<128x64xf32> to vector<64x64xf32>
    %swap3A_154 = arith.constant 512 : index
    %swap3A_155 = arith.constant 0 : index
    %swap3A_156 = vector.load %arg2[%swap3A_154, %swap3A_155] : memref<2048x128xf32, #tpu.memory_space<vmem>>, vector<64x64xf32>
    tpu.vector_store %arg2[%swap3A_154, %swap3A_155], %slice3A_153 {strides = array<i32>} : memref<2048x128xf32, #tpu.memory_space<vmem>>, vector<64x64xf32>,
    %slice3A_157 = vector.extract_strided_slice %dot_general3A_152 {offsets = [64, 0], sizes = [64, 64], strides = [1, 1]} : vector<128x64xf32> to vector<64x64xf32>
    %swap3A_158 = arith.constant 512 : index
    %swap3A_159 = arith.constant 64 : index
    %swap3A_160 = vector.load %arg2[%swap3A_158, %swap3A_159] : memref<2048x128xf32, #tpu.memory_space<vmem>>, vector<64x64xf32>
    tpu.vector_store %arg2[%swap3A_158, %swap3A_159], %slice3A_157 {strides = array<i32>} : memref<2048x128xf32, #tpu.memory_space<vmem>>, vector<64x64xf32>,
    %get3A_161 = arith.constant 0 : index
    %get3A_162 = arith.constant 1152 : index
    %get3A_163 = vector.load %arg1[%get3A_161, %get3A_162] : memref<64x4096xf32, #tpu.memory_space<vmem>>, vector<64x128xf32>
    %dot_general3A_164 = arith.constant dense<0.000000e+00> : vector<128x64xf32>
    %dot_general3A_165 = tpu.matmul %convert_element_type3A_47, %get3A_163, %dot_general3A_164 {dimension_numbers = #tpu.dot_dimension_numbers<[1], [1], [0], [0], [0, 0, 1, 0], [], []>, transpose_lhs_hint = false} : vector<128x128xf32>, vector<64x128xf32>, vector<128x64xf32> -> vector<128x64xf32>
    %slice3A_166 = vector.extract_strided_slice %dot_general3A_165 {offsets = [0, 0], sizes = [64, 64], strides = [1, 1]} : vector<128x64xf32> to vector<64x64xf32>
    %swap3A_167 = arith.constant 576 : index
    %swap3A_168 = arith.constant 0 : index
    %swap3A_169 = vector.load %arg2[%swap3A_167, %swap3A_168] : memref<2048x128xf32, #tpu.memory_space<vmem>>, vector<64x64xf32>
    tpu.vector_store %arg2[%swap3A_167, %swap3A_168], %slice3A_166 {strides = array<i32>} : memref<2048x128xf32, #tpu.memory_space<vmem>>, vector<64x64xf32>,
    %slice3A_170 = vector.extract_strided_slice %dot_general3A_165 {offsets = [64, 0], sizes = [64, 64], strides = [1, 1]} : vector<128x64xf32> to vector<64x64xf32>
    %swap3A_171 = arith.constant 576 : index
    %swap3A_172 = arith.constant 64 : index
    %swap3A_173 = vector.load %arg2[%swap3A_171, %swap3A_172] : memref<2048x128xf32, #tpu.memory_space<vmem>>, vector<64x64xf32>
    tpu.vector_store %arg2[%swap3A_171, %swap3A_172], %slice3A_170 {strides = array<i32>} : memref<2048x128xf32, #tpu.memory_space<vmem>>, vector<64x64xf32>,
    %get3A_174 = arith.constant 0 : index
    %get3A_175 = arith.constant 1280 : index
    %get3A_176 = vector.load %arg1[%get3A_174, %get3A_175] : memref<64x4096xf32, #tpu.memory_space<vmem>>, vector<64x128xf32>
    %dot_general3A_177 = arith.constant dense<0.000000e+00> : vector<128x64xf32>
    %dot_general3A_178 = tpu.matmul %convert_element_type3A_47, %get3A_176, %dot_general3A_177 {dimension_numbers = #tpu.dot_dimension_numbers<[1], [1], [0], [0], [0, 0, 1, 0], [], []>, transpose_lhs_hint = false} : vector<128x128xf32>, vector<64x128xf32>, vector<128x64xf32> -> vector<128x64xf32>
    %slice3A_179 = vector.extract_strided_slice %dot_general3A_178 {offsets = [0, 0], sizes = [64, 64], strides = [1, 1]} : vector<128x64xf32> to vector<64x64xf32>
    %swap3A_180 = arith.constant 640 : index
    %swap3A_181 = arith.constant 0 : index
    %swap3A_182 = vector.load %arg2[%swap3A_180, %swap3A_181] : memref<2048x128xf32, #tpu.memory_space<vmem>>, vector<64x64xf32>
    tpu.vector_store %arg2[%swap3A_180, %swap3A_181], %slice3A_179 {strides = array<i32>} : memref<2048x128xf32, #tpu.memory_space<vmem>>, vector<64x64xf32>,
    %slice3A_183 = vector.extract_strided_slice %dot_general3A_178 {offsets = [64, 0], sizes = [64, 64], strides = [1, 1]} : vector<128x64xf32> to vector<64x64xf32>
    %swap3A_184 = arith.constant 640 : index
    %swap3A_185 = arith.constant 64 : index
    %swap3A_186 = vector.load %arg2[%swap3A_184, %swap3A_185] : memref<2048x128xf32, #tpu.memory_space<vmem>>, vector<64x64xf32>
    tpu.vector_store %arg2[%swap3A_184, %swap3A_185], %slice3A_183 {strides = array<i32>} : memref<2048x128xf32, #tpu.memory_space<vmem>>, vector<64x64xf32>,
    %get3A_187 = arith.constant 0 : index
    %get3A_188 = arith.constant 1408 : index
    %get3A_189 = vector.load %arg1[%get3A_187, %get3A_188] : memref<64x4096xf32, #tpu.memory_space<vmem>>, vector<64x128xf32>
    %dot_general3A_190 = arith.constant dense<0.000000e+00> : vector<128x64xf32>
    %dot_general3A_191 = tpu.matmul %convert_element_type3A_47, %get3A_189, %dot_general3A_190 {dimension_numbers = #tpu.dot_dimension_numbers<[1], [1], [0], [0], [0, 0, 1, 0], [], []>, transpose_lhs_hint = false} : vector<128x128xf32>, vector<64x128xf32>, vector<128x64xf32> -> vector<128x64xf32>
    %slice3A_192 = vector.extract_strided_slice %dot_general3A_191 {offsets = [0, 0], sizes = [64, 64], strides = [1, 1]} : vector<128x64xf32> to vector<64x64xf32>
    %swap3A_193 = arith.constant 704 : index
    %swap3A_194 = arith.constant 0 : index
    %swap3A_195 = vector.load %arg2[%swap3A_193, %swap3A_194] : memref<2048x128xf32, #tpu.memory_space<vmem>>, vector<64x64xf32>
    tpu.vector_store %arg2[%swap3A_193, %swap3A_194], %slice3A_192 {strides = array<i32>} : memref<2048x128xf32, #tpu.memory_space<vmem>>, vector<64x64xf32>,
    %slice3A_196 = vector.extract_strided_slice %dot_general3A_191 {offsets = [64, 0], sizes = [64, 64], strides = [1, 1]} : vector<128x64xf32> to vector<64x64xf32>
    %swap3A_197 = arith.constant 704 : index
    %swap3A_198 = arith.constant 64 : index
    %swap3A_199 = vector.load %arg2[%swap3A_197, %swap3A_198] : memref<2048x128xf32, #tpu.memory_space<vmem>>, vector<64x64xf32>
    tpu.vector_store %arg2[%swap3A_197, %swap3A_198], %slice3A_196 {strides = array<i32>} : memref<2048x128xf32, #tpu.memory_space<vmem>>, vector<64x64xf32>,
    %get3A_200 = arith.constant 0 : index
    %get3A_201 = arith.constant 1536 : index
    %get3A_202 = vector.load %arg1[%get3A_200, %get3A_201] : memref<64x4096xf32, #tpu.memory_space<vmem>>, vector<64x128xf32>
    %dot_general3A_203 = arith.constant dense<0.000000e+00> : vector<128x64xf32>
    %dot_general3A_204 = tpu.matmul %convert_element_type3A_47, %get3A_202, %dot_general3A_203 {dimension_numbers = #tpu.dot_dimension_numbers<[1], [1], [0], [0], [0, 0, 1, 0], [], []>, transpose_lhs_hint = false} : vector<128x128xf32>, vector<64x128xf32>, vector<128x64xf32> -> vector<128x64xf32>
    %slice3A_205 = vector.extract_strided_slice %dot_general3A_204 {offsets = [0, 0], sizes = [64, 64], strides = [1, 1]} : vector<128x64xf32> to vector<64x64xf32>
    %swap3A_206 = arith.constant 768 : index
    %swap3A_207 = arith.constant 0 : index
    %swap3A_208 = vector.load %arg2[%swap3A_206, %swap3A_207] : memref<2048x128xf32, #tpu.memory_space<vmem>>, vector<64x64xf32>
    tpu.vector_store %arg2[%swap3A_206, %swap3A_207], %slice3A_205 {strides = array<i32>} : memref<2048x128xf32, #tpu.memory_space<vmem>>, vector<64x64xf32>,
    %slice3A_209 = vector.extract_strided_slice %dot_general3A_204 {offsets = [64, 0], sizes = [64, 64], strides = [1, 1]} : vector<128x64xf32> to vector<64x64xf32>
    %swap3A_210 = arith.constant 768 : index
    %swap3A_211 = arith.constant 64 : index
    %swap3A_212 = vector.load %arg2[%swap3A_210, %swap3A_211] : memref<2048x128xf32, #tpu.memory_space<vmem>>, vector<64x64xf32>
    tpu.vector_store %arg2[%swap3A_210, %swap3A_211], %slice3A_209 {strides = array<i32>} : memref<2048x128xf32, #tpu.memory_space<vmem>>, vector<64x64xf32>,
    %get3A_213 = arith.constant 0 : index
    %get3A_214 = arith.constant 1664 : index
    %get3A_215 = vector.load %arg1[%get3A_213, %get3A_214] : memref<64x4096xf32, #tpu.memory_space<vmem>>, vector<64x128xf32>
    %dot_general3A_216 = arith.constant dense<0.000000e+00> : vector<128x64xf32>
    %dot_general3A_217 = tpu.matmul %convert_element_type3A_47, %get3A_215, %dot_general3A_216 {dimension_numbers = #tpu.dot_dimension_numbers<[1], [1], [0], [0], [0, 0, 1, 0], [], []>, transpose_lhs_hint = false} : vector<128x128xf32>, vector<64x128xf32>, vector<128x64xf32> -> vector<128x64xf32>
    %slice3A_218 = vector.extract_strided_slice %dot_general3A_217 {offsets = [0, 0], sizes = [64, 64], strides = [1, 1]} : vector<128x64xf32> to vector<64x64xf32>
    %swap3A_219 = arith.constant 832 : index
    %swap3A_220 = arith.constant 0 : index
    %swap3A_221 = vector.load %arg2[%swap3A_219, %swap3A_220] : memref<2048x128xf32, #tpu.memory_space<vmem>>, vector<64x64xf32>
    tpu.vector_store %arg2[%swap3A_219, %swap3A_220], %slice3A_218 {strides = array<i32>} : memref<2048x128xf32, #tpu.memory_space<vmem>>, vector<64x64xf32>,
    %slice3A_222 = vector.extract_strided_slice %dot_general3A_217 {offsets = [64, 0], sizes = [64, 64], strides = [1, 1]} : vector<128x64xf32> to vector<64x64xf32>
    %swap3A_223 = arith.constant 832 : index
    %swap3A_224 = arith.constant 64 : index
    %swap3A_225 = vector.load %arg2[%swap3A_223, %swap3A_224] : memref<2048x128xf32, #tpu.memory_space<vmem>>, vector<64x64xf32>
    tpu.vector_store %arg2[%swap3A_223, %swap3A_224], %slice3A_222 {strides = array<i32>} : memref<2048x128xf32, #tpu.memory_space<vmem>>, vector<64x64xf32>,
    %get3A_226 = arith.constant 0 : index
    %get3A_227 = arith.constant 1792 : index
    %get3A_228 = vector.load %arg1[%get3A_226, %get3A_227] : memref<64x4096xf32, #tpu.memory_space<vmem>>, vector<64x128xf32>
    %dot_general3A_229 = arith.constant dense<0.000000e+00> : vector<128x64xf32>
    %dot_general3A_230 = tpu.matmul %convert_element_type3A_47, %get3A_228, %dot_general3A_229 {dimension_numbers = #tpu.dot_dimension_numbers<[1], [1], [0], [0], [0, 0, 1, 0], [], []>, transpose_lhs_hint = false} : vector<128x128xf32>, vector<64x128xf32>, vector<128x64xf32> -> vector<128x64xf32>
    %slice3A_231 = vector.extract_strided_slice %dot_general3A_230 {offsets = [0, 0], sizes = [64, 64], strides = [1, 1]} : vector<128x64xf32> to vector<64x64xf32>
    %swap3A_232 = arith.constant 896 : index
    %swap3A_233 = arith.constant 0 : index
    %swap3A_234 = vector.load %arg2[%swap3A_232, %swap3A_233] : memref<2048x128xf32, #tpu.memory_space<vmem>>, vector<64x64xf32>
    tpu.vector_store %arg2[%swap3A_232, %swap3A_233], %slice3A_231 {strides = array<i32>} : memref<2048x128xf32, #tpu.memory_space<vmem>>, vector<64x64xf32>,
    %slice3A_235 = vector.extract_strided_slice %dot_general3A_230 {offsets = [64, 0], sizes = [64, 64], strides = [1, 1]} : vector<128x64xf32> to vector<64x64xf32>
    %swap3A_236 = arith.constant 896 : index
    %swap3A_237 = arith.constant 64 : index
    %swap3A_238 = vector.load %arg2[%swap3A_236, %swap3A_237] : memref<2048x128xf32, #tpu.memory_space<vmem>>, vector<64x64xf32>
    tpu.vector_store %arg2[%swap3A_236, %swap3A_237], %slice3A_235 {strides = array<i32>} : memref<2048x128xf32, #tpu.memory_space<vmem>>, vector<64x64xf32>,
    %get3A_239 = arith.constant 0 : index
    %get3A_240 = arith.constant 1920 : index
    %get3A_241 = vector.load %arg1[%get3A_239, %get3A_240] : memref<64x4096xf32, #tpu.memory_space<vmem>>, vector<64x128xf32>
    %dot_general3A_242 = arith.constant dense<0.000000e+00> : vector<128x64xf32>
    %dot_general3A_243 = tpu.matmul %convert_element_type3A_47, %get3A_241, %dot_general3A_242 {dimension_numbers = #tpu.dot_dimension_numbers<[1], [1], [0], [0], [0, 0, 1, 0], [], []>, transpose_lhs_hint = false} : vector<128x128xf32>, vector<64x128xf32>, vector<128x64xf32> -> vector<128x64xf32>
    %slice3A_244 = vector.extract_strided_slice %dot_general3A_243 {offsets = [0, 0], sizes = [64, 64], strides = [1, 1]} : vector<128x64xf32> to vector<64x64xf32>
    %swap3A_245 = arith.constant 960 : index
    %swap3A_246 = arith.constant 0 : index
    %swap3A_247 = vector.load %arg2[%swap3A_245, %swap3A_246] : memref<2048x128xf32, #tpu.memory_space<vmem>>, vector<64x64xf32>
    tpu.vector_store %arg2[%swap3A_245, %swap3A_246], %slice3A_244 {strides = array<i32>} : memref<2048x128xf32, #tpu.memory_space<vmem>>, vector<64x64xf32>,
    %slice3A_248 = vector.extract_strided_slice %dot_general3A_243 {offsets = [64, 0], sizes = [64, 64], strides = [1, 1]} : vector<128x64xf32> to vector<64x64xf32>
    %swap3A_249 = arith.constant 960 : index
    %swap3A_250 = arith.constant 64 : index
    %swap3A_251 = vector.load %arg2[%swap3A_249, %swap3A_250] : memref<2048x128xf32, #tpu.memory_space<vmem>>, vector<64x64xf32>
    tpu.vector_store %arg2[%swap3A_249, %swap3A_250], %slice3A_248 {strides = array<i32>} : memref<2048x128xf32, #tpu.memory_space<vmem>>, vector<64x64xf32>,
    %get3A_252 = arith.constant 0 : index
    %get3A_253 = arith.constant 2048 : index
    %get3A_254 = vector.load %arg1[%get3A_252, %get3A_253] : memref<64x4096xf32, #tpu.memory_space<vmem>>, vector<64x128xf32>
    %dot_general3A_255 = arith.constant dense<0.000000e+00> : vector<128x64xf32>
    %dot_general3A_256 = tpu.matmul %convert_element_type3A_47, %get3A_254, %dot_general3A_255 {dimension_numbers = #tpu.dot_dimension_numbers<[1], [1], [0], [0], [0, 0, 1, 0], [], []>, transpose_lhs_hint = false} : vector<128x128xf32>, vector<64x128xf32>, vector<128x64xf32> -> vector<128x64xf32>
    %slice3A_257 = vector.extract_strided_slice %dot_general3A_256 {offsets = [0, 0], sizes = [64, 64], strides = [1, 1]} : vector<128x64xf32> to vector<64x64xf32>
    %swap3A_258 = arith.constant 1024 : index
    %swap3A_259 = arith.constant 0 : index
    %swap3A_260 = vector.load %arg2[%swap3A_258, %swap3A_259] : memref<2048x128xf32, #tpu.memory_space<vmem>>, vector<64x64xf32>
    tpu.vector_store %arg2[%swap3A_258, %swap3A_259], %slice3A_257 {strides = array<i32>} : memref<2048x128xf32, #tpu.memory_space<vmem>>, vector<64x64xf32>,
    %slice3A_261 = vector.extract_strided_slice %dot_general3A_256 {offsets = [64, 0], sizes = [64, 64], strides = [1, 1]} : vector<128x64xf32> to vector<64x64xf32>
    %swap3A_262 = arith.constant 1024 : index
    %swap3A_263 = arith.constant 64 : index
    %swap3A_264 = vector.load %arg2[%swap3A_262, %swap3A_263] : memref<2048x128xf32, #tpu.memory_space<vmem>>, vector<64x64xf32>
    tpu.vector_store %arg2[%swap3A_262, %swap3A_263], %slice3A_261 {strides = array<i32>} : memref<2048x128xf32, #tpu.memory_space<vmem>>, vector<64x64xf32>,
    %get3A_265 = arith.constant 0 : index
    %get3A_266 = arith.constant 2176 : index
    %get3A_267 = vector.load %arg1[%get3A_265, %get3A_266] : memref<64x4096xf32, #tpu.memory_space<vmem>>, vector<64x128xf32>
    %dot_general3A_268 = arith.constant dense<0.000000e+00> : vector<128x64xf32>
    %dot_general3A_269 = tpu.matmul %convert_element_type3A_47, %get3A_267, %dot_general3A_268 {dimension_numbers = #tpu.dot_dimension_numbers<[1], [1], [0], [0], [0, 0, 1, 0], [], []>, transpose_lhs_hint = false} : vector<128x128xf32>, vector<64x128xf32>, vector<128x64xf32> -> vector<128x64xf32>
    %slice3A_270 = vector.extract_strided_slice %dot_general3A_269 {offsets = [0, 0], sizes = [64, 64], strides = [1, 1]} : vector<128x64xf32> to vector<64x64xf32>
    %swap3A_271 = arith.constant 1088 : index
    %swap3A_272 = arith.constant 0 : index
    %swap3A_273 = vector.load %arg2[%swap3A_271, %swap3A_272] : memref<2048x128xf32, #tpu.memory_space<vmem>>, vector<64x64xf32>
    tpu.vector_store %arg2[%swap3A_271, %swap3A_272], %slice3A_270 {strides = array<i32>} : memref<2048x128xf32, #tpu.memory_space<vmem>>, vector<64x64xf32>,
    %slice3A_274 = vector.extract_strided_slice %dot_general3A_269 {offsets = [64, 0], sizes = [64, 64], strides = [1, 1]} : vector<128x64xf32> to vector<64x64xf32>
    %swap3A_275 = arith.constant 1088 : index
    %swap3A_276 = arith.constant 64 : index
    %swap3A_277 = vector.load %arg2[%swap3A_275, %swap3A_276] : memref<2048x128xf32, #tpu.memory_space<vmem>>, vector<64x64xf32>
    tpu.vector_store %arg2[%swap3A_275, %swap3A_276], %slice3A_274 {strides = array<i32>} : memref<2048x128xf32, #tpu.memory_space<vmem>>, vector<64x64xf32>,
    %get3A_278 = arith.constant 0 : index
    %get3A_279 = arith.constant 2304 : index
    %get3A_280 = vector.load %arg1[%get3A_278, %get3A_279] : memref<64x4096xf32, #tpu.memory_space<vmem>>, vector<64x128xf32>
    %dot_general3A_281 = arith.constant dense<0.000000e+00> : vector<128x64xf32>
    %dot_general3A_282 = tpu.matmul %convert_element_type3A_47, %get3A_280, %dot_general3A_281 {dimension_numbers = #tpu.dot_dimension_numbers<[1], [1], [0], [0], [0, 0, 1, 0], [], []>, transpose_lhs_hint = false} : vector<128x128xf32>, vector<64x128xf32>, vector<128x64xf32> -> vector<128x64xf32>
    %slice3A_283 = vector.extract_strided_slice %dot_general3A_282 {offsets = [0, 0], sizes = [64, 64], strides = [1, 1]} : vector<128x64xf32> to vector<64x64xf32>
    %swap3A_284 = arith.constant 1152 : index
    %swap3A_285 = arith.constant 0 : index
    %swap3A_286 = vector.load %arg2[%swap3A_284, %swap3A_285] : memref<2048x128xf32, #tpu.memory_space<vmem>>, vector<64x64xf32>
    tpu.vector_store %arg2[%swap3A_284, %swap3A_285], %slice3A_283 {strides = array<i32>} : memref<2048x128xf32, #tpu.memory_space<vmem>>, vector<64x64xf32>,
    %slice3A_287 = vector.extract_strided_slice %dot_general3A_282 {offsets = [64, 0], sizes = [64, 64], strides = [1, 1]} : vector<128x64xf32> to vector<64x64xf32>
    %swap3A_288 = arith.constant 1152 : index
    %swap3A_289 = arith.constant 64 : index
    %swap3A_290 = vector.load %arg2[%swap3A_288, %swap3A_289] : memref<2048x128xf32, #tpu.memory_space<vmem>>, vector<64x64xf32>
    tpu.vector_store %arg2[%swap3A_288, %swap3A_289], %slice3A_287 {strides = array<i32>} : memref<2048x128xf32, #tpu.memory_space<vmem>>, vector<64x64xf32>,
    %get3A_291 = arith.constant 0 : index
    %get3A_292 = arith.constant 2432 : index
    %get3A_293 = vector.load %arg1[%get3A_291, %get3A_292] : memref<64x4096xf32, #tpu.memory_space<vmem>>, vector<64x128xf32>
    %dot_general3A_294 = arith.constant dense<0.000000e+00> : vector<128x64xf32>
    %dot_general3A_295 = tpu.matmul %convert_element_type3A_47, %get3A_293, %dot_general3A_294 {dimension_numbers = #tpu.dot_dimension_numbers<[1], [1], [0], [0], [0, 0, 1, 0], [], []>, transpose_lhs_hint = false} : vector<128x128xf32>, vector<64x128xf32>, vector<128x64xf32> -> vector<128x64xf32>
    %slice3A_296 = vector.extract_strided_slice %dot_general3A_295 {offsets = [0, 0], sizes = [64, 64], strides = [1, 1]} : vector<128x64xf32> to vector<64x64xf32>
    %swap3A_297 = arith.constant 1216 : index
    %swap3A_298 = arith.constant 0 : index
    %swap3A_299 = vector.load %arg2[%swap3A_297, %swap3A_298] : memref<2048x128xf32, #tpu.memory_space<vmem>>, vector<64x64xf32>
    tpu.vector_store %arg2[%swap3A_297, %swap3A_298], %slice3A_296 {strides = array<i32>} : memref<2048x128xf32, #tpu.memory_space<vmem>>, vector<64x64xf32>,
    %slice3A_300 = vector.extract_strided_slice %dot_general3A_295 {offsets = [64, 0], sizes = [64, 64], strides = [1, 1]} : vector<128x64xf32> to vector<64x64xf32>
    %swap3A_301 = arith.constant 1216 : index
    %swap3A_302 = arith.constant 64 : index
    %swap3A_303 = vector.load %arg2[%swap3A_301, %swap3A_302] : memref<2048x128xf32, #tpu.memory_space<vmem>>, vector<64x64xf32>
    tpu.vector_store %arg2[%swap3A_301, %swap3A_302], %slice3A_300 {strides = array<i32>} : memref<2048x128xf32, #tpu.memory_space<vmem>>, vector<64x64xf32>,
    %get3A_304 = arith.constant 0 : index
    %get3A_305 = arith.constant 2560 : index
    %get3A_306 = vector.load %arg1[%get3A_304, %get3A_305] : memref<64x4096xf32, #tpu.memory_space<vmem>>, vector<64x128xf32>
    %dot_general3A_307 = arith.constant dense<0.000000e+00> : vector<128x64xf32>
    %dot_general3A_308 = tpu.matmul %convert_element_type3A_47, %get3A_306, %dot_general3A_307 {dimension_numbers = #tpu.dot_dimension_numbers<[1], [1], [0], [0], [0, 0, 1, 0], [], []>, transpose_lhs_hint = false} : vector<128x128xf32>, vector<64x128xf32>, vector<128x64xf32> -> vector<128x64xf32>
    %slice3A_309 = vector.extract_strided_slice %dot_general3A_308 {offsets = [0, 0], sizes = [64, 64], strides = [1, 1]} : vector<128x64xf32> to vector<64x64xf32>
    %swap3A_310 = arith.constant 1280 : index
    %swap3A_311 = arith.constant 0 : index
    %swap3A_312 = vector.load %arg2[%swap3A_310, %swap3A_311] : memref<2048x128xf32, #tpu.memory_space<vmem>>, vector<64x64xf32>
    tpu.vector_store %arg2[%swap3A_310, %swap3A_311], %slice3A_309 {strides = array<i32>} : memref<2048x128xf32, #tpu.memory_space<vmem>>, vector<64x64xf32>,
    %slice3A_313 = vector.extract_strided_slice %dot_general3A_308 {offsets = [64, 0], sizes = [64, 64], strides = [1, 1]} : vector<128x64xf32> to vector<64x64xf32>
    %swap3A_314 = arith.constant 1280 : index
    %swap3A_315 = arith.constant 64 : index
    %swap3A_316 = vector.load %arg2[%swap3A_314, %swap3A_315] : memref<2048x128xf32, #tpu.memory_space<vmem>>, vector<64x64xf32>
    tpu.vector_store %arg2[%swap3A_314, %swap3A_315], %slice3A_313 {strides = array<i32>} : memref<2048x128xf32, #tpu.memory_space<vmem>>, vector<64x64xf32>,
    %get3A_317 = arith.constant 0 : index
    %get3A_318 = arith.constant 2688 : index
    %get3A_319 = vector.load %arg1[%get3A_317, %get3A_318] : memref<64x4096xf32, #tpu.memory_space<vmem>>, vector<64x128xf32>
    %dot_general3A_320 = arith.constant dense<0.000000e+00> : vector<128x64xf32>
    %dot_general3A_321 = tpu.matmul %convert_element_type3A_47, %get3A_319, %dot_general3A_320 {dimension_numbers = #tpu.dot_dimension_numbers<[1], [1], [0], [0], [0, 0, 1, 0], [], []>, transpose_lhs_hint = false} : vector<128x128xf32>, vector<64x128xf32>, vector<128x64xf32> -> vector<128x64xf32>
    %slice3A_322 = vector.extract_strided_slice %dot_general3A_321 {offsets = [0, 0], sizes = [64, 64], strides = [1, 1]} : vector<128x64xf32> to vector<64x64xf32>
    %swap3A_323 = arith.constant 1344 : index
    %swap3A_324 = arith.constant 0 : index
    %swap3A_325 = vector.load %arg2[%swap3A_323, %swap3A_324] : memref<2048x128xf32, #tpu.memory_space<vmem>>, vector<64x64xf32>
    tpu.vector_store %arg2[%swap3A_323, %swap3A_324], %slice3A_322 {strides = array<i32>} : memref<2048x128xf32, #tpu.memory_space<vmem>>, vector<64x64xf32>,
    %slice3A_326 = vector.extract_strided_slice %dot_general3A_321 {offsets = [64, 0], sizes = [64, 64], strides = [1, 1]} : vector<128x64xf32> to vector<64x64xf32>
    %swap3A_327 = arith.constant 1344 : index
    %swap3A_328 = arith.constant 64 : index
    %swap3A_329 = vector.load %arg2[%swap3A_327, %swap3A_328] : memref<2048x128xf32, #tpu.memory_space<vmem>>, vector<64x64xf32>
    tpu.vector_store %arg2[%swap3A_327, %swap3A_328], %slice3A_326 {strides = array<i32>} : memref<2048x128xf32, #tpu.memory_space<vmem>>, vector<64x64xf32>,
    %get3A_330 = arith.constant 0 : index
    %get3A_331 = arith.constant 2816 : index
    %get3A_332 = vector.load %arg1[%get3A_330, %get3A_331] : memref<64x4096xf32, #tpu.memory_space<vmem>>, vector<64x128xf32>
    %dot_general3A_333 = arith.constant dense<0.000000e+00> : vector<128x64xf32>
    %dot_general3A_334 = tpu.matmul %convert_element_type3A_47, %get3A_332, %dot_general3A_333 {dimension_numbers = #tpu.dot_dimension_numbers<[1], [1], [0], [0], [0, 0, 1, 0], [], []>, transpose_lhs_hint = false} : vector<128x128xf32>, vector<64x128xf32>, vector<128x64xf32> -> vector<128x64xf32>
    %slice3A_335 = vector.extract_strided_slice %dot_general3A_334 {offsets = [0, 0], sizes = [64, 64], strides = [1, 1]} : vector<128x64xf32> to vector<64x64xf32>
    %swap3A_336 = arith.constant 1408 : index
    %swap3A_337 = arith.constant 0 : index
    %swap3A_338 = vector.load %arg2[%swap3A_336, %swap3A_337] : memref<2048x128xf32, #tpu.memory_space<vmem>>, vector<64x64xf32>
    tpu.vector_store %arg2[%swap3A_336, %swap3A_337], %slice3A_335 {strides = array<i32>} : memref<2048x128xf32, #tpu.memory_space<vmem>>, vector<64x64xf32>,
    %slice3A_339 = vector.extract_strided_slice %dot_general3A_334 {offsets = [64, 0], sizes = [64, 64], strides = [1, 1]} : vector<128x64xf32> to vector<64x64xf32>
    %swap3A_340 = arith.constant 1408 : index
    %swap3A_341 = arith.constant 64 : index
    %swap3A_342 = vector.load %arg2[%swap3A_340, %swap3A_341] : memref<2048x128xf32, #tpu.memory_space<vmem>>, vector<64x64xf32>
    tpu.vector_store %arg2[%swap3A_340, %swap3A_341], %slice3A_339 {strides = array<i32>} : memref<2048x128xf32, #tpu.memory_space<vmem>>, vector<64x64xf32>,
    %get3A_343 = arith.constant 0 : index
    %get3A_344 = arith.constant 2944 : index
    %get3A_345 = vector.load %arg1[%get3A_343, %get3A_344] : memref<64x4096xf32, #tpu.memory_space<vmem>>, vector<64x128xf32>
    %dot_general3A_346 = arith.constant dense<0.000000e+00> : vector<128x64xf32>
    %dot_general3A_347 = tpu.matmul %convert_element_type3A_47, %get3A_345, %dot_general3A_346 {dimension_numbers = #tpu.dot_dimension_numbers<[1], [1], [0], [0], [0, 0, 1, 0], [], []>, transpose_lhs_hint = false} : vector<128x128xf32>, vector<64x128xf32>, vector<128x64xf32> -> vector<128x64xf32>
    %slice3A_348 = vector.extract_strided_slice %dot_general3A_347 {offsets = [0, 0], sizes = [64, 64], strides = [1, 1]} : vector<128x64xf32> to vector<64x64xf32>
    %swap3A_349 = arith.constant 1472 : index
    %swap3A_350 = arith.constant 0 : index
    %swap3A_351 = vector.load %arg2[%swap3A_349, %swap3A_350] : memref<2048x128xf32, #tpu.memory_space<vmem>>, vector<64x64xf32>
    tpu.vector_store %arg2[%swap3A_349, %swap3A_350], %slice3A_348 {strides = array<i32>} : memref<2048x128xf32, #tpu.memory_space<vmem>>, vector<64x64xf32>,
    %slice3A_352 = vector.extract_strided_slice %dot_general3A_347 {offsets = [64, 0], sizes = [64, 64], strides = [1, 1]} : vector<128x64xf32> to vector<64x64xf32>
    %swap3A_353 = arith.constant 1472 : index
    %swap3A_354 = arith.constant 64 : index
    %swap3A_355 = vector.load %arg2[%swap3A_353, %swap3A_354] : memref<2048x128xf32, #tpu.memory_space<vmem>>, vector<64x64xf32>
    tpu.vector_store %arg2[%swap3A_353, %swap3A_354], %slice3A_352 {strides = array<i32>} : memref<2048x128xf32, #tpu.memory_space<vmem>>, vector<64x64xf32>,
    %get3A_356 = arith.constant 0 : index
    %get3A_357 = arith.constant 3072 : index
    %get3A_358 = vector.load %arg1[%get3A_356, %get3A_357] : memref<64x4096xf32, #tpu.memory_space<vmem>>, vector<64x128xf32>
    %dot_general3A_359 = arith.constant dense<0.000000e+00> : vector<128x64xf32>
    %dot_general3A_360 = tpu.matmul %convert_element_type3A_47, %get3A_358, %dot_general3A_359 {dimension_numbers = #tpu.dot_dimension_numbers<[1], [1], [0], [0], [0, 0, 1, 0], [], []>, transpose_lhs_hint = false} : vector<128x128xf32>, vector<64x128xf32>, vector<128x64xf32> -> vector<128x64xf32>
    %slice3A_361 = vector.extract_strided_slice %dot_general3A_360 {offsets = [0, 0], sizes = [64, 64], strides = [1, 1]} : vector<128x64xf32> to vector<64x64xf32>
    %swap3A_362 = arith.constant 1536 : index
    %swap3A_363 = arith.constant 0 : index
    %swap3A_364 = vector.load %arg2[%swap3A_362, %swap3A_363] : memref<2048x128xf32, #tpu.memory_space<vmem>>, vector<64x64xf32>
    tpu.vector_store %arg2[%swap3A_362, %swap3A_363], %slice3A_361 {strides = array<i32>} : memref<2048x128xf32, #tpu.memory_space<vmem>>, vector<64x64xf32>,
    %slice3A_365 = vector.extract_strided_slice %dot_general3A_360 {offsets = [64, 0], sizes = [64, 64], strides = [1, 1]} : vector<128x64xf32> to vector<64x64xf32>
    %swap3A_366 = arith.constant 1536 : index
    %swap3A_367 = arith.constant 64 : index
    %swap3A_368 = vector.load %arg2[%swap3A_366, %swap3A_367] : memref<2048x128xf32, #tpu.memory_space<vmem>>, vector<64x64xf32>
    tpu.vector_store %arg2[%swap3A_366, %swap3A_367], %slice3A_365 {strides = array<i32>} : memref<2048x128xf32, #tpu.memory_space<vmem>>, vector<64x64xf32>,
    %get3A_369 = arith.constant 0 : index
    %get3A_370 = arith.constant 3200 : index
    %get3A_371 = vector.load %arg1[%get3A_369, %get3A_370] : memref<64x4096xf32, #tpu.memory_space<vmem>>, vector<64x128xf32>
    %dot_general3A_372 = arith.constant dense<0.000000e+00> : vector<128x64xf32>
    %dot_general3A_373 = tpu.matmul %convert_element_type3A_47, %get3A_371, %dot_general3A_372 {dimension_numbers = #tpu.dot_dimension_numbers<[1], [1], [0], [0], [0, 0, 1, 0], [], []>, transpose_lhs_hint = false} : vector<128x128xf32>, vector<64x128xf32>, vector<128x64xf32> -> vector<128x64xf32>
    %slice3A_374 = vector.extract_strided_slice %dot_general3A_373 {offsets = [0, 0], sizes = [64, 64], strides = [1, 1]} : vector<128x64xf32> to vector<64x64xf32>
    %swap3A_375 = arith.constant 1600 : index
    %swap3A_376 = arith.constant 0 : index
    %swap3A_377 = vector.load %arg2[%swap3A_375, %swap3A_376] : memref<2048x128xf32, #tpu.memory_space<vmem>>, vector<64x64xf32>
    tpu.vector_store %arg2[%swap3A_375, %swap3A_376], %slice3A_374 {strides = array<i32>} : memref<2048x128xf32, #tpu.memory_space<vmem>>, vector<64x64xf32>,
    %slice3A_378 = vector.extract_strided_slice %dot_general3A_373 {offsets = [64, 0], sizes = [64, 64], strides = [1, 1]} : vector<128x64xf32> to vector<64x64xf32>
    %swap3A_379 = arith.constant 1600 : index
    %swap3A_380 = arith.constant 64 : index
    %swap3A_381 = vector.load %arg2[%swap3A_379, %swap3A_380] : memref<2048x128xf32, #tpu.memory_space<vmem>>, vector<64x64xf32>
    tpu.vector_store %arg2[%swap3A_379, %swap3A_380], %slice3A_378 {strides = array<i32>} : memref<2048x128xf32, #tpu.memory_space<vmem>>, vector<64x64xf32>,
    %get3A_382 = arith.constant 0 : index
    %get3A_383 = arith.constant 3328 : index
    %get3A_384 = vector.load %arg1[%get3A_382, %get3A_383] : memref<64x4096xf32, #tpu.memory_space<vmem>>, vector<64x128xf32>
    %dot_general3A_385 = arith.constant dense<0.000000e+00> : vector<128x64xf32>
    %dot_general3A_386 = tpu.matmul %convert_element_type3A_47, %get3A_384, %dot_general3A_385 {dimension_numbers = #tpu.dot_dimension_numbers<[1], [1], [0], [0], [0, 0, 1, 0], [], []>, transpose_lhs_hint = false} : vector<128x128xf32>, vector<64x128xf32>, vector<128x64xf32> -> vector<128x64xf32>
    %slice3A_387 = vector.extract_strided_slice %dot_general3A_386 {offsets = [0, 0], sizes = [64, 64], strides = [1, 1]} : vector<128x64xf32> to vector<64x64xf32>
    %swap3A_388 = arith.constant 1664 : index
    %swap3A_389 = arith.constant 0 : index
    %swap3A_390 = vector.load %arg2[%swap3A_388, %swap3A_389] : memref<2048x128xf32, #tpu.memory_space<vmem>>, vector<64x64xf32>
    tpu.vector_store %arg2[%swap3A_388, %swap3A_389], %slice3A_387 {strides = array<i32>} : memref<2048x128xf32, #tpu.memory_space<vmem>>, vector<64x64xf32>,
    %slice3A_391 = vector.extract_strided_slice %dot_general3A_386 {offsets = [64, 0], sizes = [64, 64], strides = [1, 1]} : vector<128x64xf32> to vector<64x64xf32>
    %swap3A_392 = arith.constant 1664 : index
    %swap3A_393 = arith.constant 64 : index
    %swap3A_394 = vector.load %arg2[%swap3A_392, %swap3A_393] : memref<2048x128xf32, #tpu.memory_space<vmem>>, vector<64x64xf32>
    tpu.vector_store %arg2[%swap3A_392, %swap3A_393], %slice3A_391 {strides = array<i32>} : memref<2048x128xf32, #tpu.memory_space<vmem>>, vector<64x64xf32>,
    %get3A_395 = arith.constant 0 : index
    %get3A_396 = arith.constant 3456 : index
    %get3A_397 = vector.load %arg1[%get3A_395, %get3A_396] : memref<64x4096xf32, #tpu.memory_space<vmem>>, vector<64x128xf32>
    %dot_general3A_398 = arith.constant dense<0.000000e+00> : vector<128x64xf32>
    %dot_general3A_399 = tpu.matmul %convert_element_type3A_47, %get3A_397, %dot_general3A_398 {dimension_numbers = #tpu.dot_dimension_numbers<[1], [1], [0], [0], [0, 0, 1, 0], [], []>, transpose_lhs_hint = false} : vector<128x128xf32>, vector<64x128xf32>, vector<128x64xf32> -> vector<128x64xf32>
    %slice3A_400 = vector.extract_strided_slice %dot_general3A_399 {offsets = [0, 0], sizes = [64, 64], strides = [1, 1]} : vector<128x64xf32> to vector<64x64xf32>
    %swap3A_401 = arith.constant 1728 : index
    %swap3A_402 = arith.constant 0 : index
    %swap3A_403 = vector.load %arg2[%swap3A_401, %swap3A_402] : memref<2048x128xf32, #tpu.memory_space<vmem>>, vector<64x64xf32>
    tpu.vector_store %arg2[%swap3A_401, %swap3A_402], %slice3A_400 {strides = array<i32>} : memref<2048x128xf32, #tpu.memory_space<vmem>>, vector<64x64xf32>,
    %slice3A_404 = vector.extract_strided_slice %dot_general3A_399 {offsets = [64, 0], sizes = [64, 64], strides = [1, 1]} : vector<128x64xf32> to vector<64x64xf32>
    %swap3A_405 = arith.constant 1728 : index
    %swap3A_406 = arith.constant 64 : index
    %swap3A_407 = vector.load %arg2[%swap3A_405, %swap3A_406] : memref<2048x128xf32, #tpu.memory_space<vmem>>, vector<64x64xf32>
    tpu.vector_store %arg2[%swap3A_405, %swap3A_406], %slice3A_404 {strides = array<i32>} : memref<2048x128xf32, #tpu.memory_space<vmem>>, vector<64x64xf32>,
    %get3A_408 = arith.constant 0 : index
    %get3A_409 = arith.constant 3584 : index
    %get3A_410 = vector.load %arg1[%get3A_408, %get3A_409] : memref<64x4096xf32, #tpu.memory_space<vmem>>, vector<64x128xf32>
    %dot_general3A_411 = arith.constant dense<0.000000e+00> : vector<128x64xf32>
    %dot_general3A_412 = tpu.matmul %convert_element_type3A_47, %get3A_410, %dot_general3A_411 {dimension_numbers = #tpu.dot_dimension_numbers<[1], [1], [0], [0], [0, 0, 1, 0], [], []>, transpose_lhs_hint = false} : vector<128x128xf32>, vector<64x128xf32>, vector<128x64xf32> -> vector<128x64xf32>
    %slice3A_413 = vector.extract_strided_slice %dot_general3A_412 {offsets = [0, 0], sizes = [64, 64], strides = [1, 1]} : vector<128x64xf32> to vector<64x64xf32>
    %swap3A_414 = arith.constant 1792 : index
    %swap3A_415 = arith.constant 0 : index
    %swap3A_416 = vector.load %arg2[%swap3A_414, %swap3A_415] : memref<2048x128xf32, #tpu.memory_space<vmem>>, vector<64x64xf32>
    tpu.vector_store %arg2[%swap3A_414, %swap3A_415], %slice3A_413 {strides = array<i32>} : memref<2048x128xf32, #tpu.memory_space<vmem>>, vector<64x64xf32>,
    %slice3A_417 = vector.extract_strided_slice %dot_general3A_412 {offsets = [64, 0], sizes = [64, 64], strides = [1, 1]} : vector<128x64xf32> to vector<64x64xf32>
    %swap3A_418 = arith.constant 1792 : index
    %swap3A_419 = arith.constant 64 : index
    %swap3A_420 = vector.load %arg2[%swap3A_418, %swap3A_419] : memref<2048x128xf32, #tpu.memory_space<vmem>>, vector<64x64xf32>
    tpu.vector_store %arg2[%swap3A_418, %swap3A_419], %slice3A_417 {strides = array<i32>} : memref<2048x128xf32, #tpu.memory_space<vmem>>, vector<64x64xf32>,
    %get3A_421 = arith.constant 0 : index
    %get3A_422 = arith.constant 3712 : index
    %get3A_423 = vector.load %arg1[%get3A_421, %get3A_422] : memref<64x4096xf32, #tpu.memory_space<vmem>>, vector<64x128xf32>
    %dot_general3A_424 = arith.constant dense<0.000000e+00> : vector<128x64xf32>
    %dot_general3A_425 = tpu.matmul %convert_element_type3A_47, %get3A_423, %dot_general3A_424 {dimension_numbers = #tpu.dot_dimension_numbers<[1], [1], [0], [0], [0, 0, 1, 0], [], []>, transpose_lhs_hint = false} : vector<128x128xf32>, vector<64x128xf32>, vector<128x64xf32> -> vector<128x64xf32>
    %slice3A_426 = vector.extract_strided_slice %dot_general3A_425 {offsets = [0, 0], sizes = [64, 64], strides = [1, 1]} : vector<128x64xf32> to vector<64x64xf32>
    %swap3A_427 = arith.constant 1856 : index
    %swap3A_428 = arith.constant 0 : index
    %swap3A_429 = vector.load %arg2[%swap3A_427, %swap3A_428] : memref<2048x128xf32, #tpu.memory_space<vmem>>, vector<64x64xf32>
    tpu.vector_store %arg2[%swap3A_427, %swap3A_428], %slice3A_426 {strides = array<i32>} : memref<2048x128xf32, #tpu.memory_space<vmem>>, vector<64x64xf32>,
    %slice3A_430 = vector.extract_strided_slice %dot_general3A_425 {offsets = [64, 0], sizes = [64, 64], strides = [1, 1]} : vector<128x64xf32> to vector<64x64xf32>
    %swap3A_431 = arith.constant 1856 : index
    %swap3A_432 = arith.constant 64 : index
    %swap3A_433 = vector.load %arg2[%swap3A_431, %swap3A_432] : memref<2048x128xf32, #tpu.memory_space<vmem>>, vector<64x64xf32>
    tpu.vector_store %arg2[%swap3A_431, %swap3A_432], %slice3A_430 {strides = array<i32>} : memref<2048x128xf32, #tpu.memory_space<vmem>>, vector<64x64xf32>,
    %get3A_434 = arith.constant 0 : index
    %get3A_435 = arith.constant 3840 : index
    %get3A_436 = vector.load %arg1[%get3A_434, %get3A_435] : memref<64x4096xf32, #tpu.memory_space<vmem>>, vector<64x128xf32>
    %dot_general3A_437 = arith.constant dense<0.000000e+00> : vector<128x64xf32>
    %dot_general3A_438 = tpu.matmul %convert_element_type3A_47, %get3A_436, %dot_general3A_437 {dimension_numbers = #tpu.dot_dimension_numbers<[1], [1], [0], [0], [0, 0, 1, 0], [], []>, transpose_lhs_hint = false} : vector<128x128xf32>, vector<64x128xf32>, vector<128x64xf32> -> vector<128x64xf32>
    %slice3A_439 = vector.extract_strided_slice %dot_general3A_438 {offsets = [0, 0], sizes = [64, 64], strides = [1, 1]} : vector<128x64xf32> to vector<64x64xf32>
    %swap3A_440 = arith.constant 1920 : index
    %swap3A_441 = arith.constant 0 : index
    %swap3A_442 = vector.load %arg2[%swap3A_440, %swap3A_441] : memref<2048x128xf32, #tpu.memory_space<vmem>>, vector<64x64xf32>
    tpu.vector_store %arg2[%swap3A_440, %swap3A_441], %slice3A_439 {strides = array<i32>} : memref<2048x128xf32, #tpu.memory_space<vmem>>, vector<64x64xf32>,
    %slice3A_443 = vector.extract_strided_slice %dot_general3A_438 {offsets = [64, 0], sizes = [64, 64], strides = [1, 1]} : vector<128x64xf32> to vector<64x64xf32>
    %swap3A_444 = arith.constant 1920 : index
    %swap3A_445 = arith.constant 64 : index
    %swap3A_446 = vector.load %arg2[%swap3A_444, %swap3A_445] : memref<2048x128xf32, #tpu.memory_space<vmem>>, vector<64x64xf32>
    tpu.vector_store %arg2[%swap3A_444, %swap3A_445], %slice3A_443 {strides = array<i32>} : memref<2048x128xf32, #tpu.memory_space<vmem>>, vector<64x64xf32>,
    %get3A_447 = arith.constant 0 : index
    %get3A_448 = arith.constant 3968 : index
    %get3A_449 = vector.load %arg1[%get3A_447, %get3A_448] : memref<64x4096xf32, #tpu.memory_space<vmem>>, vector<64x128xf32>
    %dot_general3A_450 = arith.constant dense<0.000000e+00> : vector<128x64xf32>
    %dot_general3A_451 = tpu.matmul %convert_element_type3A_47, %get3A_449, %dot_general3A_450 {dimension_numbers = #tpu.dot_dimension_numbers<[1], [1], [0], [0], [0, 0, 1, 0], [], []>, transpose_lhs_hint = false} : vector<128x128xf32>, vector<64x128xf32>, vector<128x64xf32> -> vector<128x64xf32>
    %slice3A_452 = vector.extract_strided_slice %dot_general3A_451 {offsets = [0, 0], sizes = [64, 64], strides = [1, 1]} : vector<128x64xf32> to vector<64x64xf32>
    %swap3A_453 = arith.constant 1984 : index
    %swap3A_454 = arith.constant 0 : index
    %swap3A_455 = vector.load %arg2[%swap3A_453, %swap3A_454] : memref<2048x128xf32, #tpu.memory_space<vmem>>, vector<64x64xf32>
    tpu.vector_store %arg2[%swap3A_453, %swap3A_454], %slice3A_452 {strides = array<i32>} : memref<2048x128xf32, #tpu.memory_space<vmem>>, vector<64x64xf32>,
    %slice3A_456 = vector.extract_strided_slice %dot_general3A_451 {offsets = [64, 0], sizes = [64, 64], strides = [1, 1]} : vector<128x64xf32> to vector<64x64xf32>
    %swap3A_457 = arith.constant 1984 : index
    %swap3A_458 = arith.constant 64 : index
    %swap3A_459 = vector.load %arg2[%swap3A_457, %swap3A_458] : memref<2048x128xf32, #tpu.memory_space<vmem>>, vector<64x64xf32>
    tpu.vector_store %arg2[%swap3A_457, %swap3A_458], %slice3A_456 {strides = array<i32>} : memref<2048x128xf32, #tpu.memory_space<vmem>>, vector<64x64xf32>,
    return
  }
  func.func @transform_0(%arg0: i32) -> (i32, i32) {
    %c0_i32 = arith.constant 0 : i32
    %c0_i32_0 = arith.constant 0 : i32
    return %c0_i32, %arg0 : i32, i32
  }
  func.func @transform_1(%arg0: i32) -> (i32, i32) {
    %c0_i32 = arith.constant 0 : i32
    %c0_i32_0 = arith.constant 0 : i32
    return %arg0, %c0_i32 : i32, i32
  }
}

module attributes {stable_mosaic.version = 14 : i64} {
  func.func @_pack_body(%arg0: i32, %arg1: memref<64x5888xf32, #tpu.memory_space<vmem>>, %arg2: memref<2944x128xf32, #tpu.memory_space<vmem>>) attributes {dimension_semantics = [#tpu.dimension_semantics<arbitrary>], iteration_bounds = array<i64: 17>, scalar_prefetch = 0 : i64, scratch_operands = 0 : i64, tpu.core_type = #tpu.core_type<tc>, window_params = [{transform_indices = @transform_0, window_bounds = array<i64: 64, 5888>}, {transform_indices = @transform_1, window_bounds = array<i64: 2944, 128>}]} {
    %iota3A = tpu.iota {dimensions = array<i32: 0>} : vector<128x128xi32>
    %iota3A_0 = tpu.iota {dimensions = array<i32: 1>} : vector<128x128xi32>
    %jit3A = arith.constant 64 : i32
    %eq3A = arith.constant 0 : i32
    %eq3A_1 = arith.cmpi eq, %jit3A, %eq3A : i32
    %jit3A_2 = arith.constant 1 : i32
    %select_n3A = arith.select %eq3A_1, %jit3A_2, %jit3A : i32
    %rem3A = vector.broadcast %select_n3A : i32 to vector<128x128xi32>
    %rem3A_3 = arith.remsi %iota3A, %rem3A : vector<128x128xi32>
    %ne3A = arith.constant 0 : i32
    %ne3A_4 = vector.broadcast %ne3A : i32 to vector<128x128xi32>
    %ne3A_5 = arith.cmpi ne, %rem3A_3, %ne3A_4 : vector<128x128xi32>
    %lt3A = arith.constant 0 : i32
    %lt3A_6 = vector.broadcast %lt3A : i32 to vector<128x128xi32>
    %lt3A_7 = arith.cmpi slt, %rem3A_3, %lt3A_6 : vector<128x128xi32>
    %lt3A_8 = arith.constant 0 : i32
    %lt3A_9 = arith.cmpi slt, %select_n3A, %lt3A_8 : i32
    %ne3A_10 = vector.broadcast %lt3A_9 : i1 to vector<128x128xi1>
    %ne3A_11 = vector.broadcast %ne3A_10 : vector<128x128xi1> to vector<128x128xi1>
    %ne3A_12 = arith.xori %lt3A_7, %ne3A_11 : vector<128x128xi1>
    %and3A = arith.andi %ne3A_12, %ne3A_5 : vector<128x128xi1>
    %add3A = vector.broadcast %select_n3A : i32 to vector<128x128xi32>
    %add3A_13 = arith.addi %rem3A_3, %add3A : vector<128x128xi32>
    %select_n3A_14 = arith.select %and3A, %add3A_13, %rem3A_3 : vector<128x128xi1>, vector<128x128xi32>
    %mul3A = arith.constant 2 : i32
    %mul3A_15 = vector.broadcast %mul3A : i32 to vector<128x128xi32>
    %mul3A_16 = arith.muli %mul3A_15, %select_n3A_14 : vector<128x128xi32>
    %jit3A_17 = arith.constant 64 : i32
    %div3A = vector.broadcast %jit3A_17 : i32 to vector<128x128xi32>
    %div3A_18 = arith.divsi %iota3A, %div3A : vector<128x128xi32>
    %sign3A = arith.constant 0 : i32
    %sign3A_19 = vector.broadcast %sign3A : i32 to vector<128x128xi32>
    %sign3A_20 = arith.cmpi sgt, %iota3A, %sign3A_19 : vector<128x128xi32>
    %sign3A_21 = arith.extui %sign3A_20 : vector<128x128xi1> to vector<128x128xi32>
    %sign3A_22 = arith.constant 0 : i32
    %sign3A_23 = vector.broadcast %sign3A_22 : i32 to vector<128x128xi32>
    %sign3A_24 = arith.cmpi slt, %iota3A, %sign3A_23 : vector<128x128xi32>
    %sign3A_25 = arith.extui %sign3A_24 : vector<128x128xi1> to vector<128x128xi32>
    %sign3A_26 = arith.subi %sign3A_21, %sign3A_25 : vector<128x128xi32>
    %sign3A_27 = arith.constant 0 : i32
    %sign3A_28 = arith.cmpi sgt, %jit3A_17, %sign3A_27 : i32
    %sign3A_29 = arith.extui %sign3A_28 : i1 to i32
    %sign3A_30 = arith.constant 0 : i32
    %sign3A_31 = arith.cmpi slt, %jit3A_17, %sign3A_30 : i32
    %sign3A_32 = arith.extui %sign3A_31 : i1 to i32
    %sign3A_33 = arith.subi %sign3A_29, %sign3A_32 : i32
    %ne3A_34 = vector.broadcast %sign3A_33 : i32 to vector<128x128xi32>
    %ne3A_35 = arith.cmpi ne, %sign3A_26, %ne3A_34 : vector<128x128xi32>
    %rem3A_36 = vector.broadcast %jit3A_17 : i32 to vector<128x128xi32>
    %rem3A_37 = arith.remsi %iota3A, %rem3A_36 : vector<128x128xi32>
    %ne3A_38 = arith.constant 0 : i32
    %ne3A_39 = vector.broadcast %ne3A_38 : i32 to vector<128x128xi32>
    %ne3A_40 = arith.cmpi ne, %rem3A_37, %ne3A_39 : vector<128x128xi32>
    %and3A_41 = arith.andi %ne3A_35, %ne3A_40 : vector<128x128xi1>
    %sub3A = arith.constant 1 : i32
    %sub3A_42 = vector.broadcast %sub3A : i32 to vector<128x128xi32>
    %sub3A_43 = arith.subi %div3A_18, %sub3A_42 : vector<128x128xi32>
    %select_n3A_44 = arith.select %and3A_41, %sub3A_43, %div3A_18 : vector<128x128xi1>, vector<128x128xi32>
    %add3A_45 = arith.addi %mul3A_16, %select_n3A_44 : vector<128x128xi32>
    %eq3A_46 = arith.cmpi eq, %iota3A_0, %add3A_45 : vector<128x128xi32>
    %convert_element_type3A = arith.extui %eq3A_46 : vector<128x128xi1> to vector<128x128xi32>
    %convert_element_type3A_47 = arith.sitofp %convert_element_type3A : vector<128x128xi32> to vector<128x128xf32>
    %get3A = arith.constant 0 : index
    %get3A_48 = arith.constant 0 : index
    %get3A_49 = vector.load %arg1[%get3A, %get3A_48] : memref<64x5888xf32, #tpu.memory_space<vmem>>, vector<64x128xf32>
    %dot_general3A = arith.constant dense<0.000000e+00> : vector<128x64xf32>
    %dot_general3A_50 = tpu.matmul %convert_element_type3A_47, %get3A_49, %dot_general3A {dimension_numbers = #tpu.dot_dimension_numbers<[1], [1], [0], [0], [0, 0, 1, 0], [], []>, transpose_lhs_hint = false} : vector<128x128xf32>, vector<64x128xf32>, vector<128x64xf32> -> vector<128x64xf32>
    %slice3A = vector.extract_strided_slice %dot_general3A_50 {offsets = [0, 0], sizes = [64, 64], strides = [1, 1]} : vector<128x64xf32> to vector<64x64xf32>
    %swap3A = arith.constant 0 : index
    %swap3A_51 = arith.constant 0 : index
    %swap3A_52 = vector.load %arg2[%swap3A, %swap3A_51] : memref<2944x128xf32, #tpu.memory_space<vmem>>, vector<64x64xf32>
    tpu.vector_store %arg2[%swap3A, %swap3A_51], %slice3A {strides = array<i32>} : memref<2944x128xf32, #tpu.memory_space<vmem>>, vector<64x64xf32>,
    %slice3A_53 = vector.extract_strided_slice %dot_general3A_50 {offsets = [64, 0], sizes = [64, 64], strides = [1, 1]} : vector<128x64xf32> to vector<64x64xf32>
    %swap3A_54 = arith.constant 0 : index
    %swap3A_55 = arith.constant 64 : index
    %swap3A_56 = vector.load %arg2[%swap3A_54, %swap3A_55] : memref<2944x128xf32, #tpu.memory_space<vmem>>, vector<64x64xf32>
    tpu.vector_store %arg2[%swap3A_54, %swap3A_55], %slice3A_53 {strides = array<i32>} : memref<2944x128xf32, #tpu.memory_space<vmem>>, vector<64x64xf32>,
    %get3A_57 = arith.constant 0 : index
    %get3A_58 = arith.constant 128 : index
    %get3A_59 = vector.load %arg1[%get3A_57, %get3A_58] : memref<64x5888xf32, #tpu.memory_space<vmem>>, vector<64x128xf32>
    %dot_general3A_60 = arith.constant dense<0.000000e+00> : vector<128x64xf32>
    %dot_general3A_61 = tpu.matmul %convert_element_type3A_47, %get3A_59, %dot_general3A_60 {dimension_numbers = #tpu.dot_dimension_numbers<[1], [1], [0], [0], [0, 0, 1, 0], [], []>, transpose_lhs_hint = false} : vector<128x128xf32>, vector<64x128xf32>, vector<128x64xf32> -> vector<128x64xf32>
    %slice3A_62 = vector.extract_strided_slice %dot_general3A_61 {offsets = [0, 0], sizes = [64, 64], strides = [1, 1]} : vector<128x64xf32> to vector<64x64xf32>
    %swap3A_63 = arith.constant 64 : index
    %swap3A_64 = arith.constant 0 : index
    %swap3A_65 = vector.load %arg2[%swap3A_63, %swap3A_64] : memref<2944x128xf32, #tpu.memory_space<vmem>>, vector<64x64xf32>
    tpu.vector_store %arg2[%swap3A_63, %swap3A_64], %slice3A_62 {strides = array<i32>} : memref<2944x128xf32, #tpu.memory_space<vmem>>, vector<64x64xf32>,
    %slice3A_66 = vector.extract_strided_slice %dot_general3A_61 {offsets = [64, 0], sizes = [64, 64], strides = [1, 1]} : vector<128x64xf32> to vector<64x64xf32>
    %swap3A_67 = arith.constant 64 : index
    %swap3A_68 = arith.constant 64 : index
    %swap3A_69 = vector.load %arg2[%swap3A_67, %swap3A_68] : memref<2944x128xf32, #tpu.memory_space<vmem>>, vector<64x64xf32>
    tpu.vector_store %arg2[%swap3A_67, %swap3A_68], %slice3A_66 {strides = array<i32>} : memref<2944x128xf32, #tpu.memory_space<vmem>>, vector<64x64xf32>,
    %get3A_70 = arith.constant 0 : index
    %get3A_71 = arith.constant 256 : index
    %get3A_72 = vector.load %arg1[%get3A_70, %get3A_71] : memref<64x5888xf32, #tpu.memory_space<vmem>>, vector<64x128xf32>
    %dot_general3A_73 = arith.constant dense<0.000000e+00> : vector<128x64xf32>
    %dot_general3A_74 = tpu.matmul %convert_element_type3A_47, %get3A_72, %dot_general3A_73 {dimension_numbers = #tpu.dot_dimension_numbers<[1], [1], [0], [0], [0, 0, 1, 0], [], []>, transpose_lhs_hint = false} : vector<128x128xf32>, vector<64x128xf32>, vector<128x64xf32> -> vector<128x64xf32>
    %slice3A_75 = vector.extract_strided_slice %dot_general3A_74 {offsets = [0, 0], sizes = [64, 64], strides = [1, 1]} : vector<128x64xf32> to vector<64x64xf32>
    %swap3A_76 = arith.constant 128 : index
    %swap3A_77 = arith.constant 0 : index
    %swap3A_78 = vector.load %arg2[%swap3A_76, %swap3A_77] : memref<2944x128xf32, #tpu.memory_space<vmem>>, vector<64x64xf32>
    tpu.vector_store %arg2[%swap3A_76, %swap3A_77], %slice3A_75 {strides = array<i32>} : memref<2944x128xf32, #tpu.memory_space<vmem>>, vector<64x64xf32>,
    %slice3A_79 = vector.extract_strided_slice %dot_general3A_74 {offsets = [64, 0], sizes = [64, 64], strides = [1, 1]} : vector<128x64xf32> to vector<64x64xf32>
    %swap3A_80 = arith.constant 128 : index
    %swap3A_81 = arith.constant 64 : index
    %swap3A_82 = vector.load %arg2[%swap3A_80, %swap3A_81] : memref<2944x128xf32, #tpu.memory_space<vmem>>, vector<64x64xf32>
    tpu.vector_store %arg2[%swap3A_80, %swap3A_81], %slice3A_79 {strides = array<i32>} : memref<2944x128xf32, #tpu.memory_space<vmem>>, vector<64x64xf32>,
    %get3A_83 = arith.constant 0 : index
    %get3A_84 = arith.constant 384 : index
    %get3A_85 = vector.load %arg1[%get3A_83, %get3A_84] : memref<64x5888xf32, #tpu.memory_space<vmem>>, vector<64x128xf32>
    %dot_general3A_86 = arith.constant dense<0.000000e+00> : vector<128x64xf32>
    %dot_general3A_87 = tpu.matmul %convert_element_type3A_47, %get3A_85, %dot_general3A_86 {dimension_numbers = #tpu.dot_dimension_numbers<[1], [1], [0], [0], [0, 0, 1, 0], [], []>, transpose_lhs_hint = false} : vector<128x128xf32>, vector<64x128xf32>, vector<128x64xf32> -> vector<128x64xf32>
    %slice3A_88 = vector.extract_strided_slice %dot_general3A_87 {offsets = [0, 0], sizes = [64, 64], strides = [1, 1]} : vector<128x64xf32> to vector<64x64xf32>
    %swap3A_89 = arith.constant 192 : index
    %swap3A_90 = arith.constant 0 : index
    %swap3A_91 = vector.load %arg2[%swap3A_89, %swap3A_90] : memref<2944x128xf32, #tpu.memory_space<vmem>>, vector<64x64xf32>
    tpu.vector_store %arg2[%swap3A_89, %swap3A_90], %slice3A_88 {strides = array<i32>} : memref<2944x128xf32, #tpu.memory_space<vmem>>, vector<64x64xf32>,
    %slice3A_92 = vector.extract_strided_slice %dot_general3A_87 {offsets = [64, 0], sizes = [64, 64], strides = [1, 1]} : vector<128x64xf32> to vector<64x64xf32>
    %swap3A_93 = arith.constant 192 : index
    %swap3A_94 = arith.constant 64 : index
    %swap3A_95 = vector.load %arg2[%swap3A_93, %swap3A_94] : memref<2944x128xf32, #tpu.memory_space<vmem>>, vector<64x64xf32>
    tpu.vector_store %arg2[%swap3A_93, %swap3A_94], %slice3A_92 {strides = array<i32>} : memref<2944x128xf32, #tpu.memory_space<vmem>>, vector<64x64xf32>,
    %get3A_96 = arith.constant 0 : index
    %get3A_97 = arith.constant 512 : index
    %get3A_98 = vector.load %arg1[%get3A_96, %get3A_97] : memref<64x5888xf32, #tpu.memory_space<vmem>>, vector<64x128xf32>
    %dot_general3A_99 = arith.constant dense<0.000000e+00> : vector<128x64xf32>
    %dot_general3A_100 = tpu.matmul %convert_element_type3A_47, %get3A_98, %dot_general3A_99 {dimension_numbers = #tpu.dot_dimension_numbers<[1], [1], [0], [0], [0, 0, 1, 0], [], []>, transpose_lhs_hint = false} : vector<128x128xf32>, vector<64x128xf32>, vector<128x64xf32> -> vector<128x64xf32>
    %slice3A_101 = vector.extract_strided_slice %dot_general3A_100 {offsets = [0, 0], sizes = [64, 64], strides = [1, 1]} : vector<128x64xf32> to vector<64x64xf32>
    %swap3A_102 = arith.constant 256 : index
    %swap3A_103 = arith.constant 0 : index
    %swap3A_104 = vector.load %arg2[%swap3A_102, %swap3A_103] : memref<2944x128xf32, #tpu.memory_space<vmem>>, vector<64x64xf32>
    tpu.vector_store %arg2[%swap3A_102, %swap3A_103], %slice3A_101 {strides = array<i32>} : memref<2944x128xf32, #tpu.memory_space<vmem>>, vector<64x64xf32>,
    %slice3A_105 = vector.extract_strided_slice %dot_general3A_100 {offsets = [64, 0], sizes = [64, 64], strides = [1, 1]} : vector<128x64xf32> to vector<64x64xf32>
    %swap3A_106 = arith.constant 256 : index
    %swap3A_107 = arith.constant 64 : index
    %swap3A_108 = vector.load %arg2[%swap3A_106, %swap3A_107] : memref<2944x128xf32, #tpu.memory_space<vmem>>, vector<64x64xf32>
    tpu.vector_store %arg2[%swap3A_106, %swap3A_107], %slice3A_105 {strides = array<i32>} : memref<2944x128xf32, #tpu.memory_space<vmem>>, vector<64x64xf32>,
    %get3A_109 = arith.constant 0 : index
    %get3A_110 = arith.constant 640 : index
    %get3A_111 = vector.load %arg1[%get3A_109, %get3A_110] : memref<64x5888xf32, #tpu.memory_space<vmem>>, vector<64x128xf32>
    %dot_general3A_112 = arith.constant dense<0.000000e+00> : vector<128x64xf32>
    %dot_general3A_113 = tpu.matmul %convert_element_type3A_47, %get3A_111, %dot_general3A_112 {dimension_numbers = #tpu.dot_dimension_numbers<[1], [1], [0], [0], [0, 0, 1, 0], [], []>, transpose_lhs_hint = false} : vector<128x128xf32>, vector<64x128xf32>, vector<128x64xf32> -> vector<128x64xf32>
    %slice3A_114 = vector.extract_strided_slice %dot_general3A_113 {offsets = [0, 0], sizes = [64, 64], strides = [1, 1]} : vector<128x64xf32> to vector<64x64xf32>
    %swap3A_115 = arith.constant 320 : index
    %swap3A_116 = arith.constant 0 : index
    %swap3A_117 = vector.load %arg2[%swap3A_115, %swap3A_116] : memref<2944x128xf32, #tpu.memory_space<vmem>>, vector<64x64xf32>
    tpu.vector_store %arg2[%swap3A_115, %swap3A_116], %slice3A_114 {strides = array<i32>} : memref<2944x128xf32, #tpu.memory_space<vmem>>, vector<64x64xf32>,
    %slice3A_118 = vector.extract_strided_slice %dot_general3A_113 {offsets = [64, 0], sizes = [64, 64], strides = [1, 1]} : vector<128x64xf32> to vector<64x64xf32>
    %swap3A_119 = arith.constant 320 : index
    %swap3A_120 = arith.constant 64 : index
    %swap3A_121 = vector.load %arg2[%swap3A_119, %swap3A_120] : memref<2944x128xf32, #tpu.memory_space<vmem>>, vector<64x64xf32>
    tpu.vector_store %arg2[%swap3A_119, %swap3A_120], %slice3A_118 {strides = array<i32>} : memref<2944x128xf32, #tpu.memory_space<vmem>>, vector<64x64xf32>,
    %get3A_122 = arith.constant 0 : index
    %get3A_123 = arith.constant 768 : index
    %get3A_124 = vector.load %arg1[%get3A_122, %get3A_123] : memref<64x5888xf32, #tpu.memory_space<vmem>>, vector<64x128xf32>
    %dot_general3A_125 = arith.constant dense<0.000000e+00> : vector<128x64xf32>
    %dot_general3A_126 = tpu.matmul %convert_element_type3A_47, %get3A_124, %dot_general3A_125 {dimension_numbers = #tpu.dot_dimension_numbers<[1], [1], [0], [0], [0, 0, 1, 0], [], []>, transpose_lhs_hint = false} : vector<128x128xf32>, vector<64x128xf32>, vector<128x64xf32> -> vector<128x64xf32>
    %slice3A_127 = vector.extract_strided_slice %dot_general3A_126 {offsets = [0, 0], sizes = [64, 64], strides = [1, 1]} : vector<128x64xf32> to vector<64x64xf32>
    %swap3A_128 = arith.constant 384 : index
    %swap3A_129 = arith.constant 0 : index
    %swap3A_130 = vector.load %arg2[%swap3A_128, %swap3A_129] : memref<2944x128xf32, #tpu.memory_space<vmem>>, vector<64x64xf32>
    tpu.vector_store %arg2[%swap3A_128, %swap3A_129], %slice3A_127 {strides = array<i32>} : memref<2944x128xf32, #tpu.memory_space<vmem>>, vector<64x64xf32>,
    %slice3A_131 = vector.extract_strided_slice %dot_general3A_126 {offsets = [64, 0], sizes = [64, 64], strides = [1, 1]} : vector<128x64xf32> to vector<64x64xf32>
    %swap3A_132 = arith.constant 384 : index
    %swap3A_133 = arith.constant 64 : index
    %swap3A_134 = vector.load %arg2[%swap3A_132, %swap3A_133] : memref<2944x128xf32, #tpu.memory_space<vmem>>, vector<64x64xf32>
    tpu.vector_store %arg2[%swap3A_132, %swap3A_133], %slice3A_131 {strides = array<i32>} : memref<2944x128xf32, #tpu.memory_space<vmem>>, vector<64x64xf32>,
    %get3A_135 = arith.constant 0 : index
    %get3A_136 = arith.constant 896 : index
    %get3A_137 = vector.load %arg1[%get3A_135, %get3A_136] : memref<64x5888xf32, #tpu.memory_space<vmem>>, vector<64x128xf32>
    %dot_general3A_138 = arith.constant dense<0.000000e+00> : vector<128x64xf32>
    %dot_general3A_139 = tpu.matmul %convert_element_type3A_47, %get3A_137, %dot_general3A_138 {dimension_numbers = #tpu.dot_dimension_numbers<[1], [1], [0], [0], [0, 0, 1, 0], [], []>, transpose_lhs_hint = false} : vector<128x128xf32>, vector<64x128xf32>, vector<128x64xf32> -> vector<128x64xf32>
    %slice3A_140 = vector.extract_strided_slice %dot_general3A_139 {offsets = [0, 0], sizes = [64, 64], strides = [1, 1]} : vector<128x64xf32> to vector<64x64xf32>
    %swap3A_141 = arith.constant 448 : index
    %swap3A_142 = arith.constant 0 : index
    %swap3A_143 = vector.load %arg2[%swap3A_141, %swap3A_142] : memref<2944x128xf32, #tpu.memory_space<vmem>>, vector<64x64xf32>
    tpu.vector_store %arg2[%swap3A_141, %swap3A_142], %slice3A_140 {strides = array<i32>} : memref<2944x128xf32, #tpu.memory_space<vmem>>, vector<64x64xf32>,
    %slice3A_144 = vector.extract_strided_slice %dot_general3A_139 {offsets = [64, 0], sizes = [64, 64], strides = [1, 1]} : vector<128x64xf32> to vector<64x64xf32>
    %swap3A_145 = arith.constant 448 : index
    %swap3A_146 = arith.constant 64 : index
    %swap3A_147 = vector.load %arg2[%swap3A_145, %swap3A_146] : memref<2944x128xf32, #tpu.memory_space<vmem>>, vector<64x64xf32>
    tpu.vector_store %arg2[%swap3A_145, %swap3A_146], %slice3A_144 {strides = array<i32>} : memref<2944x128xf32, #tpu.memory_space<vmem>>, vector<64x64xf32>,
    %get3A_148 = arith.constant 0 : index
    %get3A_149 = arith.constant 1024 : index
    %get3A_150 = vector.load %arg1[%get3A_148, %get3A_149] : memref<64x5888xf32, #tpu.memory_space<vmem>>, vector<64x128xf32>
    %dot_general3A_151 = arith.constant dense<0.000000e+00> : vector<128x64xf32>
    %dot_general3A_152 = tpu.matmul %convert_element_type3A_47, %get3A_150, %dot_general3A_151 {dimension_numbers = #tpu.dot_dimension_numbers<[1], [1], [0], [0], [0, 0, 1, 0], [], []>, transpose_lhs_hint = false} : vector<128x128xf32>, vector<64x128xf32>, vector<128x64xf32> -> vector<128x64xf32>
    %slice3A_153 = vector.extract_strided_slice %dot_general3A_152 {offsets = [0, 0], sizes = [64, 64], strides = [1, 1]} : vector<128x64xf32> to vector<64x64xf32>
    %swap3A_154 = arith.constant 512 : index
    %swap3A_155 = arith.constant 0 : index
    %swap3A_156 = vector.load %arg2[%swap3A_154, %swap3A_155] : memref<2944x128xf32, #tpu.memory_space<vmem>>, vector<64x64xf32>
    tpu.vector_store %arg2[%swap3A_154, %swap3A_155], %slice3A_153 {strides = array<i32>} : memref<2944x128xf32, #tpu.memory_space<vmem>>, vector<64x64xf32>,
    %slice3A_157 = vector.extract_strided_slice %dot_general3A_152 {offsets = [64, 0], sizes = [64, 64], strides = [1, 1]} : vector<128x64xf32> to vector<64x64xf32>
    %swap3A_158 = arith.constant 512 : index
    %swap3A_159 = arith.constant 64 : index
    %swap3A_160 = vector.load %arg2[%swap3A_158, %swap3A_159] : memref<2944x128xf32, #tpu.memory_space<vmem>>, vector<64x64xf32>
    tpu.vector_store %arg2[%swap3A_158, %swap3A_159], %slice3A_157 {strides = array<i32>} : memref<2944x128xf32, #tpu.memory_space<vmem>>, vector<64x64xf32>,
    %get3A_161 = arith.constant 0 : index
    %get3A_162 = arith.constant 1152 : index
    %get3A_163 = vector.load %arg1[%get3A_161, %get3A_162] : memref<64x5888xf32, #tpu.memory_space<vmem>>, vector<64x128xf32>
    %dot_general3A_164 = arith.constant dense<0.000000e+00> : vector<128x64xf32>
    %dot_general3A_165 = tpu.matmul %convert_element_type3A_47, %get3A_163, %dot_general3A_164 {dimension_numbers = #tpu.dot_dimension_numbers<[1], [1], [0], [0], [0, 0, 1, 0], [], []>, transpose_lhs_hint = false} : vector<128x128xf32>, vector<64x128xf32>, vector<128x64xf32> -> vector<128x64xf32>
    %slice3A_166 = vector.extract_strided_slice %dot_general3A_165 {offsets = [0, 0], sizes = [64, 64], strides = [1, 1]} : vector<128x64xf32> to vector<64x64xf32>
    %swap3A_167 = arith.constant 576 : index
    %swap3A_168 = arith.constant 0 : index
    %swap3A_169 = vector.load %arg2[%swap3A_167, %swap3A_168] : memref<2944x128xf32, #tpu.memory_space<vmem>>, vector<64x64xf32>
    tpu.vector_store %arg2[%swap3A_167, %swap3A_168], %slice3A_166 {strides = array<i32>} : memref<2944x128xf32, #tpu.memory_space<vmem>>, vector<64x64xf32>,
    %slice3A_170 = vector.extract_strided_slice %dot_general3A_165 {offsets = [64, 0], sizes = [64, 64], strides = [1, 1]} : vector<128x64xf32> to vector<64x64xf32>
    %swap3A_171 = arith.constant 576 : index
    %swap3A_172 = arith.constant 64 : index
    %swap3A_173 = vector.load %arg2[%swap3A_171, %swap3A_172] : memref<2944x128xf32, #tpu.memory_space<vmem>>, vector<64x64xf32>
    tpu.vector_store %arg2[%swap3A_171, %swap3A_172], %slice3A_170 {strides = array<i32>} : memref<2944x128xf32, #tpu.memory_space<vmem>>, vector<64x64xf32>,
    %get3A_174 = arith.constant 0 : index
    %get3A_175 = arith.constant 1280 : index
    %get3A_176 = vector.load %arg1[%get3A_174, %get3A_175] : memref<64x5888xf32, #tpu.memory_space<vmem>>, vector<64x128xf32>
    %dot_general3A_177 = arith.constant dense<0.000000e+00> : vector<128x64xf32>
    %dot_general3A_178 = tpu.matmul %convert_element_type3A_47, %get3A_176, %dot_general3A_177 {dimension_numbers = #tpu.dot_dimension_numbers<[1], [1], [0], [0], [0, 0, 1, 0], [], []>, transpose_lhs_hint = false} : vector<128x128xf32>, vector<64x128xf32>, vector<128x64xf32> -> vector<128x64xf32>
    %slice3A_179 = vector.extract_strided_slice %dot_general3A_178 {offsets = [0, 0], sizes = [64, 64], strides = [1, 1]} : vector<128x64xf32> to vector<64x64xf32>
    %swap3A_180 = arith.constant 640 : index
    %swap3A_181 = arith.constant 0 : index
    %swap3A_182 = vector.load %arg2[%swap3A_180, %swap3A_181] : memref<2944x128xf32, #tpu.memory_space<vmem>>, vector<64x64xf32>
    tpu.vector_store %arg2[%swap3A_180, %swap3A_181], %slice3A_179 {strides = array<i32>} : memref<2944x128xf32, #tpu.memory_space<vmem>>, vector<64x64xf32>,
    %slice3A_183 = vector.extract_strided_slice %dot_general3A_178 {offsets = [64, 0], sizes = [64, 64], strides = [1, 1]} : vector<128x64xf32> to vector<64x64xf32>
    %swap3A_184 = arith.constant 640 : index
    %swap3A_185 = arith.constant 64 : index
    %swap3A_186 = vector.load %arg2[%swap3A_184, %swap3A_185] : memref<2944x128xf32, #tpu.memory_space<vmem>>, vector<64x64xf32>
    tpu.vector_store %arg2[%swap3A_184, %swap3A_185], %slice3A_183 {strides = array<i32>} : memref<2944x128xf32, #tpu.memory_space<vmem>>, vector<64x64xf32>,
    %get3A_187 = arith.constant 0 : index
    %get3A_188 = arith.constant 1408 : index
    %get3A_189 = vector.load %arg1[%get3A_187, %get3A_188] : memref<64x5888xf32, #tpu.memory_space<vmem>>, vector<64x128xf32>
    %dot_general3A_190 = arith.constant dense<0.000000e+00> : vector<128x64xf32>
    %dot_general3A_191 = tpu.matmul %convert_element_type3A_47, %get3A_189, %dot_general3A_190 {dimension_numbers = #tpu.dot_dimension_numbers<[1], [1], [0], [0], [0, 0, 1, 0], [], []>, transpose_lhs_hint = false} : vector<128x128xf32>, vector<64x128xf32>, vector<128x64xf32> -> vector<128x64xf32>
    %slice3A_192 = vector.extract_strided_slice %dot_general3A_191 {offsets = [0, 0], sizes = [64, 64], strides = [1, 1]} : vector<128x64xf32> to vector<64x64xf32>
    %swap3A_193 = arith.constant 704 : index
    %swap3A_194 = arith.constant 0 : index
    %swap3A_195 = vector.load %arg2[%swap3A_193, %swap3A_194] : memref<2944x128xf32, #tpu.memory_space<vmem>>, vector<64x64xf32>
    tpu.vector_store %arg2[%swap3A_193, %swap3A_194], %slice3A_192 {strides = array<i32>} : memref<2944x128xf32, #tpu.memory_space<vmem>>, vector<64x64xf32>,
    %slice3A_196 = vector.extract_strided_slice %dot_general3A_191 {offsets = [64, 0], sizes = [64, 64], strides = [1, 1]} : vector<128x64xf32> to vector<64x64xf32>
    %swap3A_197 = arith.constant 704 : index
    %swap3A_198 = arith.constant 64 : index
    %swap3A_199 = vector.load %arg2[%swap3A_197, %swap3A_198] : memref<2944x128xf32, #tpu.memory_space<vmem>>, vector<64x64xf32>
    tpu.vector_store %arg2[%swap3A_197, %swap3A_198], %slice3A_196 {strides = array<i32>} : memref<2944x128xf32, #tpu.memory_space<vmem>>, vector<64x64xf32>,
    %get3A_200 = arith.constant 0 : index
    %get3A_201 = arith.constant 1536 : index
    %get3A_202 = vector.load %arg1[%get3A_200, %get3A_201] : memref<64x5888xf32, #tpu.memory_space<vmem>>, vector<64x128xf32>
    %dot_general3A_203 = arith.constant dense<0.000000e+00> : vector<128x64xf32>
    %dot_general3A_204 = tpu.matmul %convert_element_type3A_47, %get3A_202, %dot_general3A_203 {dimension_numbers = #tpu.dot_dimension_numbers<[1], [1], [0], [0], [0, 0, 1, 0], [], []>, transpose_lhs_hint = false} : vector<128x128xf32>, vector<64x128xf32>, vector<128x64xf32> -> vector<128x64xf32>
    %slice3A_205 = vector.extract_strided_slice %dot_general3A_204 {offsets = [0, 0], sizes = [64, 64], strides = [1, 1]} : vector<128x64xf32> to vector<64x64xf32>
    %swap3A_206 = arith.constant 768 : index
    %swap3A_207 = arith.constant 0 : index
    %swap3A_208 = vector.load %arg2[%swap3A_206, %swap3A_207] : memref<2944x128xf32, #tpu.memory_space<vmem>>, vector<64x64xf32>
    tpu.vector_store %arg2[%swap3A_206, %swap3A_207], %slice3A_205 {strides = array<i32>} : memref<2944x128xf32, #tpu.memory_space<vmem>>, vector<64x64xf32>,
    %slice3A_209 = vector.extract_strided_slice %dot_general3A_204 {offsets = [64, 0], sizes = [64, 64], strides = [1, 1]} : vector<128x64xf32> to vector<64x64xf32>
    %swap3A_210 = arith.constant 768 : index
    %swap3A_211 = arith.constant 64 : index
    %swap3A_212 = vector.load %arg2[%swap3A_210, %swap3A_211] : memref<2944x128xf32, #tpu.memory_space<vmem>>, vector<64x64xf32>
    tpu.vector_store %arg2[%swap3A_210, %swap3A_211], %slice3A_209 {strides = array<i32>} : memref<2944x128xf32, #tpu.memory_space<vmem>>, vector<64x64xf32>,
    %get3A_213 = arith.constant 0 : index
    %get3A_214 = arith.constant 1664 : index
    %get3A_215 = vector.load %arg1[%get3A_213, %get3A_214] : memref<64x5888xf32, #tpu.memory_space<vmem>>, vector<64x128xf32>
    %dot_general3A_216 = arith.constant dense<0.000000e+00> : vector<128x64xf32>
    %dot_general3A_217 = tpu.matmul %convert_element_type3A_47, %get3A_215, %dot_general3A_216 {dimension_numbers = #tpu.dot_dimension_numbers<[1], [1], [0], [0], [0, 0, 1, 0], [], []>, transpose_lhs_hint = false} : vector<128x128xf32>, vector<64x128xf32>, vector<128x64xf32> -> vector<128x64xf32>
    %slice3A_218 = vector.extract_strided_slice %dot_general3A_217 {offsets = [0, 0], sizes = [64, 64], strides = [1, 1]} : vector<128x64xf32> to vector<64x64xf32>
    %swap3A_219 = arith.constant 832 : index
    %swap3A_220 = arith.constant 0 : index
    %swap3A_221 = vector.load %arg2[%swap3A_219, %swap3A_220] : memref<2944x128xf32, #tpu.memory_space<vmem>>, vector<64x64xf32>
    tpu.vector_store %arg2[%swap3A_219, %swap3A_220], %slice3A_218 {strides = array<i32>} : memref<2944x128xf32, #tpu.memory_space<vmem>>, vector<64x64xf32>,
    %slice3A_222 = vector.extract_strided_slice %dot_general3A_217 {offsets = [64, 0], sizes = [64, 64], strides = [1, 1]} : vector<128x64xf32> to vector<64x64xf32>
    %swap3A_223 = arith.constant 832 : index
    %swap3A_224 = arith.constant 64 : index
    %swap3A_225 = vector.load %arg2[%swap3A_223, %swap3A_224] : memref<2944x128xf32, #tpu.memory_space<vmem>>, vector<64x64xf32>
    tpu.vector_store %arg2[%swap3A_223, %swap3A_224], %slice3A_222 {strides = array<i32>} : memref<2944x128xf32, #tpu.memory_space<vmem>>, vector<64x64xf32>,
    %get3A_226 = arith.constant 0 : index
    %get3A_227 = arith.constant 1792 : index
    %get3A_228 = vector.load %arg1[%get3A_226, %get3A_227] : memref<64x5888xf32, #tpu.memory_space<vmem>>, vector<64x128xf32>
    %dot_general3A_229 = arith.constant dense<0.000000e+00> : vector<128x64xf32>
    %dot_general3A_230 = tpu.matmul %convert_element_type3A_47, %get3A_228, %dot_general3A_229 {dimension_numbers = #tpu.dot_dimension_numbers<[1], [1], [0], [0], [0, 0, 1, 0], [], []>, transpose_lhs_hint = false} : vector<128x128xf32>, vector<64x128xf32>, vector<128x64xf32> -> vector<128x64xf32>
    %slice3A_231 = vector.extract_strided_slice %dot_general3A_230 {offsets = [0, 0], sizes = [64, 64], strides = [1, 1]} : vector<128x64xf32> to vector<64x64xf32>
    %swap3A_232 = arith.constant 896 : index
    %swap3A_233 = arith.constant 0 : index
    %swap3A_234 = vector.load %arg2[%swap3A_232, %swap3A_233] : memref<2944x128xf32, #tpu.memory_space<vmem>>, vector<64x64xf32>
    tpu.vector_store %arg2[%swap3A_232, %swap3A_233], %slice3A_231 {strides = array<i32>} : memref<2944x128xf32, #tpu.memory_space<vmem>>, vector<64x64xf32>,
    %slice3A_235 = vector.extract_strided_slice %dot_general3A_230 {offsets = [64, 0], sizes = [64, 64], strides = [1, 1]} : vector<128x64xf32> to vector<64x64xf32>
    %swap3A_236 = arith.constant 896 : index
    %swap3A_237 = arith.constant 64 : index
    %swap3A_238 = vector.load %arg2[%swap3A_236, %swap3A_237] : memref<2944x128xf32, #tpu.memory_space<vmem>>, vector<64x64xf32>
    tpu.vector_store %arg2[%swap3A_236, %swap3A_237], %slice3A_235 {strides = array<i32>} : memref<2944x128xf32, #tpu.memory_space<vmem>>, vector<64x64xf32>,
    %get3A_239 = arith.constant 0 : index
    %get3A_240 = arith.constant 1920 : index
    %get3A_241 = vector.load %arg1[%get3A_239, %get3A_240] : memref<64x5888xf32, #tpu.memory_space<vmem>>, vector<64x128xf32>
    %dot_general3A_242 = arith.constant dense<0.000000e+00> : vector<128x64xf32>
    %dot_general3A_243 = tpu.matmul %convert_element_type3A_47, %get3A_241, %dot_general3A_242 {dimension_numbers = #tpu.dot_dimension_numbers<[1], [1], [0], [0], [0, 0, 1, 0], [], []>, transpose_lhs_hint = false} : vector<128x128xf32>, vector<64x128xf32>, vector<128x64xf32> -> vector<128x64xf32>
    %slice3A_244 = vector.extract_strided_slice %dot_general3A_243 {offsets = [0, 0], sizes = [64, 64], strides = [1, 1]} : vector<128x64xf32> to vector<64x64xf32>
    %swap3A_245 = arith.constant 960 : index
    %swap3A_246 = arith.constant 0 : index
    %swap3A_247 = vector.load %arg2[%swap3A_245, %swap3A_246] : memref<2944x128xf32, #tpu.memory_space<vmem>>, vector<64x64xf32>
    tpu.vector_store %arg2[%swap3A_245, %swap3A_246], %slice3A_244 {strides = array<i32>} : memref<2944x128xf32, #tpu.memory_space<vmem>>, vector<64x64xf32>,
    %slice3A_248 = vector.extract_strided_slice %dot_general3A_243 {offsets = [64, 0], sizes = [64, 64], strides = [1, 1]} : vector<128x64xf32> to vector<64x64xf32>
    %swap3A_249 = arith.constant 960 : index
    %swap3A_250 = arith.constant 64 : index
    %swap3A_251 = vector.load %arg2[%swap3A_249, %swap3A_250] : memref<2944x128xf32, #tpu.memory_space<vmem>>, vector<64x64xf32>
    tpu.vector_store %arg2[%swap3A_249, %swap3A_250], %slice3A_248 {strides = array<i32>} : memref<2944x128xf32, #tpu.memory_space<vmem>>, vector<64x64xf32>,
    %get3A_252 = arith.constant 0 : index
    %get3A_253 = arith.constant 2048 : index
    %get3A_254 = vector.load %arg1[%get3A_252, %get3A_253] : memref<64x5888xf32, #tpu.memory_space<vmem>>, vector<64x128xf32>
    %dot_general3A_255 = arith.constant dense<0.000000e+00> : vector<128x64xf32>
    %dot_general3A_256 = tpu.matmul %convert_element_type3A_47, %get3A_254, %dot_general3A_255 {dimension_numbers = #tpu.dot_dimension_numbers<[1], [1], [0], [0], [0, 0, 1, 0], [], []>, transpose_lhs_hint = false} : vector<128x128xf32>, vector<64x128xf32>, vector<128x64xf32> -> vector<128x64xf32>
    %slice3A_257 = vector.extract_strided_slice %dot_general3A_256 {offsets = [0, 0], sizes = [64, 64], strides = [1, 1]} : vector<128x64xf32> to vector<64x64xf32>
    %swap3A_258 = arith.constant 1024 : index
    %swap3A_259 = arith.constant 0 : index
    %swap3A_260 = vector.load %arg2[%swap3A_258, %swap3A_259] : memref<2944x128xf32, #tpu.memory_space<vmem>>, vector<64x64xf32>
    tpu.vector_store %arg2[%swap3A_258, %swap3A_259], %slice3A_257 {strides = array<i32>} : memref<2944x128xf32, #tpu.memory_space<vmem>>, vector<64x64xf32>,
    %slice3A_261 = vector.extract_strided_slice %dot_general3A_256 {offsets = [64, 0], sizes = [64, 64], strides = [1, 1]} : vector<128x64xf32> to vector<64x64xf32>
    %swap3A_262 = arith.constant 1024 : index
    %swap3A_263 = arith.constant 64 : index
    %swap3A_264 = vector.load %arg2[%swap3A_262, %swap3A_263] : memref<2944x128xf32, #tpu.memory_space<vmem>>, vector<64x64xf32>
    tpu.vector_store %arg2[%swap3A_262, %swap3A_263], %slice3A_261 {strides = array<i32>} : memref<2944x128xf32, #tpu.memory_space<vmem>>, vector<64x64xf32>,
    %get3A_265 = arith.constant 0 : index
    %get3A_266 = arith.constant 2176 : index
    %get3A_267 = vector.load %arg1[%get3A_265, %get3A_266] : memref<64x5888xf32, #tpu.memory_space<vmem>>, vector<64x128xf32>
    %dot_general3A_268 = arith.constant dense<0.000000e+00> : vector<128x64xf32>
    %dot_general3A_269 = tpu.matmul %convert_element_type3A_47, %get3A_267, %dot_general3A_268 {dimension_numbers = #tpu.dot_dimension_numbers<[1], [1], [0], [0], [0, 0, 1, 0], [], []>, transpose_lhs_hint = false} : vector<128x128xf32>, vector<64x128xf32>, vector<128x64xf32> -> vector<128x64xf32>
    %slice3A_270 = vector.extract_strided_slice %dot_general3A_269 {offsets = [0, 0], sizes = [64, 64], strides = [1, 1]} : vector<128x64xf32> to vector<64x64xf32>
    %swap3A_271 = arith.constant 1088 : index
    %swap3A_272 = arith.constant 0 : index
    %swap3A_273 = vector.load %arg2[%swap3A_271, %swap3A_272] : memref<2944x128xf32, #tpu.memory_space<vmem>>, vector<64x64xf32>
    tpu.vector_store %arg2[%swap3A_271, %swap3A_272], %slice3A_270 {strides = array<i32>} : memref<2944x128xf32, #tpu.memory_space<vmem>>, vector<64x64xf32>,
    %slice3A_274 = vector.extract_strided_slice %dot_general3A_269 {offsets = [64, 0], sizes = [64, 64], strides = [1, 1]} : vector<128x64xf32> to vector<64x64xf32>
    %swap3A_275 = arith.constant 1088 : index
    %swap3A_276 = arith.constant 64 : index
    %swap3A_277 = vector.load %arg2[%swap3A_275, %swap3A_276] : memref<2944x128xf32, #tpu.memory_space<vmem>>, vector<64x64xf32>
    tpu.vector_store %arg2[%swap3A_275, %swap3A_276], %slice3A_274 {strides = array<i32>} : memref<2944x128xf32, #tpu.memory_space<vmem>>, vector<64x64xf32>,
    %get3A_278 = arith.constant 0 : index
    %get3A_279 = arith.constant 2304 : index
    %get3A_280 = vector.load %arg1[%get3A_278, %get3A_279] : memref<64x5888xf32, #tpu.memory_space<vmem>>, vector<64x128xf32>
    %dot_general3A_281 = arith.constant dense<0.000000e+00> : vector<128x64xf32>
    %dot_general3A_282 = tpu.matmul %convert_element_type3A_47, %get3A_280, %dot_general3A_281 {dimension_numbers = #tpu.dot_dimension_numbers<[1], [1], [0], [0], [0, 0, 1, 0], [], []>, transpose_lhs_hint = false} : vector<128x128xf32>, vector<64x128xf32>, vector<128x64xf32> -> vector<128x64xf32>
    %slice3A_283 = vector.extract_strided_slice %dot_general3A_282 {offsets = [0, 0], sizes = [64, 64], strides = [1, 1]} : vector<128x64xf32> to vector<64x64xf32>
    %swap3A_284 = arith.constant 1152 : index
    %swap3A_285 = arith.constant 0 : index
    %swap3A_286 = vector.load %arg2[%swap3A_284, %swap3A_285] : memref<2944x128xf32, #tpu.memory_space<vmem>>, vector<64x64xf32>
    tpu.vector_store %arg2[%swap3A_284, %swap3A_285], %slice3A_283 {strides = array<i32>} : memref<2944x128xf32, #tpu.memory_space<vmem>>, vector<64x64xf32>,
    %slice3A_287 = vector.extract_strided_slice %dot_general3A_282 {offsets = [64, 0], sizes = [64, 64], strides = [1, 1]} : vector<128x64xf32> to vector<64x64xf32>
    %swap3A_288 = arith.constant 1152 : index
    %swap3A_289 = arith.constant 64 : index
    %swap3A_290 = vector.load %arg2[%swap3A_288, %swap3A_289] : memref<2944x128xf32, #tpu.memory_space<vmem>>, vector<64x64xf32>
    tpu.vector_store %arg2[%swap3A_288, %swap3A_289], %slice3A_287 {strides = array<i32>} : memref<2944x128xf32, #tpu.memory_space<vmem>>, vector<64x64xf32>,
    %get3A_291 = arith.constant 0 : index
    %get3A_292 = arith.constant 2432 : index
    %get3A_293 = vector.load %arg1[%get3A_291, %get3A_292] : memref<64x5888xf32, #tpu.memory_space<vmem>>, vector<64x128xf32>
    %dot_general3A_294 = arith.constant dense<0.000000e+00> : vector<128x64xf32>
    %dot_general3A_295 = tpu.matmul %convert_element_type3A_47, %get3A_293, %dot_general3A_294 {dimension_numbers = #tpu.dot_dimension_numbers<[1], [1], [0], [0], [0, 0, 1, 0], [], []>, transpose_lhs_hint = false} : vector<128x128xf32>, vector<64x128xf32>, vector<128x64xf32> -> vector<128x64xf32>
    %slice3A_296 = vector.extract_strided_slice %dot_general3A_295 {offsets = [0, 0], sizes = [64, 64], strides = [1, 1]} : vector<128x64xf32> to vector<64x64xf32>
    %swap3A_297 = arith.constant 1216 : index
    %swap3A_298 = arith.constant 0 : index
    %swap3A_299 = vector.load %arg2[%swap3A_297, %swap3A_298] : memref<2944x128xf32, #tpu.memory_space<vmem>>, vector<64x64xf32>
    tpu.vector_store %arg2[%swap3A_297, %swap3A_298], %slice3A_296 {strides = array<i32>} : memref<2944x128xf32, #tpu.memory_space<vmem>>, vector<64x64xf32>,
    %slice3A_300 = vector.extract_strided_slice %dot_general3A_295 {offsets = [64, 0], sizes = [64, 64], strides = [1, 1]} : vector<128x64xf32> to vector<64x64xf32>
    %swap3A_301 = arith.constant 1216 : index
    %swap3A_302 = arith.constant 64 : index
    %swap3A_303 = vector.load %arg2[%swap3A_301, %swap3A_302] : memref<2944x128xf32, #tpu.memory_space<vmem>>, vector<64x64xf32>
    tpu.vector_store %arg2[%swap3A_301, %swap3A_302], %slice3A_300 {strides = array<i32>} : memref<2944x128xf32, #tpu.memory_space<vmem>>, vector<64x64xf32>,
    %get3A_304 = arith.constant 0 : index
    %get3A_305 = arith.constant 2560 : index
    %get3A_306 = vector.load %arg1[%get3A_304, %get3A_305] : memref<64x5888xf32, #tpu.memory_space<vmem>>, vector<64x128xf32>
    %dot_general3A_307 = arith.constant dense<0.000000e+00> : vector<128x64xf32>
    %dot_general3A_308 = tpu.matmul %convert_element_type3A_47, %get3A_306, %dot_general3A_307 {dimension_numbers = #tpu.dot_dimension_numbers<[1], [1], [0], [0], [0, 0, 1, 0], [], []>, transpose_lhs_hint = false} : vector<128x128xf32>, vector<64x128xf32>, vector<128x64xf32> -> vector<128x64xf32>
    %slice3A_309 = vector.extract_strided_slice %dot_general3A_308 {offsets = [0, 0], sizes = [64, 64], strides = [1, 1]} : vector<128x64xf32> to vector<64x64xf32>
    %swap3A_310 = arith.constant 1280 : index
    %swap3A_311 = arith.constant 0 : index
    %swap3A_312 = vector.load %arg2[%swap3A_310, %swap3A_311] : memref<2944x128xf32, #tpu.memory_space<vmem>>, vector<64x64xf32>
    tpu.vector_store %arg2[%swap3A_310, %swap3A_311], %slice3A_309 {strides = array<i32>} : memref<2944x128xf32, #tpu.memory_space<vmem>>, vector<64x64xf32>,
    %slice3A_313 = vector.extract_strided_slice %dot_general3A_308 {offsets = [64, 0], sizes = [64, 64], strides = [1, 1]} : vector<128x64xf32> to vector<64x64xf32>
    %swap3A_314 = arith.constant 1280 : index
    %swap3A_315 = arith.constant 64 : index
    %swap3A_316 = vector.load %arg2[%swap3A_314, %swap3A_315] : memref<2944x128xf32, #tpu.memory_space<vmem>>, vector<64x64xf32>
    tpu.vector_store %arg2[%swap3A_314, %swap3A_315], %slice3A_313 {strides = array<i32>} : memref<2944x128xf32, #tpu.memory_space<vmem>>, vector<64x64xf32>,
    %get3A_317 = arith.constant 0 : index
    %get3A_318 = arith.constant 2688 : index
    %get3A_319 = vector.load %arg1[%get3A_317, %get3A_318] : memref<64x5888xf32, #tpu.memory_space<vmem>>, vector<64x128xf32>
    %dot_general3A_320 = arith.constant dense<0.000000e+00> : vector<128x64xf32>
    %dot_general3A_321 = tpu.matmul %convert_element_type3A_47, %get3A_319, %dot_general3A_320 {dimension_numbers = #tpu.dot_dimension_numbers<[1], [1], [0], [0], [0, 0, 1, 0], [], []>, transpose_lhs_hint = false} : vector<128x128xf32>, vector<64x128xf32>, vector<128x64xf32> -> vector<128x64xf32>
    %slice3A_322 = vector.extract_strided_slice %dot_general3A_321 {offsets = [0, 0], sizes = [64, 64], strides = [1, 1]} : vector<128x64xf32> to vector<64x64xf32>
    %swap3A_323 = arith.constant 1344 : index
    %swap3A_324 = arith.constant 0 : index
    %swap3A_325 = vector.load %arg2[%swap3A_323, %swap3A_324] : memref<2944x128xf32, #tpu.memory_space<vmem>>, vector<64x64xf32>
    tpu.vector_store %arg2[%swap3A_323, %swap3A_324], %slice3A_322 {strides = array<i32>} : memref<2944x128xf32, #tpu.memory_space<vmem>>, vector<64x64xf32>,
    %slice3A_326 = vector.extract_strided_slice %dot_general3A_321 {offsets = [64, 0], sizes = [64, 64], strides = [1, 1]} : vector<128x64xf32> to vector<64x64xf32>
    %swap3A_327 = arith.constant 1344 : index
    %swap3A_328 = arith.constant 64 : index
    %swap3A_329 = vector.load %arg2[%swap3A_327, %swap3A_328] : memref<2944x128xf32, #tpu.memory_space<vmem>>, vector<64x64xf32>
    tpu.vector_store %arg2[%swap3A_327, %swap3A_328], %slice3A_326 {strides = array<i32>} : memref<2944x128xf32, #tpu.memory_space<vmem>>, vector<64x64xf32>,
    %get3A_330 = arith.constant 0 : index
    %get3A_331 = arith.constant 2816 : index
    %get3A_332 = vector.load %arg1[%get3A_330, %get3A_331] : memref<64x5888xf32, #tpu.memory_space<vmem>>, vector<64x128xf32>
    %dot_general3A_333 = arith.constant dense<0.000000e+00> : vector<128x64xf32>
    %dot_general3A_334 = tpu.matmul %convert_element_type3A_47, %get3A_332, %dot_general3A_333 {dimension_numbers = #tpu.dot_dimension_numbers<[1], [1], [0], [0], [0, 0, 1, 0], [], []>, transpose_lhs_hint = false} : vector<128x128xf32>, vector<64x128xf32>, vector<128x64xf32> -> vector<128x64xf32>
    %slice3A_335 = vector.extract_strided_slice %dot_general3A_334 {offsets = [0, 0], sizes = [64, 64], strides = [1, 1]} : vector<128x64xf32> to vector<64x64xf32>
    %swap3A_336 = arith.constant 1408 : index
    %swap3A_337 = arith.constant 0 : index
    %swap3A_338 = vector.load %arg2[%swap3A_336, %swap3A_337] : memref<2944x128xf32, #tpu.memory_space<vmem>>, vector<64x64xf32>
    tpu.vector_store %arg2[%swap3A_336, %swap3A_337], %slice3A_335 {strides = array<i32>} : memref<2944x128xf32, #tpu.memory_space<vmem>>, vector<64x64xf32>,
    %slice3A_339 = vector.extract_strided_slice %dot_general3A_334 {offsets = [64, 0], sizes = [64, 64], strides = [1, 1]} : vector<128x64xf32> to vector<64x64xf32>
    %swap3A_340 = arith.constant 1408 : index
    %swap3A_341 = arith.constant 64 : index
    %swap3A_342 = vector.load %arg2[%swap3A_340, %swap3A_341] : memref<2944x128xf32, #tpu.memory_space<vmem>>, vector<64x64xf32>
    tpu.vector_store %arg2[%swap3A_340, %swap3A_341], %slice3A_339 {strides = array<i32>} : memref<2944x128xf32, #tpu.memory_space<vmem>>, vector<64x64xf32>,
    %get3A_343 = arith.constant 0 : index
    %get3A_344 = arith.constant 2944 : index
    %get3A_345 = vector.load %arg1[%get3A_343, %get3A_344] : memref<64x5888xf32, #tpu.memory_space<vmem>>, vector<64x128xf32>
    %dot_general3A_346 = arith.constant dense<0.000000e+00> : vector<128x64xf32>
    %dot_general3A_347 = tpu.matmul %convert_element_type3A_47, %get3A_345, %dot_general3A_346 {dimension_numbers = #tpu.dot_dimension_numbers<[1], [1], [0], [0], [0, 0, 1, 0], [], []>, transpose_lhs_hint = false} : vector<128x128xf32>, vector<64x128xf32>, vector<128x64xf32> -> vector<128x64xf32>
    %slice3A_348 = vector.extract_strided_slice %dot_general3A_347 {offsets = [0, 0], sizes = [64, 64], strides = [1, 1]} : vector<128x64xf32> to vector<64x64xf32>
    %swap3A_349 = arith.constant 1472 : index
    %swap3A_350 = arith.constant 0 : index
    %swap3A_351 = vector.load %arg2[%swap3A_349, %swap3A_350] : memref<2944x128xf32, #tpu.memory_space<vmem>>, vector<64x64xf32>
    tpu.vector_store %arg2[%swap3A_349, %swap3A_350], %slice3A_348 {strides = array<i32>} : memref<2944x128xf32, #tpu.memory_space<vmem>>, vector<64x64xf32>,
    %slice3A_352 = vector.extract_strided_slice %dot_general3A_347 {offsets = [64, 0], sizes = [64, 64], strides = [1, 1]} : vector<128x64xf32> to vector<64x64xf32>
    %swap3A_353 = arith.constant 1472 : index
    %swap3A_354 = arith.constant 64 : index
    %swap3A_355 = vector.load %arg2[%swap3A_353, %swap3A_354] : memref<2944x128xf32, #tpu.memory_space<vmem>>, vector<64x64xf32>
    tpu.vector_store %arg2[%swap3A_353, %swap3A_354], %slice3A_352 {strides = array<i32>} : memref<2944x128xf32, #tpu.memory_space<vmem>>, vector<64x64xf32>,
    %get3A_356 = arith.constant 0 : index
    %get3A_357 = arith.constant 3072 : index
    %get3A_358 = vector.load %arg1[%get3A_356, %get3A_357] : memref<64x5888xf32, #tpu.memory_space<vmem>>, vector<64x128xf32>
    %dot_general3A_359 = arith.constant dense<0.000000e+00> : vector<128x64xf32>
    %dot_general3A_360 = tpu.matmul %convert_element_type3A_47, %get3A_358, %dot_general3A_359 {dimension_numbers = #tpu.dot_dimension_numbers<[1], [1], [0], [0], [0, 0, 1, 0], [], []>, transpose_lhs_hint = false} : vector<128x128xf32>, vector<64x128xf32>, vector<128x64xf32> -> vector<128x64xf32>
    %slice3A_361 = vector.extract_strided_slice %dot_general3A_360 {offsets = [0, 0], sizes = [64, 64], strides = [1, 1]} : vector<128x64xf32> to vector<64x64xf32>
    %swap3A_362 = arith.constant 1536 : index
    %swap3A_363 = arith.constant 0 : index
    %swap3A_364 = vector.load %arg2[%swap3A_362, %swap3A_363] : memref<2944x128xf32, #tpu.memory_space<vmem>>, vector<64x64xf32>
    tpu.vector_store %arg2[%swap3A_362, %swap3A_363], %slice3A_361 {strides = array<i32>} : memref<2944x128xf32, #tpu.memory_space<vmem>>, vector<64x64xf32>,
    %slice3A_365 = vector.extract_strided_slice %dot_general3A_360 {offsets = [64, 0], sizes = [64, 64], strides = [1, 1]} : vector<128x64xf32> to vector<64x64xf32>
    %swap3A_366 = arith.constant 1536 : index
    %swap3A_367 = arith.constant 64 : index
    %swap3A_368 = vector.load %arg2[%swap3A_366, %swap3A_367] : memref<2944x128xf32, #tpu.memory_space<vmem>>, vector<64x64xf32>
    tpu.vector_store %arg2[%swap3A_366, %swap3A_367], %slice3A_365 {strides = array<i32>} : memref<2944x128xf32, #tpu.memory_space<vmem>>, vector<64x64xf32>,
    %get3A_369 = arith.constant 0 : index
    %get3A_370 = arith.constant 3200 : index
    %get3A_371 = vector.load %arg1[%get3A_369, %get3A_370] : memref<64x5888xf32, #tpu.memory_space<vmem>>, vector<64x128xf32>
    %dot_general3A_372 = arith.constant dense<0.000000e+00> : vector<128x64xf32>
    %dot_general3A_373 = tpu.matmul %convert_element_type3A_47, %get3A_371, %dot_general3A_372 {dimension_numbers = #tpu.dot_dimension_numbers<[1], [1], [0], [0], [0, 0, 1, 0], [], []>, transpose_lhs_hint = false} : vector<128x128xf32>, vector<64x128xf32>, vector<128x64xf32> -> vector<128x64xf32>
    %slice3A_374 = vector.extract_strided_slice %dot_general3A_373 {offsets = [0, 0], sizes = [64, 64], strides = [1, 1]} : vector<128x64xf32> to vector<64x64xf32>
    %swap3A_375 = arith.constant 1600 : index
    %swap3A_376 = arith.constant 0 : index
    %swap3A_377 = vector.load %arg2[%swap3A_375, %swap3A_376] : memref<2944x128xf32, #tpu.memory_space<vmem>>, vector<64x64xf32>
    tpu.vector_store %arg2[%swap3A_375, %swap3A_376], %slice3A_374 {strides = array<i32>} : memref<2944x128xf32, #tpu.memory_space<vmem>>, vector<64x64xf32>,
    %slice3A_378 = vector.extract_strided_slice %dot_general3A_373 {offsets = [64, 0], sizes = [64, 64], strides = [1, 1]} : vector<128x64xf32> to vector<64x64xf32>
    %swap3A_379 = arith.constant 1600 : index
    %swap3A_380 = arith.constant 64 : index
    %swap3A_381 = vector.load %arg2[%swap3A_379, %swap3A_380] : memref<2944x128xf32, #tpu.memory_space<vmem>>, vector<64x64xf32>
    tpu.vector_store %arg2[%swap3A_379, %swap3A_380], %slice3A_378 {strides = array<i32>} : memref<2944x128xf32, #tpu.memory_space<vmem>>, vector<64x64xf32>,
    %get3A_382 = arith.constant 0 : index
    %get3A_383 = arith.constant 3328 : index
    %get3A_384 = vector.load %arg1[%get3A_382, %get3A_383] : memref<64x5888xf32, #tpu.memory_space<vmem>>, vector<64x128xf32>
    %dot_general3A_385 = arith.constant dense<0.000000e+00> : vector<128x64xf32>
    %dot_general3A_386 = tpu.matmul %convert_element_type3A_47, %get3A_384, %dot_general3A_385 {dimension_numbers = #tpu.dot_dimension_numbers<[1], [1], [0], [0], [0, 0, 1, 0], [], []>, transpose_lhs_hint = false} : vector<128x128xf32>, vector<64x128xf32>, vector<128x64xf32> -> vector<128x64xf32>
    %slice3A_387 = vector.extract_strided_slice %dot_general3A_386 {offsets = [0, 0], sizes = [64, 64], strides = [1, 1]} : vector<128x64xf32> to vector<64x64xf32>
    %swap3A_388 = arith.constant 1664 : index
    %swap3A_389 = arith.constant 0 : index
    %swap3A_390 = vector.load %arg2[%swap3A_388, %swap3A_389] : memref<2944x128xf32, #tpu.memory_space<vmem>>, vector<64x64xf32>
    tpu.vector_store %arg2[%swap3A_388, %swap3A_389], %slice3A_387 {strides = array<i32>} : memref<2944x128xf32, #tpu.memory_space<vmem>>, vector<64x64xf32>,
    %slice3A_391 = vector.extract_strided_slice %dot_general3A_386 {offsets = [64, 0], sizes = [64, 64], strides = [1, 1]} : vector<128x64xf32> to vector<64x64xf32>
    %swap3A_392 = arith.constant 1664 : index
    %swap3A_393 = arith.constant 64 : index
    %swap3A_394 = vector.load %arg2[%swap3A_392, %swap3A_393] : memref<2944x128xf32, #tpu.memory_space<vmem>>, vector<64x64xf32>
    tpu.vector_store %arg2[%swap3A_392, %swap3A_393], %slice3A_391 {strides = array<i32>} : memref<2944x128xf32, #tpu.memory_space<vmem>>, vector<64x64xf32>,
    %get3A_395 = arith.constant 0 : index
    %get3A_396 = arith.constant 3456 : index
    %get3A_397 = vector.load %arg1[%get3A_395, %get3A_396] : memref<64x5888xf32, #tpu.memory_space<vmem>>, vector<64x128xf32>
    %dot_general3A_398 = arith.constant dense<0.000000e+00> : vector<128x64xf32>
    %dot_general3A_399 = tpu.matmul %convert_element_type3A_47, %get3A_397, %dot_general3A_398 {dimension_numbers = #tpu.dot_dimension_numbers<[1], [1], [0], [0], [0, 0, 1, 0], [], []>, transpose_lhs_hint = false} : vector<128x128xf32>, vector<64x128xf32>, vector<128x64xf32> -> vector<128x64xf32>
    %slice3A_400 = vector.extract_strided_slice %dot_general3A_399 {offsets = [0, 0], sizes = [64, 64], strides = [1, 1]} : vector<128x64xf32> to vector<64x64xf32>
    %swap3A_401 = arith.constant 1728 : index
    %swap3A_402 = arith.constant 0 : index
    %swap3A_403 = vector.load %arg2[%swap3A_401, %swap3A_402] : memref<2944x128xf32, #tpu.memory_space<vmem>>, vector<64x64xf32>
    tpu.vector_store %arg2[%swap3A_401, %swap3A_402], %slice3A_400 {strides = array<i32>} : memref<2944x128xf32, #tpu.memory_space<vmem>>, vector<64x64xf32>,
    %slice3A_404 = vector.extract_strided_slice %dot_general3A_399 {offsets = [64, 0], sizes = [64, 64], strides = [1, 1]} : vector<128x64xf32> to vector<64x64xf32>
    %swap3A_405 = arith.constant 1728 : index
    %swap3A_406 = arith.constant 64 : index
    %swap3A_407 = vector.load %arg2[%swap3A_405, %swap3A_406] : memref<2944x128xf32, #tpu.memory_space<vmem>>, vector<64x64xf32>
    tpu.vector_store %arg2[%swap3A_405, %swap3A_406], %slice3A_404 {strides = array<i32>} : memref<2944x128xf32, #tpu.memory_space<vmem>>, vector<64x64xf32>,
    %get3A_408 = arith.constant 0 : index
    %get3A_409 = arith.constant 3584 : index
    %get3A_410 = vector.load %arg1[%get3A_408, %get3A_409] : memref<64x5888xf32, #tpu.memory_space<vmem>>, vector<64x128xf32>
    %dot_general3A_411 = arith.constant dense<0.000000e+00> : vector<128x64xf32>
    %dot_general3A_412 = tpu.matmul %convert_element_type3A_47, %get3A_410, %dot_general3A_411 {dimension_numbers = #tpu.dot_dimension_numbers<[1], [1], [0], [0], [0, 0, 1, 0], [], []>, transpose_lhs_hint = false} : vector<128x128xf32>, vector<64x128xf32>, vector<128x64xf32> -> vector<128x64xf32>
    %slice3A_413 = vector.extract_strided_slice %dot_general3A_412 {offsets = [0, 0], sizes = [64, 64], strides = [1, 1]} : vector<128x64xf32> to vector<64x64xf32>
    %swap3A_414 = arith.constant 1792 : index
    %swap3A_415 = arith.constant 0 : index
    %swap3A_416 = vector.load %arg2[%swap3A_414, %swap3A_415] : memref<2944x128xf32, #tpu.memory_space<vmem>>, vector<64x64xf32>
    tpu.vector_store %arg2[%swap3A_414, %swap3A_415], %slice3A_413 {strides = array<i32>} : memref<2944x128xf32, #tpu.memory_space<vmem>>, vector<64x64xf32>,
    %slice3A_417 = vector.extract_strided_slice %dot_general3A_412 {offsets = [64, 0], sizes = [64, 64], strides = [1, 1]} : vector<128x64xf32> to vector<64x64xf32>
    %swap3A_418 = arith.constant 1792 : index
    %swap3A_419 = arith.constant 64 : index
    %swap3A_420 = vector.load %arg2[%swap3A_418, %swap3A_419] : memref<2944x128xf32, #tpu.memory_space<vmem>>, vector<64x64xf32>
    tpu.vector_store %arg2[%swap3A_418, %swap3A_419], %slice3A_417 {strides = array<i32>} : memref<2944x128xf32, #tpu.memory_space<vmem>>, vector<64x64xf32>,
    %get3A_421 = arith.constant 0 : index
    %get3A_422 = arith.constant 3712 : index
    %get3A_423 = vector.load %arg1[%get3A_421, %get3A_422] : memref<64x5888xf32, #tpu.memory_space<vmem>>, vector<64x128xf32>
    %dot_general3A_424 = arith.constant dense<0.000000e+00> : vector<128x64xf32>
    %dot_general3A_425 = tpu.matmul %convert_element_type3A_47, %get3A_423, %dot_general3A_424 {dimension_numbers = #tpu.dot_dimension_numbers<[1], [1], [0], [0], [0, 0, 1, 0], [], []>, transpose_lhs_hint = false} : vector<128x128xf32>, vector<64x128xf32>, vector<128x64xf32> -> vector<128x64xf32>
    %slice3A_426 = vector.extract_strided_slice %dot_general3A_425 {offsets = [0, 0], sizes = [64, 64], strides = [1, 1]} : vector<128x64xf32> to vector<64x64xf32>
    %swap3A_427 = arith.constant 1856 : index
    %swap3A_428 = arith.constant 0 : index
    %swap3A_429 = vector.load %arg2[%swap3A_427, %swap3A_428] : memref<2944x128xf32, #tpu.memory_space<vmem>>, vector<64x64xf32>
    tpu.vector_store %arg2[%swap3A_427, %swap3A_428], %slice3A_426 {strides = array<i32>} : memref<2944x128xf32, #tpu.memory_space<vmem>>, vector<64x64xf32>,
    %slice3A_430 = vector.extract_strided_slice %dot_general3A_425 {offsets = [64, 0], sizes = [64, 64], strides = [1, 1]} : vector<128x64xf32> to vector<64x64xf32>
    %swap3A_431 = arith.constant 1856 : index
    %swap3A_432 = arith.constant 64 : index
    %swap3A_433 = vector.load %arg2[%swap3A_431, %swap3A_432] : memref<2944x128xf32, #tpu.memory_space<vmem>>, vector<64x64xf32>
    tpu.vector_store %arg2[%swap3A_431, %swap3A_432], %slice3A_430 {strides = array<i32>} : memref<2944x128xf32, #tpu.memory_space<vmem>>, vector<64x64xf32>,
    %get3A_434 = arith.constant 0 : index
    %get3A_435 = arith.constant 3840 : index
    %get3A_436 = vector.load %arg1[%get3A_434, %get3A_435] : memref<64x5888xf32, #tpu.memory_space<vmem>>, vector<64x128xf32>
    %dot_general3A_437 = arith.constant dense<0.000000e+00> : vector<128x64xf32>
    %dot_general3A_438 = tpu.matmul %convert_element_type3A_47, %get3A_436, %dot_general3A_437 {dimension_numbers = #tpu.dot_dimension_numbers<[1], [1], [0], [0], [0, 0, 1, 0], [], []>, transpose_lhs_hint = false} : vector<128x128xf32>, vector<64x128xf32>, vector<128x64xf32> -> vector<128x64xf32>
    %slice3A_439 = vector.extract_strided_slice %dot_general3A_438 {offsets = [0, 0], sizes = [64, 64], strides = [1, 1]} : vector<128x64xf32> to vector<64x64xf32>
    %swap3A_440 = arith.constant 1920 : index
    %swap3A_441 = arith.constant 0 : index
    %swap3A_442 = vector.load %arg2[%swap3A_440, %swap3A_441] : memref<2944x128xf32, #tpu.memory_space<vmem>>, vector<64x64xf32>
    tpu.vector_store %arg2[%swap3A_440, %swap3A_441], %slice3A_439 {strides = array<i32>} : memref<2944x128xf32, #tpu.memory_space<vmem>>, vector<64x64xf32>,
    %slice3A_443 = vector.extract_strided_slice %dot_general3A_438 {offsets = [64, 0], sizes = [64, 64], strides = [1, 1]} : vector<128x64xf32> to vector<64x64xf32>
    %swap3A_444 = arith.constant 1920 : index
    %swap3A_445 = arith.constant 64 : index
    %swap3A_446 = vector.load %arg2[%swap3A_444, %swap3A_445] : memref<2944x128xf32, #tpu.memory_space<vmem>>, vector<64x64xf32>
    tpu.vector_store %arg2[%swap3A_444, %swap3A_445], %slice3A_443 {strides = array<i32>} : memref<2944x128xf32, #tpu.memory_space<vmem>>, vector<64x64xf32>,
    %get3A_447 = arith.constant 0 : index
    %get3A_448 = arith.constant 3968 : index
    %get3A_449 = vector.load %arg1[%get3A_447, %get3A_448] : memref<64x5888xf32, #tpu.memory_space<vmem>>, vector<64x128xf32>
    %dot_general3A_450 = arith.constant dense<0.000000e+00> : vector<128x64xf32>
    %dot_general3A_451 = tpu.matmul %convert_element_type3A_47, %get3A_449, %dot_general3A_450 {dimension_numbers = #tpu.dot_dimension_numbers<[1], [1], [0], [0], [0, 0, 1, 0], [], []>, transpose_lhs_hint = false} : vector<128x128xf32>, vector<64x128xf32>, vector<128x64xf32> -> vector<128x64xf32>
    %slice3A_452 = vector.extract_strided_slice %dot_general3A_451 {offsets = [0, 0], sizes = [64, 64], strides = [1, 1]} : vector<128x64xf32> to vector<64x64xf32>
    %swap3A_453 = arith.constant 1984 : index
    %swap3A_454 = arith.constant 0 : index
    %swap3A_455 = vector.load %arg2[%swap3A_453, %swap3A_454] : memref<2944x128xf32, #tpu.memory_space<vmem>>, vector<64x64xf32>
    tpu.vector_store %arg2[%swap3A_453, %swap3A_454], %slice3A_452 {strides = array<i32>} : memref<2944x128xf32, #tpu.memory_space<vmem>>, vector<64x64xf32>,
    %slice3A_456 = vector.extract_strided_slice %dot_general3A_451 {offsets = [64, 0], sizes = [64, 64], strides = [1, 1]} : vector<128x64xf32> to vector<64x64xf32>
    %swap3A_457 = arith.constant 1984 : index
    %swap3A_458 = arith.constant 64 : index
    %swap3A_459 = vector.load %arg2[%swap3A_457, %swap3A_458] : memref<2944x128xf32, #tpu.memory_space<vmem>>, vector<64x64xf32>
    tpu.vector_store %arg2[%swap3A_457, %swap3A_458], %slice3A_456 {strides = array<i32>} : memref<2944x128xf32, #tpu.memory_space<vmem>>, vector<64x64xf32>,
    %get3A_460 = arith.constant 0 : index
    %get3A_461 = arith.constant 4096 : index
    %get3A_462 = vector.load %arg1[%get3A_460, %get3A_461] : memref<64x5888xf32, #tpu.memory_space<vmem>>, vector<64x128xf32>
    %dot_general3A_463 = arith.constant dense<0.000000e+00> : vector<128x64xf32>
    %dot_general3A_464 = tpu.matmul %convert_element_type3A_47, %get3A_462, %dot_general3A_463 {dimension_numbers = #tpu.dot_dimension_numbers<[1], [1], [0], [0], [0, 0, 1, 0], [], []>, transpose_lhs_hint = false} : vector<128x128xf32>, vector<64x128xf32>, vector<128x64xf32> -> vector<128x64xf32>
    %slice3A_465 = vector.extract_strided_slice %dot_general3A_464 {offsets = [0, 0], sizes = [64, 64], strides = [1, 1]} : vector<128x64xf32> to vector<64x64xf32>
    %swap3A_466 = arith.constant 2048 : index
    %swap3A_467 = arith.constant 0 : index
    %swap3A_468 = vector.load %arg2[%swap3A_466, %swap3A_467] : memref<2944x128xf32, #tpu.memory_space<vmem>>, vector<64x64xf32>
    tpu.vector_store %arg2[%swap3A_466, %swap3A_467], %slice3A_465 {strides = array<i32>} : memref<2944x128xf32, #tpu.memory_space<vmem>>, vector<64x64xf32>,
    %slice3A_469 = vector.extract_strided_slice %dot_general3A_464 {offsets = [64, 0], sizes = [64, 64], strides = [1, 1]} : vector<128x64xf32> to vector<64x64xf32>
    %swap3A_470 = arith.constant 2048 : index
    %swap3A_471 = arith.constant 64 : index
    %swap3A_472 = vector.load %arg2[%swap3A_470, %swap3A_471] : memref<2944x128xf32, #tpu.memory_space<vmem>>, vector<64x64xf32>
    tpu.vector_store %arg2[%swap3A_470, %swap3A_471], %slice3A_469 {strides = array<i32>} : memref<2944x128xf32, #tpu.memory_space<vmem>>, vector<64x64xf32>,
    %get3A_473 = arith.constant 0 : index
    %get3A_474 = arith.constant 4224 : index
    %get3A_475 = vector.load %arg1[%get3A_473, %get3A_474] : memref<64x5888xf32, #tpu.memory_space<vmem>>, vector<64x128xf32>
    %dot_general3A_476 = arith.constant dense<0.000000e+00> : vector<128x64xf32>
    %dot_general3A_477 = tpu.matmul %convert_element_type3A_47, %get3A_475, %dot_general3A_476 {dimension_numbers = #tpu.dot_dimension_numbers<[1], [1], [0], [0], [0, 0, 1, 0], [], []>, transpose_lhs_hint = false} : vector<128x128xf32>, vector<64x128xf32>, vector<128x64xf32> -> vector<128x64xf32>
    %slice3A_478 = vector.extract_strided_slice %dot_general3A_477 {offsets = [0, 0], sizes = [64, 64], strides = [1, 1]} : vector<128x64xf32> to vector<64x64xf32>
    %swap3A_479 = arith.constant 2112 : index
    %swap3A_480 = arith.constant 0 : index
    %swap3A_481 = vector.load %arg2[%swap3A_479, %swap3A_480] : memref<2944x128xf32, #tpu.memory_space<vmem>>, vector<64x64xf32>
    tpu.vector_store %arg2[%swap3A_479, %swap3A_480], %slice3A_478 {strides = array<i32>} : memref<2944x128xf32, #tpu.memory_space<vmem>>, vector<64x64xf32>,
    %slice3A_482 = vector.extract_strided_slice %dot_general3A_477 {offsets = [64, 0], sizes = [64, 64], strides = [1, 1]} : vector<128x64xf32> to vector<64x64xf32>
    %swap3A_483 = arith.constant 2112 : index
    %swap3A_484 = arith.constant 64 : index
    %swap3A_485 = vector.load %arg2[%swap3A_483, %swap3A_484] : memref<2944x128xf32, #tpu.memory_space<vmem>>, vector<64x64xf32>
    tpu.vector_store %arg2[%swap3A_483, %swap3A_484], %slice3A_482 {strides = array<i32>} : memref<2944x128xf32, #tpu.memory_space<vmem>>, vector<64x64xf32>,
    %get3A_486 = arith.constant 0 : index
    %get3A_487 = arith.constant 4352 : index
    %get3A_488 = vector.load %arg1[%get3A_486, %get3A_487] : memref<64x5888xf32, #tpu.memory_space<vmem>>, vector<64x128xf32>
    %dot_general3A_489 = arith.constant dense<0.000000e+00> : vector<128x64xf32>
    %dot_general3A_490 = tpu.matmul %convert_element_type3A_47, %get3A_488, %dot_general3A_489 {dimension_numbers = #tpu.dot_dimension_numbers<[1], [1], [0], [0], [0, 0, 1, 0], [], []>, transpose_lhs_hint = false} : vector<128x128xf32>, vector<64x128xf32>, vector<128x64xf32> -> vector<128x64xf32>
    %slice3A_491 = vector.extract_strided_slice %dot_general3A_490 {offsets = [0, 0], sizes = [64, 64], strides = [1, 1]} : vector<128x64xf32> to vector<64x64xf32>
    %swap3A_492 = arith.constant 2176 : index
    %swap3A_493 = arith.constant 0 : index
    %swap3A_494 = vector.load %arg2[%swap3A_492, %swap3A_493] : memref<2944x128xf32, #tpu.memory_space<vmem>>, vector<64x64xf32>
    tpu.vector_store %arg2[%swap3A_492, %swap3A_493], %slice3A_491 {strides = array<i32>} : memref<2944x128xf32, #tpu.memory_space<vmem>>, vector<64x64xf32>,
    %slice3A_495 = vector.extract_strided_slice %dot_general3A_490 {offsets = [64, 0], sizes = [64, 64], strides = [1, 1]} : vector<128x64xf32> to vector<64x64xf32>
    %swap3A_496 = arith.constant 2176 : index
    %swap3A_497 = arith.constant 64 : index
    %swap3A_498 = vector.load %arg2[%swap3A_496, %swap3A_497] : memref<2944x128xf32, #tpu.memory_space<vmem>>, vector<64x64xf32>
    tpu.vector_store %arg2[%swap3A_496, %swap3A_497], %slice3A_495 {strides = array<i32>} : memref<2944x128xf32, #tpu.memory_space<vmem>>, vector<64x64xf32>,
    %get3A_499 = arith.constant 0 : index
    %get3A_500 = arith.constant 4480 : index
    %get3A_501 = vector.load %arg1[%get3A_499, %get3A_500] : memref<64x5888xf32, #tpu.memory_space<vmem>>, vector<64x128xf32>
    %dot_general3A_502 = arith.constant dense<0.000000e+00> : vector<128x64xf32>
    %dot_general3A_503 = tpu.matmul %convert_element_type3A_47, %get3A_501, %dot_general3A_502 {dimension_numbers = #tpu.dot_dimension_numbers<[1], [1], [0], [0], [0, 0, 1, 0], [], []>, transpose_lhs_hint = false} : vector<128x128xf32>, vector<64x128xf32>, vector<128x64xf32> -> vector<128x64xf32>
    %slice3A_504 = vector.extract_strided_slice %dot_general3A_503 {offsets = [0, 0], sizes = [64, 64], strides = [1, 1]} : vector<128x64xf32> to vector<64x64xf32>
    %swap3A_505 = arith.constant 2240 : index
    %swap3A_506 = arith.constant 0 : index
    %swap3A_507 = vector.load %arg2[%swap3A_505, %swap3A_506] : memref<2944x128xf32, #tpu.memory_space<vmem>>, vector<64x64xf32>
    tpu.vector_store %arg2[%swap3A_505, %swap3A_506], %slice3A_504 {strides = array<i32>} : memref<2944x128xf32, #tpu.memory_space<vmem>>, vector<64x64xf32>,
    %slice3A_508 = vector.extract_strided_slice %dot_general3A_503 {offsets = [64, 0], sizes = [64, 64], strides = [1, 1]} : vector<128x64xf32> to vector<64x64xf32>
    %swap3A_509 = arith.constant 2240 : index
    %swap3A_510 = arith.constant 64 : index
    %swap3A_511 = vector.load %arg2[%swap3A_509, %swap3A_510] : memref<2944x128xf32, #tpu.memory_space<vmem>>, vector<64x64xf32>
    tpu.vector_store %arg2[%swap3A_509, %swap3A_510], %slice3A_508 {strides = array<i32>} : memref<2944x128xf32, #tpu.memory_space<vmem>>, vector<64x64xf32>,
    %get3A_512 = arith.constant 0 : index
    %get3A_513 = arith.constant 4608 : index
    %get3A_514 = vector.load %arg1[%get3A_512, %get3A_513] : memref<64x5888xf32, #tpu.memory_space<vmem>>, vector<64x128xf32>
    %dot_general3A_515 = arith.constant dense<0.000000e+00> : vector<128x64xf32>
    %dot_general3A_516 = tpu.matmul %convert_element_type3A_47, %get3A_514, %dot_general3A_515 {dimension_numbers = #tpu.dot_dimension_numbers<[1], [1], [0], [0], [0, 0, 1, 0], [], []>, transpose_lhs_hint = false} : vector<128x128xf32>, vector<64x128xf32>, vector<128x64xf32> -> vector<128x64xf32>
    %slice3A_517 = vector.extract_strided_slice %dot_general3A_516 {offsets = [0, 0], sizes = [64, 64], strides = [1, 1]} : vector<128x64xf32> to vector<64x64xf32>
    %swap3A_518 = arith.constant 2304 : index
    %swap3A_519 = arith.constant 0 : index
    %swap3A_520 = vector.load %arg2[%swap3A_518, %swap3A_519] : memref<2944x128xf32, #tpu.memory_space<vmem>>, vector<64x64xf32>
    tpu.vector_store %arg2[%swap3A_518, %swap3A_519], %slice3A_517 {strides = array<i32>} : memref<2944x128xf32, #tpu.memory_space<vmem>>, vector<64x64xf32>,
    %slice3A_521 = vector.extract_strided_slice %dot_general3A_516 {offsets = [64, 0], sizes = [64, 64], strides = [1, 1]} : vector<128x64xf32> to vector<64x64xf32>
    %swap3A_522 = arith.constant 2304 : index
    %swap3A_523 = arith.constant 64 : index
    %swap3A_524 = vector.load %arg2[%swap3A_522, %swap3A_523] : memref<2944x128xf32, #tpu.memory_space<vmem>>, vector<64x64xf32>
    tpu.vector_store %arg2[%swap3A_522, %swap3A_523], %slice3A_521 {strides = array<i32>} : memref<2944x128xf32, #tpu.memory_space<vmem>>, vector<64x64xf32>,
    %get3A_525 = arith.constant 0 : index
    %get3A_526 = arith.constant 4736 : index
    %get3A_527 = vector.load %arg1[%get3A_525, %get3A_526] : memref<64x5888xf32, #tpu.memory_space<vmem>>, vector<64x128xf32>
    %dot_general3A_528 = arith.constant dense<0.000000e+00> : vector<128x64xf32>
    %dot_general3A_529 = tpu.matmul %convert_element_type3A_47, %get3A_527, %dot_general3A_528 {dimension_numbers = #tpu.dot_dimension_numbers<[1], [1], [0], [0], [0, 0, 1, 0], [], []>, transpose_lhs_hint = false} : vector<128x128xf32>, vector<64x128xf32>, vector<128x64xf32> -> vector<128x64xf32>
    %slice3A_530 = vector.extract_strided_slice %dot_general3A_529 {offsets = [0, 0], sizes = [64, 64], strides = [1, 1]} : vector<128x64xf32> to vector<64x64xf32>
    %swap3A_531 = arith.constant 2368 : index
    %swap3A_532 = arith.constant 0 : index
    %swap3A_533 = vector.load %arg2[%swap3A_531, %swap3A_532] : memref<2944x128xf32, #tpu.memory_space<vmem>>, vector<64x64xf32>
    tpu.vector_store %arg2[%swap3A_531, %swap3A_532], %slice3A_530 {strides = array<i32>} : memref<2944x128xf32, #tpu.memory_space<vmem>>, vector<64x64xf32>,
    %slice3A_534 = vector.extract_strided_slice %dot_general3A_529 {offsets = [64, 0], sizes = [64, 64], strides = [1, 1]} : vector<128x64xf32> to vector<64x64xf32>
    %swap3A_535 = arith.constant 2368 : index
    %swap3A_536 = arith.constant 64 : index
    %swap3A_537 = vector.load %arg2[%swap3A_535, %swap3A_536] : memref<2944x128xf32, #tpu.memory_space<vmem>>, vector<64x64xf32>
    tpu.vector_store %arg2[%swap3A_535, %swap3A_536], %slice3A_534 {strides = array<i32>} : memref<2944x128xf32, #tpu.memory_space<vmem>>, vector<64x64xf32>,
    %get3A_538 = arith.constant 0 : index
    %get3A_539 = arith.constant 4864 : index
    %get3A_540 = vector.load %arg1[%get3A_538, %get3A_539] : memref<64x5888xf32, #tpu.memory_space<vmem>>, vector<64x128xf32>
    %dot_general3A_541 = arith.constant dense<0.000000e+00> : vector<128x64xf32>
    %dot_general3A_542 = tpu.matmul %convert_element_type3A_47, %get3A_540, %dot_general3A_541 {dimension_numbers = #tpu.dot_dimension_numbers<[1], [1], [0], [0], [0, 0, 1, 0], [], []>, transpose_lhs_hint = false} : vector<128x128xf32>, vector<64x128xf32>, vector<128x64xf32> -> vector<128x64xf32>
    %slice3A_543 = vector.extract_strided_slice %dot_general3A_542 {offsets = [0, 0], sizes = [64, 64], strides = [1, 1]} : vector<128x64xf32> to vector<64x64xf32>
    %swap3A_544 = arith.constant 2432 : index
    %swap3A_545 = arith.constant 0 : index
    %swap3A_546 = vector.load %arg2[%swap3A_544, %swap3A_545] : memref<2944x128xf32, #tpu.memory_space<vmem>>, vector<64x64xf32>
    tpu.vector_store %arg2[%swap3A_544, %swap3A_545], %slice3A_543 {strides = array<i32>} : memref<2944x128xf32, #tpu.memory_space<vmem>>, vector<64x64xf32>,
    %slice3A_547 = vector.extract_strided_slice %dot_general3A_542 {offsets = [64, 0], sizes = [64, 64], strides = [1, 1]} : vector<128x64xf32> to vector<64x64xf32>
    %swap3A_548 = arith.constant 2432 : index
    %swap3A_549 = arith.constant 64 : index
    %swap3A_550 = vector.load %arg2[%swap3A_548, %swap3A_549] : memref<2944x128xf32, #tpu.memory_space<vmem>>, vector<64x64xf32>
    tpu.vector_store %arg2[%swap3A_548, %swap3A_549], %slice3A_547 {strides = array<i32>} : memref<2944x128xf32, #tpu.memory_space<vmem>>, vector<64x64xf32>,
    %get3A_551 = arith.constant 0 : index
    %get3A_552 = arith.constant 4992 : index
    %get3A_553 = vector.load %arg1[%get3A_551, %get3A_552] : memref<64x5888xf32, #tpu.memory_space<vmem>>, vector<64x128xf32>
    %dot_general3A_554 = arith.constant dense<0.000000e+00> : vector<128x64xf32>
    %dot_general3A_555 = tpu.matmul %convert_element_type3A_47, %get3A_553, %dot_general3A_554 {dimension_numbers = #tpu.dot_dimension_numbers<[1], [1], [0], [0], [0, 0, 1, 0], [], []>, transpose_lhs_hint = false} : vector<128x128xf32>, vector<64x128xf32>, vector<128x64xf32> -> vector<128x64xf32>
    %slice3A_556 = vector.extract_strided_slice %dot_general3A_555 {offsets = [0, 0], sizes = [64, 64], strides = [1, 1]} : vector<128x64xf32> to vector<64x64xf32>
    %swap3A_557 = arith.constant 2496 : index
    %swap3A_558 = arith.constant 0 : index
    %swap3A_559 = vector.load %arg2[%swap3A_557, %swap3A_558] : memref<2944x128xf32, #tpu.memory_space<vmem>>, vector<64x64xf32>
    tpu.vector_store %arg2[%swap3A_557, %swap3A_558], %slice3A_556 {strides = array<i32>} : memref<2944x128xf32, #tpu.memory_space<vmem>>, vector<64x64xf32>,
    %slice3A_560 = vector.extract_strided_slice %dot_general3A_555 {offsets = [64, 0], sizes = [64, 64], strides = [1, 1]} : vector<128x64xf32> to vector<64x64xf32>
    %swap3A_561 = arith.constant 2496 : index
    %swap3A_562 = arith.constant 64 : index
    %swap3A_563 = vector.load %arg2[%swap3A_561, %swap3A_562] : memref<2944x128xf32, #tpu.memory_space<vmem>>, vector<64x64xf32>
    tpu.vector_store %arg2[%swap3A_561, %swap3A_562], %slice3A_560 {strides = array<i32>} : memref<2944x128xf32, #tpu.memory_space<vmem>>, vector<64x64xf32>,
    %get3A_564 = arith.constant 0 : index
    %get3A_565 = arith.constant 5120 : index
    %get3A_566 = vector.load %arg1[%get3A_564, %get3A_565] : memref<64x5888xf32, #tpu.memory_space<vmem>>, vector<64x128xf32>
    %dot_general3A_567 = arith.constant dense<0.000000e+00> : vector<128x64xf32>
    %dot_general3A_568 = tpu.matmul %convert_element_type3A_47, %get3A_566, %dot_general3A_567 {dimension_numbers = #tpu.dot_dimension_numbers<[1], [1], [0], [0], [0, 0, 1, 0], [], []>, transpose_lhs_hint = false} : vector<128x128xf32>, vector<64x128xf32>, vector<128x64xf32> -> vector<128x64xf32>
    %slice3A_569 = vector.extract_strided_slice %dot_general3A_568 {offsets = [0, 0], sizes = [64, 64], strides = [1, 1]} : vector<128x64xf32> to vector<64x64xf32>
    %swap3A_570 = arith.constant 2560 : index
    %swap3A_571 = arith.constant 0 : index
    %swap3A_572 = vector.load %arg2[%swap3A_570, %swap3A_571] : memref<2944x128xf32, #tpu.memory_space<vmem>>, vector<64x64xf32>
    tpu.vector_store %arg2[%swap3A_570, %swap3A_571], %slice3A_569 {strides = array<i32>} : memref<2944x128xf32, #tpu.memory_space<vmem>>, vector<64x64xf32>,
    %slice3A_573 = vector.extract_strided_slice %dot_general3A_568 {offsets = [64, 0], sizes = [64, 64], strides = [1, 1]} : vector<128x64xf32> to vector<64x64xf32>
    %swap3A_574 = arith.constant 2560 : index
    %swap3A_575 = arith.constant 64 : index
    %swap3A_576 = vector.load %arg2[%swap3A_574, %swap3A_575] : memref<2944x128xf32, #tpu.memory_space<vmem>>, vector<64x64xf32>
    tpu.vector_store %arg2[%swap3A_574, %swap3A_575], %slice3A_573 {strides = array<i32>} : memref<2944x128xf32, #tpu.memory_space<vmem>>, vector<64x64xf32>,
    %get3A_577 = arith.constant 0 : index
    %get3A_578 = arith.constant 5248 : index
    %get3A_579 = vector.load %arg1[%get3A_577, %get3A_578] : memref<64x5888xf32, #tpu.memory_space<vmem>>, vector<64x128xf32>
    %dot_general3A_580 = arith.constant dense<0.000000e+00> : vector<128x64xf32>
    %dot_general3A_581 = tpu.matmul %convert_element_type3A_47, %get3A_579, %dot_general3A_580 {dimension_numbers = #tpu.dot_dimension_numbers<[1], [1], [0], [0], [0, 0, 1, 0], [], []>, transpose_lhs_hint = false} : vector<128x128xf32>, vector<64x128xf32>, vector<128x64xf32> -> vector<128x64xf32>
    %slice3A_582 = vector.extract_strided_slice %dot_general3A_581 {offsets = [0, 0], sizes = [64, 64], strides = [1, 1]} : vector<128x64xf32> to vector<64x64xf32>
    %swap3A_583 = arith.constant 2624 : index
    %swap3A_584 = arith.constant 0 : index
    %swap3A_585 = vector.load %arg2[%swap3A_583, %swap3A_584] : memref<2944x128xf32, #tpu.memory_space<vmem>>, vector<64x64xf32>
    tpu.vector_store %arg2[%swap3A_583, %swap3A_584], %slice3A_582 {strides = array<i32>} : memref<2944x128xf32, #tpu.memory_space<vmem>>, vector<64x64xf32>,
    %slice3A_586 = vector.extract_strided_slice %dot_general3A_581 {offsets = [64, 0], sizes = [64, 64], strides = [1, 1]} : vector<128x64xf32> to vector<64x64xf32>
    %swap3A_587 = arith.constant 2624 : index
    %swap3A_588 = arith.constant 64 : index
    %swap3A_589 = vector.load %arg2[%swap3A_587, %swap3A_588] : memref<2944x128xf32, #tpu.memory_space<vmem>>, vector<64x64xf32>
    tpu.vector_store %arg2[%swap3A_587, %swap3A_588], %slice3A_586 {strides = array<i32>} : memref<2944x128xf32, #tpu.memory_space<vmem>>, vector<64x64xf32>,
    %get3A_590 = arith.constant 0 : index
    %get3A_591 = arith.constant 5376 : index
    %get3A_592 = vector.load %arg1[%get3A_590, %get3A_591] : memref<64x5888xf32, #tpu.memory_space<vmem>>, vector<64x128xf32>
    %dot_general3A_593 = arith.constant dense<0.000000e+00> : vector<128x64xf32>
    %dot_general3A_594 = tpu.matmul %convert_element_type3A_47, %get3A_592, %dot_general3A_593 {dimension_numbers = #tpu.dot_dimension_numbers<[1], [1], [0], [0], [0, 0, 1, 0], [], []>, transpose_lhs_hint = false} : vector<128x128xf32>, vector<64x128xf32>, vector<128x64xf32> -> vector<128x64xf32>
    %slice3A_595 = vector.extract_strided_slice %dot_general3A_594 {offsets = [0, 0], sizes = [64, 64], strides = [1, 1]} : vector<128x64xf32> to vector<64x64xf32>
    %swap3A_596 = arith.constant 2688 : index
    %swap3A_597 = arith.constant 0 : index
    %swap3A_598 = vector.load %arg2[%swap3A_596, %swap3A_597] : memref<2944x128xf32, #tpu.memory_space<vmem>>, vector<64x64xf32>
    tpu.vector_store %arg2[%swap3A_596, %swap3A_597], %slice3A_595 {strides = array<i32>} : memref<2944x128xf32, #tpu.memory_space<vmem>>, vector<64x64xf32>,
    %slice3A_599 = vector.extract_strided_slice %dot_general3A_594 {offsets = [64, 0], sizes = [64, 64], strides = [1, 1]} : vector<128x64xf32> to vector<64x64xf32>
    %swap3A_600 = arith.constant 2688 : index
    %swap3A_601 = arith.constant 64 : index
    %swap3A_602 = vector.load %arg2[%swap3A_600, %swap3A_601] : memref<2944x128xf32, #tpu.memory_space<vmem>>, vector<64x64xf32>
    tpu.vector_store %arg2[%swap3A_600, %swap3A_601], %slice3A_599 {strides = array<i32>} : memref<2944x128xf32, #tpu.memory_space<vmem>>, vector<64x64xf32>,
    %get3A_603 = arith.constant 0 : index
    %get3A_604 = arith.constant 5504 : index
    %get3A_605 = vector.load %arg1[%get3A_603, %get3A_604] : memref<64x5888xf32, #tpu.memory_space<vmem>>, vector<64x128xf32>
    %dot_general3A_606 = arith.constant dense<0.000000e+00> : vector<128x64xf32>
    %dot_general3A_607 = tpu.matmul %convert_element_type3A_47, %get3A_605, %dot_general3A_606 {dimension_numbers = #tpu.dot_dimension_numbers<[1], [1], [0], [0], [0, 0, 1, 0], [], []>, transpose_lhs_hint = false} : vector<128x128xf32>, vector<64x128xf32>, vector<128x64xf32> -> vector<128x64xf32>
    %slice3A_608 = vector.extract_strided_slice %dot_general3A_607 {offsets = [0, 0], sizes = [64, 64], strides = [1, 1]} : vector<128x64xf32> to vector<64x64xf32>
    %swap3A_609 = arith.constant 2752 : index
    %swap3A_610 = arith.constant 0 : index
    %swap3A_611 = vector.load %arg2[%swap3A_609, %swap3A_610] : memref<2944x128xf32, #tpu.memory_space<vmem>>, vector<64x64xf32>
    tpu.vector_store %arg2[%swap3A_609, %swap3A_610], %slice3A_608 {strides = array<i32>} : memref<2944x128xf32, #tpu.memory_space<vmem>>, vector<64x64xf32>,
    %slice3A_612 = vector.extract_strided_slice %dot_general3A_607 {offsets = [64, 0], sizes = [64, 64], strides = [1, 1]} : vector<128x64xf32> to vector<64x64xf32>
    %swap3A_613 = arith.constant 2752 : index
    %swap3A_614 = arith.constant 64 : index
    %swap3A_615 = vector.load %arg2[%swap3A_613, %swap3A_614] : memref<2944x128xf32, #tpu.memory_space<vmem>>, vector<64x64xf32>
    tpu.vector_store %arg2[%swap3A_613, %swap3A_614], %slice3A_612 {strides = array<i32>} : memref<2944x128xf32, #tpu.memory_space<vmem>>, vector<64x64xf32>,
    %get3A_616 = arith.constant 0 : index
    %get3A_617 = arith.constant 5632 : index
    %get3A_618 = vector.load %arg1[%get3A_616, %get3A_617] : memref<64x5888xf32, #tpu.memory_space<vmem>>, vector<64x128xf32>
    %dot_general3A_619 = arith.constant dense<0.000000e+00> : vector<128x64xf32>
    %dot_general3A_620 = tpu.matmul %convert_element_type3A_47, %get3A_618, %dot_general3A_619 {dimension_numbers = #tpu.dot_dimension_numbers<[1], [1], [0], [0], [0, 0, 1, 0], [], []>, transpose_lhs_hint = false} : vector<128x128xf32>, vector<64x128xf32>, vector<128x64xf32> -> vector<128x64xf32>
    %slice3A_621 = vector.extract_strided_slice %dot_general3A_620 {offsets = [0, 0], sizes = [64, 64], strides = [1, 1]} : vector<128x64xf32> to vector<64x64xf32>
    %swap3A_622 = arith.constant 2816 : index
    %swap3A_623 = arith.constant 0 : index
    %swap3A_624 = vector.load %arg2[%swap3A_622, %swap3A_623] : memref<2944x128xf32, #tpu.memory_space<vmem>>, vector<64x64xf32>
    tpu.vector_store %arg2[%swap3A_622, %swap3A_623], %slice3A_621 {strides = array<i32>} : memref<2944x128xf32, #tpu.memory_space<vmem>>, vector<64x64xf32>,
    %slice3A_625 = vector.extract_strided_slice %dot_general3A_620 {offsets = [64, 0], sizes = [64, 64], strides = [1, 1]} : vector<128x64xf32> to vector<64x64xf32>
    %swap3A_626 = arith.constant 2816 : index
    %swap3A_627 = arith.constant 64 : index
    %swap3A_628 = vector.load %arg2[%swap3A_626, %swap3A_627] : memref<2944x128xf32, #tpu.memory_space<vmem>>, vector<64x64xf32>
    tpu.vector_store %arg2[%swap3A_626, %swap3A_627], %slice3A_625 {strides = array<i32>} : memref<2944x128xf32, #tpu.memory_space<vmem>>, vector<64x64xf32>,
    %get3A_629 = arith.constant 0 : index
    %get3A_630 = arith.constant 5760 : index
    %get3A_631 = vector.load %arg1[%get3A_629, %get3A_630] : memref<64x5888xf32, #tpu.memory_space<vmem>>, vector<64x128xf32>
    %dot_general3A_632 = arith.constant dense<0.000000e+00> : vector<128x64xf32>
    %dot_general3A_633 = tpu.matmul %convert_element_type3A_47, %get3A_631, %dot_general3A_632 {dimension_numbers = #tpu.dot_dimension_numbers<[1], [1], [0], [0], [0, 0, 1, 0], [], []>, transpose_lhs_hint = false} : vector<128x128xf32>, vector<64x128xf32>, vector<128x64xf32> -> vector<128x64xf32>
    %slice3A_634 = vector.extract_strided_slice %dot_general3A_633 {offsets = [0, 0], sizes = [64, 64], strides = [1, 1]} : vector<128x64xf32> to vector<64x64xf32>
    %swap3A_635 = arith.constant 2880 : index
    %swap3A_636 = arith.constant 0 : index
    %swap3A_637 = vector.load %arg2[%swap3A_635, %swap3A_636] : memref<2944x128xf32, #tpu.memory_space<vmem>>, vector<64x64xf32>
    tpu.vector_store %arg2[%swap3A_635, %swap3A_636], %slice3A_634 {strides = array<i32>} : memref<2944x128xf32, #tpu.memory_space<vmem>>, vector<64x64xf32>,
    %slice3A_638 = vector.extract_strided_slice %dot_general3A_633 {offsets = [64, 0], sizes = [64, 64], strides = [1, 1]} : vector<128x64xf32> to vector<64x64xf32>
    %swap3A_639 = arith.constant 2880 : index
    %swap3A_640 = arith.constant 64 : index
    %swap3A_641 = vector.load %arg2[%swap3A_639, %swap3A_640] : memref<2944x128xf32, #tpu.memory_space<vmem>>, vector<64x64xf32>
    tpu.vector_store %arg2[%swap3A_639, %swap3A_640], %slice3A_638 {strides = array<i32>} : memref<2944x128xf32, #tpu.memory_space<vmem>>, vector<64x64xf32>,
    return
  }
  func.func @transform_0(%arg0: i32) -> (i32, i32) {
    %c0_i32 = arith.constant 0 : i32
    %c0_i32_0 = arith.constant 0 : i32
    return %c0_i32, %arg0 : i32, i32
  }
  func.func @transform_1(%arg0: i32) -> (i32, i32) {
    %c0_i32 = arith.constant 0 : i32
    %c0_i32_0 = arith.constant 0 : i32
    return %arg0, %c0_i32 : i32, i32
  }
}

module attributes {stable_mosaic.version = 14 : i64} {
  func.func @_finish_body(%arg0: memref<32x16xf32, #tpu.memory_space<vmem>>, %arg1: memref<1x1xf32, #tpu.memory_space<smem>>) attributes {dimension_semantics = [], scalar_prefetch = 0 : i64, scratch_operands = 0 : i64, tpu.core_type = #tpu.core_type<tc>} {
    %get3A = arith.constant 0 : index
    %get3A_0 = arith.constant 0 : index
    %get3A_1 = vector.load %arg0[%get3A, %get3A_0] : memref<32x16xf32, #tpu.memory_space<vmem>>, vector<32x16xf32>
    %reduce_sum3A = vector.shape_cast %get3A_1 : vector<32x16xf32> to vector<1x32x16xf32>
    %reduce_sum3A_2 = arith.constant dense<0.000000e+00> : vector<1xf32>
    %reduce_sum3A_3 = vector.multi_reduction <add>, %reduce_sum3A, %reduce_sum3A_2 [1, 2] : vector<1x32x16xf32> to vector<1xf32>
    %reduce_sum3A_4 = vector.shape_cast %reduce_sum3A_3 : vector<1xf32> to vector<1x1x1xf32>
    %reduce_sum3A_5 = vector.extract %reduce_sum3A_4[0, 0, 0] : f32 from vector<1x1x1xf32>
    %sqrt3A = math.sqrt %reduce_sum3A_5 : f32
    %mul3A = arith.constant 3.05175781E-5 : f32
    %mul3A_6 = arith.mulf %mul3A, %sqrt3A : f32
    %swap3A = arith.constant 0 : index
    %swap3A_7 = arith.constant 0 : index
    %swap3A_8 = memref.load %arg1[%swap3A, %swap3A_7] : memref<1x1xf32, #tpu.memory_space<smem>>
    memref.store %mul3A_6, %arg1[%swap3A, %swap3A_7] : memref<1x1xf32, #tpu.memory_space<smem>>
    return
  }
}

</mosaic_0001>

<sc_bundles>
// kernel: kernel.6.cloned.1.call-start
scs
__scs_entry_jumppad:
0x0: {  	(pc) =	sbr.rel $0x88, $3  }
0x1: {  	(tag) =	ssettag $0x0;
	lr =	simm.s32 $0x1  }
0x2: {  	[smem:$0x3F9E] =	sst lr;
	_ =	strace $0xD0000000  }
0x3: {  	_ = 	snop  }
0x4: {  	_ = 	snop  }
0x5: {  	_ = 	snop  }
0x6: {  	_ = 	snop  }
0x7: {  	_ = 	snop  }
__scs_overlays_trampoline_lowered:
0x8: {  	[smem:$0x3FAD] =	sst s0  }
0x9: {  	[smem:$0x3FAE] =	sst s1  }
0xa: {  	[smem:$0x3FAF] =	sst s2  }
0xb: {  	[smem:$0x3FB0] =	sst s3  }
0xc: {  	[smem:$0x3FB1] =	sst s4  }
0xd: {  	[smem:$0x3FB2] =	sst s5  }
0xe: {  	[smem:$0x3FB3] =	sst s6  }
0xf: {  	[smem:$0x3FB4] =	sst s7  }
0x10: {  	[smem:$0x3FB5] =	sst s8  }
0x11: {  	[smem:$0x3FB6] =	sst s9;
	s0 =	simm.s32 @!p0 $0x0  }
0x12: {  	s1 =	sld [smem:$0x3F9C];
	s0 =	simm.s32 @p0 $0x1  }
0x13: {  	[smem:$0x3FB7] =	sst s0;
	s0 =	simm.s32 @!p1 $0x0  }
0x14: {  	s2 =	sld [smem:$0x3F9B];
	s0 =	simm.s32 @p1 $0x1  }
0x15: {  	[smem:$0x3FB8] =	sst s0;
	s0 =	simm.s32 @!p2 $0x0  }
0x16: {  	s3 =	sld [smem:$0x3FDB];
	s0 =	simm.s32 @p2 $0x1  }
0x17: {  	s4 =	simm.s32 $0x1BF5;
	[smem:$0x3FBA] =	sst s0  }
0x18: {  	s0 =	sld [smem:$0x3F9D];
	_ =	swait.ge [sflag:s4], $0x0  }
0x19: {  	s7 =	sld [smem:$0x3F9E]  }
0x1a: {  	s8 =	sadd.s32 $0xFFFFE003, lr  }
0x1b: {  	s9 =	sadd.s32 $0xFFFFFEF7, lr;
	s5 =	simm.s32 $0xFFFFFFFF;
	p2 =	slt.u32 s8, $0xFFFFF086  }
0x1c: {  	p1 =	slt.u32 s9, $0xF7A;
	s5 =	simm.s32 @!p2 $0x0  }
0x1d: {  	s5 =	simm.s32 @p1 $0x1;
	p0 =	seq.s32 s7, s2  }
0x1e: {  	s7 =	smul.u32 @!p0 $0xF7A, s2;
	p2 =	seq.s32 @!p0 s5, $0x0  }
0x1f: {  	s9 =	smul.u32 $0xF7A, s1;
	s8 =	simm.s32 @!p0 $0x1BF5;
	p2 =	por !p2, p0  }
0x20: {  	[sflag:s8] =	ssyncset.s32 @!p0 $0xFFFFF086;
	s6 =	sadd.s32 @!p0 s3, s7;
	s7 =	simm.s32 @!p0 $0x108  }
0x21: {  	s3 =	sadd.s32 s3, s9;
	s6 =	sadd.s32 @!p0 $0x88, s6;
	s7 =	simm.s32 @p2 $0x1082  }
0x22: {  	[simem:s7], [sflag:s8] =	dma.local @!p0 [hbm:s6], $0xF7A  }
0x23: {  	s9 =	sor.u32 $0xD0000000, s2;
	s6 =	simm.s32 $0x108;
	_ =	swait.ge @!p0 [sflag:s8], $0x0  }
0x24: {  	s3 =	sadd.s32 $0x88, s3;
	s6 =	simm.s32 @!p1 $0x1082;
	[sflag:s4] =	ssyncset.s32 $0xFFFFF086  }
0x25: {  	[simem:s6], [sflag:s4] =	dma.local [hbm:s3], $0xF7A  }
0x26: {  	[smem:$0x3F9E] =	sst s1;
	(tag) =	ssettag s2;
	_ =	strace s9  }
0x27: {  	s1 =	sld [smem:$0x3FAE]  }
0x28: {  	s2 =	sld [smem:$0x3FAF]  }
0x29: {  	s4 =	sld [smem:$0x3FB1]  }
0x2a: {  	p0 =	seq.s32 s5, $0x0;
	s5 =	sld [smem:$0x3FB2]  }
0x2b: {  	s6 =	sld [smem:$0x3FB3]  }
0x2c: {  	s7 =	sld [smem:$0x3FB4]  }
0x2d: {  	s3 =	simm.s32 $0x108;
	s8 =	sld [smem:$0x3FB5]  }
0x2e: {  	s3 =	simm.s32 @!p0 $0x1082;
	s9 =	sld [smem:$0x3FB6]  }
0x2f: {  	lr =	sadd.s32 s0, s3;
	s0 =	sld [smem:$0x3FAD]  }
0x30: {  	s3 =	sld [smem:$0x3FB0]  }
0x31: {  	[smem:$0x3FB9] =	sst s10  }
0x32: {  	s10 =	sld [smem:$0x3FB7];
	_ =	sdelay $0x3  }
0x33: {  	p0 =	seq.s32 s10, $0x1;
	s10 =	sld [smem:$0x3FB9];
	_ =	sdelay $0x3  }
0x34: {  	[smem:$0x3FB9] =	sst s10  }
0x35: {  	s10 =	sld [smem:$0x3FB8];
	_ =	sdelay $0x3  }
0x36: {  	p1 =	seq.s32 s10, $0x1;
	s10 =	sld [smem:$0x3FB9];
	_ =	sdelay $0x3  }
0x37: {  	[smem:$0x3FB9] =	sst s10  }
0x38: {  	s10 =	sld [smem:$0x3FBA]  }
0x39: {  	_ = 	snop;
	(pc) =	sbr.ind lr, $3  }
0x3a: {  	_ = 	snop  }
0x3b: {  	_ = 	snop  }
0x3c: {  	p2 =	seq.s32 s10, $0x1;
	s10 =	sld [smem:$0x3FB9]  }
0x3d: {  	_ =	shalt  }
0x3e: {  	_ =	shalt  }
0x3f: {  	_ =	shalt  }
0x40: {  	_ =	shalt  }
0x41: {  	_ =	shalt  }
0x42: {  	_ =	shalt  }
0x43: {  	_ =	shalt  }
0x44: {  	_ =	shalt  }
0x45: {  	_ =	shalt  }
0x46: {  	_ =	shalt  }
0x47: {  	_ =	shalt  }
0x48: {  	_ =	shalt  }
0x49: {  	_ =	shalt  }
0x4a: {  	_ =	shalt  }
0x4b: {  	_ =	shalt  }
0x4c: {  	_ =	shalt  }
0x4d: {  	_ =	shalt  }
0x4e: {  	_ =	shalt  }
0x4f: {  	_ =	shalt  }
0x50: {  	_ =	shalt  }
0x51: {  	_ =	shalt  }
0x52: {  	_ =	shalt  }
0x53: {  	_ =	shalt  }
0x54: {  	_ =	shalt  }
0x55: {  	_ =	shalt  }
0x56: {  	_ =	shalt  }
0x57: {  	_ =	shalt  }
0x58: {  	_ =	shalt  }
0x59: {  	_ =	shalt  }
0x5a: {  	_ =	shalt  }
0x5b: {  	_ =	shalt  }
0x5c: {  	_ =	shalt  }
0x5d: {  	_ =	shalt  }
0x5e: {  	_ =	shalt  }
0x5f: {  	_ =	shalt  }
0x60: {  	_ =	shalt  }
0x61: {  	_ =	shalt  }
0x62: {  	_ =	shalt  }
0x63: {  	_ =	shalt  }
0x64: {  	_ =	shalt  }
0x65: {  	_ =	shalt  }
0x66: {  	_ =	shalt  }
0x67: {  	_ =	shalt  }
0x68: {  	_ =	shalt  }
0x69: {  	_ =	shalt  }
0x6a: {  	_ =	shalt  }
0x6b: {  	_ =	shalt  }
0x6c: {  	_ =	shalt  }
0x6d: {  	_ =	shalt  }
0x6e: {  	_ =	shalt  }
0x6f: {  	_ =	shalt  }
0x70: {  	_ =	shalt  }
0x71: {  	_ =	shalt  }
0x72: {  	_ =	shalt  }
0x73: {  	_ =	shalt  }
0x74: {  	_ =	shalt  }
0x75: {  	_ =	shalt  }
0x76: {  	_ =	shalt  }
0x77: {  	_ =	shalt  }
0x78: {  	_ =	shalt  }
0x79: {  	_ =	shalt  }
0x7a: {  	_ =	shalt  }
0x7b: {  	_ =	shalt  }
0x7c: {  	_ =	shalt  }
0x7d: {  	_ =	shalt  }
0x7e: {  	_ =	shalt  }
0x7f: {  	_ =	shalt  }
0x80: {  	_ =	shalt  }
0x81: {  	_ =	shalt  }
0x82: {  	_ =	shalt  }
0x83: {  	_ =	shalt  }
0x84: {  	_ =	shalt  }
0x85: {  	_ =	shalt  }
0x86: {  	_ =	shalt  }
0x87: {  	_ =	shalt  }
.Lfunc_end0:
.L_simem_size_0:
called_computation_lowered:
.L_overlay_start_0:
0x88: {  	s2 =	sld [smem:$0x3FD9]  }
0x89: {  	s3 =	sld [smem:$0x3FFE];
	_ =	sdelay $0x1  }
0x8a: {  	s1 =	srdreg.scid  }
0x8b: {  	s0 =	sand.u32 $0x1, s1  }
0x8c: {  	s16 =	sshll.u32 s0, $0xA;
	s2 =	sadd.s32 s3, s2  }
0x8d: {  	s2 =	sadd.s32 s2, s16  }
0x8e: {  	[smem:$0x3FC5] =	sst s2  }
0x8f: {  	_ = 	snop  }
0x90: {  	(tm) =	ssettm $0x1  }
0x91: {  	s17 =	sld [smem:$0x3FFB];
	_ =	sdelay $0x3  }
0x92: {  	_ =	strace s17  }
0x93: {  	s2 =	sld [smem:$0x3FFC];
	_ =	sdelay $0x3  }
0x94: {  	_ =	strace s2  }
0x95: {  	s2 =	sld [smem:$0x3FFD];
	_ =	sdelay $0x3  }
0x96: {  	_ =	strace s2  }
0x97: {  	_ =	strace $0x8FFFFFFF  }
0x98: {  	s18 =	sld [smem:$0x3FDB];
	_ =	sdelay $0x1  }
0x99: {  	s19 =	simm.s32 $_scs_section_size  }
0x9a: {  	s4 =	simm.s32 $_size__tile_overlayer_lowered;
	s5 =	simm.s32 $_tile_overlayer_lowered  }
0x9b: {  	s22 =	simm.s32 $0x1BFF;
	s21 =	sshll.u32 s5, $0x1;
	s2 =	sadd.s32 s19, s18  }
0x9c: {  	s6 =	simm.s32 $0x0;
	s20 =	sshll.u32 s4, $0x1;
	s4 =	sadd.s32 s21, s2  }
0x9d: {  	[timem:s6], [sflag:s22] =	dma.local [hbm:s4], s20  }
0x9e: {  	_ =	swait.ge [sflag:s22], s20  }
0x9f: {  	s3 =	ssub.s32 $0x0, s20;
	[sflag:s22] =	ssyncset.done $0x0  }
0xa0: {  	[sflag:s22] =	ssyncadd.s32 s3;
	_ =	sdelay $0x1  }
0xa1: {  	s23 =	simm.s32 $0x1B8B  }
0xa2: {  	_ =	swait.ge [sflag:s23], $0x1  }
0xa3: {  	[sflag:s23] =	ssyncset.done $0x0  }
0xa4: {  	s25 =	simm.s32 $0x1B8E;
	s24 =	sld [smem:$0x3FFE];
	[sflag:s23] =	ssyncadd.s32 $0xFFFFFFFF  }
0xa5: {  	s26 =	simm.s32 $execute0_lowered;
	[smem:$0x3FD2] =	sst s25  }
0xa6: {  	s4 =	sshll.u32 s26, $0x1;
	_ =	strace $0x80000046;
	[dreg:$0x1] =	wrdreg $0xFFFFFFFF  }
0xa7: {  	s28 =	simm.s32 $_size_execute0_lowered;
	s2 =	sadd.s32 s2, s4;
	[dreg:$0x0] =	wrdreg $0x0  }
0xa8: {  	s4 =	sshll.u32 s28, $0x1;
	[dreg:$0x2] =	wrdreg s2  }
0xa9: {  	[dreg:$0x3] =	wrdreg s4  }
0xaa: {  	[dreg:$0x4] =	wrdreg $0xC0  }
0xab: {  	_ =	task [dreg:s6], $0x5FFFF  }
0xac: {  	[dreg:$0x1] =	wrdreg $0xFFFFFFFF  }
0xad: {  	[dreg:$0x0] =	wrdreg $0x60  }
0xae: {  	[dreg:$0x2] =	wrdreg s24  }
0xaf: {  	[dreg:$0x3] =	wrdreg $0x9  }
0xb0: {  	_ =	task.clear_ibuf [dreg:s6], $0x4FFFF;
	_ =	strace $0x90000046  }
0xb1: {  	s29 =	simm.s32 $0x9;
	_ =	strace $0x80000048  }
0xb2: {  	_ =	swait.ge [sflag:s29], $0x1  }
0xb3: {  	[sflag:s29] =	ssyncadd.s32 $0xFFFFFFFF  }
0xb4: {  	_ =	strace $0x90000048  }
0xb5: {  	_ =	sfence  }
0xb6: {  	s30 =	sld [smem:$0x0];
	_ =	sdelay $0x2  }
0xb7: {  	s31 =	sshll.u32 s1, $0xD;
	s1 =	sshrl.u32 s1, $0x2  }
0xb8: {  	s3 =	sand.u32 $0x4000, s31;
	s1 =	sadd.s32 s1, s30  }
0xb9: {  	s0 =	sor.u32 s3, s0;
	s1 =	sshll.u32 s1, $0x11  }
0xba: {  	s0 =	sor.u32 s1, s0  }
0xbb: {  	s0 =	sadd.s32 $0x8F2B, s0  }
0xbc: {  	[sflag:s0] =	ssyncadd.remote.s32 $0x1  }
0xbd: {  	_ =	sfence.sel $0xFFFF  }
0xbe: {  	[dreg:$0x0] =	wrdreg $0xFFFFFFFF;
	(pc) =	sbr.abs _section_cstart, $3  }
0xbf: {  	[dreg:$0x1] =	wrdreg $0xFFFFFFFF  }
0xc0: {  	_ =	task.clear_ibuf [dreg:s6], $0x2FFFF;
	_ =	strace $0x9FFFFFFF  }
0xc1: {  	(tm) =	ssettm $0x7FFFFFFF  }
tec
execute0_lowered:
.L_overlay_start_1:
0x0: {  	(tag) =	ssettag $0x1  }
0x1: {  	s1 =	srdreg.scid;
	s0 =	stileid.u32  }
0x2: {  	s4 =	rddreg [dreg:$0x0];
	s2 =	simm.s32 $0x0;
	s11 =	simm.s32 $0x2  }
0x3: {  	s12 =	simm.s32 $0x200;
	s13 =	simm.s32 $0x4400;
	s14 =	simm.s32 $0x280  }
0x4: {  	s15 =	simm.s32 $0x8400;
	s16 =	simm.s32 $0x1;
	s17 =	simm.s32 $0x300  }
0x5: {  	s18 =	simm.s32 $0x380;
	s19 =	simm.s32 $0xC400;
	s20 =	simm.s32 $0x0  }
0x6: {  	s3 =	sand.u32 $0x1, s1;
	s5 =	sshll.u32 s0, $0x1;
	s1 =	rddreg [dreg:$0x1]  }
0x7: {  	[smem:$0x7FF] =	sst s2;
	s6 =	sshrl.u32 s0, $0x2;
	s5 =	sor.u32 s3, s5  }
0x8: {  	_ =	strace $0x80000047;
	s8 =	sshll.u32 s6, $0xC;
	s6 =	sshll.u32 s6, $0xA  }
0x9: {  	s29 =	ssub.s32 $0x2, s3;
	s3 =	sadd.s32 $0x21200, s4;
	s7 =	sshll.u32 s5, $0x7  }
0xa: {  	s5 =	sshll.u32 s5, $0xC;
	s31 =	sshrl.u32 s29, $0x1;
	s7 =	sand.u32 $0x380, s7  }
0xb: {  	s9 =	sadd.s32 s5, s4;
	s8 =	sor.u32 s8, s7;
	s6 =	sor.u32 s6, s7  }
0xc: {  	s10 =	ssub.s32 s29, s31;
	s28 =	sshrl.u32 s8, $0x3;
	s6 =	sshrl.u32 s6, $0x3  }
0xd: {  	s8 =	smax.u32 s10, $0x1;
	s10 =	simm.s32 $0x400;
	s5 =	sadd.s32 s28, s4  }
0xe: {  	s30 =	sadd.s32 s6, s4;
	s6 =	sadd.s32 $0x1A00, s9;
	s4 =	sadd.s32 $0xA00, s5  }
0xf: {  	s5 =	sadd.s32 $0x1200, s9;
	s7 =	sadd.s32 $0xE4A00, s30;
	s9 =	simm.s32 $0x80  }
.LBB2_1:
0x10: {  	[tilespmem:s2], [sflag:$0x2] =	stream.strided.gather [hbm4b:s4+s9], $0x200, s10, s9, $0x38;
	[tilespmem:$0xC480] =	vst v63  }
0x11: {  	_ =	swait.ge [sflag:s11], $0x200  }
0x12: {  	[sflag:s11] =	ssyncset.done $0x0  }
0x13: {  	[sflag:s11] =	ssyncadd.s32 $0xFFFFFE00  }
0x14: {  	v0 =	vld [tilespmem:$0x0]  }
0x15: {  	v1 =	vld [tilespmem:$0x10]  }
0x16: {  	v2 =	vld [tilespmem:$0x20]  }
0x17: {  	v3 =	vld [tilespmem:$0x30]  }
0x18: {  	v4 =	vld [tilespmem:$0x40]  }
0x19: {  	v5 =	vld [tilespmem:$0x50];
	v0 =	vshra.s32 v0, $0x1  }
0x1a: {  	[tilespmem:$0x200] =	vst v0;
	v0 =	vshra.s32 v1, $0x1;
	v1 =	vld [tilespmem:$0x60]  }
0x1b: {  	[tilespmem:$0x210] =	vst v0;
	v0 =	vshra.s32 v2, $0x1;
	v2 =	vld [tilespmem:$0x70]  }
0x1c: {  	[tilespmem:$0x220] =	vst v0;
	v0 =	vshra.s32 v3, $0x1;
	v3 =	vld [tilespmem:$0x80]  }
0x1d: {  	v52 =	vld [tilespmem:$0x90];
	[tilespmem:$0x230] =	vst v0;
	v0 =	vshra.s32 v4, $0x1  }
0x1e: {  	v53 =	vld [tilespmem:$0xA0];
	[tilespmem:$0x240] =	vst v0;
	v0 =	vshra.s32 v5, $0x1  }
0x1f: {  	[tilespmem:$0x250] =	vst v0;
	v0 =	vshra.s32 v1, $0x1;
	v1 =	vld [tilespmem:$0xB0]  }
0x20: {  	[tilespmem:$0x260] =	vst v0;
	v0 =	vshra.s32 v2, $0x1;
	v2 =	vld [tilespmem:$0xC0]  }
0x21: {  	[tilespmem:$0x270] =	vst v0;
	v0 =	vshra.s32 v3, $0x1;
	v3 =	vld [tilespmem:$0xD0]  }
0x22: {  	v54 =	vld [tilespmem:$0xE0];
	[tilespmem:$0x280] =	vst v0;
	v0 =	vshra.s32 v52, $0x1  }
0x23: {  	v55 =	vld [tilespmem:$0xF0];
	[tilespmem:$0x290] =	vst v0;
	v0 =	vshra.s32 v53, $0x1  }
0x24: {  	[tilespmem:$0x2A0] =	vst v0;
	v0 =	vshra.s32 v1, $0x1  }
0x25: {  	[tilespmem:$0x2B0] =	vst v0;
	v0 =	vshra.s32 v2, $0x1  }
0x26: {  	[tilespmem:$0x2C0] =	vst v0;
	v0 =	vshra.s32 v3, $0x1  }
0x27: {  	[tilespmem:$0x2D0] =	vst v0;
	v0 =	vshra.s32 v54, $0x1  }
0x28: {  	[tilespmem:$0x2E0] =	vst v0;
	v0 =	vshra.s32 v55, $0x1  }
0x29: {  	[tilespmem:$0x2F0] =	vst v0  }
0x2a: {  	[tilespmem:s13], [sflag:$0x1] =	stream.indirect.gather [hbm4b:s3+s9], $0x80, s12, s9, $0xb8;
	[tilespmem:$0xC480] =	vst v63  }
0x2b: {  	_ = 	snop  }
0x2c: {  	[tilespmem:s15], [sflag:$0x1] =	stream.indirect.gather [hbm4b:s3+s9], $0x80, s14, s9, $0xb8;
	[tilespmem:$0xC480] =	vst v63  }
0x2d: {  	_ = 	snop  }
0x2e: {  	[tilespmem:s10], [sflag:$0x2] =	stream.linear.gather [hbm4b:s5+s2], $0x4000, $0x38;
	[tilespmem:$0xC480] =	vst v63  }
0x2f: {  	_ =	swait.ge [sflag:s11], $0x4000  }
0x30: {  	[sflag:s11] =	ssyncset.done $0x0  }
0x31: {  	[sflag:s11] =	ssyncadd.s32 $0xFFFFC000  }
0x32: {  	_ =	swait.ge [sflag:s16], $0x4000  }
0x33: {  	[sflag:s16] =	ssyncset.done $0x0  }
0x34: {  	[sflag:s16] =	ssyncadd.s32 $0xFFFFC000  }
0x35: {  	_ =	swait.ge [sflag:s16], $0x4000  }
0x36: {  	[sflag:s16] =	ssyncset.done $0x0  }
0x37: {  	[sflag:s16] =	ssyncadd.s32 $0xFFFFC000  }
0x38: {  	v1 =	vld [tilespmem:s2+$0x0];
	_ =	sdelay $0x4  }
0x39: {  	(v2sf) =	vpush v1, $0x0;
	_ =	sdelay $0x4  }
0x3a: {  	(v2sf) =	vpush v1, $0x1;
	_ =	sdelay $0x9  }
0x3b: {  	s22 =	spop (v2sf)  }
0x3c: {  	s21 =	simm.s32 $0x600;
	(v2sf) =	vpush v1, $0x2;
	s22 =	sand.u32 $0x1, s22  }
0x3d: {  	v2 =	vld [tilespmem:s21+$0xFFFFFE00];
	s22 =	sshll.u32 s22, $0x6  }
0x3e: {  	v56 =	vld [tilespmem:s21+$0xFFFFFE10];
	s22 =	sadd.s32 $0x0, s22  }
0x3f: {  	v3 =	vld [tilespmem:s22+$0x4400]  }
0x40: {  	v6 =	vld [tilespmem:s21+$0xFFFFFE20];
	s23 =	spop (v2sf);
	(v2sf) =	vpush v1, $0x3  }
0x41: {  	v57 =	vld [tilespmem:s22+$0x4410]  }
0x42: {  	v58 =	vld [tilespmem:s21+$0xFFFFFE40]  }
0x43: {  	s23 =	sand.u32 $0x1, s23;
	v7 =	vld [tilespmem:s22+$0x4420]  }
0x44: {  	s30 =	sshll.u32 s23, $0x6;
	v8 =	vld [tilespmem:s22+$0x4430];
	v2 =	vsub.f32 v2, v3  }
0x45: {  	s22 =	sadd.s32 $0x0, s30;
	v3 =	vld [tilespmem:s21+$0xFFFFFE30]  }
0x46: {  	v10 =	vld [tilespmem:s22+$0x4480];
	v4 =	vsub.f32 v56, v57;
	v2 =	vmul.f32 v2, v2  }
0x47: {  	v9 =	vimm.f32 $0.0e+00;
	v59 =	vld [tilespmem:s21+$0xFFFFFE50]  }
0x48: {  	v61 =	vld [tilespmem:s21+$0xFFFFFE60];
	v6 =	vsub.f32 v6, v7;
	v4 =	vmul.f32 v4, v4;
	v2 =	vadd.f32 v2, v9  }
0x49: {  	v9 =	vld [tilespmem:s22+$0x4490]  }
0x4a: {  	v63 =	vld [tilespmem:s21+$0xFFFFFE70];
	v60 =	vmul.f32 v6, v6;
	v3 =	vsub.f32 v3, v8;
	v2 =	vadd.f32 v4, v2  }
0x4b: {  	v62 =	vsub.f32 v58, v10;
	v8 =	vld [tilespmem:s22+$0x44A0];
	s31 =	spop (v2sf)  }
0x4c: {  	v21 =	vld [tilespmem:s21+$0xFFFFFE80];
	(v2sf) =	vpush v1, $0x4;
	v3 =	vmul.f32 v3, v3;
	s23 =	sand.u32 $0x1, s31;
	v2 =	vadd.f32 v60, v2  }
0x4d: {  	v10 =	vld [tilespmem:s22+$0x44B0];
	s23 =	sshll.u32 s23, $0x6  }
0x4e: {  	v23 =	vld [tilespmem:s21+$0xFFFFFE90];
	v20 =	vsub.f32 v59, v9;
	s22 =	sadd.s32 $0x0, s23;
	v2 =	vadd.f32 v3, v2;
	v3 =	vmul.f32 v62, v62  }
0x4f: {  	s24 =	spop (v2sf);
	(v2sf) =	vpush v1, $0x5;
	v9 =	vld [tilespmem:s22+$0x4500]  }
0x50: {  	v25 =	vld [tilespmem:s21+$0xFFFFFEA0];
	v22 =	vsub.f32 v61, v8;
	v2 =	vadd.f32 v3, v2;
	v3 =	vmul.f32 v20, v20  }
0x51: {  	v8 =	vld [tilespmem:s22+$0x4510]  }
0x52: {  	v27 =	vld [tilespmem:s21+$0xFFFFFEB0];
	v24 =	vsub.f32 v63, v10;
	v2 =	vadd.f32 v3, v2;
	v3 =	vmul.f32 v22, v22  }
0x53: {  	v10 =	vld [tilespmem:s22+$0x4520]  }
0x54: {  	v29 =	vld [tilespmem:s21+$0xFFFFFEC0];
	s23 =	sand.u32 $0x1, s24;
	v26 =	vsub.f32 v21, v9;
	v2 =	vadd.f32 v3, v2;
	v3 =	vmul.f32 v24, v24  }
0x55: {  	s25 =	sshll.u32 s23, $0x6;
	v9 =	vld [tilespmem:s22+$0x4530]  }
0x56: {  	v31 =	vld [tilespmem:s21+$0xFFFFFED0];
	v28 =	vsub.f32 v23, v8;
	s22 =	sadd.s32 $0x0, s25;
	v2 =	vadd.f32 v3, v2;
	v3 =	vmul.f32 v26, v26  }
0x57: {  	v8 =	vld [tilespmem:s22+$0x4580]  }
0x58: {  	v33 =	vld [tilespmem:s21+$0xFFFFFEE0];
	v30 =	vsub.f32 v25, v10;
	v2 =	vadd.f32 v3, v2;
	v3 =	vmul.f32 v28, v28  }
0x59: {  	v10 =	vld [tilespmem:s22+$0x4590]  }
0x5a: {  	v35 =	vld [tilespmem:s21+$0xFFFFFEF0];
	v32 =	vsub.f32 v27, v9;
	v2 =	vadd.f32 v3, v2;
	v3 =	vmul.f32 v30, v30  }
0x5b: {  	v9 =	vld [tilespmem:s22+$0x45A0];
	s26 =	spop (v2sf);
	(v2sf) =	vpush v1, $0x6  }
0x5c: {  	v37 =	vld [tilespmem:s21+$0xFFFFFF00];
	v34 =	vsub.f32 v29, v8;
	s23 =	sand.u32 $0x1, s26;
	v2 =	vadd.f32 v3, v2;
	v3 =	vmul.f32 v32, v32  }
0x5d: {  	v8 =	vld [tilespmem:s22+$0x45B0];
	s28 =	sshll.u32 s23, $0x6  }
0x5e: {  	v39 =	vld [tilespmem:s21+$0xFFFFFF10];
	v36 =	vsub.f32 v31, v10;
	s22 =	sadd.s32 $0x0, s28;
	v2 =	vadd.f32 v3, v2;
	v3 =	vmul.f32 v34, v34  }
0x5f: {  	s29 =	spop (v2sf);
	(v2sf) =	vpush v1, $0x7;
	v10 =	vld [tilespmem:s22+$0x4600]  }
0x60: {  	v41 =	vld [tilespmem:s21+$0xFFFFFF20];
	v38 =	vsub.f32 v33, v9;
	v2 =	vadd.f32 v3, v2;
	v3 =	vmul.f32 v36, v36  }
0x61: {  	v9 =	vld [tilespmem:s22+$0x4610]  }
0x62: {  	v43 =	vld [tilespmem:s21+$0xFFFFFF30];
	v40 =	vsub.f32 v35, v8;
	v2 =	vadd.f32 v3, v2;
	v3 =	vmul.f32 v38, v38  }
0x63: {  	v8 =	vld [tilespmem:s22+$0x4620]  }
0x64: {  	v45 =	vld [tilespmem:s21+$0xFFFFFF40];
	s23 =	sand.u32 $0x1, s29;
	v42 =	vsub.f32 v37, v10;
	v2 =	vadd.f32 v3, v2;
	v3 =	vmul.f32 v40, v40  }
0x65: {  	s30 =	sshll.u32 s23, $0x6;
	v10 =	vld [tilespmem:s22+$0x4630]  }
0x66: {  	v47 =	vld [tilespmem:s21+$0xFFFFFF50];
	v44 =	vsub.f32 v39, v9;
	s22 =	sadd.s32 $0x0, s30;
	v2 =	vadd.f32 v3, v2;
	v3 =	vmul.f32 v42, v42  }
0x67: {  	v9 =	vld [tilespmem:s22+$0x4680]  }
0x68: {  	v46 =	vsub.f32 v41, v8;
	v8 =	vld [tilespmem:s22+$0x4690];
	v2 =	vadd.f32 v3, v2;
	v3 =	vmul.f32 v44, v44  }
0x69: {  	v49 =	vld [tilespmem:s21+$0xFFFFFF60]  }
0x6a: {  	v51 =	vld [tilespmem:s21+$0xFFFFFF70];
	v48 =	vsub.f32 v43, v10;
	v2 =	vadd.f32 v3, v2;
	v3 =	vmul.f32 v46, v46  }
0x6b: {  	v10 =	vld [tilespmem:s22+$0x46A0];
	s31 =	spop (v2sf);
	(v2sf) =	vpush v1, $0x8  }
0x6c: {  	v53 =	vld [tilespmem:s21+$0xFFFFFF80];
	v50 =	vsub.f32 v45, v9;
	s23 =	sand.u32 $0x1, s31;
	v2 =	vadd.f32 v3, v2;
	v3 =	vmul.f32 v48, v48  }
0x6d: {  	v9 =	vld [tilespmem:s22+$0x46B0];
	v52 =	vsub.f32 v47, v8;
	s23 =	sshll.u32 s23, $0x6  }
0x6e: {  	v55 =	vld [tilespmem:s21+$0xFFFFFF90];
	s24 =	spop (v2sf);
	(v2sf) =	vpush v1, $0x9;
	s22 =	sadd.s32 $0x0, s23;
	v2 =	vadd.f32 v3, v2;
	v3 =	vmul.f32 v50, v50  }
0x6f: {  	v8 =	vld [tilespmem:s22+$0x4700]  }
0x70: {  	v57 =	vld [tilespmem:s21+$0xFFFFFFA0];
	v54 =	vsub.f32 v49, v10;
	v2 =	vadd.f32 v3, v2;
	v3 =	vmul.f32 v52, v52  }
0x71: {  	v10 =	vld [tilespmem:s22+$0x4710]  }
0x72: {  	v63 =	vld [tilespmem:s21+$0xFFFFFFD0];
	v56 =	vsub.f32 v51, v9;
	v2 =	vadd.f32 v3, v2;
	v3 =	vmul.f32 v54, v54  }
0x73: {  	v9 =	vld [tilespmem:s22+$0x4720]  }
0x74: {  	v59 =	vld [tilespmem:s21+$0xFFFFFFB0];
	s23 =	sand.u32 $0x1, s24;
	v58 =	vsub.f32 v53, v8;
	v2 =	vadd.f32 v3, v2;
	v3 =	vmul.f32 v56, v56  }
0x75: {  	s25 =	sshll.u32 s23, $0x6;
	v8 =	vld [tilespmem:s22+$0x4730]  }
0x76: {  	v61 =	vld [tilespmem:s21+$0xFFFFFFC0];
	v60 =	vsub.f32 v55, v10;
	s22 =	sadd.s32 $0x0, s25;
	v2 =	vadd.f32 v3, v2;
	v3 =	vmul.f32 v58, v58  }
0x77: {  	v10 =	vld [tilespmem:s22+$0x4780]  }
0x78: {  	v21 =	vld [tilespmem:s21+$0xFFFFFFE0];
	v62 =	vsub.f32 v57, v9;
	v2 =	vadd.f32 v3, v2;
	v3 =	vmul.f32 v60, v60  }
0x79: {  	v9 =	vld [tilespmem:s22+$0x4790]  }
0x7a: {  	v23 =	vld [tilespmem:s21+$0xFFFFFFF0];
	v20 =	vsub.f32 v59, v8;
	v2 =	vadd.f32 v3, v2;
	v3 =	vmul.f32 v62, v62  }
0x7b: {  	v8 =	vld [tilespmem:s22+$0x47A0];
	s26 =	spop (v2sf);
	(v2sf) =	vpush v1, $0xA  }
0x7c: {  	v25 =	vld [tilespmem:s21+$0x0];
	v22 =	vsub.f32 v61, v10;
	s23 =	sand.u32 $0x1, s26;
	v2 =	vadd.f32 v3, v2;
	v3 =	vmul.f32 v20, v20  }
0x7d: {  	v10 =	vld [tilespmem:s22+$0x47B0];
	s29 =	spop (v2sf);
	(v2sf) =	vpush v1, $0xB;
	s28 =	sshll.u32 s23, $0x6  }
0x7e: {  	v27 =	vld [tilespmem:s21+$0x10];
	v24 =	vsub.f32 v63, v9;
	s22 =	sadd.s32 $0x0, s28;
	v2 =	vadd.f32 v3, v2;
	v3 =	vmul.f32 v22, v22  }
0x7f: {  	v9 =	vld [tilespmem:s22+$0x4800]  }
0x80: {  	v29 =	vld [tilespmem:s21+$0x20];
	v26 =	vsub.f32 v21, v8;
	v2 =	vadd.f32 v3, v2;
	v3 =	vmul.f32 v24, v24  }
0x81: {  	v8 =	vld [tilespmem:s22+$0x4810]  }
0x82: {  	v31 =	vld [tilespmem:s21+$0x30];
	v28 =	vsub.f32 v23, v10;
	v2 =	vadd.f32 v3, v2;
	v3 =	vmul.f32 v26, v26  }
0x83: {  	s23 =	sand.u32 $0x1, s29;
	v10 =	vld [tilespmem:s22+$0x4820]  }
0x84: {  	v33 =	vld [tilespmem:s21+$0x40];
	s30 =	sshll.u32 s23, $0x6;
	v30 =	vsub.f32 v25, v9;
	v2 =	vadd.f32 v3, v2;
	v3 =	vmul.f32 v28, v28  }
0x85: {  	v9 =	vld [tilespmem:s22+$0x4830];
	s22 =	sadd.s32 $0x0, s30  }
0x86: {  	v32 =	vsub.f32 v27, v8;
	v8 =	vld [tilespmem:s22+$0x4880];
	v2 =	vadd.f32 v3, v2;
	v3 =	vmul.f32 v30, v30  }
0x87: {  	v0 =	vld [tilespmem:s21+$0x150]  }
0x88: {  	v35 =	vld [tilespmem:s21+$0x50];
	v34 =	vsub.f32 v29, v10;
	v2 =	vadd.f32 v3, v2;
	v3 =	vmul.f32 v32, v32  }
0x89: {  	v10 =	vld [tilespmem:s22+$0x4890]  }
0x8a: {  	v37 =	vld [tilespmem:s21+$0x60];
	v36 =	vsub.f32 v31, v9;
	v2 =	vadd.f32 v3, v2;
	v3 =	vmul.f32 v34, v34  }
0x8b: {  	v9 =	vld [tilespmem:s22+$0x48A0];
	s31 =	spop (v2sf);
	(v2sf) =	vpush v1, $0xC;
	v38 =	vsub.f32 v33, v8  }
0x8c: {  	v39 =	vld [tilespmem:s21+$0x70];
	s23 =	sand.u32 $0x1, s31;
	s25 =	spop (v2sf);
	(v2sf) =	vpush v1, $0xD;
	v2 =	vadd.f32 v3, v2;
	v3 =	vmul.f32 v36, v36  }
0x8d: {  	v8 =	vld [tilespmem:s22+$0x48B0];
	s24 =	sshll.u32 s23, $0x6  }
0x8e: {  	v41 =	vld [tilespmem:s21+$0x80];
	v40 =	vsub.f32 v35, v10;
	s22 =	sadd.s32 $0x0, s24;
	v2 =	vadd.f32 v3, v2;
	v3 =	vmul.f32 v38, v38  }
0x8f: {  	v10 =	vld [tilespmem:s22+$0x4900]  }
0x90: {  	v43 =	vld [tilespmem:s21+$0x90];
	v42 =	vsub.f32 v37, v9;
	v2 =	vadd.f32 v3, v2;
	v3 =	vmul.f32 v40, v40  }
0x91: {  	v9 =	vld [tilespmem:s22+$0x4910]  }
0x92: {  	v45 =	vld [tilespmem:s21+$0xA0];
	v44 =	vsub.f32 v39, v8;
	v2 =	vadd.f32 v3, v2;
	v3 =	vmul.f32 v42, v42  }
0x93: {  	v8 =	vld [tilespmem:s22+$0x4920]  }
0x94: {  	v47 =	vld [tilespmem:s21+$0xB0];
	s23 =	sand.u32 $0x1, s25;
	v46 =	vsub.f32 v41, v10;
	v2 =	vadd.f32 v3, v2;
	v3 =	vmul.f32 v44, v44  }
0x95: {  	s26 =	sshll.u32 s23, $0x6;
	v10 =	vld [tilespmem:s22+$0x4930]  }
0x96: {  	v49 =	vld [tilespmem:s21+$0xC0];
	v48 =	vsub.f32 v43, v9;
	s22 =	sadd.s32 $0x0, s26;
	v2 =	vadd.f32 v3, v2;
	v3 =	vmul.f32 v46, v46  }
0x97: {  	v9 =	vld [tilespmem:s22+$0x4980]  }
0x98: {  	v51 =	vld [tilespmem:s21+$0xD0];
	v50 =	vsub.f32 v45, v8;
	v2 =	vadd.f32 v3, v2;
	v3 =	vmul.f32 v48, v48  }
0x99: {  	v8 =	vld [tilespmem:s22+$0x4990]  }
0x9a: {  	v53 =	vld [tilespmem:s21+$0xE0];
	v52 =	vsub.f32 v47, v10;
	s28 =	spop (v2sf);
	v2 =	vadd.f32 v3, v2;
	v3 =	vmul.f32 v50, v50  }
0x9b: {  	v10 =	vld [tilespmem:s22+$0x49A0];
	s30 =	spop (v2sf);
	(v2sf) =	vpush v1, $0xE  }
0x9c: {  	v55 =	vld [tilespmem:s21+$0xF0];
	v54 =	vsub.f32 v49, v9;
	s23 =	sand.u32 $0x1, s28;
	v2 =	vadd.f32 v3, v2;
	v3 =	vmul.f32 v52, v52  }
0x9d: {  	v9 =	vld [tilespmem:s22+$0x49B0];
	s29 =	sshll.u32 s23, $0x6  }
0x9e: {  	v57 =	vld [tilespmem:s21+$0x100];
	v56 =	vsub.f32 v51, v8;
	s22 =	sadd.s32 $0x0, s29;
	v2 =	vadd.f32 v3, v2;
	v3 =	vmul.f32 v54, v54  }
0x9f: {  	v8 =	vld [tilespmem:s22+$0x4A00]  }
0xa0: {  	v59 =	vld [tilespmem:s21+$0x110];
	v58 =	vsub.f32 v53, v10;
	v2 =	vadd.f32 v3, v2;
	v3 =	vmul.f32 v56, v56  }
0xa1: {  	v10 =	vld [tilespmem:s22+$0x4A10]  }
0xa2: {  	v61 =	vld [tilespmem:s21+$0x120];
	v60 =	vsub.f32 v55, v9;
	v2 =	vadd.f32 v3, v2;
	v3 =	vmul.f32 v58, v58  }
0xa3: {  	s23 =	sand.u32 $0x1, s30;
	(v2sf) =	vpush v1, $0xF;
	v11 =	vld [tilespmem:s22+$0x4A20]  }
0xa4: {  	s31 =	sshll.u32 s23, $0x6;
	v12 =	vld [tilespmem:s22+$0x4A30];
	v62 =	vsub.f32 v57, v8;
	v2 =	vadd.f32 v3, v2;
	v3 =	vmul.f32 v60, v60  }
0xa5: {  	s26 =	sadd.s32 $0x0, s31;
	v9 =	vld [tilespmem:s21+$0x130]  }
0xa6: {  	v13 =	vld [tilespmem:s26+$0x4A80];
	v63 =	vsub.f32 v59, v10;
	v2 =	vadd.f32 v3, v2;
	v3 =	vmul.f32 v62, v62  }
0xa7: {  	s23 =	simm.s32 $0x10;
	v10 =	vld [tilespmem:s21+$0x140]  }
0xa8: {  	s25 =	simm.s32 $0x0;
	s24 =	simm.s32 $0x4000;
	s22 =	simm.s32 $0x2000;
	v1 =	vld [tilespmem:s23+$0x0];
	v17 =	vsub.f32 v61, v11;
	v16 =	vmul.f32 v63, v63;
	v14 =	vadd.f32 v3, v2  }
.LBB2_2:
0xa9: {  	p0 =	sne.s32 s24, $0x1E000;
	v2 =	vld [tilespmem:s26+$0x4A90]  }
0xaa: {  	v3 =	vadd.f32 v16, v14;
	v4 =	vmul.f32 v17, v17;
	v5 =	vsub.f32 v9, v12;
	v6 =	vld [tilespmem:s21+$0x160];
	s28 =	spop (v2sf)  }
0xab: {  	v7 =	vld [tilespmem:s26+$0x4AA0]  }
0xac: {  	s28 =	sand.u32 $0x1, s28;
	v3 =	vadd.f32 v4, v3;
	v4 =	vmul.f32 v5, v5;
	v5 =	vsub.f32 v10, v13;
	v8 =	vld [tilespmem:s21+$0x170]  }
0xad: {  	(v2sf) =	vpush v1, $0x0;
	v9 =	vld [tilespmem:s26+$0x4AB0];
	s26 =	sshll.u32 s28, $0x6  }
0xae: {  	v3 =	vadd.f32 v4, v3;
	v4 =	vmul.f32 v5, v5;
	v0 =	vsub.f32 v0, v2;
	v2 =	vld [tilespmem:s21+$0x180];
	s26 =	sadd.s32 s25, s26  }
0xaf: {  	v5 =	vld [tilespmem:s26+$0x4B00]  }
0xb0: {  	v3 =	vadd.f32 v4, v3;
	v0 =	vmul.f32 v0, v0;
	v4 =	vsub.f32 v6, v7;
	v6 =	vld [tilespmem:s21+$0x190]  }
0xb1: {  	v7 =	vld [tilespmem:s26+$0x4B10]  }
0xb2: {  	v0 =	vadd.f32 v0, v3;
	v3 =	vmul.f32 v4, v4;
	v4 =	vsub.f32 v8, v9;
	v8 =	vld [tilespmem:s21+$0x1A0];
	s28 =	spop (v2sf)  }
0xb3: {  	v9 =	vld [tilespmem:s26+$0x4B20]  }
0xb4: {  	s28 =	sand.u32 $0x1, s28;
	v0 =	vadd.f32 v3, v0;
	v3 =	vmul.f32 v4, v4;
	v2 =	vsub.f32 v2, v5;
	v4 =	vld [tilespmem:s21+$0x1B0]  }
0xb5: {  	(v2sf) =	vpush v1, $0x1;
	v5 =	vld [tilespmem:s26+$0x4B30];
	s26 =	sshll.u32 s28, $0x6  }
0xb6: {  	v0 =	vadd.f32 v3, v0;
	v2 =	vmul.f32 v2, v2;
	v3 =	vsub.f32 v6, v7;
	v6 =	vld [tilespmem:s21+$0x1C0];
	s25 =	sadd.s32 s25, s26  }
0xb7: {  	v7 =	vld [tilespmem:s25+$0x4B80]  }
0xb8: {  	v0 =	vadd.f32 v2, v0;
	v2 =	vmul.f32 v3, v3;
	v3 =	vsub.f32 v8, v9;
	v8 =	vld [tilespmem:s21+$0x1D0]  }
0xb9: {  	v9 =	vld [tilespmem:s25+$0x4B90]  }
0xba: {  	v0 =	vadd.f32 v2, v0;
	v2 =	vmul.f32 v3, v3;
	v3 =	vsub.f32 v4, v5;
	v4 =	vld [tilespmem:s21+$0x1E0]  }
0xbb: {  	v5 =	vld [tilespmem:s25+$0x4BA0]  }
0xbc: {  	s26 =	spop (v2sf);
	v2 =	vadd.f32 v2, v0;
	v3 =	vmul.f32 v3, v3;
	v6 =	vsub.f32 v6, v7;
	v7 =	vld [tilespmem:s21+$0x1F0]  }
0xbd: {  	s21 =	sadd.s32 $0x400, s21;
	s26 =	sand.u32 $0x1, s26;
	(v2sf) =	vpush v1, $0x2;
	v10 =	vld [tilespmem:s25+$0x4BB0]  }
0xbe: {  	s25 =	sshra.s32 s22, $0x2;
	s22 =	smov.u32 s24;
	s26 =	sshll.u32 s26, $0x6;
	v0 =	vld [tilespmem:s21+$0x150];
	v2 =	vadd.f32 v3, v2;
	v3 =	vmul.f32 v6, v6;
	v6 =	vsub.f32 v8, v9  }
0xbf: {  	v8 =	vld [tilespmem:s21+$0xFFFFFE00];
	s26 =	sadd.s32 s25, s26  }
0xc0: {  	v9 =	vld [tilespmem:s26+$0x4400];
	v2 =	vadd.f32 v3, v2;
	v3 =	vmul.f32 v6, v6;
	v4 =	vsub.f32 v4, v5  }
0xc1: {  	v5 =	vld [tilespmem:s21+$0xFFFFFE10]  }
0xc2: {  	v6 =	vld [tilespmem:s26+$0x4410];
	v2 =	vadd.f32 v3, v2;
	v3 =	vmul.f32 v4, v4;
	v4 =	vsub.f32 v7, v10  }
0xc3: {  	v7 =	vld [tilespmem:s21+$0xFFFFFE20]  }
0xc4: {  	v10 =	vld [tilespmem:s26+$0x4420];
	s28 =	spop (v2sf);
	v2 =	vadd.f32 v3, v2;
	v3 =	vmul.f32 v4, v4  }
0xc5: {  	v4 =	vsub.f32 v8, v9;
	v8 =	vld [tilespmem:s21+$0xFFFFFE30];
	s28 =	sand.u32 $0x1, s28;
	(v2sf) =	vpush v1, $0x3  }
0xc6: {  	v9 =	vld [tilespmem:s26+$0x4430];
	s26 =	sshll.u32 s28, $0x6;
	v2 =	vadd.f32 v3, v2  }
0xc7: {  	v3 =	vmul.f32 v4, v4;
	v4 =	vsub.f32 v5, v6;
	v5 =	vld [tilespmem:s21+$0xFFFFFE40];
	s26 =	sadd.s32 s25, s26  }
0xc8: {  	v6 =	vld [tilespmem:s26+$0x4480]  }
0xc9: {  	v2 =	vadd.f32 v3, v2;
	v3 =	vmul.f32 v4, v4;
	v4 =	vsub.f32 v7, v10;
	v7 =	vld [tilespmem:s21+$0xFFFFFE50]  }
0xca: {  	v10 =	vld [tilespmem:s26+$0x4490]  }
0xcb: {  	v2 =	vadd.f32 v3, v2;
	v3 =	vmul.f32 v4, v4;
	v4 =	vsub.f32 v8, v9;
	v8 =	vld [tilespmem:s21+$0xFFFFFE60]  }
0xcc: {  	v9 =	vld [tilespmem:s26+$0x44A0];
	s28 =	spop (v2sf);
	(v2sf) =	vpush v1, $0x4  }
0xcd: {  	v2 =	vadd.f32 v3, v2;
	v3 =	vmul.f32 v4, v4;
	v4 =	vsub.f32 v5, v6;
	v5 =	vld [tilespmem:s21+$0xFFFFFE70];
	s28 =	sand.u32 $0x1, s28  }
0xce: {  	v6 =	vld [tilespmem:s26+$0x44B0];
	s26 =	sshll.u32 s28, $0x6  }
0xcf: {  	v2 =	vadd.f32 v3, v2;
	v3 =	vmul.f32 v4, v4;
	v4 =	vsub.f32 v7, v10;
	v7 =	vld [tilespmem:s21+$0xFFFFFE80];
	s26 =	sadd.s32 s25, s26  }
0xd0: {  	v10 =	vld [tilespmem:s26+$0x4500]  }
0xd1: {  	v2 =	vadd.f32 v3, v2;
	v3 =	vmul.f32 v4, v4;
	v4 =	vsub.f32 v8, v9;
	v8 =	vld [tilespmem:s21+$0xFFFFFE90]  }
0xd2: {  	v9 =	vld [tilespmem:s26+$0x4510]  }
0xd3: {  	v2 =	vadd.f32 v3, v2;
	v3 =	vmul.f32 v4, v4;
	v4 =	vsub.f32 v5, v6;
	v5 =	vld [tilespmem:s21+$0xFFFFFEA0]  }
0xd4: {  	v6 =	vld [tilespmem:s26+$0x4520];
	s28 =	spop (v2sf);
	(v2sf) =	vpush v1, $0x5  }
0xd5: {  	v2 =	vadd.f32 v3, v2;
	v3 =	vmul.f32 v4, v4;
	v4 =	vsub.f32 v7, v10;
	v7 =	vld [tilespmem:s21+$0xFFFFFEB0];
	s28 =	sand.u32 $0x1, s28  }
0xd6: {  	v10 =	vld [tilespmem:s26+$0x4530];
	s26 =	sshll.u32 s28, $0x6  }
0xd7: {  	v2 =	vadd.f32 v3, v2;
	v3 =	vmul.f32 v4, v4;
	v4 =	vsub.f32 v8, v9;
	v8 =	vld [tilespmem:s21+$0xFFFFFEC0];
	s26 =	sadd.s32 s25, s26  }
0xd8: {  	v9 =	vld [tilespmem:s26+$0x4580]  }
0xd9: {  	v2 =	vadd.f32 v3, v2;
	v3 =	vmul.f32 v4, v4;
	v4 =	vsub.f32 v5, v6;
	v5 =	vld [tilespmem:s21+$0xFFFFFED0]  }
0xda: {  	v6 =	vld [tilespmem:s26+$0x4590]  }
0xdb: {  	v2 =	vadd.f32 v3, v2;
	v3 =	vmul.f32 v4, v4;
	v4 =	vsub.f32 v7, v10;
	v7 =	vld [tilespmem:s21+$0xFFFFFEE0];
	s28 =	spop (v2sf)  }
0xdc: {  	v10 =	vld [tilespmem:s26+$0x45A0];
	(v2sf) =	vpush v1, $0x6  }
0xdd: {  	s28 =	sand.u32 $0x1, s28;
	v2 =	vadd.f32 v3, v2;
	v3 =	vmul.f32 v4, v4;
	v4 =	vsub.f32 v8, v9;
	v8 =	vld [tilespmem:s21+$0xFFFFFEF0]  }
0xde: {  	v9 =	vld [tilespmem:s26+$0x45B0];
	s26 =	sshll.u32 s28, $0x6  }
0xdf: {  	v2 =	vadd.f32 v3, v2;
	v3 =	vmul.f32 v4, v4;
	v4 =	vsub.f32 v5, v6;
	v5 =	vld [tilespmem:s21+$0xFFFFFF00];
	s26 =	sadd.s32 s25, s26  }
0xe0: {  	v6 =	vld [tilespmem:s26+$0x4600]  }
0xe1: {  	v2 =	vadd.f32 v3, v2;
	v3 =	vmul.f32 v4, v4;
	v4 =	vsub.f32 v7, v10;
	v7 =	vld [tilespmem:s21+$0xFFFFFF10]  }
0xe2: {  	v10 =	vld [tilespmem:s26+$0x4610]  }
0xe3: {  	v2 =	vadd.f32 v3, v2;
	v3 =	vmul.f32 v4, v4;
	v4 =	vsub.f32 v8, v9;
	v8 =	vld [tilespmem:s21+$0xFFFFFF20];
	s28 =	spop (v2sf)  }
0xe4: {  	v9 =	vld [tilespmem:s26+$0x4620];
	(v2sf) =	vpush v1, $0x7  }
0xe5: {  	s28 =	sand.u32 $0x1, s28;
	v2 =	vadd.f32 v3, v2;
	v3 =	vmul.f32 v4, v4;
	v4 =	vsub.f32 v5, v6;
	v5 =	vld [tilespmem:s21+$0xFFFFFF30]  }
0xe6: {  	v6 =	vld [tilespmem:s26+$0x4630];
	s26 =	sshll.u32 s28, $0x6  }
0xe7: {  	v2 =	vadd.f32 v3, v2;
	v3 =	vmul.f32 v4, v4;
	v4 =	vsub.f32 v7, v10;
	v7 =	vld [tilespmem:s21+$0xFFFFFF40];
	s26 =	sadd.s32 s25, s26  }
0xe8: {  	v10 =	vld [tilespmem:s26+$0x4680]  }
0xe9: {  	v2 =	vadd.f32 v3, v2;
	v3 =	vmul.f32 v4, v4;
	v4 =	vsub.f32 v8, v9;
	v8 =	vld [tilespmem:s21+$0xFFFFFF50]  }
0xea: {  	v9 =	vld [tilespmem:s26+$0x4690]  }
0xeb: {  	v2 =	vadd.f32 v3, v2;
	v3 =	vmul.f32 v4, v4;
	v4 =	vsub.f32 v5, v6;
	v5 =	vld [tilespmem:s21+$0xFFFFFF60];
	s28 =	spop (v2sf)  }
0xec: {  	v6 =	vld [tilespmem:s26+$0x46A0];
	(v2sf) =	vpush v1, $0x8  }
0xed: {  	s28 =	sand.u32 $0x1, s28;
	v2 =	vadd.f32 v3, v2;
	v3 =	vmul.f32 v4, v4;
	v4 =	vsub.f32 v7, v10;
	v7 =	vld [tilespmem:s21+$0xFFFFFF70]  }
0xee: {  	v10 =	vld [tilespmem:s26+$0x46B0];
	s26 =	sshll.u32 s28, $0x6  }
0xef: {  	v2 =	vadd.f32 v3, v2;
	v3 =	vmul.f32 v4, v4;
	v4 =	vsub.f32 v8, v9;
	v8 =	vld [tilespmem:s21+$0xFFFFFF80];
	s26 =	sadd.s32 s25, s26  }
0xf0: {  	v9 =	vld [tilespmem:s26+$0x4700]  }
0xf1: {  	v2 =	vadd.f32 v3, v2;
	v3 =	vmul.f32 v4, v4;
	v4 =	vsub.f32 v5, v6;
	v5 =	vld [tilespmem:s21+$0xFFFFFF90]  }
0xf2: {  	v6 =	vld [tilespmem:s26+$0x4710]  }
0xf3: {  	v2 =	vadd.f32 v3, v2;
	v3 =	vmul.f32 v4, v4;
	v4 =	vsub.f32 v7, v10;
	v7 =	vld [tilespmem:s21+$0xFFFFFFA0];
	s28 =	spop (v2sf)  }
0xf4: {  	v10 =	vld [tilespmem:s26+$0x4720];
	(v2sf) =	vpush v1, $0x9  }
0xf5: {  	s28 =	sand.u32 $0x1, s28;
	v2 =	vadd.f32 v3, v2;
	v3 =	vmul.f32 v4, v4;
	v4 =	vsub.f32 v8, v9;
	v8 =	vld [tilespmem:s21+$0xFFFFFFB0]  }
0xf6: {  	v9 =	vld [tilespmem:s26+$0x4730];
	s26 =	sshll.u32 s28, $0x6  }
0xf7: {  	v2 =	vadd.f32 v3, v2;
	v3 =	vmul.f32 v4, v4;
	v4 =	vsub.f32 v5, v6;
	v5 =	vld [tilespmem:s21+$0xFFFFFFC0];
	s26 =	sadd.s32 s25, s26  }
0xf8: {  	v6 =	vld [tilespmem:s26+$0x4780]  }
0xf9: {  	v2 =	vadd.f32 v3, v2;
	v3 =	vmul.f32 v4, v4;
	v4 =	vsub.f32 v7, v10;
	v7 =	vld [tilespmem:s21+$0xFFFFFFD0]  }
0xfa: {  	v10 =	vld [tilespmem:s26+$0x4790]  }
0xfb: {  	v2 =	vadd.f32 v3, v2;
	v3 =	vmul.f32 v4, v4;
	v4 =	vsub.f32 v8, v9;
	v8 =	vld [tilespmem:s21+$0xFFFFFFE0];
	s28 =	spop (v2sf)  }
0xfc: {  	v9 =	vld [tilespmem:s26+$0x47A0];
	(v2sf) =	vpush v1, $0xA  }
0xfd: {  	s28 =	sand.u32 $0x1, s28;
	v2 =	vadd.f32 v3, v2;
	v3 =	vmul.f32 v4, v4;
	v4 =	vsub.f32 v5, v6;
	v5 =	vld [tilespmem:s21+$0xFFFFFFF0]  }
0xfe: {  	v6 =	vld [tilespmem:s26+$0x47B0];
	s26 =	sshll.u32 s28, $0x6  }
0xff: {  	v2 =	vadd.f32 v3, v2;
	v3 =	vmul.f32 v4, v4;
	v4 =	vsub.f32 v7, v10;
	v7 =	vld [tilespmem:s21+$0x0];
	s26 =	sadd.s32 s25, s26  }
0x100: {  	v10 =	vld [tilespmem:s26+$0x4800]  }
0x101: {  	v2 =	vadd.f32 v3, v2;
	v3 =	vmul.f32 v4, v4;
	v4 =	vsub.f32 v8, v9;
	v8 =	vld [tilespmem:s21+$0x10]  }
0x102: {  	v9 =	vld [tilespmem:s26+$0x4810]  }
0x103: {  	v2 =	vadd.f32 v3, v2;
	v3 =	vmul.f32 v4, v4;
	v4 =	vsub.f32 v5, v6;
	v5 =	vld [tilespmem:s21+$0x20];
	s28 =	spop (v2sf)  }
0x104: {  	v6 =	vld [tilespmem:s26+$0x4820];
	(v2sf) =	vpush v1, $0xB  }
0x105: {  	s28 =	sand.u32 $0x1, s28;
	v2 =	vadd.f32 v3, v2;
	v3 =	vmul.f32 v4, v4;
	v4 =	vsub.f32 v7, v10;
	v7 =	vld [tilespmem:s21+$0x30]  }
0x106: {  	v10 =	vld [tilespmem:s26+$0x4830];
	s26 =	sshll.u32 s28, $0x6  }
0x107: {  	v2 =	vadd.f32 v3, v2;
	v3 =	vmul.f32 v4, v4;
	v4 =	vsub.f32 v8, v9;
	v8 =	vld [tilespmem:s21+$0x40];
	s26 =	sadd.s32 s25, s26  }
0x108: {  	v9 =	vld [tilespmem:s26+$0x4880]  }
0x109: {  	v2 =	vadd.f32 v3, v2;
	v3 =	vmul.f32 v4, v4;
	v4 =	vsub.f32 v5, v6;
	v5 =	vld [tilespmem:s21+$0x50]  }
0x10a: {  	v6 =	vld [tilespmem:s26+$0x4890]  }
0x10b: {  	v2 =	vadd.f32 v3, v2;
	v3 =	vmul.f32 v4, v4;
	v4 =	vsub.f32 v7, v10;
	v7 =	vld [tilespmem:s21+$0x60];
	s28 =	spop (v2sf)  }
0x10c: {  	v10 =	vld [tilespmem:s26+$0x48A0];
	(v2sf) =	vpush v1, $0xC  }
0x10d: {  	s28 =	sand.u32 $0x1, s28;
	v2 =	vadd.f32 v3, v2;
	v3 =	vmul.f32 v4, v4;
	v4 =	vsub.f32 v8, v9;
	v8 =	vld [tilespmem:s21+$0x70]  }
0x10e: {  	v9 =	vld [tilespmem:s26+$0x48B0];
	s26 =	sshll.u32 s28, $0x6  }
0x10f: {  	v2 =	vadd.f32 v3, v2;
	v3 =	vmul.f32 v4, v4;
	v4 =	vsub.f32 v5, v6;
	v5 =	vld [tilespmem:s21+$0x80];
	s26 =	sadd.s32 s25, s26  }
0x110: {  	v6 =	vld [tilespmem:s26+$0x4900]  }
0x111: {  	v2 =	vadd.f32 v3, v2;
	v3 =	vmul.f32 v4, v4;
	v4 =	vsub.f32 v7, v10;
	v7 =	vld [tilespmem:s21+$0x90]  }
0x112: {  	v10 =	vld [tilespmem:s26+$0x4910]  }
0x113: {  	v2 =	vadd.f32 v3, v2;
	v3 =	vmul.f32 v4, v4;
	v4 =	vsub.f32 v8, v9;
	v8 =	vld [tilespmem:s21+$0xA0];
	s28 =	spop (v2sf)  }
0x114: {  	v9 =	vld [tilespmem:s26+$0x4920];
	(v2sf) =	vpush v1, $0xD  }
0x115: {  	s28 =	sand.u32 $0x1, s28;
	v2 =	vadd.f32 v3, v2;
	v3 =	vmul.f32 v4, v4;
	v4 =	vsub.f32 v5, v6;
	v5 =	vld [tilespmem:s21+$0xB0]  }
0x116: {  	v6 =	vld [tilespmem:s26+$0x4930];
	s26 =	sshll.u32 s28, $0x6  }
0x117: {  	v2 =	vadd.f32 v3, v2;
	v3 =	vmul.f32 v4, v4;
	v4 =	vsub.f32 v7, v10;
	v7 =	vld [tilespmem:s21+$0xC0];
	s26 =	sadd.s32 s25, s26  }
0x118: {  	v10 =	vld [tilespmem:s26+$0x4980]  }
0x119: {  	v2 =	vadd.f32 v3, v2;
	v3 =	vmul.f32 v4, v4;
	v4 =	vsub.f32 v8, v9;
	v8 =	vld [tilespmem:s21+$0xD0]  }
0x11a: {  	v9 =	vld [tilespmem:s26+$0x4990]  }
0x11b: {  	v2 =	vadd.f32 v3, v2;
	v3 =	vmul.f32 v4, v4;
	v4 =	vsub.f32 v5, v6;
	v5 =	vld [tilespmem:s21+$0xE0];
	s28 =	spop (v2sf)  }
0x11c: {  	v6 =	vld [tilespmem:s26+$0x49A0];
	(v2sf) =	vpush v1, $0xE  }
0x11d: {  	s28 =	sand.u32 $0x1, s28;
	v2 =	vadd.f32 v3, v2;
	v3 =	vmul.f32 v4, v4;
	v4 =	vsub.f32 v7, v10;
	v7 =	vld [tilespmem:s21+$0xF0]  }
0x11e: {  	v10 =	vld [tilespmem:s26+$0x49B0];
	s26 =	sshll.u32 s28, $0x6  }
0x11f: {  	v2 =	vadd.f32 v3, v2;
	v3 =	vmul.f32 v4, v4;
	v4 =	vsub.f32 v8, v9;
	v8 =	vld [tilespmem:s21+$0x100];
	s26 =	sadd.s32 s25, s26  }
0x120: {  	v9 =	vld [tilespmem:s26+$0x4A00]  }
0x121: {  	v2 =	vadd.f32 v3, v2;
	v3 =	vmul.f32 v4, v4;
	v4 =	vsub.f32 v5, v6;
	v5 =	vld [tilespmem:s21+$0x110]  }
0x122: {  	v6 =	vld [tilespmem:s26+$0x4A10]  }
0x123: {  	v2 =	vadd.f32 v3, v2;
	v3 =	vmul.f32 v4, v4;
	v4 =	vsub.f32 v7, v10;
	v7 =	vld [tilespmem:s21+$0x120];
	s28 =	spop (v2sf)  }
0x124: {  	v11 =	vld [tilespmem:s26+$0x4A20];
	(v2sf) =	vpush v1, $0xF  }
.Ltmp0:
0x125: {  	s28 =	sand.u32 $0x1, s28;
	v1 =	vadd.f32 v3, v2;
	v2 =	vmul.f32 v4, v4;
	v3 =	vsub.f32 v8, v9;
	v9 =	vld [tilespmem:s21+$0x130];
	(pc) =	sbr.rel @p0 .LBB2_2-.Ltmp0, $4  }
0x126: {  	v12 =	vld [tilespmem:s26+$0x4A30];
	s26 =	sshll.u32 s28, $0x6  }
0x127: {  	v2 =	vadd.f32 v2, v1;
	v3 =	vmul.f32 v3, v3;
	v4 =	vsub.f32 v5, v6;
	v10 =	vld [tilespmem:s21+$0x140];
	s26 =	sadd.s32 s25, s26  }
0x128: {  	s23 =	sadd.s32 $0x10, s23;
	v13 =	vld [tilespmem:s26+$0x4A80]  }
0x129: {  	s24 =	sadd.s32 $0x2000, s24;
	v1 =	vld [tilespmem:s23+$0x0];
	v14 =	vadd.f32 v3, v2;
	v16 =	vmul.f32 v4, v4;
	v17 =	vsub.f32 v7, v11  }
0x12a: {  	v19 =	vld [tilespmem:s26+$0x4A90]  }
0x12b: {  	v20 =	vld [tilespmem:s21+$0x160]  }
0x12c: {  	v21 =	vld [tilespmem:s26+$0x4AA0]  }
0x12d: {  	v22 =	vld [tilespmem:s21+$0x170]  }
0x12e: {  	v25 =	vld [tilespmem:s26+$0x4AB0]  }
0x12f: {  	v27 =	vld [tilespmem:s21+$0x180]  }
0x130: {  	v29 =	vld [tilespmem:s21+$0x190]  }
0x131: {  	v34 =	vld [tilespmem:s21+$0x1A0]  }
0x132: {  	v41 =	vld [tilespmem:s21+$0x1B0]  }
0x133: {  	v51 =	vld [tilespmem:s21+$0x1C0]  }
0x134: {  	v61 =	vld [tilespmem:s21+$0x1D0]  }
0x135: {  	v31 =	vld [tilespmem:s21+$0x1E0]  }
0x136: {  	v37 =	vld [tilespmem:s21+$0x1F0];
	s21 =	sadd.s32 $0x400, s21  }
0x137: {  	v2 =	vld [tilespmem:s21+$0x150]  }
0x138: {  	v38 =	vld [tilespmem:s21+$0xFFFFFE00]  }
0x139: {  	v32 =	vld [tilespmem:s21+$0xFFFFFE10]  }
0x13a: {  	v36 =	vld [tilespmem:s21+$0xFFFFFE20]  }
0x13b: {  	v40 =	vld [tilespmem:s21+$0xFFFFFE30]  }
0x13c: {  	v43 =	vld [tilespmem:s21+$0xFFFFFE40]  }
0x13d: {  	s23 =	spop (v2sf);
	v44 =	vld [tilespmem:s21+$0xFFFFFE50];
	(v2sf) =	vpush v1, $0x0  }
0x13e: {  	v50 =	vld [tilespmem:s21+$0xFFFFFE60]  }
0x13f: {  	v54 =	vld [tilespmem:s21+$0xFFFFFE70]  }
0x140: {  	v39 =	vld [tilespmem:s21+$0xFFFFFE80]  }
0x141: {  	v26 =	vld [tilespmem:s21+$0xFFFFFE90];
	s24 =	spop (v2sf);
	(v2sf) =	vpush v1, $0x1  }
0x142: {  	v15 =	vld [tilespmem:s21+$0xFFFFFEA0]  }
0x143: {  	v11 =	vld [tilespmem:s21+$0xFFFFFEB0]  }
0x144: {  	v3 =	vld [tilespmem:s21+$0xFFFFFEC0]  }
0x145: {  	v5 =	vld [tilespmem:s21+$0xFFFFFED0]  }
0x146: {  	v4 =	vld [tilespmem:s21+$0xFFFFFEE0];
	v14 =	vadd.f32 v16, v14;
	v46 =	vmul.f32 v17, v17;
	v63 =	vsub.f32 v9, v12;
	s23 =	sand.u32 $0x1, s23  }
0x147: {  	v8 =	vld [tilespmem:s21+$0xFFFFFEF0];
	s23 =	sshll.u32 s23, $0x6  }
0x148: {  	v9 =	vld [tilespmem:s21+$0xFFFFFF00];
	v14 =	vadd.f32 v46, v14;
	v46 =	vmul.f32 v63, v63;
	v63 =	vsub.f32 v10, v13;
	s23 =	sadd.s32 s25, s23  }
0x149: {  	v28 =	vld [tilespmem:s23+$0x4B00]  }
0x14a: {  	v33 =	vld [tilespmem:s23+$0x4B10];
	v46 =	vadd.f32 v46, v14;
	v17 =	vmul.f32 v63, v63;
	v0 =	vsub.f32 v0, v19;
	s24 =	sand.u32 $0x1, s24  }
0x14b: {  	v35 =	vld [tilespmem:s23+$0x4B20];
	v20 =	vsub.f32 v20, v21;
	s24 =	sshll.u32 s24, $0x6  }
0x14c: {  	v47 =	vld [tilespmem:s23+$0x4B30];
	v46 =	vadd.f32 v17, v46;
	v0 =	vmul.f32 v0, v0;
	s23 =	sadd.s32 s25, s24;
	s25 =	spop (v2sf);
	(v2sf) =	vpush v1, $0x2  }
0x14d: {  	v10 =	vld [tilespmem:s21+$0xFFFFFF10]  }
0x14e: {  	v14 =	vld [tilespmem:s21+$0xFFFFFF20];
	v22 =	vsub.f32 v22, v25;
	v63 =	vmul.f32 v20, v20;
	v0 =	vadd.f32 v0, v46  }
0x14f: {  	v19 =	vld [tilespmem:s21+$0xFFFFFF30];
	v27 =	vsub.f32 v27, v28  }
0x150: {  	v21 =	vld [tilespmem:s21+$0xFFFFFF40];
	v0 =	vadd.f32 v63, v0;
	v63 =	vmul.f32 v22, v22;
	s29 =	spop (v2sf);
	(v2sf) =	vpush v1, $0x3  }
0x151: {  	v34 =	vsub.f32 v34, v35;
	v35 =	vld [tilespmem:s21+$0xFFFFFF90]  }
0x152: {  	v29 =	vsub.f32 v29, v33;
	v22 =	vld [tilespmem:s21+$0xFFFFFF50];
	v28 =	vmul.f32 v27, v27;
	v0 =	vadd.f32 v63, v0  }
0x153: {  	v60 =	vld [tilespmem:s23+$0x4B80]  }
0x154: {  	v27 =	vld [tilespmem:s21+$0xFFFFFF60];
	v29 =	vmul.f32 v29, v29;
	v0 =	vadd.f32 v28, v0  }
0x155: {  	v62 =	vld [tilespmem:s23+$0x4B90]  }
0x156: {  	v47 =	vsub.f32 v41, v47;
	v42 =	vld [tilespmem:s23+$0x4BA0];
	v63 =	vmul.f32 v34, v34;
	v0 =	vadd.f32 v29, v0  }
0x157: {  	v48 =	vld [tilespmem:s23+$0x4BB0]  }
0x158: {  	v34 =	vld [tilespmem:s21+$0xFFFFFF80];
	v60 =	vsub.f32 v51, v60;
	v0 =	vadd.f32 v63, v0;
	v63 =	vmul.f32 v47, v47;
	s24 =	sand.u32 $0x1, s25  }
0x159: {  	s22 =	sshra.s32 s22, $0x2;
	v28 =	vld [tilespmem:s21+$0xFFFFFF70];
	s26 =	sshll.u32 s24, $0x6  }
0x15a: {  	v29 =	vld [tilespmem:s21+$0xFFFFFFA0];
	v61 =	vsub.f32 v61, v62;
	v60 =	vmul.f32 v60, v60;
	v0 =	vadd.f32 v63, v0;
	s23 =	sadd.s32 s22, s26  }
0x15b: {  	v55 =	vld [tilespmem:s23+$0x4400];
	s31 =	spop (v2sf);
	(v2sf) =	vpush v1, $0x4  }
0x15c: {  	v52 =	vld [tilespmem:s23+$0x4410];
	v0 =	vadd.f32 v60, v0;
	v60 =	vmul.f32 v61, v61  }
0x15d: {  	v49 =	vld [tilespmem:s23+$0x4420];
	v61 =	vsub.f32 v31, v42  }
0x15e: {  	v53 =	vld [tilespmem:s23+$0x4430];
	s24 =	sand.u32 $0x1, s29;
	v0 =	vadd.f32 v60, v0  }
0x15f: {  	v31 =	vld [tilespmem:s21+$0xFFFFFFB0];
	v60 =	vmul.f32 v61, v61;
	v61 =	vsub.f32 v37, v48;
	s30 =	sshll.u32 s24, $0x6;
	s25 =	spop (v2sf);
	(v2sf) =	vpush v1, $0x5  }
0x160: {  	v37 =	vld [tilespmem:s21+$0xFFFFFFC0];
	s23 =	sadd.s32 s22, s30  }
0x161: {  	v0 =	vadd.f32 v60, v0;
	v60 =	vmul.f32 v61, v61;
	v57 =	vld [tilespmem:s23+$0x4480];
	v61 =	vsub.f32 v38, v55  }
0x162: {  	v58 =	vld [tilespmem:s23+$0x4490]  }
0x163: {  	v56 =	vld [tilespmem:s23+$0x44B0];
	v0 =	vadd.f32 v60, v0;
	v60 =	vmul.f32 v61, v61;
	v61 =	vsub.f32 v32, v52  }
0x164: {  	v59 =	vld [tilespmem:s23+$0x44A0]  }
0x165: {  	v38 =	vld [tilespmem:s21+$0xFFFFFFD0];
	v0 =	vadd.f32 v60, v0;
	v60 =	vmul.f32 v61, v61;
	v61 =	vsub.f32 v36, v49  }
0x166: {  	v32 =	vld [tilespmem:s21+$0xFFFFFFE0]  }
0x167: {  	v36 =	vld [tilespmem:s21+$0xFFFFFFF0];
	v0 =	vadd.f32 v60, v0;
	v60 =	vmul.f32 v61, v61  }
0x168: {  	v54 =	vsub.f32 v54, v56;
	v56 =	vld [tilespmem:s21+$0x40];
	v61 =	vsub.f32 v40, v53;
	s24 =	sand.u32 $0x1, s31  }
0x169: {  	v40 =	vld [tilespmem:s21+$0x0];
	s24 =	sshll.u32 s24, $0x6;
	v0 =	vadd.f32 v60, v0  }
0x16a: {  	v60 =	vmul.f32 v61, v61;
	v61 =	vsub.f32 v43, v57;
	v43 =	vld [tilespmem:s21+$0x10];
	s23 =	sadd.s32 s22, s24;
	s29 =	spop (v2sf);
	(v2sf) =	vpush v1, $0x6  }
0x16b: {  	v45 =	vld [tilespmem:s23+$0x4500]  }
0x16c: {  	v30 =	vld [tilespmem:s23+$0x4510]  }
0x16d: {  	v24 =	vld [tilespmem:s23+$0x4520];
	v0 =	vadd.f32 v60, v0;
	v60 =	vmul.f32 v61, v61;
	v61 =	vsub.f32 v44, v58  }
0x16e: {  	v23 =	vld [tilespmem:s23+$0x4530];
	s24 =	sand.u32 $0x1, s25;
	s31 =	spop (v2sf);
	(v2sf) =	vpush v1, $0x7  }
0x16f: {  	v44 =	vld [tilespmem:s21+$0x20];
	v0 =	vadd.f32 v60, v0;
	v60 =	vmul.f32 v61, v61;
	v61 =	vsub.f32 v50, v59;
	s26 =	sshll.u32 s24, $0x6  }
0x170: {  	v50 =	vld [tilespmem:s21+$0x30];
	s23 =	sadd.s32 s22, s26  }
0x171: {  	v0 =	vadd.f32 v60, v0;
	v61 =	vmul.f32 v61, v61;
	v7 =	vld [tilespmem:s23+$0x4580]  }
0x172: {  	v18 =	vld [tilespmem:s23+$0x4590]  }
0x173: {  	v54 =	vmul.f32 v54, v54;
	v6 =	vld [tilespmem:s23+$0x45A0];
	v45 =	vsub.f32 v39, v45;
	v0 =	vadd.f32 v61, v0  }
0x174: {  	v12 =	vld [tilespmem:s23+$0x45B0]  }
0x175: {  	v39 =	vld [tilespmem:s21+$0x50];
	v26 =	vsub.f32 v26, v30;
	v45 =	vmul.f32 v45, v45;
	v0 =	vadd.f32 v54, v0  }
0x176: {  	v30 =	vld [tilespmem:s21+$0x60]  }
0x177: {  	v24 =	vsub.f32 v15, v24;
	v15 =	vld [tilespmem:s21+$0x70];
	v26 =	vmul.f32 v26, v26;
	v0 =	vadd.f32 v45, v0;
	s24 =	sand.u32 $0x1, s29  }
0x178: {  	v23 =	vsub.f32 v11, v23;
	v11 =	vld [tilespmem:s21+$0x80];
	v7 =	vsub.f32 v3, v7;
	s30 =	sshll.u32 s24, $0x6  }
0x179: {  	v24 =	vmul.f32 v24, v24;
	v3 =	vld [tilespmem:s21+$0x90];
	v0 =	vadd.f32 v26, v0;
	s23 =	sadd.s32 s22, s30;
	s25 =	spop (v2sf);
	(v2sf) =	vpush v1, $0x8  }
0x17a: {  	v13 =	vld [tilespmem:s23+$0x4600]  }
0x17b: {  	v63 =	vmul.f32 v23, v23;
	v0 =	vadd.f32 v24, v0;
	v16 =	vld [tilespmem:s23+$0x4610]  }
0x17c: {  	v17 =	vld [tilespmem:s23+$0x4620]  }
0x17d: {  	v62 =	vmul.f32 v7, v7;
	v20 =	vld [tilespmem:s23+$0x4630];
	v24 =	vadd.f32 v63, v0;
	s24 =	sand.u32 $0x1, s31;
	s29 =	spop (v2sf);
	(v2sf) =	vpush v1, $0x9  }
0x17e: {  	v18 =	vsub.f32 v5, v18;
	v0 =	vld [tilespmem:s21+$0xA0];
	s24 =	sshll.u32 s24, $0x6  }
0x17f: {  	v24 =	vadd.f32 v62, v24;
	v62 =	vsub.f32 v4, v6;
	v4 =	vld [tilespmem:s21+$0xB0];
	s23 =	sadd.s32 s22, s24  }
0x180: {  	v18 =	vmul.f32 v18, v18;
	v25 =	vld [tilespmem:s23+$0x4680]  }
0x181: {  	v46 =	vld [tilespmem:s23+$0x4690]  }
0x182: {  	v33 =	vld [tilespmem:s23+$0x46A0];
	v18 =	vadd.f32 v18, v24;
	v24 =	vmul.f32 v62, v62;
	v62 =	vsub.f32 v8, v12  }
0x183: {  	v41 =	vld [tilespmem:s23+$0x46B0]  }
0x184: {  	v8 =	vld [tilespmem:s21+$0xC0];
	v18 =	vadd.f32 v24, v18;
	v24 =	vmul.f32 v62, v62  }
0x185: {  	v14 =	vsub.f32 v14, v17;
	v17 =	vld [tilespmem:s21+$0xF0];
	v62 =	vsub.f32 v9, v13  }
0x186: {  	v20 =	vsub.f32 v19, v20;
	v19 =	vld [tilespmem:s21+$0x100];
	v18 =	vadd.f32 v24, v18  }
0x187: {  	v9 =	vld [tilespmem:s21+$0xD0];
	v24 =	vmul.f32 v62, v62;
	v62 =	vsub.f32 v10, v16;
	v21 =	vsub.f32 v21, v25;
	s24 =	sand.u32 $0x1, s25  }
0x188: {  	v10 =	vld [tilespmem:s21+$0xE0];
	s26 =	sshll.u32 s24, $0x6;
	s31 =	spop (v2sf);
	(v2sf) =	vpush v1, $0xA  }
0x189: {  	v24 =	vadd.f32 v24, v18;
	v62 =	vmul.f32 v62, v62;
	v63 =	vmul.f32 v21, v21;
	v21 =	vld [tilespmem:s21+$0x130];
	s23 =	sadd.s32 s22, s26  }
0x18a: {  	v51 =	vld [tilespmem:s23+$0x4700]  }
0x18b: {  	v14 =	vmul.f32 v14, v14;
	v62 =	vadd.f32 v62, v24;
	v47 =	vld [tilespmem:s23+$0x4710]  }
0x18c: {  	v42 =	vld [tilespmem:s23+$0x4720];
	s25 =	spop (v2sf);
	(v2sf) =	vpush v1, $0xB  }
0x18d: {  	v48 =	vld [tilespmem:s23+$0x4730];
	v14 =	vadd.f32 v14, v62;
	v62 =	vmul.f32 v20, v20;
	s24 =	sand.u32 $0x1, s29  }
0x18e: {  	v20 =	vld [tilespmem:s21+$0x110];
	s30 =	sshll.u32 s24, $0x6  }
0x18f: {  	v62 =	vadd.f32 v62, v14;
	v14 =	vld [tilespmem:s21+$0x120];
	s23 =	sadd.s32 s22, s30  }
0x190: {  	v55 =	vld [tilespmem:s23+$0x4780]  }
0x191: {  	v53 =	vld [tilespmem:s23+$0x47B0]  }
0x192: {  	v52 =	vld [tilespmem:s23+$0x4790]  }
0x193: {  	v49 =	vld [tilespmem:s23+$0x47A0]  }
0x194: {  	v51 =	vsub.f32 v34, v51;
	v34 =	vld [tilespmem:s21+$0x160];
	s24 =	sand.u32 $0x1, s31  }
0x195: {  	v55 =	vsub.f32 v37, v55;
	v37 =	vld [tilespmem:s21+$0x1A0];
	s24 =	sshll.u32 s24, $0x6  }
0x196: {  	v36 =	vsub.f32 v36, v53;
	v53 =	vld [tilespmem:s21+$0x1D0];
	s23 =	sadd.s32 s22, s24  }
0x197: {  	v57 =	vld [tilespmem:s23+$0x4800];
	s29 =	spop (v2sf);
	(v2sf) =	vpush v1, $0xC  }
0x198: {  	v58 =	vld [tilespmem:s23+$0x4810];
	s24 =	sand.u32 $0x1, s25  }
0x199: {  	v59 =	vld [tilespmem:s23+$0x4820];
	s26 =	sshll.u32 s24, $0x6  }
0x19a: {  	v60 =	vld [tilespmem:s23+$0x4830];
	s23 =	sadd.s32 s22, s26  }
0x19b: {  	v61 =	vld [tilespmem:s23+$0x4880];
	s31 =	spop (v2sf);
	(v2sf) =	vpush v1, $0xD  }
0x19c: {  	v54 =	vld [tilespmem:s23+$0x4890]  }
0x19d: {  	v43 =	vsub.f32 v43, v58;
	v58 =	vld [tilespmem:$0x110]  }
0x19e: {  	v45 =	vld [tilespmem:s23+$0x48A0]  }
0x19f: {  	v26 =	vld [tilespmem:s23+$0x48B0]  }
0x1a0: {  	v44 =	vsub.f32 v44, v59;
	v59 =	vld [tilespmem:$0x130]  }
0x1a1: {  	v50 =	vsub.f32 v50, v60;
	v60 =	vld [tilespmem:$0x150]  }
0x1a2: {  	v56 =	vsub.f32 v56, v61;
	v61 =	vshra.s32 v58, $0x1;
	v58 =	vld [tilespmem:$0x160];
	s24 =	sand.u32 $0x1, s29  }
0x1a3: {  	v30 =	vsub.f32 v30, v45;
	v45 =	vld [tilespmem:$0x1A0];
	s30 =	sshll.u32 s24, $0x6  }
0x1a4: {  	v39 =	vsub.f32 v39, v54;
	v54 =	vld [tilespmem:$0x1D0];
	s23 =	sadd.s32 s22, s30  }
0x1a5: {  	v23 =	vld [tilespmem:s23+$0x4900]  }
0x1a6: {  	v7 =	vld [tilespmem:s23+$0x4910];
	s24 =	sand.u32 $0x1, s31;
	s25 =	spop (v2sf);
	(v2sf) =	vpush v1, $0xE  }
0x1a7: {  	v5 =	vld [tilespmem:s23+$0x4920];
	s24 =	sshll.u32 s24, $0x6  }
0x1a8: {  	v6 =	vld [tilespmem:s23+$0x4930];
	s23 =	sadd.s32 s22, s24  }
0x1a9: {  	v46 =	vsub.f32 v22, v46;
	v12 =	vld [tilespmem:s23+$0x4980]  }
0x1aa: {  	v13 =	vld [tilespmem:s23+$0x4990];
	s24 =	sand.u32 $0x1, s25;
	s29 =	spop (v2sf);
	(v2sf) =	vpush v1, $0xF  }
0x1ab: {  	v46 =	vmul.f32 v46, v46;
	v16 =	vld [tilespmem:s23+$0x49A0];
	s26 =	sshll.u32 s24, $0x6;
	v1 =	vadd.f32 v63, v62;
	v62 =	vsub.f32 v27, v33  }
0x1ac: {  	v18 =	vld [tilespmem:s23+$0x49B0];
	s23 =	sadd.s32 s22, s26  }
0x1ad: {  	v41 =	vsub.f32 v28, v41;
	v24 =	vld [tilespmem:s23+$0x4A00];
	v1 =	vadd.f32 v46, v1;
	v62 =	vmul.f32 v62, v62  }
0x1ae: {  	v25 =	vld [tilespmem:s23+$0x4A10]  }
0x1af: {  	v22 =	vld [tilespmem:s23+$0x4A20];
	s24 =	sand.u32 $0x1, s29;
	v1 =	vadd.f32 v62, v1;
	v62 =	vmul.f32 v41, v41  }
0x1b0: {  	v33 =	vld [tilespmem:s23+$0x4A30];
	s30 =	sshll.u32 s24, $0x6  }
0x1b1: {  	v51 =	vmul.f32 v51, v51;
	v27 =	vld [tilespmem:s21+$0x140];
	s23 =	sadd.s32 s22, s30;
	v1 =	vadd.f32 v62, v1;
	v62 =	vsub.f32 v35, v47  }
0x1b2: {  	v46 =	vld [tilespmem:s23+$0x4A80]  }
0x1b3: {  	v28 =	vld [tilespmem:s23+$0x4A90];
	v1 =	vadd.f32 v51, v1;
	v51 =	vmul.f32 v62, v62;
	v62 =	vsub.f32 v29, v42  }
0x1b4: {  	v41 =	vld [tilespmem:s23+$0x4AA0]  }
0x1b5: {  	v35 =	vld [tilespmem:s21+$0x170];
	s31 =	spop (v2sf);
	v1 =	vadd.f32 v51, v1;
	v51 =	vmul.f32 v62, v62;
	v62 =	vsub.f32 v31, v48  }
0x1b6: {  	v47 =	vld [tilespmem:s23+$0x4AB0];
	s24 =	sand.u32 $0x1, s31  }
0x1b7: {  	v29 =	vld [tilespmem:s21+$0x180];
	s24 =	sshll.u32 s24, $0x6;
	v1 =	vadd.f32 v51, v1;
	v62 =	vmul.f32 v62, v62  }
0x1b8: {  	v31 =	vld [tilespmem:s21+$0x190];
	s23 =	sadd.s32 s22, s24  }
0x1b9: {  	v55 =	vmul.f32 v55, v55;
	v42 =	vld [tilespmem:s23+$0x4B00];
	v1 =	vadd.f32 v62, v1;
	v62 =	vsub.f32 v38, v52  }
0x1ba: {  	v48 =	vld [tilespmem:s23+$0x4B10]  }
0x1bb: {  	v32 =	vsub.f32 v32, v49;
	v51 =	vld [tilespmem:s23+$0x4B20];
	s25 =	spop (v2sf);
	v1 =	vadd.f32 v55, v1;
	v62 =	vmul.f32 v62, v62  }
0x1bc: {  	v38 =	vld [tilespmem:s21+$0x1B0];
	s24 =	sand.u32 $0x1, s25  }
0x1bd: {  	v32 =	vmul.f32 v32, v32;
	v52 =	vld [tilespmem:s23+$0x4B30];
	s26 =	sshll.u32 s24, $0x6;
	v1 =	vadd.f32 v62, v1  }
0x1be: {  	v55 =	vld [tilespmem:s21+$0x1C0];
	s22 =	sadd.s32 s22, s26  }
0x1bf: {  	v40 =	vsub.f32 v40, v57;
	v63 =	vld [tilespmem:s22+$0x4B80];
	v1 =	vadd.f32 v32, v1;
	v32 =	vmul.f32 v36, v36  }
0x1c0: {  	v62 =	vld [tilespmem:s22+$0x4B90]  }
0x1c1: {  	v57 =	vmul.f32 v40, v40;
	v49 =	vld [tilespmem:s22+$0x4BA0];
	v1 =	vadd.f32 v32, v1  }
0x1c2: {  	v40 =	vld [tilespmem:s22+$0x4BB0]  }
0x1c3: {  	v43 =	vmul.f32 v43, v43;
	v36 =	vld [tilespmem:s21+$0x1E0];
	v1 =	vadd.f32 v57, v1  }
0x1c4: {  	v57 =	vld [tilespmem:$0x100]  }
0x1c5: {  	v59 =	vshra.s32 v59, $0x1;
	v32 =	vld [tilespmem:s21+$0x1F0];
	[tilespmem:$0x310] =	vst v61;
	v1 =	vadd.f32 v43, v1;
	v43 =	vmul.f32 v44, v44  }
0x1c6: {  	v3 =	vsub.f32 v3, v7;
	v7 =	vshra.s32 v54, $0x1;
	[tilespmem:$0x330] =	vst v59;
	v44 =	vld [tilespmem:$0x120]  }
0x1c7: {  	v50 =	vmul.f32 v50, v50;
	v61 =	vld [tilespmem:$0x180];
	v59 =	vshra.s32 v58, $0x1;
	[tilespmem:$0x3D0] =	vst v7;
	v1 =	vadd.f32 v43, v1  }
0x1c8: {  	v58 =	vshra.s32 v45, $0x1;
	[tilespmem:$0x360] =	vst v59;
	v43 =	vld [tilespmem:$0x140]  }
0x1c9: {  	v59 =	vld [tilespmem:$0x1F0];
	[tilespmem:$0x3A0] =	vst v58;
	v57 =	vshra.s32 v57, $0x1;
	v1 =	vadd.f32 v50, v1;
	v50 =	vmul.f32 v56, v56  }
0x1ca: {  	[tilespmem:$0x300] =	vst v57;
	v56 =	vld [tilespmem:$0x170];
	v57 =	vshra.s32 v60, $0x1  }
0x1cb: {  	v39 =	vmul.f32 v39, v39;
	v44 =	vshra.s32 v44, $0x1;
	[tilespmem:$0x350] =	vst v57;
	v57 =	vld [tilespmem:$0x1E0];
	v1 =	vadd.f32 v50, v1  }
0x1cc: {  	v15 =	vsub.f32 v15, v26;
	v61 =	vshra.s32 v61, $0x1;
	[tilespmem:$0x320] =	vst v44;
	v44 =	vld [tilespmem:$0x190]  }
0x1cd: {  	v30 =	vmul.f32 v30, v30;
	[tilespmem:$0x380] =	vst v61;
	v50 =	vld [tilespmem:$0x1B0];
	v43 =	vshra.s32 v43, $0x1;
	v1 =	vadd.f32 v39, v1  }
0x1ce: {  	v15 =	vmul.f32 v15, v15;
	v0 =	vsub.f32 v0, v5;
	v5 =	vshra.s32 v59, $0x1;
	[tilespmem:$0x340] =	vst v43;
	v43 =	vld [tilespmem:$0x1C0]  }
0x1cf: {  	v11 =	vsub.f32 v11, v23;
	[tilespmem:$0x3F0] =	vst v5;
	v60 =	vshra.s32 v56, $0x1;
	v1 =	vadd.f32 v30, v1  }
0x1d0: {  	[tilespmem:$0x370] =	vst v60;
	v7 =	vshra.s32 v57, $0x1  }
0x1d1: {  	v11 =	vmul.f32 v11, v11;
	v56 =	vshra.s32 v44, $0x1;
	[tilespmem:$0x3E0] =	vst v7;
	v1 =	vadd.f32 v15, v1  }
0x1d2: {  	v60 =	vshra.s32 v50, $0x1;
	[tilespmem:$0x390] =	vst v56  }
0x1d3: {  	v3 =	vmul.f32 v3, v3;
	[tilespmem:$0x3B0] =	vst v60;
	v61 =	vshra.s32 v43, $0x1;
	v1 =	vadd.f32 v11, v1  }
0x1d4: {  	[tilespmem:$0x3C0] =	vst v61  }
0x1d5: {  	v0 =	vmul.f32 v0, v0;
	[tilespmem:s13], [sflag:$0x1] =	stream.indirect.gather [hbm4b:s3+s9], $0x80, s17, s9, $0xb8;
	v1 =	vadd.f32 v3, v1;
	v3 =	vsub.f32 v4, v6;
	[tilespmem:$0xC480] =	vst v63  }
0x1d6: {  	_ = 	snop  }
0x1d7: {  	[tilespmem:s15], [sflag:$0x1] =	stream.indirect.gather [hbm4b:s3+s9], $0x80, s18, s9, $0xb8;
	v0 =	vadd.f32 v0, v1;
	v1 =	vsub.f32 v8, v12;
	v3 =	vmul.f32 v3, v3;
	[tilespmem:$0xC480] =	vst v63  }
0x1d8: {  	s29 =	simm.s32 $0x0  }
0x1d9: {  	[tilespmem:s10], [sflag:$0x2] =	stream.linear.gather [hbm4b:s6+s29], $0x4000, $0x38;
	v0 =	vadd.f32 v3, v0;
	v3 =	vsub.f32 v9, v13;
	v1 =	vmul.f32 v1, v1;
	[tilespmem:$0xC480] =	vst v63  }
0x1da: {  	_ =	swait.ge [sflag:s11], $0x4000  }
0x1db: {  	[sflag:s11] =	ssyncset.done $0x0;
	v0 =	vadd.f32 v1, v0;
	v1 =	vsub.f32 v10, v16;
	v3 =	vmul.f32 v3, v3  }
0x1dc: {  	[sflag:s11] =	ssyncadd.s32 $0xFFFFC000  }
0x1dd: {  	_ =	swait.ge [sflag:s16], $0x4000;
	v0 =	vadd.f32 v3, v0;
	v3 =	vsub.f32 v17, v18;
	v1 =	vmul.f32 v1, v1  }
0x1de: {  	[sflag:s16] =	ssyncset.done $0x0  }
0x1df: {  	[sflag:s16] =	ssyncadd.s32 $0xFFFFC000;
	v0 =	vadd.f32 v1, v0;
	v1 =	vsub.f32 v19, v24;
	v3 =	vmul.f32 v3, v3  }
0x1e0: {  	_ =	swait.ge [sflag:s16], $0x4000  }
0x1e1: {  	[sflag:s16] =	ssyncset.done $0x0;
	v0 =	vadd.f32 v3, v0;
	v3 =	vsub.f32 v20, v25;
	v1 =	vmul.f32 v1, v1  }
0x1e2: {  	s21 =	sand.u32 $0xF0, s29;
	[sflag:s16] =	ssyncadd.s32 $0xFFFFC000  }
0x1e3: {  	v4 =	vsub.f32 v14, v22;
	v0 =	vadd.f32 v1, v0;
	v3 =	vmul.f32 v3, v3;
	v1 =	vld [tilespmem:s21+$0x100];
	_ =	sdelay $0x1  }
0x1e4: {  	v4 =	vmul.f32 v4, v4;
	v0 =	vadd.f32 v3, v0;
	v3 =	vsub.f32 v21, v33;
	_ =	sdelay $0x1  }
0x1e5: {  	v0 =	vadd.f32 v4, v0;
	v4 =	vsub.f32 v27, v46;
	v3 =	vmul.f32 v3, v3  }
0x1e6: {  	(v2sf) =	vpush v1, $0x0  }
0x1e7: {  	v2 =	vsub.f32 v2, v28;
	v0 =	vadd.f32 v3, v0;
	v3 =	vmul.f32 v4, v4  }
0x1e8: {  	(v2sf) =	vpush v1, $0x1  }
0x1e9: {  	v2 =	vmul.f32 v2, v2;
	v0 =	vadd.f32 v3, v0;
	v3 =	vsub.f32 v34, v41;
	_ =	sdelay $0x1  }
0x1ea: {  	v0 =	vadd.f32 v2, v0;
	v2 =	vsub.f32 v35, v47;
	v3 =	vmul.f32 v3, v3;
	_ =	sdelay $0x1  }
0x1eb: {  	v0 =	vadd.f32 v3, v0;
	v3 =	vsub.f32 v29, v42;
	v2 =	vmul.f32 v2, v2;
	_ =	sdelay $0x1  }
0x1ec: {  	v0 =	vadd.f32 v2, v0;
	v2 =	vsub.f32 v31, v48;
	v3 =	vmul.f32 v3, v3;
	_ =	sdelay $0x1  }
0x1ed: {  	v0 =	vadd.f32 v3, v0;
	v3 =	vsub.f32 v37, v51;
	v2 =	vmul.f32 v2, v2;
	_ =	sdelay $0x1  }
0x1ee: {  	v0 =	vadd.f32 v2, v0;
	v2 =	vsub.f32 v38, v52;
	v3 =	vmul.f32 v3, v3;
	_ =	sdelay $0x1  }
0x1ef: {  	v0 =	vadd.f32 v3, v0;
	v2 =	vmul.f32 v2, v2;
	v3 =	vsub.f32 v55, v63;
	s30 =	spop (v2sf)  }
0x1f0: {  	v4 =	vsub.f32 v53, v62;
	(v2sf) =	vpush v1, $0x2;
	s22 =	sand.u32 $0x1, s30  }
0x1f1: {  	s21 =	simm.s32 $0x600;
	s31 =	spop (v2sf);
	(v2sf) =	vpush v1, $0x3;
	v2 =	vadd.f32 v2, v0;
	v3 =	vmul.f32 v3, v3;
	s22 =	sshll.u32 s22, $0x6  }
0x1f2: {  	v5 =	vld [tilespmem:s21+$0xFFFFFE00];
	s22 =	sadd.s32 $0x0, s22  }
0x1f3: {  	v2 =	vadd.f32 v3, v2;
	v3 =	vmul.f32 v4, v4;
	v4 =	vsub.f32 v36, v49;
	v6 =	vld [tilespmem:s22+$0x4400]  }
0x1f4: {  	v7 =	vld [tilespmem:s21+$0xFFFFFE10]  }
0x1f5: {  	v2 =	vadd.f32 v3, v2;
	v3 =	vmul.f32 v4, v4;
	v4 =	vld [tilespmem:s22+$0x4410]  }
0x1f6: {  	v8 =	vsub.f32 v32, v40;
	v9 =	vld [tilespmem:s21+$0xFFFFFE20]  }
0x1f7: {  	v0 =	vld [tilespmem:s21+$0x150]  }
0x1f8: {  	v8 =	vmul.f32 v8, v8;
	s23 =	sand.u32 $0x1, s31;
	v2 =	vadd.f32 v3, v2;
	v3 =	vld [tilespmem:s22+$0x4420];
	v5 =	vsub.f32 v5, v6  }
0x1f9: {  	s24 =	sshll.u32 s23, $0x6;
	v10 =	vld [tilespmem:s22+$0x4430]  }
0x1fa: {  	s22 =	sadd.s32 $0x0, s24;
	v6 =	vld [tilespmem:s21+$0xFFFFFE30];
	v2 =	vadd.f32 v8, v2;
	v5 =	vmul.f32 v5, v5;
	v4 =	vsub.f32 v7, v4  }
0x1fb: {  	v8 =	vld [tilespmem:s22+$0x4480]  }
0x1fc: {  	v7 =	vld [tilespmem:s21+$0xFFFFFE40];
	v2 =	vadd.f32 v5, v2;
	v4 =	vmul.f32 v4, v4  }
0x1fd: {  	v3 =	vsub.f32 v9, v3;
	v5 =	vld [tilespmem:s21+$0xFFFFFE50]  }
0x1fe: {  	v9 =	vld [tilespmem:s22+$0x4490];
	v2 =	vadd.f32 v4, v2  }
0x1ff: {  	v3 =	vmul.f32 v3, v3;
	v4 =	vsub.f32 v6, v10;
	v6 =	vld [tilespmem:s21+$0xFFFFFE60];
	s25 =	spop (v2sf);
	(v2sf) =	vpush v1, $0x4  }
0x200: {  	v10 =	vld [tilespmem:s22+$0x44A0];
	s29 =	spop (v2sf);
	(v2sf) =	vpush v1, $0x5  }
0x201: {  	s23 =	sand.u32 $0x1, s25;
	v2 =	vadd.f32 v3, v2;
	v3 =	vmul.f32 v4, v4;
	v4 =	vsub.f32 v7, v8;
	v7 =	vld [tilespmem:s21+$0xFFFFFE70]  }
0x202: {  	v8 =	vld [tilespmem:s22+$0x44B0];
	s26 =	sshll.u32 s23, $0x6  }
0x203: {  	s22 =	sadd.s32 $0x0, s26;
	v2 =	vadd.f32 v3, v2;
	v3 =	vmul.f32 v4, v4;
	v4 =	vsub.f32 v5, v9;
	v5 =	vld [tilespmem:s21+$0xFFFFFE80]  }
0x204: {  	v9 =	vld [tilespmem:s22+$0x4500]  }
0x205: {  	v2 =	vadd.f32 v3, v2;
	v3 =	vmul.f32 v4, v4;
	v4 =	vsub.f32 v6, v10;
	v6 =	vld [tilespmem:s21+$0xFFFFFE90]  }
0x206: {  	v10 =	vld [tilespmem:s22+$0x4510]  }
0x207: {  	v2 =	vadd.f32 v3, v2;
	v3 =	vmul.f32 v4, v4;
	v4 =	vsub.f32 v7, v8;
	v7 =	vld [tilespmem:s21+$0xFFFFFEA0]  }
0x208: {  	v8 =	vld [tilespmem:s22+$0x4520]  }
0x209: {  	s23 =	sand.u32 $0x1, s29;
	v2 =	vadd.f32 v3, v2;
	v3 =	vmul.f32 v4, v4;
	v4 =	vsub.f32 v5, v9;
	v5 =	vld [tilespmem:s21+$0xFFFFFEB0]  }
0x20a: {  	s30 =	sshll.u32 s23, $0x6;
	v9 =	vld [tilespmem:s22+$0x4530]  }
0x20b: {  	s22 =	sadd.s32 $0x0, s30;
	v2 =	vadd.f32 v3, v2;
	v3 =	vmul.f32 v4, v4;
	v4 =	vsub.f32 v6, v10;
	v6 =	vld [tilespmem:s21+$0xFFFFFEC0]  }
0x20c: {  	v10 =	vld [tilespmem:s22+$0x4580]  }
0x20d: {  	v2 =	vadd.f32 v3, v2;
	v3 =	vmul.f32 v4, v4;
	v4 =	vsub.f32 v7, v8;
	v7 =	vld [tilespmem:s21+$0xFFFFFED0]  }
0x20e: {  	v8 =	vld [tilespmem:s22+$0x4590];
	s31 =	spop (v2sf);
	(v2sf) =	vpush v1, $0x6  }
0x20f: {  	v2 =	vadd.f32 v3, v2;
	v3 =	vmul.f32 v4, v4;
	v4 =	vsub.f32 v5, v9;
	v5 =	vld [tilespmem:s21+$0xFFFFFEE0]  }
0x210: {  	v9 =	vld [tilespmem:s22+$0x45A0];
	s25 =	spop (v2sf);
	(v2sf) =	vpush v1, $0x7  }
0x211: {  	s23 =	sand.u32 $0x1, s31;
	v2 =	vadd.f32 v3, v2;
	v3 =	vmul.f32 v4, v4;
	v4 =	vsub.f32 v6, v10;
	v6 =	vld [tilespmem:s21+$0xFFFFFEF0]  }
0x212: {  	s24 =	sshll.u32 s23, $0x6;
	v10 =	vld [tilespmem:s22+$0x45B0]  }
0x213: {  	s22 =	sadd.s32 $0x0, s24;
	v2 =	vadd.f32 v3, v2;
	v3 =	vmul.f32 v4, v4;
	v4 =	vsub.f32 v7, v8;
	v7 =	vld [tilespmem:s21+$0xFFFFFF00]  }
0x214: {  	v8 =	vld [tilespmem:s22+$0x4600]  }
0x215: {  	v2 =	vadd.f32 v3, v2;
	v3 =	vmul.f32 v4, v4;
	v4 =	vsub.f32 v5, v9;
	v5 =	vld [tilespmem:s21+$0xFFFFFF10]  }
0x216: {  	v9 =	vld [tilespmem:s22+$0x4610]  }
0x217: {  	v2 =	vadd.f32 v3, v2;
	v3 =	vmul.f32 v4, v4;
	v4 =	vsub.f32 v6, v10;
	v6 =	vld [tilespmem:s21+$0xFFFFFF20]  }
0x218: {  	v10 =	vld [tilespmem:s22+$0x4620]  }
0x219: {  	s23 =	sand.u32 $0x1, s25;
	v2 =	vadd.f32 v3, v2;
	v3 =	vmul.f32 v4, v4;
	v4 =	vsub.f32 v7, v8;
	v7 =	vld [tilespmem:s21+$0xFFFFFF30]  }
0x21a: {  	s26 =	sshll.u32 s23, $0x6;
	v8 =	vld [tilespmem:s22+$0x4630]  }
0x21b: {  	s22 =	sadd.s32 $0x0, s26;
	v2 =	vadd.f32 v3, v2;
	v3 =	vmul.f32 v4, v4;
	v4 =	vsub.f32 v5, v9;
	v5 =	vld [tilespmem:s21+$0xFFFFFF40]  }
0x21c: {  	v9 =	vld [tilespmem:s22+$0x4680]  }
0x21d: {  	v2 =	vadd.f32 v3, v2;
	v3 =	vmul.f32 v4, v4;
	v4 =	vsub.f32 v6, v10;
	v6 =	vld [tilespmem:s21+$0xFFFFFF50]  }
0x21e: {  	v10 =	vld [tilespmem:s22+$0x4690];
	s29 =	spop (v2sf);
	(v2sf) =	vpush v1, $0x8  }
0x21f: {  	v2 =	vadd.f32 v3, v2;
	v3 =	vmul.f32 v4, v4;
	v4 =	vsub.f32 v7, v8;
	v7 =	vld [tilespmem:s21+$0xFFFFFF60]  }
0x220: {  	s31 =	spop (v2sf);
	(v2sf) =	vpush v1, $0x9;
	v8 =	vld [tilespmem:s22+$0x46A0]  }
0x221: {  	s23 =	sand.u32 $0x1, s29;
	v2 =	vadd.f32 v3, v2;
	v3 =	vmul.f32 v4, v4;
	v4 =	vsub.f32 v5, v9;
	v5 =	vld [tilespmem:s21+$0xFFFFFF70]  }
0x222: {  	s30 =	sshll.u32 s23, $0x6;
	v9 =	vld [tilespmem:s22+$0x46B0]  }
0x223: {  	s22 =	sadd.s32 $0x0, s30;
	v2 =	vadd.f32 v3, v2;
	v3 =	vmul.f32 v4, v4;
	v4 =	vsub.f32 v6, v10;
	v6 =	vld [tilespmem:s21+$0xFFFFFF80]  }
0x224: {  	v10 =	vld [tilespmem:s22+$0x4700]  }
0x225: {  	v2 =	vadd.f32 v3, v2;
	v3 =	vmul.f32 v4, v4;
	v4 =	vsub.f32 v7, v8;
	v7 =	vld [tilespmem:s21+$0xFFFFFF90]  }
0x226: {  	v8 =	vld [tilespmem:s22+$0x4710]  }
0x227: {  	v2 =	vadd.f32 v3, v2;
	v3 =	vmul.f32 v4, v4;
	v4 =	vsub.f32 v5, v9;
	v5 =	vld [tilespmem:s21+$0xFFFFFFA0]  }
0x228: {  	v9 =	vld [tilespmem:s22+$0x4720]  }
0x229: {  	s23 =	sand.u32 $0x1, s31;
	v2 =	vadd.f32 v3, v2;
	v3 =	vmul.f32 v4, v4;
	v4 =	vsub.f32 v6, v10;
	v6 =	vld [tilespmem:s21+$0xFFFFFFB0]  }
0x22a: {  	s24 =	sshll.u32 s23, $0x6;
	v10 =	vld [tilespmem:s22+$0x4730]  }
0x22b: {  	s22 =	sadd.s32 $0x0, s24;
	v2 =	vadd.f32 v3, v2;
	v3 =	vmul.f32 v4, v4;
	v4 =	vsub.f32 v7, v8;
	v7 =	vld [tilespmem:s21+$0xFFFFFFC0]  }
0x22c: {  	v8 =	vld [tilespmem:s22+$0x4780]  }
0x22d: {  	v2 =	vadd.f32 v3, v2;
	v3 =	vmul.f32 v4, v4;
	v4 =	vsub.f32 v5, v9;
	v5 =	vld [tilespmem:s21+$0xFFFFFFD0]  }
0x22e: {  	s25 =	spop (v2sf);
	(v2sf) =	vpush v1, $0xA;
	v9 =	vld [tilespmem:s22+$0x4790]  }
0x22f: {  	v2 =	vadd.f32 v3, v2;
	v3 =	vmul.f32 v4, v4;
	v4 =	vsub.f32 v6, v10;
	v6 =	vld [tilespmem:s21+$0xFFFFFFE0]  }
0x230: {  	s29 =	spop (v2sf);
	(v2sf) =	vpush v1, $0xB;
	v10 =	vld [tilespmem:s22+$0x47A0]  }
0x231: {  	s23 =	sand.u32 $0x1, s25;
	v2 =	vadd.f32 v3, v2;
	v3 =	vmul.f32 v4, v4;
	v4 =	vsub.f32 v7, v8;
	v7 =	vld [tilespmem:s21+$0xFFFFFFF0]  }
0x232: {  	s26 =	sshll.u32 s23, $0x6;
	v8 =	vld [tilespmem:s22+$0x47B0]  }
0x233: {  	s22 =	sadd.s32 $0x0, s26;
	v2 =	vadd.f32 v3, v2;
	v3 =	vmul.f32 v4, v4;
	v4 =	vsub.f32 v5, v9;
	v5 =	vld [tilespmem:s21+$0x0]  }
0x234: {  	v9 =	vld [tilespmem:s22+$0x4800]  }
0x235: {  	v2 =	vadd.f32 v3, v2;
	v3 =	vmul.f32 v4, v4;
	v4 =	vsub.f32 v6, v10;
	v6 =	vld [tilespmem:s21+$0x10]  }
0x236: {  	v10 =	vld [tilespmem:s22+$0x4810]  }
0x237: {  	v2 =	vadd.f32 v3, v2;
	v3 =	vmul.f32 v4, v4;
	v4 =	vsub.f32 v7, v8;
	v7 =	vld [tilespmem:s21+$0x20]  }
0x238: {  	v8 =	vld [tilespmem:s22+$0x4820]  }
0x239: {  	s23 =	sand.u32 $0x1, s29;
	v2 =	vadd.f32 v3, v2;
	v3 =	vmul.f32 v4, v4;
	v4 =	vsub.f32 v5, v9;
	v5 =	vld [tilespmem:s21+$0x30]  }
0x23a: {  	s30 =	sshll.u32 s23, $0x6;
	v9 =	vld [tilespmem:s22+$0x4830]  }
0x23b: {  	s22 =	sadd.s32 $0x0, s30;
	v2 =	vadd.f32 v3, v2;
	v3 =	vmul.f32 v4, v4;
	v4 =	vsub.f32 v6, v10;
	v6 =	vld [tilespmem:s21+$0x40]  }
0x23c: {  	v10 =	vld [tilespmem:s22+$0x4880]  }
0x23d: {  	v2 =	vadd.f32 v3, v2;
	v3 =	vmul.f32 v4, v4;
	v4 =	vsub.f32 v7, v8;
	v7 =	vld [tilespmem:s21+$0x50]  }
0x23e: {  	s31 =	spop (v2sf);
	(v2sf) =	vpush v1, $0xC;
	v8 =	vld [tilespmem:s22+$0x4890]  }
0x23f: {  	v2 =	vadd.f32 v3, v2;
	v3 =	vmul.f32 v4, v4;
	v4 =	vsub.f32 v5, v9;
	v5 =	vld [tilespmem:s21+$0x60]  }
0x240: {  	s25 =	spop (v2sf);
	(v2sf) =	vpush v1, $0xD;
	v9 =	vld [tilespmem:s22+$0x48A0]  }
0x241: {  	s23 =	sand.u32 $0x1, s31;
	v2 =	vadd.f32 v3, v2;
	v3 =	vmul.f32 v4, v4;
	v4 =	vsub.f32 v6, v10;
	v6 =	vld [tilespmem:s21+$0x70]  }
0x242: {  	s24 =	sshll.u32 s23, $0x6;
	v10 =	vld [tilespmem:s22+$0x48B0]  }
0x243: {  	s22 =	sadd.s32 $0x0, s24;
	v2 =	vadd.f32 v3, v2;
	v3 =	vmul.f32 v4, v4;
	v4 =	vsub.f32 v7, v8;
	v7 =	vld [tilespmem:s21+$0x80]  }
0x244: {  	v8 =	vld [tilespmem:s22+$0x4900]  }
0x245: {  	v2 =	vadd.f32 v3, v2;
	v3 =	vmul.f32 v4, v4;
	v4 =	vsub.f32 v5, v9;
	v5 =	vld [tilespmem:s21+$0x90]  }
0x246: {  	v9 =	vld [tilespmem:s22+$0x4910]  }
0x247: {  	v2 =	vadd.f32 v3, v2;
	v3 =	vmul.f32 v4, v4;
	v4 =	vsub.f32 v6, v10;
	v6 =	vld [tilespmem:s21+$0xA0]  }
0x248: {  	v10 =	vld [tilespmem:s22+$0x4920]  }
0x249: {  	s23 =	sand.u32 $0x1, s25;
	v2 =	vadd.f32 v3, v2;
	v3 =	vmul.f32 v4, v4;
	v4 =	vsub.f32 v7, v8;
	v7 =	vld [tilespmem:s21+$0xB0]  }
0x24a: {  	s26 =	sshll.u32 s23, $0x6;
	v8 =	vld [tilespmem:s22+$0x4930]  }
0x24b: {  	s22 =	sadd.s32 $0x0, s26;
	v2 =	vadd.f32 v3, v2;
	v3 =	vmul.f32 v4, v4;
	v4 =	vsub.f32 v5, v9;
	v5 =	vld [tilespmem:s21+$0xC0]  }
0x24c: {  	v9 =	vld [tilespmem:s22+$0x4980]  }
0x24d: {  	v2 =	vadd.f32 v3, v2;
	v3 =	vmul.f32 v4, v4;
	v4 =	vsub.f32 v6, v10;
	v6 =	vld [tilespmem:s21+$0xD0]  }
0x24e: {  	v10 =	vld [tilespmem:s22+$0x4990]  }
0x24f: {  	s29 =	spop (v2sf);
	v2 =	vadd.f32 v3, v2;
	v3 =	vmul.f32 v4, v4;
	v4 =	vsub.f32 v7, v8;
	v7 =	vld [tilespmem:s21+$0xE0]  }
0x250: {  	s31 =	spop (v2sf);
	(v2sf) =	vpush v1, $0xE;
	v8 =	vld [tilespmem:s22+$0x49A0]  }
0x251: {  	s23 =	sand.u32 $0x1, s29;
	v2 =	vadd.f32 v3, v2;
	v3 =	vmul.f32 v4, v4;
	v4 =	vsub.f32 v5, v9;
	v5 =	vld [tilespmem:s21+$0xF0]  }
0x252: {  	s30 =	sshll.u32 s23, $0x6;
	v9 =	vld [tilespmem:s22+$0x49B0]  }
0x253: {  	s22 =	sadd.s32 $0x0, s30;
	v2 =	vadd.f32 v3, v2;
	v3 =	vmul.f32 v4, v4;
	v4 =	vsub.f32 v6, v10;
	v6 =	vld [tilespmem:s21+$0x100]  }
0x254: {  	v10 =	vld [tilespmem:s22+$0x4A00]  }
0x255: {  	v11 =	vld [tilespmem:s22+$0x4A10];
	v2 =	vadd.f32 v3, v2;
	v3 =	vmul.f32 v4, v4;
	v4 =	vsub.f32 v7, v8  }
0x256: {  	v7 =	vld [tilespmem:s21+$0x110]  }
0x257: {  	v5 =	vsub.f32 v5, v9;
	v3 =	vadd.f32 v3, v2;
	v8 =	vmul.f32 v4, v4;
	v2 =	vld [tilespmem:s21+$0x120]  }
0x258: {  	(v2sf) =	vpush v1, $0xF;
	v4 =	vld [tilespmem:s22+$0x4A20]  }
0x259: {  	s23 =	sand.u32 $0x1, s31;
	v9 =	vmul.f32 v5, v5;
	v10 =	vsub.f32 v6, v10;
	v6 =	vld [tilespmem:s22+$0x4A30];
	v8 =	vadd.f32 v8, v3  }
0x25a: {  	s23 =	sshll.u32 s23, $0x6;
	v3 =	vld [tilespmem:s21+$0x130]  }
0x25b: {  	s25 =	simm.s32 $0x4000;
	s24 =	simm.s32 $0x10;
	s26 =	sadd.s32 $0x0, s23;
	v5 =	vld [tilespmem:s21+$0x140];
	v8 =	vadd.f32 v9, v8;
	v9 =	vmul.f32 v10, v10;
	v10 =	vsub.f32 v7, v11  }
0x25c: {  	s28 =	sand.u32 $0xF0, s24;
	s23 =	simm.s32 $0x0;
	s22 =	simm.s32 $0x2000;
	v7 =	vld [tilespmem:s26+$0x4A80]  }
.LBB2_4:
0x25d: {  	p0 =	sne.s32 s25, $0x1E000;
	v1 =	vld [tilespmem:s28+$0x100];
	v8 =	vadd.f32 v9, v8;
	v9 =	vmul.f32 v10, v10;
	v2 =	vsub.f32 v2, v4  }
0x25e: {  	v4 =	vld [tilespmem:s26+$0x4A90]  }
0x25f: {  	v8 =	vadd.f32 v9, v8;
	v2 =	vmul.f32 v2, v2;
	v3 =	vsub.f32 v3, v6;
	v6 =	vld [tilespmem:s21+$0x160];
	s28 =	spop (v2sf)  }
0x260: {  	v9 =	vld [tilespmem:s26+$0x4AA0]  }
0x261: {  	s28 =	sand.u32 $0x1, s28;
	v2 =	vadd.f32 v2, v8;
	v3 =	vmul.f32 v3, v3;
	v5 =	vsub.f32 v5, v7;
	v7 =	vld [tilespmem:s21+$0x170]  }
0x262: {  	(v2sf) =	vpush v1, $0x0;
	v8 =	vld [tilespmem:s26+$0x4AB0];
	s26 =	sshll.u32 s28, $0x6  }
0x263: {  	v2 =	vadd.f32 v3, v2;
	v3 =	vmul.f32 v5, v5;
	v0 =	vsub.f32 v0, v4;
	v4 =	vld [tilespmem:s21+$0x180];
	s26 =	sadd.s32 s23, s26  }
0x264: {  	v5 =	vld [tilespmem:s26+$0x4B00]  }
0x265: {  	v2 =	vadd.f32 v3, v2;
	v0 =	vmul.f32 v0, v0;
	v3 =	vsub.f32 v6, v9;
	v6 =	vld [tilespmem:s21+$0x190]  }
0x266: {  	v9 =	vld [tilespmem:s26+$0x4B10]  }
0x267: {  	v0 =	vadd.f32 v0, v2;
	v2 =	vmul.f32 v3, v3;
	v3 =	vsub.f32 v7, v8;
	v7 =	vld [tilespmem:s21+$0x1A0];
	s28 =	spop (v2sf)  }
0x268: {  	v8 =	vld [tilespmem:s26+$0x4B20]  }
0x269: {  	s28 =	sand.u32 $0x1, s28;
	v0 =	vadd.f32 v2, v0;
	v2 =	vmul.f32 v3, v3;
	v3 =	vsub.f32 v4, v5;
	v4 =	vld [tilespmem:s21+$0x1B0]  }
0x26a: {  	(v2sf) =	vpush v1, $0x1;
	v5 =	vld [tilespmem:s26+$0x4B30];
	s26 =	sshll.u32 s28, $0x6  }
0x26b: {  	v0 =	vadd.f32 v2, v0;
	v2 =	vmul.f32 v3, v3;
	v3 =	vsub.f32 v6, v9;
	v6 =	vld [tilespmem:s21+$0x1C0];
	s23 =	sadd.s32 s23, s26  }
0x26c: {  	v9 =	vld [tilespmem:s23+$0x4B80]  }
0x26d: {  	v0 =	vadd.f32 v2, v0;
	v2 =	vmul.f32 v3, v3;
	v3 =	vsub.f32 v7, v8;
	v7 =	vld [tilespmem:s21+$0x1D0]  }
0x26e: {  	v8 =	vld [tilespmem:s23+$0x4B90]  }
0x26f: {  	v0 =	vadd.f32 v2, v0;
	v2 =	vmul.f32 v3, v3;
	v3 =	vsub.f32 v4, v5;
	v4 =	vld [tilespmem:s21+$0x1E0]  }
0x270: {  	v5 =	vld [tilespmem:s23+$0x4BA0]  }
0x271: {  	s26 =	spop (v2sf);
	v2 =	vadd.f32 v2, v0;
	v3 =	vmul.f32 v3, v3;
	v6 =	vsub.f32 v6, v9;
	v9 =	vld [tilespmem:s21+$0x1F0]  }
0x272: {  	s21 =	sadd.s32 $0x400, s21;
	s26 =	sand.u32 $0x1, s26;
	(v2sf) =	vpush v1, $0x2;
	v10 =	vld [tilespmem:s23+$0x4BB0]  }
0x273: {  	s23 =	sshra.s32 s22, $0x2;
	s22 =	smov.u32 s25;
	s26 =	sshll.u32 s26, $0x6;
	v0 =	vld [tilespmem:s21+$0x150];
	v2 =	vadd.f32 v3, v2;
	v3 =	vmul.f32 v6, v6;
	v6 =	vsub.f32 v7, v8  }
0x274: {  	v7 =	vld [tilespmem:s21+$0xFFFFFE00];
	s26 =	sadd.s32 s23, s26  }
0x275: {  	v8 =	vld [tilespmem:s26+$0x4400];
	v2 =	vadd.f32 v3, v2;
	v3 =	vmul.f32 v6, v6;
	v4 =	vsub.f32 v4, v5  }
0x276: {  	v5 =	vld [tilespmem:s21+$0xFFFFFE10]  }
0x277: {  	v6 =	vld [tilespmem:s26+$0x4410];
	v2 =	vadd.f32 v3, v2;
	v3 =	vmul.f32 v4, v4;
	v4 =	vsub.f32 v9, v10  }
0x278: {  	v9 =	vld [tilespmem:s21+$0xFFFFFE20]  }
0x279: {  	v10 =	vld [tilespmem:s26+$0x4420];
	s28 =	spop (v2sf);
	v2 =	vadd.f32 v3, v2;
	v3 =	vmul.f32 v4, v4  }
0x27a: {  	v4 =	vsub.f32 v7, v8;
	v7 =	vld [tilespmem:s21+$0xFFFFFE30];
	s28 =	sand.u32 $0x1, s28;
	(v2sf) =	vpush v1, $0x3  }
0x27b: {  	v8 =	vld [tilespmem:s26+$0x4430];
	s26 =	sshll.u32 s28, $0x6;
	v2 =	vadd.f32 v3, v2  }
0x27c: {  	v3 =	vmul.f32 v4, v4;
	v4 =	vsub.f32 v5, v6;
	v5 =	vld [tilespmem:s21+$0xFFFFFE40];
	s26 =	sadd.s32 s23, s26  }
0x27d: {  	v6 =	vld [tilespmem:s26+$0x4480]  }
0x27e: {  	v2 =	vadd.f32 v3, v2;
	v3 =	vmul.f32 v4, v4;
	v4 =	vsub.f32 v9, v10;
	v9 =	vld [tilespmem:s21+$0xFFFFFE50]  }
0x27f: {  	v10 =	vld [tilespmem:s26+$0x4490]  }
0x280: {  	v2 =	vadd.f32 v3, v2;
	v3 =	vmul.f32 v4, v4;
	v4 =	vsub.f32 v7, v8;
	v7 =	vld [tilespmem:s21+$0xFFFFFE60]  }
0x281: {  	v8 =	vld [tilespmem:s26+$0x44A0];
	s28 =	spop (v2sf);
	(v2sf) =	vpush v1, $0x4  }
0x282: {  	v2 =	vadd.f32 v3, v2;
	v3 =	vmul.f32 v4, v4;
	v4 =	vsub.f32 v5, v6;
	v5 =	vld [tilespmem:s21+$0xFFFFFE70];
	s28 =	sand.u32 $0x1, s28  }
0x283: {  	v6 =	vld [tilespmem:s26+$0x44B0];
	s26 =	sshll.u32 s28, $0x6  }
0x284: {  	v2 =	vadd.f32 v3, v2;
	v3 =	vmul.f32 v4, v4;
	v4 =	vsub.f32 v9, v10;
	v9 =	vld [tilespmem:s21+$0xFFFFFE80];
	s26 =	sadd.s32 s23, s26  }
0x285: {  	v10 =	vld [tilespmem:s26+$0x4500]  }
0x286: {  	v2 =	vadd.f32 v3, v2;
	v3 =	vmul.f32 v4, v4;
	v4 =	vsub.f32 v7, v8;
	v7 =	vld [tilespmem:s21+$0xFFFFFE90]  }
0x287: {  	v8 =	vld [tilespmem:s26+$0x4510]  }
0x288: {  	v2 =	vadd.f32 v3, v2;
	v3 =	vmul.f32 v4, v4;
	v4 =	vsub.f32 v5, v6;
	v5 =	vld [tilespmem:s21+$0xFFFFFEA0]  }
0x289: {  	v6 =	vld [tilespmem:s26+$0x4520];
	s28 =	spop (v2sf);
	(v2sf) =	vpush v1, $0x5  }
0x28a: {  	v2 =	vadd.f32 v3, v2;
	v3 =	vmul.f32 v4, v4;
	v4 =	vsub.f32 v9, v10;
	v9 =	vld [tilespmem:s21+$0xFFFFFEB0];
	s28 =	sand.u32 $0x1, s28  }
0x28b: {  	v10 =	vld [tilespmem:s26+$0x4530];
	s26 =	sshll.u32 s28, $0x6  }
0x28c: {  	v2 =	vadd.f32 v3, v2;
	v3 =	vmul.f32 v4, v4;
	v4 =	vsub.f32 v7, v8;
	v7 =	vld [tilespmem:s21+$0xFFFFFEC0];
	s26 =	sadd.s32 s23, s26  }
0x28d: {  	v8 =	vld [tilespmem:s26+$0x4580]  }
0x28e: {  	v2 =	vadd.f32 v3, v2;
	v3 =	vmul.f32 v4, v4;
	v4 =	vsub.f32 v5, v6;
	v5 =	vld [tilespmem:s21+$0xFFFFFED0]  }
0x28f: {  	v6 =	vld [tilespmem:s26+$0x4590]  }
0x290: {  	v2 =	vadd.f32 v3, v2;
	v3 =	vmul.f32 v4, v4;
	v4 =	vsub.f32 v9, v10;
	v9 =	vld [tilespmem:s21+$0xFFFFFEE0];
	s28 =	spop (v2sf)  }
0x291: {  	v10 =	vld [tilespmem:s26+$0x45A0];
	(v2sf) =	vpush v1, $0x6  }
0x292: {  	s28 =	sand.u32 $0x1, s28;
	v2 =	vadd.f32 v3, v2;
	v3 =	vmul.f32 v4, v4;
	v4 =	vsub.f32 v7, v8;
	v7 =	vld [tilespmem:s21+$0xFFFFFEF0]  }
0x293: {  	v8 =	vld [tilespmem:s26+$0x45B0];
	s26 =	sshll.u32 s28, $0x6  }
0x294: {  	v2 =	vadd.f32 v3, v2;
	v3 =	vmul.f32 v4, v4;
	v4 =	vsub.f32 v5, v6;
	v5 =	vld [tilespmem:s21+$0xFFFFFF00];
	s26 =	sadd.s32 s23, s26  }
0x295: {  	v6 =	vld [tilespmem:s26+$0x4600]  }
0x296: {  	v2 =	vadd.f32 v3, v2;
	v3 =	vmul.f32 v4, v4;
	v4 =	vsub.f32 v9, v10;
	v9 =	vld [tilespmem:s21+$0xFFFFFF10]  }
0x297: {  	v10 =	vld [tilespmem:s26+$0x4610]  }
0x298: {  	v2 =	vadd.f32 v3, v2;
	v3 =	vmul.f32 v4, v4;
	v4 =	vsub.f32 v7, v8;
	v7 =	vld [tilespmem:s21+$0xFFFFFF20];
	s28 =	spop (v2sf)  }
0x299: {  	v8 =	vld [tilespmem:s26+$0x4620];
	(v2sf) =	vpush v1, $0x7  }
0x29a: {  	s28 =	sand.u32 $0x1, s28;
	v2 =	vadd.f32 v3, v2;
	v3 =	vmul.f32 v4, v4;
	v4 =	vsub.f32 v5, v6;
	v5 =	vld [tilespmem:s21+$0xFFFFFF30]  }
0x29b: {  	v6 =	vld [tilespmem:s26+$0x4630];
	s26 =	sshll.u32 s28, $0x6  }
0x29c: {  	v2 =	vadd.f32 v3, v2;
	v3 =	vmul.f32 v4, v4;
	v4 =	vsub.f32 v9, v10;
	v9 =	vld [tilespmem:s21+$0xFFFFFF40];
	s26 =	sadd.s32 s23, s26  }
0x29d: {  	v10 =	vld [tilespmem:s26+$0x4680]  }
0x29e: {  	v2 =	vadd.f32 v3, v2;
	v3 =	vmul.f32 v4, v4;
	v4 =	vsub.f32 v7, v8;
	v7 =	vld [tilespmem:s21+$0xFFFFFF50]  }
0x29f: {  	v8 =	vld [tilespmem:s26+$0x4690]  }
0x2a0: {  	v2 =	vadd.f32 v3, v2;
	v3 =	vmul.f32 v4, v4;
	v4 =	vsub.f32 v5, v6;
	v5 =	vld [tilespmem:s21+$0xFFFFFF60];
	s28 =	spop (v2sf)  }
0x2a1: {  	v6 =	vld [tilespmem:s26+$0x46A0];
	(v2sf) =	vpush v1, $0x8  }
0x2a2: {  	s28 =	sand.u32 $0x1, s28;
	v2 =	vadd.f32 v3, v2;
	v3 =	vmul.f32 v4, v4;
	v4 =	vsub.f32 v9, v10;
	v9 =	vld [tilespmem:s21+$0xFFFFFF70]  }
0x2a3: {  	v10 =	vld [tilespmem:s26+$0x46B0];
	s26 =	sshll.u32 s28, $0x6  }
0x2a4: {  	v2 =	vadd.f32 v3, v2;
	v3 =	vmul.f32 v4, v4;
	v4 =	vsub.f32 v7, v8;
	v7 =	vld [tilespmem:s21+$0xFFFFFF80];
	s26 =	sadd.s32 s23, s26  }
0x2a5: {  	v8 =	vld [tilespmem:s26+$0x4700]  }
0x2a6: {  	v2 =	vadd.f32 v3, v2;
	v3 =	vmul.f32 v4, v4;
	v4 =	vsub.f32 v5, v6;
	v5 =	vld [tilespmem:s21+$0xFFFFFF90]  }
0x2a7: {  	v6 =	vld [tilespmem:s26+$0x4710]  }
0x2a8: {  	v2 =	vadd.f32 v3, v2;
	v3 =	vmul.f32 v4, v4;
	v4 =	vsub.f32 v9, v10;
	v9 =	vld [tilespmem:s21+$0xFFFFFFA0];
	s28 =	spop (v2sf)  }
0x2a9: {  	v10 =	vld [tilespmem:s26+$0x4720];
	(v2sf) =	vpush v1, $0x9  }
0x2aa: {  	s28 =	sand.u32 $0x1, s28;
	v2 =	vadd.f32 v3, v2;
	v3 =	vmul.f32 v4, v4;
	v4 =	vsub.f32 v7, v8;
	v7 =	vld [tilespmem:s21+$0xFFFFFFB0]  }
0x2ab: {  	v8 =	vld [tilespmem:s26+$0x4730];
	s26 =	sshll.u32 s28, $0x6  }
0x2ac: {  	v2 =	vadd.f32 v3, v2;
	v3 =	vmul.f32 v4, v4;
	v4 =	vsub.f32 v5, v6;
	v5 =	vld [tilespmem:s21+$0xFFFFFFC0];
	s26 =	sadd.s32 s23, s26  }
0x2ad: {  	v6 =	vld [tilespmem:s26+$0x4780]  }
0x2ae: {  	v2 =	vadd.f32 v3, v2;
	v3 =	vmul.f32 v4, v4;
	v4 =	vsub.f32 v9, v10;
	v9 =	vld [tilespmem:s21+$0xFFFFFFD0]  }
0x2af: {  	v10 =	vld [tilespmem:s26+$0x4790]  }
0x2b0: {  	v2 =	vadd.f32 v3, v2;
	v3 =	vmul.f32 v4, v4;
	v4 =	vsub.f32 v7, v8;
	v7 =	vld [tilespmem:s21+$0xFFFFFFE0];
	s28 =	spop (v2sf)  }
0x2b1: {  	v8 =	vld [tilespmem:s26+$0x47A0];
	(v2sf) =	vpush v1, $0xA  }
0x2b2: {  	s28 =	sand.u32 $0x1, s28;
	v2 =	vadd.f32 v3, v2;
	v3 =	vmul.f32 v4, v4;
	v4 =	vsub.f32 v5, v6;
	v5 =	vld [tilespmem:s21+$0xFFFFFFF0]  }
0x2b3: {  	v6 =	vld [tilespmem:s26+$0x47B0];
	s26 =	sshll.u32 s28, $0x6  }
0x2b4: {  	v2 =	vadd.f32 v3, v2;
	v3 =	vmul.f32 v4, v4;
	v4 =	vsub.f32 v9, v10;
	v9 =	vld [tilespmem:s21+$0x0];
	s26 =	sadd.s32 s23, s26  }
0x2b5: {  	v10 =	vld [tilespmem:s26+$0x4800]  }
0x2b6: {  	v2 =	vadd.f32 v3, v2;
	v3 =	vmul.f32 v4, v4;
	v4 =	vsub.f32 v7, v8;
	v7 =	vld [tilespmem:s21+$0x10]  }
0x2b7: {  	v8 =	vld [tilespmem:s26+$0x4810]  }
0x2b8: {  	v2 =	vadd.f32 v3, v2;
	v3 =	vmul.f32 v4, v4;
	v4 =	vsub.f32 v5, v6;
	v5 =	vld [tilespmem:s21+$0x20];
	s28 =	spop (v2sf)  }
0x2b9: {  	v6 =	vld [tilespmem:s26+$0x4820];
	(v2sf) =	vpush v1, $0xB  }
0x2ba: {  	s28 =	sand.u32 $0x1, s28;
	v2 =	vadd.f32 v3, v2;
	v3 =	vmul.f32 v4, v4;
	v4 =	vsub.f32 v9, v10;
	v9 =	vld [tilespmem:s21+$0x30]  }
0x2bb: {  	v10 =	vld [tilespmem:s26+$0x4830];
	s26 =	sshll.u32 s28, $0x6  }
0x2bc: {  	v2 =	vadd.f32 v3, v2;
	v3 =	vmul.f32 v4, v4;
	v4 =	vsub.f32 v7, v8;
	v7 =	vld [tilespmem:s21+$0x40];
	s26 =	sadd.s32 s23, s26  }
0x2bd: {  	v8 =	vld [tilespmem:s26+$0x4880]  }
0x2be: {  	v2 =	vadd.f32 v3, v2;
	v3 =	vmul.f32 v4, v4;
	v4 =	vsub.f32 v5, v6;
	v5 =	vld [tilespmem:s21+$0x50]  }
0x2bf: {  	v6 =	vld [tilespmem:s26+$0x4890]  }
0x2c0: {  	v2 =	vadd.f32 v3, v2;
	v3 =	vmul.f32 v4, v4;
	v4 =	vsub.f32 v9, v10;
	v9 =	vld [tilespmem:s21+$0x60];
	s28 =	spop (v2sf)  }
0x2c1: {  	v10 =	vld [tilespmem:s26+$0x48A0];
	(v2sf) =	vpush v1, $0xC  }
0x2c2: {  	s28 =	sand.u32 $0x1, s28;
	v2 =	vadd.f32 v3, v2;
	v3 =	vmul.f32 v4, v4;
	v4 =	vsub.f32 v7, v8;
	v7 =	vld [tilespmem:s21+$0x70]  }
0x2c3: {  	v8 =	vld [tilespmem:s26+$0x48B0];
	s26 =	sshll.u32 s28, $0x6  }
0x2c4: {  	v2 =	vadd.f32 v3, v2;
	v3 =	vmul.f32 v4, v4;
	v4 =	vsub.f32 v5, v6;
	v5 =	vld [tilespmem:s21+$0x80];
	s26 =	sadd.s32 s23, s26  }
0x2c5: {  	v6 =	vld [tilespmem:s26+$0x4900]  }
0x2c6: {  	v2 =	vadd.f32 v3, v2;
	v3 =	vmul.f32 v4, v4;
	v4 =	vsub.f32 v9, v10;
	v9 =	vld [tilespmem:s21+$0x90]  }
0x2c7: {  	v10 =	vld [tilespmem:s26+$0x4910]  }
0x2c8: {  	v2 =	vadd.f32 v3, v2;
	v3 =	vmul.f32 v4, v4;
	v4 =	vsub.f32 v7, v8;
	v7 =	vld [tilespmem:s21+$0xA0];
	s28 =	spop (v2sf)  }
0x2c9: {  	v8 =	vld [tilespmem:s26+$0x4920];
	(v2sf) =	vpush v1, $0xD  }
0x2ca: {  	s28 =	sand.u32 $0x1, s28;
	v2 =	vadd.f32 v3, v2;
	v3 =	vmul.f32 v4, v4;
	v4 =	vsub.f32 v5, v6;
	v5 =	vld [tilespmem:s21+$0xB0]  }
0x2cb: {  	v6 =	vld [tilespmem:s26+$0x4930];
	s26 =	sshll.u32 s28, $0x6  }
0x2cc: {  	v2 =	vadd.f32 v3, v2;
	v3 =	vmul.f32 v4, v4;
	v4 =	vsub.f32 v9, v10;
	v9 =	vld [tilespmem:s21+$0xC0];
	s26 =	sadd.s32 s23, s26  }
0x2cd: {  	v10 =	vld [tilespmem:s26+$0x4980]  }
0x2ce: {  	v2 =	vadd.f32 v3, v2;
	v3 =	vmul.f32 v4, v4;
	v4 =	vsub.f32 v7, v8;
	v7 =	vld [tilespmem:s21+$0xD0]  }
0x2cf: {  	v8 =	vld [tilespmem:s26+$0x4990]  }
0x2d0: {  	v2 =	vadd.f32 v3, v2;
	v3 =	vmul.f32 v4, v4;
	v4 =	vsub.f32 v5, v6;
	v5 =	vld [tilespmem:s21+$0xE0];
	s28 =	spop (v2sf)  }
0x2d1: {  	v6 =	vld [tilespmem:s26+$0x49A0];
	(v2sf) =	vpush v1, $0xE  }
0x2d2: {  	s28 =	sand.u32 $0x1, s28;
	v2 =	vadd.f32 v3, v2;
	v3 =	vmul.f32 v4, v4;
	v4 =	vsub.f32 v9, v10;
	v9 =	vld [tilespmem:s21+$0xF0]  }
0x2d3: {  	v10 =	vld [tilespmem:s26+$0x49B0];
	s26 =	sshll.u32 s28, $0x6  }
0x2d4: {  	v2 =	vadd.f32 v3, v2;
	v3 =	vmul.f32 v4, v4;
	v4 =	vsub.f32 v7, v8;
	v7 =	vld [tilespmem:s21+$0x100];
	s26 =	sadd.s32 s23, s26  }
0x2d5: {  	v8 =	vld [tilespmem:s26+$0x4A00]  }
0x2d6: {  	v2 =	vadd.f32 v3, v2;
	v3 =	vmul.f32 v4, v4;
	v4 =	vsub.f32 v5, v6;
	v5 =	vld [tilespmem:s21+$0x110]  }
0x2d7: {  	v11 =	vld [tilespmem:s26+$0x4A10]  }
0x2d8: {  	v3 =	vadd.f32 v3, v2;
	v6 =	vmul.f32 v4, v4;
	v9 =	vsub.f32 v9, v10;
	v2 =	vld [tilespmem:s21+$0x120];
	s28 =	spop (v2sf)  }
.Ltmp1:
0x2d9: {  	v4 =	vld [tilespmem:s26+$0x4A20];
	(v2sf) =	vpush v1, $0xF;
	(pc) =	sbr.rel @p0 .LBB2_4-.Ltmp1, $4  }
0x2da: {  	s28 =	sand.u32 $0x1, s28;
	v1 =	vadd.f32 v6, v3;
	v9 =	vmul.f32 v9, v9;
	v7 =	vsub.f32 v7, v8;
	v3 =	vld [tilespmem:s21+$0x130]  }
0x2db: {  	v6 =	vld [tilespmem:s26+$0x4A30];
	s26 =	sshll.u32 s28, $0x6  }
0x2dc: {  	s24 =	sadd.s32 $0x10, s24;
	v8 =	vadd.f32 v9, v1;
	v9 =	vmul.f32 v7, v7;
	v10 =	vsub.f32 v5, v11;
	v5 =	vld [tilespmem:s21+$0x140];
	s26 =	sadd.s32 s23, s26  }
0x2dd: {  	s25 =	sadd.s32 $0x2000, s25;
	s28 =	sand.u32 $0xF0, s24;
	v7 =	vld [tilespmem:s26+$0x4A80]  }
0x2de: {  	v1 =	vld [tilespmem:s28+$0x100];
	v8 =	vadd.f32 v9, v8;
	v25 =	vmul.f32 v10, v10;
	v2 =	vsub.f32 v2, v4  }
0x2df: {  	v26 =	vld [tilespmem:s26+$0x4A90]  }
0x2e0: {  	v27 =	vld [tilespmem:s21+$0x160];
	v8 =	vadd.f32 v25, v8;
	v2 =	vmul.f32 v2, v2  }
0x2e1: {  	v28 =	vld [tilespmem:s26+$0x4AA0];
	v3 =	vsub.f32 v3, v6  }
0x2e2: {  	v29 =	vld [tilespmem:s21+$0x170];
	s24 =	spop (v2sf);
	v2 =	vadd.f32 v2, v8  }
0x2e3: {  	v30 =	vld [tilespmem:s26+$0x4AB0];
	s24 =	sand.u32 $0x1, s24;
	v3 =	vmul.f32 v3, v3;
	v5 =	vsub.f32 v5, v7;
	(v2sf) =	vpush v1, $0x0  }
0x2e4: {  	v32 =	vld [tilespmem:s21+$0x180];
	s24 =	sshll.u32 s24, $0x6  }
0x2e5: {  	v35 =	vld [tilespmem:s21+$0x190];
	v0 =	vsub.f32 v0, v26;
	s24 =	sadd.s32 s23, s24;
	v2 =	vadd.f32 v3, v2;
	v31 =	vmul.f32 v5, v5  }
0x2e6: {  	v33 =	vld [tilespmem:s24+$0x4B00]  }
0x2e7: {  	v39 =	vld [tilespmem:s21+$0x1A0];
	v34 =	vsub.f32 v27, v28;
	v0 =	vmul.f32 v0, v0;
	v2 =	vadd.f32 v31, v2  }
0x2e8: {  	v36 =	vld [tilespmem:s24+$0x4B10]  }
0x2e9: {  	v43 =	vld [tilespmem:s21+$0x1B0];
	v38 =	vsub.f32 v29, v30;
	v37 =	vmul.f32 v34, v34;
	v0 =	vadd.f32 v0, v2;
	s25 =	spop (v2sf)  }
0x2ea: {  	v40 =	vld [tilespmem:s24+$0x4B20];
	(v2sf) =	vpush v1, $0x1;
	s25 =	sand.u32 $0x1, s25  }
0x2eb: {  	v47 =	vld [tilespmem:s21+$0x1C0];
	v41 =	vmul.f32 v38, v38;
	v42 =	vsub.f32 v32, v33;
	v0 =	vadd.f32 v37, v0;
	s29 =	sshll.u32 s25, $0x6  }
0x2ec: {  	v44 =	vld [tilespmem:s24+$0x4B30];
	s30 =	sadd.s32 s23, s29  }
0x2ed: {  	v46 =	vsub.f32 v35, v36;
	v45 =	vmul.f32 v42, v42;
	v0 =	vadd.f32 v41, v0;
	v48 =	vld [tilespmem:s30+$0x4B80]  }
0x2ee: {  	v51 =	vld [tilespmem:s21+$0x1D0]  }
0x2ef: {  	v55 =	vld [tilespmem:s21+$0x1E0];
	v50 =	vsub.f32 v39, v40;
	v49 =	vmul.f32 v46, v46;
	v0 =	vadd.f32 v45, v0  }
0x2f0: {  	v52 =	vld [tilespmem:s30+$0x4B90]  }
0x2f1: {  	v59 =	vld [tilespmem:s21+$0x1F0];
	v54 =	vsub.f32 v43, v44;
	v53 =	vmul.f32 v50, v50;
	v0 =	vadd.f32 v49, v0  }
0x2f2: {  	s21 =	sadd.s32 $0x400, s21;
	v56 =	vld [tilespmem:s30+$0x4BA0];
	v58 =	vsub.f32 v47, v48;
	s31 =	spop (v2sf)  }
0x2f3: {  	v63 =	vld [tilespmem:s21+$0xFFFFFE00];
	v57 =	vmul.f32 v54, v54;
	v0 =	vadd.f32 v53, v0;
	(v2sf) =	vpush v1, $0x2;
	s24 =	sand.u32 $0x1, s31  }
0x2f4: {  	s22 =	sshra.s32 s22, $0x2;
	v60 =	vld [tilespmem:s30+$0x4BB0];
	s25 =	sshll.u32 s24, $0x6  }
0x2f5: {  	v15 =	vld [tilespmem:s21+$0xFFFFFE10];
	v62 =	vsub.f32 v51, v52;
	v61 =	vmul.f32 v58, v58;
	v0 =	vadd.f32 v57, v0;
	s23 =	sadd.s32 s22, s25  }
0x2f6: {  	v12 =	vld [tilespmem:s23+$0x4400]  }
0x2f7: {  	v19 =	vld [tilespmem:s21+$0xFFFFFE20];
	v14 =	vsub.f32 v55, v56;
	v13 =	vmul.f32 v62, v62;
	v0 =	vadd.f32 v61, v0  }
0x2f8: {  	v16 =	vld [tilespmem:s23+$0x4410]  }
0x2f9: {  	v23 =	vld [tilespmem:s21+$0xFFFFFE30];
	v18 =	vsub.f32 v59, v60;
	v17 =	vmul.f32 v14, v14;
	s26 =	spop (v2sf);
	v0 =	vadd.f32 v13, v0  }
0x2fa: {  	v20 =	vld [tilespmem:s23+$0x4420];
	(v2sf) =	vpush v1, $0x3;
	s24 =	sand.u32 $0x1, s26  }
0x2fb: {  	v27 =	vld [tilespmem:s21+$0xFFFFFE40];
	v21 =	vmul.f32 v18, v18;
	s28 =	sshll.u32 s24, $0x6;
	v0 =	vadd.f32 v17, v0;
	v22 =	vsub.f32 v63, v12  }
0x2fc: {  	v24 =	vld [tilespmem:s23+$0x4430];
	s23 =	sadd.s32 s22, s28  }
0x2fd: {  	v26 =	vsub.f32 v15, v16;
	v28 =	vld [tilespmem:s23+$0x4480];
	v0 =	vadd.f32 v21, v0;
	v25 =	vmul.f32 v22, v22  }
0x2fe: {  	v31 =	vld [tilespmem:s21+$0xFFFFFE50]  }
0x2ff: {  	v35 =	vld [tilespmem:s21+$0xFFFFFE60];
	v30 =	vsub.f32 v19, v20;
	v29 =	vmul.f32 v26, v26;
	v0 =	vadd.f32 v25, v0  }
0x300: {  	v32 =	vld [tilespmem:s23+$0x4490]  }
0x301: {  	v39 =	vld [tilespmem:s21+$0xFFFFFE70];
	v34 =	vsub.f32 v23, v24;
	v33 =	vmul.f32 v30, v30;
	v0 =	vadd.f32 v29, v0  }
0x302: {  	v36 =	vld [tilespmem:s23+$0x44A0];
	v38 =	vsub.f32 v27, v28;
	s29 =	spop (v2sf)  }
0x303: {  	v43 =	vld [tilespmem:s21+$0xFFFFFE80];
	v37 =	vmul.f32 v34, v34;
	(v2sf) =	vpush v1, $0x4;
	s24 =	sand.u32 $0x1, s29;
	v0 =	vadd.f32 v33, v0  }
0x304: {  	v40 =	vld [tilespmem:s23+$0x44B0];
	s30 =	sshll.u32 s24, $0x6  }
0x305: {  	v47 =	vld [tilespmem:s21+$0xFFFFFE90];
	v42 =	vsub.f32 v31, v32;
	v41 =	vmul.f32 v38, v38;
	s23 =	sadd.s32 s22, s30;
	v0 =	vadd.f32 v37, v0  }
0x306: {  	v44 =	vld [tilespmem:s23+$0x4500]  }
0x307: {  	v51 =	vld [tilespmem:s21+$0xFFFFFEA0];
	v46 =	vsub.f32 v35, v36;
	v45 =	vmul.f32 v42, v42;
	v0 =	vadd.f32 v41, v0  }
0x308: {  	v48 =	vld [tilespmem:s23+$0x4510]  }
0x309: {  	v55 =	vld [tilespmem:s21+$0xFFFFFEB0];
	v50 =	vsub.f32 v39, v40;
	v49 =	vmul.f32 v46, v46;
	s31 =	spop (v2sf);
	v0 =	vadd.f32 v45, v0  }
0x30a: {  	v52 =	vld [tilespmem:s23+$0x4520];
	(v2sf) =	vpush v1, $0x5;
	s24 =	sand.u32 $0x1, s31  }
0x30b: {  	v59 =	vld [tilespmem:s21+$0xFFFFFEC0];
	v53 =	vmul.f32 v50, v50;
	s25 =	sshll.u32 s24, $0x6;
	v54 =	vsub.f32 v43, v44;
	v0 =	vadd.f32 v49, v0  }
0x30c: {  	v56 =	vld [tilespmem:s23+$0x4530];
	s23 =	sadd.s32 s22, s25  }
0x30d: {  	v58 =	vsub.f32 v47, v48;
	v60 =	vld [tilespmem:s23+$0x4580];
	v57 =	vmul.f32 v54, v54;
	v0 =	vadd.f32 v53, v0  }
0x30e: {  	v63 =	vld [tilespmem:s21+$0xFFFFFED0]  }
0x30f: {  	v15 =	vld [tilespmem:s21+$0xFFFFFEE0];
	v62 =	vsub.f32 v51, v52;
	v61 =	vmul.f32 v58, v58;
	v0 =	vadd.f32 v57, v0  }
0x310: {  	v12 =	vld [tilespmem:s23+$0x4590]  }
0x311: {  	v19 =	vld [tilespmem:s21+$0xFFFFFEF0];
	v14 =	vsub.f32 v55, v56;
	v13 =	vmul.f32 v62, v62;
	v0 =	vadd.f32 v61, v0  }
0x312: {  	v16 =	vld [tilespmem:s23+$0x45A0];
	v18 =	vsub.f32 v59, v60;
	s26 =	spop (v2sf)  }
0x313: {  	v23 =	vld [tilespmem:s21+$0xFFFFFF00];
	v17 =	vmul.f32 v14, v14;
	(v2sf) =	vpush v1, $0x6;
	s24 =	sand.u32 $0x1, s26;
	v0 =	vadd.f32 v13, v0  }
0x314: {  	v20 =	vld [tilespmem:s23+$0x45B0];
	s28 =	sshll.u32 s24, $0x6  }
0x315: {  	v27 =	vld [tilespmem:s21+$0xFFFFFF10];
	v22 =	vsub.f32 v63, v12;
	v21 =	vmul.f32 v18, v18;
	s23 =	sadd.s32 s22, s28;
	v0 =	vadd.f32 v17, v0  }
0x316: {  	v24 =	vld [tilespmem:s23+$0x4600]  }
0x317: {  	v31 =	vld [tilespmem:s21+$0xFFFFFF20];
	v26 =	vsub.f32 v15, v16;
	v25 =	vmul.f32 v22, v22;
	v0 =	vadd.f32 v21, v0  }
0x318: {  	v28 =	vld [tilespmem:s23+$0x4610]  }
0x319: {  	v35 =	vld [tilespmem:s21+$0xFFFFFF30];
	v30 =	vsub.f32 v19, v20;
	v29 =	vmul.f32 v26, v26;
	s29 =	spop (v2sf);
	v0 =	vadd.f32 v25, v0  }
0x31a: {  	v32 =	vld [tilespmem:s23+$0x4620];
	(v2sf) =	vpush v1, $0x7;
	s24 =	sand.u32 $0x1, s29  }
0x31b: {  	v39 =	vld [tilespmem:s21+$0xFFFFFF40];
	v33 =	vmul.f32 v30, v30;
	s30 =	sshll.u32 s24, $0x6;
	v34 =	vsub.f32 v23, v24;
	v0 =	vadd.f32 v29, v0  }
0x31c: {  	v36 =	vld [tilespmem:s23+$0x4630];
	s23 =	sadd.s32 s22, s30  }
0x31d: {  	v38 =	vsub.f32 v27, v28;
	v40 =	vld [tilespmem:s23+$0x4680];
	v37 =	vmul.f32 v34, v34;
	v0 =	vadd.f32 v33, v0  }
0x31e: {  	v43 =	vld [tilespmem:s21+$0xFFFFFF50]  }
0x31f: {  	v47 =	vld [tilespmem:s21+$0xFFFFFF60];
	v42 =	vsub.f32 v31, v32;
	v41 =	vmul.f32 v38, v38;
	v0 =	vadd.f32 v37, v0  }
0x320: {  	v44 =	vld [tilespmem:s23+$0x4690]  }
0x321: {  	v51 =	vld [tilespmem:s21+$0xFFFFFF70];
	v46 =	vsub.f32 v35, v36;
	v45 =	vmul.f32 v42, v42;
	v0 =	vadd.f32 v41, v0  }
0x322: {  	v48 =	vld [tilespmem:s23+$0x46A0];
	v50 =	vsub.f32 v39, v40;
	s31 =	spop (v2sf)  }
0x323: {  	v55 =	vld [tilespmem:s21+$0xFFFFFF80];
	v49 =	vmul.f32 v46, v46;
	(v2sf) =	vpush v1, $0x8;
	s24 =	sand.u32 $0x1, s31;
	v0 =	vadd.f32 v45, v0  }
0x324: {  	v52 =	vld [tilespmem:s23+$0x46B0];
	s25 =	sshll.u32 s24, $0x6  }
0x325: {  	v59 =	vld [tilespmem:s21+$0xFFFFFF90];
	v54 =	vsub.f32 v43, v44;
	v53 =	vmul.f32 v50, v50;
	s23 =	sadd.s32 s22, s25;
	v0 =	vadd.f32 v49, v0  }
0x326: {  	v56 =	vld [tilespmem:s23+$0x4700]  }
0x327: {  	v63 =	vld [tilespmem:s21+$0xFFFFFFA0];
	v58 =	vsub.f32 v47, v48;
	v57 =	vmul.f32 v54, v54;
	v0 =	vadd.f32 v53, v0  }
0x328: {  	v60 =	vld [tilespmem:s23+$0x4710]  }
0x329: {  	v15 =	vld [tilespmem:s21+$0xFFFFFFB0];
	v62 =	vsub.f32 v51, v52;
	v61 =	vmul.f32 v58, v58;
	s26 =	spop (v2sf);
	v0 =	vadd.f32 v57, v0  }
0x32a: {  	v12 =	vld [tilespmem:s23+$0x4720];
	(v2sf) =	vpush v1, $0x9;
	s24 =	sand.u32 $0x1, s26  }
0x32b: {  	v19 =	vld [tilespmem:s21+$0xFFFFFFC0];
	v13 =	vmul.f32 v62, v62;
	s28 =	sshll.u32 s24, $0x6;
	v14 =	vsub.f32 v55, v56;
	v0 =	vadd.f32 v61, v0  }
0x32c: {  	v16 =	vld [tilespmem:s23+$0x4730];
	s23 =	sadd.s32 s22, s28  }
0x32d: {  	v18 =	vsub.f32 v59, v60;
	v20 =	vld [tilespmem:s23+$0x4780];
	v17 =	vmul.f32 v14, v14;
	v0 =	vadd.f32 v13, v0  }
0x32e: {  	v23 =	vld [tilespmem:s21+$0xFFFFFFD0]  }
0x32f: {  	v27 =	vld [tilespmem:s21+$0xFFFFFFE0];
	v22 =	vsub.f32 v63, v12;
	v21 =	vmul.f32 v18, v18;
	v0 =	vadd.f32 v17, v0  }
0x330: {  	v24 =	vld [tilespmem:s23+$0x4790]  }
0x331: {  	v31 =	vld [tilespmem:s21+$0xFFFFFFF0];
	v26 =	vsub.f32 v15, v16;
	v25 =	vmul.f32 v22, v22;
	v0 =	vadd.f32 v21, v0  }
0x332: {  	v28 =	vld [tilespmem:s23+$0x47A0];
	v30 =	vsub.f32 v19, v20;
	s29 =	spop (v2sf)  }
0x333: {  	v35 =	vld [tilespmem:s21+$0x0];
	v29 =	vmul.f32 v26, v26;
	(v2sf) =	vpush v1, $0xA;
	s24 =	sand.u32 $0x1, s29;
	v0 =	vadd.f32 v25, v0  }
0x334: {  	v32 =	vld [tilespmem:s23+$0x47B0];
	s30 =	sshll.u32 s24, $0x6  }
0x335: {  	v39 =	vld [tilespmem:s21+$0x10];
	v34 =	vsub.f32 v23, v24;
	v33 =	vmul.f32 v30, v30;
	s23 =	sadd.s32 s22, s30;
	v0 =	vadd.f32 v29, v0  }
0x336: {  	v36 =	vld [tilespmem:s23+$0x4800]  }
0x337: {  	v43 =	vld [tilespmem:s21+$0x20];
	v38 =	vsub.f32 v27, v28;
	v37 =	vmul.f32 v34, v34;
	v0 =	vadd.f32 v33, v0  }
0x338: {  	v40 =	vld [tilespmem:s23+$0x4810]  }
0x339: {  	v47 =	vld [tilespmem:s21+$0x30];
	v42 =	vsub.f32 v31, v32;
	v41 =	vmul.f32 v38, v38;
	s31 =	spop (v2sf);
	v0 =	vadd.f32 v37, v0  }
0x33a: {  	v44 =	vld [tilespmem:s23+$0x4820];
	(v2sf) =	vpush v1, $0xB;
	s24 =	sand.u32 $0x1, s31  }
0x33b: {  	v51 =	vld [tilespmem:s21+$0x40];
	v45 =	vmul.f32 v42, v42;
	s25 =	sshll.u32 s24, $0x6;
	v46 =	vsub.f32 v35, v36;
	v0 =	vadd.f32 v41, v0  }
0x33c: {  	v48 =	vld [tilespmem:s23+$0x4830];
	s23 =	sadd.s32 s22, s25  }
0x33d: {  	v50 =	vsub.f32 v39, v40;
	v52 =	vld [tilespmem:s23+$0x4880];
	v49 =	vmul.f32 v46, v46;
	v0 =	vadd.f32 v45, v0  }
0x33e: {  	v55 =	vld [tilespmem:s21+$0x50]  }
0x33f: {  	v59 =	vld [tilespmem:s21+$0x60];
	v54 =	vsub.f32 v43, v44;
	v53 =	vmul.f32 v50, v50;
	v0 =	vadd.f32 v49, v0  }
0x340: {  	v56 =	vld [tilespmem:s23+$0x4890]  }
0x341: {  	v63 =	vld [tilespmem:s21+$0x70];
	v58 =	vsub.f32 v47, v48;
	v57 =	vmul.f32 v54, v54;
	v0 =	vadd.f32 v53, v0  }
0x342: {  	v60 =	vld [tilespmem:s23+$0x48A0];
	v62 =	vsub.f32 v51, v52;
	s26 =	spop (v2sf)  }
0x343: {  	v15 =	vld [tilespmem:s21+$0x80];
	v61 =	vmul.f32 v58, v58;
	(v2sf) =	vpush v1, $0xC;
	s24 =	sand.u32 $0x1, s26;
	v0 =	vadd.f32 v57, v0  }
0x344: {  	v12 =	vld [tilespmem:s23+$0x48B0];
	s28 =	sshll.u32 s24, $0x6  }
0x345: {  	v19 =	vld [tilespmem:s21+$0x90];
	v14 =	vsub.f32 v55, v56;
	v13 =	vmul.f32 v62, v62;
	s23 =	sadd.s32 s22, s28;
	v0 =	vadd.f32 v61, v0  }
0x346: {  	v16 =	vld [tilespmem:s23+$0x4900]  }
0x347: {  	v23 =	vld [tilespmem:s21+$0xA0];
	v18 =	vsub.f32 v59, v60;
	v17 =	vmul.f32 v14, v14;
	v0 =	vadd.f32 v13, v0  }
0x348: {  	v20 =	vld [tilespmem:s23+$0x4910]  }
0x349: {  	v27 =	vld [tilespmem:s21+$0xB0];
	v22 =	vsub.f32 v63, v12;
	v21 =	vmul.f32 v18, v18;
	s29 =	spop (v2sf);
	v0 =	vadd.f32 v17, v0  }
0x34a: {  	v24 =	vld [tilespmem:s23+$0x4920];
	(v2sf) =	vpush v1, $0xD;
	s24 =	sand.u32 $0x1, s29  }
0x34b: {  	v31 =	vld [tilespmem:s21+$0xC0];
	v25 =	vmul.f32 v22, v22;
	s30 =	sshll.u32 s24, $0x6;
	v26 =	vsub.f32 v15, v16;
	v0 =	vadd.f32 v21, v0  }
0x34c: {  	v28 =	vld [tilespmem:s23+$0x4930];
	s23 =	sadd.s32 s22, s30  }
0x34d: {  	v30 =	vsub.f32 v19, v20;
	v32 =	vld [tilespmem:s23+$0x4980];
	v29 =	vmul.f32 v26, v26;
	v0 =	vadd.f32 v25, v0;
	_ =	sdelay $0x1  }
0x34e: {  	v35 =	vld [tilespmem:s21+$0xD0];
	v34 =	vsub.f32 v23, v24;
	v33 =	vmul.f32 v30, v30;
	v0 =	vadd.f32 v29, v0  }
0x34f: {  	v36 =	vld [tilespmem:s23+$0x4990]  }
0x350: {  	v39 =	vld [tilespmem:s21+$0xE0];
	v38 =	vsub.f32 v27, v28;
	v37 =	vmul.f32 v34, v34;
	v0 =	vadd.f32 v33, v0  }
0x351: {  	v40 =	vld [tilespmem:s23+$0x49A0];
	v42 =	vsub.f32 v31, v32;
	s31 =	spop (v2sf)  }
0x352: {  	v43 =	vld [tilespmem:s21+$0xF0];
	v41 =	vmul.f32 v38, v38;
	(v2sf) =	vpush v1, $0xE;
	s24 =	sand.u32 $0x1, s31;
	v0 =	vadd.f32 v37, v0  }
0x353: {  	v44 =	vld [tilespmem:s23+$0x49B0];
	s24 =	sshll.u32 s24, $0x6  }
0x354: {  	v47 =	vld [tilespmem:s21+$0x100];
	v46 =	vsub.f32 v35, v36;
	v45 =	vmul.f32 v42, v42;
	s23 =	sadd.s32 s22, s24;
	v0 =	vadd.f32 v41, v0  }
0x355: {  	v48 =	vld [tilespmem:s23+$0x4A00]  }
0x356: {  	v51 =	vld [tilespmem:s21+$0x110];
	v50 =	vsub.f32 v39, v40;
	v49 =	vmul.f32 v46, v46;
	v0 =	vadd.f32 v45, v0  }
0x357: {  	v52 =	vld [tilespmem:s23+$0x4A10]  }
0x358: {  	v55 =	vld [tilespmem:s21+$0x120];
	v54 =	vsub.f32 v43, v44;
	v53 =	vmul.f32 v50, v50;
	v0 =	vadd.f32 v49, v0  }
0x359: {  	v56 =	vld [tilespmem:s23+$0x4A20];
	s25 =	spop (v2sf);
	(v2sf) =	vpush v1, $0xF  }
0x35a: {  	v59 =	vld [tilespmem:s21+$0x130];
	v57 =	vmul.f32 v54, v54;
	s24 =	sand.u32 $0x1, s25;
	v58 =	vsub.f32 v47, v48;
	v0 =	vadd.f32 v53, v0  }
0x35b: {  	v60 =	vld [tilespmem:s23+$0x4A30];
	s26 =	sshll.u32 s24, $0x6  }
0x35c: {  	v63 =	vld [tilespmem:s21+$0x140];
	s23 =	sadd.s32 s22, s26;
	v62 =	vsub.f32 v51, v52;
	v61 =	vmul.f32 v58, v58;
	v0 =	vadd.f32 v57, v0  }
0x35d: {  	v12 =	vld [tilespmem:s23+$0x4A80]  }
0x35e: {  	v13 =	vld [tilespmem:s21+$0x150];
	v15 =	vsub.f32 v55, v56;
	v14 =	vmul.f32 v62, v62;
	v0 =	vadd.f32 v61, v0  }
0x35f: {  	v16 =	vld [tilespmem:s23+$0x4A90]  }
0x360: {  	v19 =	vld [tilespmem:s21+$0x160];
	v18 =	vsub.f32 v59, v60;
	v17 =	vmul.f32 v15, v15;
	v0 =	vadd.f32 v14, v0  }
0x361: {  	v20 =	vld [tilespmem:s23+$0x4AA0];
	s28 =	spop (v2sf)  }
0x362: {  	v23 =	vld [tilespmem:s21+$0x170];
	v21 =	vmul.f32 v18, v18;
	v22 =	vsub.f32 v63, v12;
	s24 =	sand.u32 $0x1, s28;
	v0 =	vadd.f32 v17, v0  }
0x363: {  	v24 =	vld [tilespmem:s23+$0x4AB0];
	s29 =	sshll.u32 s24, $0x6  }
0x364: {  	v27 =	vld [tilespmem:s21+$0x180];
	v26 =	vsub.f32 v13, v16;
	v25 =	vmul.f32 v22, v22;
	s23 =	sadd.s32 s22, s29;
	v0 =	vadd.f32 v21, v0  }
0x365: {  	v28 =	vld [tilespmem:s23+$0x4B00]  }
0x366: {  	v31 =	vld [tilespmem:s21+$0x190];
	v30 =	vsub.f32 v19, v20;
	v29 =	vmul.f32 v26, v26;
	v0 =	vadd.f32 v25, v0  }
0x367: {  	v32 =	vld [tilespmem:s23+$0x4B10]  }
0x368: {  	v35 =	vld [tilespmem:s21+$0x1A0];
	v34 =	vsub.f32 v23, v24;
	v33 =	vmul.f32 v30, v30;
	v0 =	vadd.f32 v29, v0  }
0x369: {  	v36 =	vld [tilespmem:s23+$0x4B20];
	s30 =	spop (v2sf)  }
0x36a: {  	v39 =	vld [tilespmem:s21+$0x1B0];
	v37 =	vmul.f32 v34, v34;
	s24 =	sand.u32 $0x1, s30;
	v38 =	vsub.f32 v27, v28;
	v0 =	vadd.f32 v33, v0  }
0x36b: {  	v40 =	vld [tilespmem:s23+$0x4B30];
	s31 =	sshll.u32 s24, $0x6  }
0x36c: {  	v43 =	vld [tilespmem:s21+$0x1C0];
	s22 =	sadd.s32 s22, s31;
	v42 =	vsub.f32 v31, v32;
	v41 =	vmul.f32 v38, v38;
	v0 =	vadd.f32 v37, v0  }
0x36d: {  	v44 =	vld [tilespmem:s22+$0x4B80]  }
0x36e: {  	v47 =	vld [tilespmem:s21+$0x1D0];
	v46 =	vsub.f32 v35, v36;
	v45 =	vmul.f32 v42, v42;
	v0 =	vadd.f32 v41, v0  }
0x36f: {  	v48 =	vld [tilespmem:s22+$0x4B90]  }
0x370: {  	v51 =	vld [tilespmem:s21+$0x1E0];
	v50 =	vsub.f32 v39, v40;
	v49 =	vmul.f32 v46, v46;
	v0 =	vadd.f32 v45, v0  }
0x371: {  	v52 =	vld [tilespmem:s22+$0x4BA0]  }
0x372: {  	v55 =	vld [tilespmem:s21+$0x1F0];
	v53 =	vmul.f32 v50, v50;
	v54 =	vsub.f32 v43, v44;
	v0 =	vadd.f32 v49, v0  }
0x373: {  	v56 =	vld [tilespmem:s22+$0x4BB0]  }
0x374: {  	v58 =	vsub.f32 v47, v48;
	v57 =	vmul.f32 v54, v54;
	v0 =	vadd.f32 v53, v0;
	_ =	sdelay $0x1  }
0x375: {  	v60 =	vsub.f32 v51, v52;
	v59 =	vmul.f32 v58, v58;
	v0 =	vadd.f32 v57, v0;
	_ =	sdelay $0x1  }
0x376: {  	v62 =	vsub.f32 v55, v56;
	v61 =	vmul.f32 v60, v60;
	v0 =	vadd.f32 v59, v0;
	_ =	sdelay $0x1  }
0x377: {  	v63 =	vmul.f32 v62, v62;
	v0 =	vadd.f32 v61, v0;
	_ =	sdelay $0x1  }
0x378: {  	s20 =	sadd.s32 $0x1, s20;
	v0 =	vadd.f32 v63, v0  }
0x379: {  	p0 =	sne.s32 s20, s8  }
.Ltmp2:
0x37a: {  	[tilespmem:$0xC400] =	vst v0;
	(pc) =	sbr.rel @p0 .LBB2_1-.Ltmp2, $4  }
0x37b: {  	[hbm4b:s7+s2] =	stream.linear.scatter [tilespmem:s19], [sflag:$0x2], $0x80, $0x38;
	[tilespmem:$0xC480] =	vst v63  }
0x37c: {  	_ =	swait.ge [sflag:s11], $0x80  }
0x37d: {  	[sflag:s11] =	ssyncset.done $0x0  }
0x37e: {  	[sflag:s11] =	ssyncadd.s32 $0xFFFFFF80  }
0x37f: {  	_ =	sfence.sel $0x180000  }
0x380: {  	[bflag:$0x0] =	sbarrier.arrive $0xFFFF  }
0x381: {  	p0 =	sne.s32 s0, $0x0;
	_ =	strace $0x90000047  }
0x382: {  	s0 =	sadd.s32 @!p0 $0x100000, s1;
	[bflag:$0x2] =	sbarrier.arrive $0xFFFF  }
0x383: {  	[sflag:s0] =	ssyncadd.tile.s32 @!p0 $0x1;
	_ =	shalt  }
.Lfunc_end2:
_tile_overlayer_lowered:
.L_overlay_start_2:
0x384: {  	(tag) =	ssettag $0x2  }
0x385: {  	s0 =	rddreg [dreg:$0x0];
	s2 =	stileid.u32  }
0x386: {  	s1 =	rddreg [dreg:$0x1];
	p0 =	sne.s32 s2, $0x0  }
0x387: {  	s3 =	rddreg [dreg:$0x2];
	[bflag:$0x3] =	sbarrier.arrive $0xFFFF;
	s2 =	simm.s32 @!p0 $0x1C02  }
0x388: {  	[timem:s3], [sflag:s2] =	dma.local @!p0 [hbm:s0], s1  }
0x389: {  	s0 =	simm.s32 @!p0 $0x2  }
0x38a: {  	_ =	swait.ge @!p0 [sflag:s0], s1  }
0x38b: {  	s1 =	ssub.s32 @!p0 $0x0, s1;
	[sflag:s0] =	ssyncset.done @!p0 $0x0  }
0x38c: {  	[sflag:s0] =	ssyncadd.s32 @!p0 s1  }
0x38d: {  	[bflag:$0x3] =	sbarrier.arrive $0xFFFF  }
0x38e: {  	_ =	shalt  }

</sc_bundles>
